<compile_context>
chip_gen: v7x
topology: tpu7x:2x2x1
jax: 0.10.2.dev20260603
libtpu: 0.0.44.dev20260713+nightly
codegen_flags: <defaults>
</compile_context>

<pallas_src>
import dataclasses
import functools

import jax
import jax.numpy as jnp
from jax import lax
from jax.experimental import pallas as pl
from jax.experimental.pallas import tpu as pltpu
from jax.experimental.pallas import tpu_sc as plsc

_MAX_NORM = 10.0
_NW = 32
_CH = 320
_NBUF = 3
_L = 16


def _renorm_body(w_ref, out_ref):
    w = w_ref[...]
    norm = jnp.sqrt(jnp.sum(w * w, axis=1, keepdims=True))
    scale = jnp.where(norm > _MAX_NORM, _MAX_NORM / jnp.maximum(norm, 1e-12), 1.0)
    out_ref[...] = w * scale


def _renorm(w):
    return pl.pallas_call(
        _renorm_body,
        out_shape=jax.ShapeDtypeStruct(w.shape, w.dtype),
    )(w)


def _make_sc_lookup(n_rows, vocab, emb_dim, dtype):
    assert n_rows % _CH == 0
    n_chunks = n_rows // _CH
    base_n = n_chunks // _NW
    rem = n_chunks % _NW
    groups = _CH // _L

    mesh = plsc.VectorSubcoreMesh(core_axis_name="c", subcore_axis_name="s")

    cp = pltpu.CompilerParams()
    if "needs_layout_passes" in pltpu.CompilerParams.__dataclass_fields__:
        cp = dataclasses.replace(cp, needs_layout_passes=False)

    @functools.partial(
        pl.kernel,
        mesh=mesh,
        compiler_params=cp,
        out_type=jax.ShapeDtypeStruct((n_rows, emb_dim), dtype),
        scratch_types=(
            [pltpu.VMEM((vocab, emb_dim), dtype)]
            + [pltpu.VMEM((_CH,), jnp.int32) for _ in range(_NBUF)]
            + [pltpu.VMEM((_CH, emb_dim), dtype) for _ in range(_NBUF)]
            + [pltpu.SemaphoreType.DMA for _ in range(2 * _NBUF)]
        ),
    )
    def sc_lookup(table_hbm, idx_hbm, out_hbm, table_v, *bufs):
        idx_bufs = bufs[:_NBUF]
        rows_bufs = bufs[_NBUF:2 * _NBUF]
        sem_idx = bufs[2 * _NBUF:3 * _NBUF]
        sem_out = bufs[3 * _NBUF:4 * _NBUF]

        wid = lax.axis_index("s") * 2 + lax.axis_index("c")
        n = base_n + jnp.where(wid < rem, 1, 0)

        pltpu.sync_copy(table_hbm, table_v)

        def chunk_id(t):
            return wid + _NW * t

        def start_idx(t, b):
            pltpu.make_async_copy(
                idx_hbm.at[pl.ds(chunk_id(t) * _CH, _CH)], idx_bufs[b], sem_idx[b]
            ).start()

        def gather_chunk(idx_v, rows_v):
            iota = lax.iota(jnp.int32, _L)

            @pl.loop(0, groups // 4)
            def _(g):
                base = pl.multiple_of(g * (4 * _L), _L)
                idxvecs = [idx_v[pl.ds(base + k * _L, _L)] for k in range(4)]
                oas = [iota + base + k * _L for k in range(4)]
                col = iota
                for _p in range(emb_dim):
                    for k in range(4):
                        vk = plsc.load_gather(table_v, [idxvecs[k], col])
                        plsc.store_scatter(rows_v, [oas[k], col], vk)
                    col = jnp.bitwise_and(col + 1, emb_dim - 1)

        for b in range(_NBUF):
            @pl.when(b < n)
            def _():
                start_idx(b, b)

        @pl.loop(0, base_n + _NBUF, step=_NBUF)
        def _(outer):
            for b in range(_NBUF):
                t = outer + b

                @pl.when(t < n)
                def _():
                    pltpu.make_async_copy(
                        idx_hbm.at[pl.ds(chunk_id(t) * _CH, _CH)],
                        idx_bufs[b], sem_idx[b]
                    ).wait()

                    @pl.when(t >= _NBUF)
                    def _():
                        pltpu.make_async_copy(
                            rows_bufs[b],
                            out_hbm.at[pl.ds(chunk_id(t - _NBUF) * _CH, _CH)],
                            sem_out[b],
                        ).wait()

                    gather_chunk(idx_bufs[b], rows_bufs[b])

                    pltpu.make_async_copy(
                        rows_bufs[b],
                        out_hbm.at[pl.ds(chunk_id(t) * _CH, _CH)],
                        sem_out[b],
                    ).start()

                    @pl.when(t + _NBUF < n)
                    def _():
                        start_idx(t + _NBUF, b)

        for b in range(_NBUF):
            t_b = n - 1 - ((n - 1 - b) % _NBUF)
            pltpu.make_async_copy(
                rows_bufs[b],
                out_hbm.at[pl.ds(chunk_id(t_b) * _CH, _CH)],
                sem_out[b],
            ).wait()

    return sc_lookup


def kernel(edge_attr, bond_embedding_weight):
    vocab, emb_dim = bond_embedding_weight.shape
    n_rows = edge_attr.shape[0]
    w = _renorm(bond_embedding_weight)
    sc_lookup = _make_sc_lookup(n_rows, vocab, emb_dim,
                                bond_embedding_weight.dtype)
    return sc_lookup(w, edge_attr)

# --- scband reference (transcript-rebuilt; emitter-appended) ---
"""Pipeline reference for scband-bond-encoder-83700322665123 (READ-ONLY COPY).

The authoritative reference and input builder live on the scoring server;
editing this copy changes nothing except your own understanding.
"""

import jax, jax.numpy as jnp
import numpy as np

VOCAB = 7  # len(possible_bond_type_list)=4, +3
EMB_DIM = 32
MAX_NORM = 10.0
N_EDGES = 1600000

def setup_inputs(seed: int = 0) -> dict:
    key = jax.random.key(seed)
    k1, k2 = jax.random.split(key)
    edge_attr = jax.random.randint(k1, (N_EDGES,), 0, VOCAB, dtype=jnp.int64 if jax.config.jax_enable_x64 else jnp.int32)
    # xavier_uniform_ init: bound = sqrt(6 / (fan_in + fan_out))
    bound = float(np.sqrt(6.0 / (VOCAB + EMB_DIM)))
    bond_embedding_weight = jax.random.uniform(k2, (VOCAB, EMB_DIM), minval=-bound, maxval=bound, dtype=jnp.float32)
    return {"edge_attr": edge_attr, "bond_embedding_weight": bond_embedding_weight}

def reference(edge_attr, bond_embedding_weight):
    # nn.Embedding with max_norm: rows with norm > max_norm are renormalized to max_norm
    norms = jnp.linalg.norm(bond_embedding_weight, axis=1, keepdims=True)
    scale = jnp.where(norms > MAX_NORM, MAX_NORM / jnp.maximum(norms, 1e-12), 1.0)
    w = bond_embedding_weight * scale
    return jnp.take(w, edge_attr, axis=0)

if __name__ == "__main__":
    import jax
    _d = setup_inputs()
    print(jax.jit(kernel)(*tuple(_d.values())))

</pallas_src>

<mosaic_0001>
#map = affine_map<(d0, d1) -> (0, 0)>
#map1 = affine_map<(d0, d1) -> (0)>
module attributes {stable_mosaic.version = 14 : i64} {
  func.func @sc_lookup(%arg0: i32, %arg1: i32, %arg2: memref<7x32xf32, #tpu.memory_space<hbm>>, %arg3: memref<1600000xi32, #tpu.memory_space<hbm>>, %arg4: memref<1600000x32xf32, #tpu.memory_space<hbm>>, %arg5: memref<7x32xf32, #tpu.memory_space<vmem>>, %arg6: memref<320xi32, #tpu.memory_space<vmem>>, %arg7: memref<320xi32, #tpu.memory_space<vmem>>, %arg8: memref<320xi32, #tpu.memory_space<vmem>>, %arg9: memref<320x32xf32, #tpu.memory_space<vmem>>, %arg10: memref<320x32xf32, #tpu.memory_space<vmem>>, %arg11: memref<320x32xf32, #tpu.memory_space<vmem>>, %arg12: memref<!tpu.dma_semaphore, #tpu.memory_space<semaphore_mem>>, %arg13: memref<!tpu.dma_semaphore, #tpu.memory_space<semaphore_mem>>, %arg14: memref<!tpu.dma_semaphore, #tpu.memory_space<semaphore_mem>>, %arg15: memref<!tpu.dma_semaphore, #tpu.memory_space<semaphore_mem>>, %arg16: memref<!tpu.dma_semaphore, #tpu.memory_space<semaphore_mem>>, %arg17: memref<!tpu.dma_semaphore, #tpu.memory_space<semaphore_mem>>) attributes {dimension_semantics = [#tpu.dimension_semantics<core_parallel>, #tpu.dimension_semantics<subcore_parallel>], iteration_bounds = array<i64: 2, 16>, scalar_prefetch = 0 : i64, scratch_operands = 13 : i64, tpu.core_type = #tpu.core_type<sc_vector_subcore>, window_params = [{transform_indices = #map}, {transform_indices = #map1}, {transform_indices = #map}]} {
    %mul3A = arith.constant 2 : i32
    %mul3A_0 = arith.muli %arg1, %mul3A : i32
    %add3A = arith.addi %mul3A_0, %arg0 : i32
    %lt3A = arith.constant 8 : i32
    %lt3A_1 = arith.cmpi slt, %add3A, %lt3A : i32
    %jit3A = arith.constant 1 : i32
    %jit3A_2 = arith.constant 0 : i32
    %select_n3A = arith.select %lt3A_1, %jit3A, %jit3A_2 : i32
    %add3A_3 = arith.constant 156 : i32
    %add3A_4 = arith.addi %add3A_3, %select_n3A : i32
    "tpu.region"() ({
      %run_scoped3A = tpu.sem_alloc : memref<!tpu.dma_semaphore, #tpu.memory_space<semaphore_mem>>
      tpu.enqueue_dma source(%arg2 : memref<7x32xf32, #tpu.memory_space<hbm>>) target(%arg5 : memref<7x32xf32, #tpu.memory_space<vmem>>) target_semaphore(%run_scoped3A : memref<!tpu.dma_semaphore, #tpu.memory_space<semaphore_mem>>)
      tpu.wait_dma2 semaphore(%run_scoped3A : memref<!tpu.dma_semaphore, #tpu.memory_space<semaphore_mem>>) src(%arg2 : memref<7x32xf32, #tpu.memory_space<hbm>>) dst(%arg5 : memref<7x32xf32, #tpu.memory_space<vmem>>)
      tpu.yield
    }) : () -> ()
    %gt3A = arith.constant 0 : i32
    %gt3A_5 = arith.cmpi sgt, %add3A_4, %gt3A : i32
    %convert_element_type3A = arith.extui %gt3A_5 : i1 to i32
    %cond3A = arith.constant 0 : i32
    %cond3A_6 = arith.cmpi ne, %convert_element_type3A, %cond3A : i32
    scf.if %cond3A_6 {
      %add3A_111 = arith.constant 0 : i32
      %add3A_112 = arith.addi %add3A, %add3A_111 : i32
      %mul3A_113 = arith.constant 320 : i32
      %mul3A_114 = arith.muli %add3A_112, %mul3A_113 : i32
      %dma_start3A = tpu.memref_slice %arg3[%mul3A_114] : memref<1600000xi32, #tpu.memory_space<hbm>> -> memref<320xi32, #tpu.memory_space<hbm>>
      %dma_start3A_115 = tpu.memref_slice %arg3[%mul3A_114] : memref<1600000xi32, #tpu.memory_space<hbm>> -> memref<320xi32, #tpu.memory_space<hbm>>
      tpu.enqueue_dma source(%dma_start3A_115 : memref<320xi32, #tpu.memory_space<hbm>>) target(%arg6 : memref<320xi32, #tpu.memory_space<vmem>>) target_semaphore(%arg12 : memref<!tpu.dma_semaphore, #tpu.memory_space<semaphore_mem>>)
    } else {
    }
    %gt3A_7 = arith.constant 1 : i32
    %gt3A_8 = arith.cmpi sgt, %add3A_4, %gt3A_7 : i32
    %convert_element_type3A_9 = arith.extui %gt3A_8 : i1 to i32
    %cond3A_10 = arith.constant 0 : i32
    %cond3A_11 = arith.cmpi ne, %convert_element_type3A_9, %cond3A_10 : i32
    scf.if %cond3A_11 {
      %add3A_111 = arith.constant 32 : i32
      %add3A_112 = arith.addi %add3A, %add3A_111 : i32
      %mul3A_113 = arith.constant 320 : i32
      %mul3A_114 = arith.muli %add3A_112, %mul3A_113 : i32
      %dma_start3A = tpu.memref_slice %arg3[%mul3A_114] : memref<1600000xi32, #tpu.memory_space<hbm>> -> memref<320xi32, #tpu.memory_space<hbm>>
      %dma_start3A_115 = tpu.memref_slice %arg3[%mul3A_114] : memref<1600000xi32, #tpu.memory_space<hbm>> -> memref<320xi32, #tpu.memory_space<hbm>>
      tpu.enqueue_dma source(%dma_start3A_115 : memref<320xi32, #tpu.memory_space<hbm>>) target(%arg7 : memref<320xi32, #tpu.memory_space<vmem>>) target_semaphore(%arg13 : memref<!tpu.dma_semaphore, #tpu.memory_space<semaphore_mem>>)
    } else {
    }
    %gt3A_12 = arith.constant 2 : i32
    %gt3A_13 = arith.cmpi sgt, %add3A_4, %gt3A_12 : i32
    %convert_element_type3A_14 = arith.extui %gt3A_13 : i1 to i32
    %cond3A_15 = arith.constant 0 : i32
    %cond3A_16 = arith.cmpi ne, %convert_element_type3A_14, %cond3A_15 : i32
    scf.if %cond3A_16 {
      %add3A_111 = arith.constant 64 : i32
      %add3A_112 = arith.addi %add3A, %add3A_111 : i32
      %mul3A_113 = arith.constant 320 : i32
      %mul3A_114 = arith.muli %add3A_112, %mul3A_113 : i32
      %dma_start3A = tpu.memref_slice %arg3[%mul3A_114] : memref<1600000xi32, #tpu.memory_space<hbm>> -> memref<320xi32, #tpu.memory_space<hbm>>
      %dma_start3A_115 = tpu.memref_slice %arg3[%mul3A_114] : memref<1600000xi32, #tpu.memory_space<hbm>> -> memref<320xi32, #tpu.memory_space<hbm>>
      tpu.enqueue_dma source(%dma_start3A_115 : memref<320xi32, #tpu.memory_space<hbm>>) target(%arg8 : memref<320xi32, #tpu.memory_space<vmem>>) target_semaphore(%arg14 : memref<!tpu.dma_semaphore, #tpu.memory_space<semaphore_mem>>)
    } else {
    }
    %scan3A = arith.constant 0 : i32
    %scan3A_17 = arith.constant 53 : i32
    %scan3A_18 = arith.addi %scan3A, %scan3A_17 : i32
    %scan3A_19 = arith.constant 1 : i32
    scf.for %scan3A_111 = %scan3A to %scan3A_18 step %scan3A_19  : i32 {
      %mul3A_112 = arith.constant 3 : i32
      %mul3A_113 = arith.muli %scan3A_111, %mul3A_112 : i32
      %add3A_114 = arith.constant 0 : i32
      %add3A_115 = arith.addi %add3A_114, %mul3A_113 : i32
      %add3A_116 = arith.constant 0 : i32
      %add3A_117 = arith.addi %add3A_115, %add3A_116 : i32
      %lt3A_118 = arith.cmpi slt, %add3A_117, %add3A_4 : i32
      %convert_element_type3A_119 = arith.extui %lt3A_118 : i1 to i32
      %cond3A_120 = arith.constant 0 : i32
      %cond3A_121 = arith.cmpi ne, %convert_element_type3A_119, %cond3A_120 : i32
      scf.if %cond3A_121 {
        %mul3A_134 = arith.constant 32 : i32
        %mul3A_135 = arith.muli %mul3A_134, %add3A_117 : i32
        %add3A_136 = arith.addi %add3A, %mul3A_135 : i32
        %mul3A_137 = arith.constant 320 : i32
        %mul3A_138 = arith.muli %add3A_136, %mul3A_137 : i32
        %dma_wait3A_139 = tpu.memref_slice %arg3[%mul3A_138] : memref<1600000xi32, #tpu.memory_space<hbm>> -> memref<320xi32, #tpu.memory_space<hbm>>
        %dma_wait3A_140 = tpu.memref_slice %arg3[%mul3A_138] : memref<1600000xi32, #tpu.memory_space<hbm>> -> memref<320xi32, #tpu.memory_space<hbm>>
        tpu.wait_dma2 semaphore(%arg12 : memref<!tpu.dma_semaphore, #tpu.memory_space<semaphore_mem>>) src(%dma_wait3A_140 : memref<320xi32, #tpu.memory_space<hbm>>) dst(%arg6 : memref<320xi32, #tpu.memory_space<vmem>>)
        %ge3A = arith.constant 3 : i32
        %ge3A_141 = arith.cmpi sge, %add3A_117, %ge3A : i32
        %convert_element_type3A_142 = arith.extui %ge3A_141 : i1 to i32
        %cond3A_143 = arith.constant 0 : i32
        %cond3A_144 = arith.cmpi ne, %convert_element_type3A_142, %cond3A_143 : i32
        scf.if %cond3A_144 {
          %sub3A_164 = arith.constant 3 : i32
          %sub3A_165 = arith.subi %add3A_117, %sub3A_164 : i32
          %mul3A_166 = arith.constant 32 : i32
          %mul3A_167 = arith.muli %mul3A_166, %sub3A_165 : i32
          %add3A_168 = arith.addi %add3A, %mul3A_167 : i32
          %mul3A_169 = arith.constant 320 : i32
          %mul3A_170 = arith.muli %add3A_168, %mul3A_169 : i32
          %dma_wait3A_171 = arith.constant 0 : i32
          %dma_wait3A_172 = tpu.memref_slice %arg4[%mul3A_170, %dma_wait3A_171] : memref<1600000x32xf32, #tpu.memory_space<hbm>> -> memref<320x32xf32, #tpu.memory_space<hbm>>
          %dma_wait3A_173 = arith.constant 0 : i32
          %dma_wait3A_174 = tpu.memref_slice %arg4[%mul3A_170, %dma_wait3A_173] : memref<1600000x32xf32, #tpu.memory_space<hbm>> -> memref<320x32xf32, #tpu.memory_space<hbm>>
          tpu.wait_dma2 semaphore(%arg15 : memref<!tpu.dma_semaphore, #tpu.memory_space<semaphore_mem>>) src(%arg9 : memref<320x32xf32, #tpu.memory_space<vmem>>) dst(%dma_wait3A_174 : memref<320x32xf32, #tpu.memory_space<hbm>>)
        } else {
        }
        %iota3A = tpu.iota {dimensions = array<i32: 0>} : vector<16xi32>
        %scan3A_145 = arith.constant 0 : i32
        %scan3A_146 = arith.constant 5 : i32
        %scan3A_147 = arith.addi %scan3A_145, %scan3A_146 : i32
        %scan3A_148 = arith.constant 1 : i32
        scf.for %scan3A_164 = %scan3A_145 to %scan3A_147 step %scan3A_148  : i32 {
          %mul3A_165 = arith.constant 1 : i32
          %mul3A_166 = arith.muli %scan3A_164, %mul3A_165 : i32
          %add3A_167 = arith.constant 0 : i32
          %add3A_168 = arith.addi %add3A_167, %mul3A_166 : i32
          %mul3A_169 = arith.constant 64 : i32
          %mul3A_170 = arith.muli %add3A_168, %mul3A_169 : i32
          %multiple_of3A = tpu.assume_multiple %mul3A_170, 16 : i32
          %add3A_171 = arith.constant 0 : i32
          %add3A_172 = arith.addi %multiple_of3A, %add3A_171 : i32
          %get3A = arith.index_cast %add3A_172 : i32 to index
          %get3A_173 = tpu.vector_load %arg6[%get3A] {strides = array<i32>} : memref<320xi32, #tpu.memory_space<vmem>>, vector<16xi32>,
          %add3A_174 = arith.constant 16 : i32
          %add3A_175 = arith.addi %multiple_of3A, %add3A_174 : i32
          %get3A_176 = arith.index_cast %add3A_175 : i32 to index
          %get3A_177 = tpu.vector_load %arg6[%get3A_176] {strides = array<i32>} : memref<320xi32, #tpu.memory_space<vmem>>, vector<16xi32>,
          %add3A_178 = arith.constant 32 : i32
          %add3A_179 = arith.addi %multiple_of3A, %add3A_178 : i32
          %get3A_180 = arith.index_cast %add3A_179 : i32 to index
          %get3A_181 = tpu.vector_load %arg6[%get3A_180] {strides = array<i32>} : memref<320xi32, #tpu.memory_space<vmem>>, vector<16xi32>,
          %add3A_182 = arith.constant 48 : i32
          %add3A_183 = arith.addi %multiple_of3A, %add3A_182 : i32
          %get3A_184 = arith.index_cast %add3A_183 : i32 to index
          %get3A_185 = tpu.vector_load %arg6[%get3A_184] {strides = array<i32>} : memref<320xi32, #tpu.memory_space<vmem>>, vector<16xi32>,
          %add3A_186 = vector.broadcast %multiple_of3A : i32 to vector<16xi32>
          %add3A_187 = arith.addi %iota3A, %add3A_186 : vector<16xi32>
          %add3A_188 = arith.constant 0 : i32
          %add3A_189 = vector.broadcast %add3A_188 : i32 to vector<16xi32>
          %add3A_190 = arith.addi %add3A_187, %add3A_189 : vector<16xi32>
          %add3A_191 = vector.broadcast %multiple_of3A : i32 to vector<16xi32>
          %add3A_192 = arith.addi %iota3A, %add3A_191 : vector<16xi32>
          %add3A_193 = arith.constant 16 : i32
          %add3A_194 = vector.broadcast %add3A_193 : i32 to vector<16xi32>
          %add3A_195 = arith.addi %add3A_192, %add3A_194 : vector<16xi32>
          %add3A_196 = vector.broadcast %multiple_of3A : i32 to vector<16xi32>
          %add3A_197 = arith.addi %iota3A, %add3A_196 : vector<16xi32>
          %add3A_198 = arith.constant 32 : i32
          %add3A_199 = vector.broadcast %add3A_198 : i32 to vector<16xi32>
          %add3A_200 = arith.addi %add3A_197, %add3A_199 : vector<16xi32>
          %add3A_201 = vector.broadcast %multiple_of3A : i32 to vector<16xi32>
          %add3A_202 = arith.addi %iota3A, %add3A_201 : vector<16xi32>
          %add3A_203 = arith.constant 48 : i32
          %add3A_204 = vector.broadcast %add3A_203 : i32 to vector<16xi32>
          %add3A_205 = arith.addi %add3A_202, %add3A_204 : vector<16xi32>
          %gather3A = tpu.vector_load_idx %arg5[%get3A_173, %iota3A] : memref<7x32xf32, #tpu.memory_space<vmem>>[vector<16xi32>, vector<16xi32>], vector<16xf32>,
          tpu.vector_store_idx %arg9[%add3A_190, %iota3A], %gather3A : memref<320x32xf32, #tpu.memory_space<vmem>>[vector<16xi32>, vector<16xi32>], vector<16xf32>,
          %gather3A_206 = tpu.vector_load_idx %arg5[%get3A_177, %iota3A] : memref<7x32xf32, #tpu.memory_space<vmem>>[vector<16xi32>, vector<16xi32>], vector<16xf32>,
          tpu.vector_store_idx %arg9[%add3A_195, %iota3A], %gather3A_206 : memref<320x32xf32, #tpu.memory_space<vmem>>[vector<16xi32>, vector<16xi32>], vector<16xf32>,
          %gather3A_207 = tpu.vector_load_idx %arg5[%get3A_181, %iota3A] : memref<7x32xf32, #tpu.memory_space<vmem>>[vector<16xi32>, vector<16xi32>], vector<16xf32>,
          tpu.vector_store_idx %arg9[%add3A_200, %iota3A], %gather3A_207 : memref<320x32xf32, #tpu.memory_space<vmem>>[vector<16xi32>, vector<16xi32>], vector<16xf32>,
          %gather3A_208 = tpu.vector_load_idx %arg5[%get3A_185, %iota3A] : memref<7x32xf32, #tpu.memory_space<vmem>>[vector<16xi32>, vector<16xi32>], vector<16xf32>,
          tpu.vector_store_idx %arg9[%add3A_205, %iota3A], %gather3A_208 : memref<320x32xf32, #tpu.memory_space<vmem>>[vector<16xi32>, vector<16xi32>], vector<16xf32>,
          %add3A_209 = arith.constant 1 : i32
          %add3A_210 = vector.broadcast %add3A_209 : i32 to vector<16xi32>
          %add3A_211 = arith.addi %iota3A, %add3A_210 : vector<16xi32>
          %and3A_212 = arith.constant 31 : i32
          %and3A_213 = vector.broadcast %and3A_212 : i32 to vector<16xi32>
          %and3A_214 = arith.andi %add3A_211, %and3A_213 : vector<16xi32>
          %gather3A_215 = tpu.vector_load_idx %arg5[%get3A_173, %and3A_214] : memref<7x32xf32, #tpu.memory_space<vmem>>[vector<16xi32>, vector<16xi32>], vector<16xf32>,
          tpu.vector_store_idx %arg9[%add3A_190, %and3A_214], %gather3A_215 : memref<320x32xf32, #tpu.memory_space<vmem>>[vector<16xi32>, vector<16xi32>], vector<16xf32>,
          %gather3A_216 = tpu.vector_load_idx %arg5[%get3A_177, %and3A_214] : memref<7x32xf32, #tpu.memory_space<vmem>>[vector<16xi32>, vector<16xi32>], vector<16xf32>,
          tpu.vector_store_idx %arg9[%add3A_195, %and3A_214], %gather3A_216 : memref<320x32xf32, #tpu.memory_space<vmem>>[vector<16xi32>, vector<16xi32>], vector<16xf32>,
          %gather3A_217 = tpu.vector_load_idx %arg5[%get3A_181, %and3A_214] : memref<7x32xf32, #tpu.memory_space<vmem>>[vector<16xi32>, vector<16xi32>], vector<16xf32>,
          tpu.vector_store_idx %arg9[%add3A_200, %and3A_214], %gather3A_217 : memref<320x32xf32, #tpu.memory_space<vmem>>[vector<16xi32>, vector<16xi32>], vector<16xf32>,
          %gather3A_218 = tpu.vector_load_idx %arg5[%get3A_185, %and3A_214] : memref<7x32xf32, #tpu.memory_space<vmem>>[vector<16xi32>, vector<16xi32>], vector<16xf32>,
          tpu.vector_store_idx %arg9[%add3A_205, %and3A_214], %gather3A_218 : memref<320x32xf32, #tpu.memory_space<vmem>>[vector<16xi32>, vector<16xi32>], vector<16xf32>,
          %add3A_219 = arith.constant 1 : i32
          %add3A_220 = vector.broadcast %add3A_219 : i32 to vector<16xi32>
          %add3A_221 = arith.addi %and3A_214, %add3A_220 : vector<16xi32>
          %and3A_222 = arith.constant 31 : i32
          %and3A_223 = vector.broadcast %and3A_222 : i32 to vector<16xi32>
          %and3A_224 = arith.andi %add3A_221, %and3A_223 : vector<16xi32>
          %gather3A_225 = tpu.vector_load_idx %arg5[%get3A_173, %and3A_224] : memref<7x32xf32, #tpu.memory_space<vmem>>[vector<16xi32>, vector<16xi32>], vector<16xf32>,
          tpu.vector_store_idx %arg9[%add3A_190, %and3A_224], %gather3A_225 : memref<320x32xf32, #tpu.memory_space<vmem>>[vector<16xi32>, vector<16xi32>], vector<16xf32>,
          %gather3A_226 = tpu.vector_load_idx %arg5[%get3A_177, %and3A_224] : memref<7x32xf32, #tpu.memory_space<vmem>>[vector<16xi32>, vector<16xi32>], vector<16xf32>,
          tpu.vector_store_idx %arg9[%add3A_195, %and3A_224], %gather3A_226 : memref<320x32xf32, #tpu.memory_space<vmem>>[vector<16xi32>, vector<16xi32>], vector<16xf32>,
          %gather3A_227 = tpu.vector_load_idx %arg5[%get3A_181, %and3A_224] : memref<7x32xf32, #tpu.memory_space<vmem>>[vector<16xi32>, vector<16xi32>], vector<16xf32>,
          tpu.vector_store_idx %arg9[%add3A_200, %and3A_224], %gather3A_227 : memref<320x32xf32, #tpu.memory_space<vmem>>[vector<16xi32>, vector<16xi32>], vector<16xf32>,
          %gather3A_228 = tpu.vector_load_idx %arg5[%get3A_185, %and3A_224] : memref<7x32xf32, #tpu.memory_space<vmem>>[vector<16xi32>, vector<16xi32>], vector<16xf32>,
          tpu.vector_store_idx %arg9[%add3A_205, %and3A_224], %gather3A_228 : memref<320x32xf32, #tpu.memory_space<vmem>>[vector<16xi32>, vector<16xi32>], vector<16xf32>,
          %add3A_229 = arith.constant 1 : i32
          %add3A_230 = vector.broadcast %add3A_229 : i32 to vector<16xi32>
          %add3A_231 = arith.addi %and3A_224, %add3A_230 : vector<16xi32>
          %and3A_232 = arith.constant 31 : i32
          %and3A_233 = vector.broadcast %and3A_232 : i32 to vector<16xi32>
          %and3A_234 = arith.andi %add3A_231, %and3A_233 : vector<16xi32>
          %gather3A_235 = tpu.vector_load_idx %arg5[%get3A_173, %and3A_234] : memref<7x32xf32, #tpu.memory_space<vmem>>[vector<16xi32>, vector<16xi32>], vector<16xf32>,
          tpu.vector_store_idx %arg9[%add3A_190, %and3A_234], %gather3A_235 : memref<320x32xf32, #tpu.memory_space<vmem>>[vector<16xi32>, vector<16xi32>], vector<16xf32>,
          %gather3A_236 = tpu.vector_load_idx %arg5[%get3A_177, %and3A_234] : memref<7x32xf32, #tpu.memory_space<vmem>>[vector<16xi32>, vector<16xi32>], vector<16xf32>,
          tpu.vector_store_idx %arg9[%add3A_195, %and3A_234], %gather3A_236 : memref<320x32xf32, #tpu.memory_space<vmem>>[vector<16xi32>, vector<16xi32>], vector<16xf32>,
          %gather3A_237 = tpu.vector_load_idx %arg5[%get3A_181, %and3A_234] : memref<7x32xf32, #tpu.memory_space<vmem>>[vector<16xi32>, vector<16xi32>], vector<16xf32>,
          tpu.vector_store_idx %arg9[%add3A_200, %and3A_234], %gather3A_237 : memref<320x32xf32, #tpu.memory_space<vmem>>[vector<16xi32>, vector<16xi32>], vector<16xf32>,
          %gather3A_238 = tpu.vector_load_idx %arg5[%get3A_185, %and3A_234] : memref<7x32xf32, #tpu.memory_space<vmem>>[vector<16xi32>, vector<16xi32>], vector<16xf32>,
          tpu.vector_store_idx %arg9[%add3A_205, %and3A_234], %gather3A_238 : memref<320x32xf32, #tpu.memory_space<vmem>>[vector<16xi32>, vector<16xi32>], vector<16xf32>,
          %add3A_239 = arith.constant 1 : i32
          %add3A_240 = vector.broadcast %add3A_239 : i32 to vector<16xi32>
          %add3A_241 = arith.addi %and3A_234, %add3A_240 : vector<16xi32>
          %and3A_242 = arith.constant 31 : i32
          %and3A_243 = vector.broadcast %and3A_242 : i32 to vector<16xi32>
          %and3A_244 = arith.andi %add3A_241, %and3A_243 : vector<16xi32>
          %gather3A_245 = tpu.vector_load_idx %arg5[%get3A_173, %and3A_244] : memref<7x32xf32, #tpu.memory_space<vmem>>[vector<16xi32>, vector<16xi32>], vector<16xf32>,
          tpu.vector_store_idx %arg9[%add3A_190, %and3A_244], %gather3A_245 : memref<320x32xf32, #tpu.memory_space<vmem>>[vector<16xi32>, vector<16xi32>], vector<16xf32>,
          %gather3A_246 = tpu.vector_load_idx %arg5[%get3A_177, %and3A_244] : memref<7x32xf32, #tpu.memory_space<vmem>>[vector<16xi32>, vector<16xi32>], vector<16xf32>,
          tpu.vector_store_idx %arg9[%add3A_195, %and3A_244], %gather3A_246 : memref<320x32xf32, #tpu.memory_space<vmem>>[vector<16xi32>, vector<16xi32>], vector<16xf32>,
          %gather3A_247 = tpu.vector_load_idx %arg5[%get3A_181, %and3A_244] : memref<7x32xf32, #tpu.memory_space<vmem>>[vector<16xi32>, vector<16xi32>], vector<16xf32>,
          tpu.vector_store_idx %arg9[%add3A_200, %and3A_244], %gather3A_247 : memref<320x32xf32, #tpu.memory_space<vmem>>[vector<16xi32>, vector<16xi32>], vector<16xf32>,
          %gather3A_248 = tpu.vector_load_idx %arg5[%get3A_185, %and3A_244] : memref<7x32xf32, #tpu.memory_space<vmem>>[vector<16xi32>, vector<16xi32>], vector<16xf32>,
          tpu.vector_store_idx %arg9[%add3A_205, %and3A_244], %gather3A_248 : memref<320x32xf32, #tpu.memory_space<vmem>>[vector<16xi32>, vector<16xi32>], vector<16xf32>,
          %add3A_249 = arith.constant 1 : i32
          %add3A_250 = vector.broadcast %add3A_249 : i32 to vector<16xi32>
          %add3A_251 = arith.addi %and3A_244, %add3A_250 : vector<16xi32>
          %and3A_252 = arith.constant 31 : i32
          %and3A_253 = vector.broadcast %and3A_252 : i32 to vector<16xi32>
          %and3A_254 = arith.andi %add3A_251, %and3A_253 : vector<16xi32>
          %gather3A_255 = tpu.vector_load_idx %arg5[%get3A_173, %and3A_254] : memref<7x32xf32, #tpu.memory_space<vmem>>[vector<16xi32>, vector<16xi32>], vector<16xf32>,
          tpu.vector_store_idx %arg9[%add3A_190, %and3A_254], %gather3A_255 : memref<320x32xf32, #tpu.memory_space<vmem>>[vector<16xi32>, vector<16xi32>], vector<16xf32>,
          %gather3A_256 = tpu.vector_load_idx %arg5[%get3A_177, %and3A_254] : memref<7x32xf32, #tpu.memory_space<vmem>>[vector<16xi32>, vector<16xi32>], vector<16xf32>,
          tpu.vector_store_idx %arg9[%add3A_195, %and3A_254], %gather3A_256 : memref<320x32xf32, #tpu.memory_space<vmem>>[vector<16xi32>, vector<16xi32>], vector<16xf32>,
          %gather3A_257 = tpu.vector_load_idx %arg5[%get3A_181, %and3A_254] : memref<7x32xf32, #tpu.memory_space<vmem>>[vector<16xi32>, vector<16xi32>], vector<16xf32>,
          tpu.vector_store_idx %arg9[%add3A_200, %and3A_254], %gather3A_257 : memref<320x32xf32, #tpu.memory_space<vmem>>[vector<16xi32>, vector<16xi32>], vector<16xf32>,
          %gather3A_258 = tpu.vector_load_idx %arg5[%get3A_185, %and3A_254] : memref<7x32xf32, #tpu.memory_space<vmem>>[vector<16xi32>, vector<16xi32>], vector<16xf32>,
          tpu.vector_store_idx %arg9[%add3A_205, %and3A_254], %gather3A_258 : memref<320x32xf32, #tpu.memory_space<vmem>>[vector<16xi32>, vector<16xi32>], vector<16xf32>,
          %add3A_259 = arith.constant 1 : i32
          %add3A_260 = vector.broadcast %add3A_259 : i32 to vector<16xi32>
          %add3A_261 = arith.addi %and3A_254, %add3A_260 : vector<16xi32>
          %and3A_262 = arith.constant 31 : i32
          %and3A_263 = vector.broadcast %and3A_262 : i32 to vector<16xi32>
          %and3A_264 = arith.andi %add3A_261, %and3A_263 : vector<16xi32>
          %gather3A_265 = tpu.vector_load_idx %arg5[%get3A_173, %and3A_264] : memref<7x32xf32, #tpu.memory_space<vmem>>[vector<16xi32>, vector<16xi32>], vector<16xf32>,
          tpu.vector_store_idx %arg9[%add3A_190, %and3A_264], %gather3A_265 : memref<320x32xf32, #tpu.memory_space<vmem>>[vector<16xi32>, vector<16xi32>], vector<16xf32>,
          %gather3A_266 = tpu.vector_load_idx %arg5[%get3A_177, %and3A_264] : memref<7x32xf32, #tpu.memory_space<vmem>>[vector<16xi32>, vector<16xi32>], vector<16xf32>,
          tpu.vector_store_idx %arg9[%add3A_195, %and3A_264], %gather3A_266 : memref<320x32xf32, #tpu.memory_space<vmem>>[vector<16xi32>, vector<16xi32>], vector<16xf32>,
          %gather3A_267 = tpu.vector_load_idx %arg5[%get3A_181, %and3A_264] : memref<7x32xf32, #tpu.memory_space<vmem>>[vector<16xi32>, vector<16xi32>], vector<16xf32>,
          tpu.vector_store_idx %arg9[%add3A_200, %and3A_264], %gather3A_267 : memref<320x32xf32, #tpu.memory_space<vmem>>[vector<16xi32>, vector<16xi32>], vector<16xf32>,
          %gather3A_268 = tpu.vector_load_idx %arg5[%get3A_185, %and3A_264] : memref<7x32xf32, #tpu.memory_space<vmem>>[vector<16xi32>, vector<16xi32>], vector<16xf32>,
          tpu.vector_store_idx %arg9[%add3A_205, %and3A_264], %gather3A_268 : memref<320x32xf32, #tpu.memory_space<vmem>>[vector<16xi32>, vector<16xi32>], vector<16xf32>,
          %add3A_269 = arith.constant 1 : i32
          %add3A_270 = vector.broadcast %add3A_269 : i32 to vector<16xi32>
          %add3A_271 = arith.addi %and3A_264, %add3A_270 : vector<16xi32>
          %and3A_272 = arith.constant 31 : i32
          %and3A_273 = vector.broadcast %and3A_272 : i32 to vector<16xi32>
          %and3A_274 = arith.andi %add3A_271, %and3A_273 : vector<16xi32>
          %gather3A_275 = tpu.vector_load_idx %arg5[%get3A_173, %and3A_274] : memref<7x32xf32, #tpu.memory_space<vmem>>[vector<16xi32>, vector<16xi32>], vector<16xf32>,
          tpu.vector_store_idx %arg9[%add3A_190, %and3A_274], %gather3A_275 : memref<320x32xf32, #tpu.memory_space<vmem>>[vector<16xi32>, vector<16xi32>], vector<16xf32>,
          %gather3A_276 = tpu.vector_load_idx %arg5[%get3A_177, %and3A_274] : memref<7x32xf32, #tpu.memory_space<vmem>>[vector<16xi32>, vector<16xi32>], vector<16xf32>,
          tpu.vector_store_idx %arg9[%add3A_195, %and3A_274], %gather3A_276 : memref<320x32xf32, #tpu.memory_space<vmem>>[vector<16xi32>, vector<16xi32>], vector<16xf32>,
          %gather3A_277 = tpu.vector_load_idx %arg5[%get3A_181, %and3A_274] : memref<7x32xf32, #tpu.memory_space<vmem>>[vector<16xi32>, vector<16xi32>], vector<16xf32>,
          tpu.vector_store_idx %arg9[%add3A_200, %and3A_274], %gather3A_277 : memref<320x32xf32, #tpu.memory_space<vmem>>[vector<16xi32>, vector<16xi32>], vector<16xf32>,
          %gather3A_278 = tpu.vector_load_idx %arg5[%get3A_185, %and3A_274] : memref<7x32xf32, #tpu.memory_space<vmem>>[vector<16xi32>, vector<16xi32>], vector<16xf32>,
          tpu.vector_store_idx %arg9[%add3A_205, %and3A_274], %gather3A_278 : memref<320x32xf32, #tpu.memory_space<vmem>>[vector<16xi32>, vector<16xi32>], vector<16xf32>,
          %add3A_279 = arith.constant 1 : i32
          %add3A_280 = vector.broadcast %add3A_279 : i32 to vector<16xi32>
          %add3A_281 = arith.addi %and3A_274, %add3A_280 : vector<16xi32>
          %and3A_282 = arith.constant 31 : i32
          %and3A_283 = vector.broadcast %and3A_282 : i32 to vector<16xi32>
          %and3A_284 = arith.andi %add3A_281, %and3A_283 : vector<16xi32>
          %gather3A_285 = tpu.vector_load_idx %arg5[%get3A_173, %and3A_284] : memref<7x32xf32, #tpu.memory_space<vmem>>[vector<16xi32>, vector<16xi32>], vector<16xf32>,
          tpu.vector_store_idx %arg9[%add3A_190, %and3A_284], %gather3A_285 : memref<320x32xf32, #tpu.memory_space<vmem>>[vector<16xi32>, vector<16xi32>], vector<16xf32>,
          %gather3A_286 = tpu.vector_load_idx %arg5[%get3A_177, %and3A_284] : memref<7x32xf32, #tpu.memory_space<vmem>>[vector<16xi32>, vector<16xi32>], vector<16xf32>,
          tpu.vector_store_idx %arg9[%add3A_195, %and3A_284], %gather3A_286 : memref<320x32xf32, #tpu.memory_space<vmem>>[vector<16xi32>, vector<16xi32>], vector<16xf32>,
          %gather3A_287 = tpu.vector_load_idx %arg5[%get3A_181, %and3A_284] : memref<7x32xf32, #tpu.memory_space<vmem>>[vector<16xi32>, vector<16xi32>], vector<16xf32>,
          tpu.vector_store_idx %arg9[%add3A_200, %and3A_284], %gather3A_287 : memref<320x32xf32, #tpu.memory_space<vmem>>[vector<16xi32>, vector<16xi32>], vector<16xf32>,
          %gather3A_288 = tpu.vector_load_idx %arg5[%get3A_185, %and3A_284] : memref<7x32xf32, #tpu.memory_space<vmem>>[vector<16xi32>, vector<16xi32>], vector<16xf32>,
          tpu.vector_store_idx %arg9[%add3A_205, %and3A_284], %gather3A_288 : memref<320x32xf32, #tpu.memory_space<vmem>>[vector<16xi32>, vector<16xi32>], vector<16xf32>,
          %add3A_289 = arith.constant 1 : i32
          %add3A_290 = vector.broadcast %add3A_289 : i32 to vector<16xi32>
          %add3A_291 = arith.addi %and3A_284, %add3A_290 : vector<16xi32>
          %and3A_292 = arith.constant 31 : i32
          %and3A_293 = vector.broadcast %and3A_292 : i32 to vector<16xi32>
          %and3A_294 = arith.andi %add3A_291, %and3A_293 : vector<16xi32>
          %gather3A_295 = tpu.vector_load_idx %arg5[%get3A_173, %and3A_294] : memref<7x32xf32, #tpu.memory_space<vmem>>[vector<16xi32>, vector<16xi32>], vector<16xf32>,
          tpu.vector_store_idx %arg9[%add3A_190, %and3A_294], %gather3A_295 : memref<320x32xf32, #tpu.memory_space<vmem>>[vector<16xi32>, vector<16xi32>], vector<16xf32>,
          %gather3A_296 = tpu.vector_load_idx %arg5[%get3A_177, %and3A_294] : memref<7x32xf32, #tpu.memory_space<vmem>>[vector<16xi32>, vector<16xi32>], vector<16xf32>,
          tpu.vector_store_idx %arg9[%add3A_195, %and3A_294], %gather3A_296 : memref<320x32xf32, #tpu.memory_space<vmem>>[vector<16xi32>, vector<16xi32>], vector<16xf32>,
          %gather3A_297 = tpu.vector_load_idx %arg5[%get3A_181, %and3A_294] : memref<7x32xf32, #tpu.memory_space<vmem>>[vector<16xi32>, vector<16xi32>], vector<16xf32>,
          tpu.vector_store_idx %arg9[%add3A_200, %and3A_294], %gather3A_297 : memref<320x32xf32, #tpu.memory_space<vmem>>[vector<16xi32>, vector<16xi32>], vector<16xf32>,
          %gather3A_298 = tpu.vector_load_idx %arg5[%get3A_185, %and3A_294] : memref<7x32xf32, #tpu.memory_space<vmem>>[vector<16xi32>, vector<16xi32>], vector<16xf32>,
          tpu.vector_store_idx %arg9[%add3A_205, %and3A_294], %gather3A_298 : memref<320x32xf32, #tpu.memory_space<vmem>>[vector<16xi32>, vector<16xi32>], vector<16xf32>,
          %add3A_299 = arith.constant 1 : i32
          %add3A_300 = vector.broadcast %add3A_299 : i32 to vector<16xi32>
          %add3A_301 = arith.addi %and3A_294, %add3A_300 : vector<16xi32>
          %and3A_302 = arith.constant 31 : i32
          %and3A_303 = vector.broadcast %and3A_302 : i32 to vector<16xi32>
          %and3A_304 = arith.andi %add3A_301, %and3A_303 : vector<16xi32>
          %gather3A_305 = tpu.vector_load_idx %arg5[%get3A_173, %and3A_304] : memref<7x32xf32, #tpu.memory_space<vmem>>[vector<16xi32>, vector<16xi32>], vector<16xf32>,
          tpu.vector_store_idx %arg9[%add3A_190, %and3A_304], %gather3A_305 : memref<320x32xf32, #tpu.memory_space<vmem>>[vector<16xi32>, vector<16xi32>], vector<16xf32>,
          %gather3A_306 = tpu.vector_load_idx %arg5[%get3A_177, %and3A_304] : memref<7x32xf32, #tpu.memory_space<vmem>>[vector<16xi32>, vector<16xi32>], vector<16xf32>,
          tpu.vector_store_idx %arg9[%add3A_195, %and3A_304], %gather3A_306 : memref<320x32xf32, #tpu.memory_space<vmem>>[vector<16xi32>, vector<16xi32>], vector<16xf32>,
          %gather3A_307 = tpu.vector_load_idx %arg5[%get3A_181, %and3A_304] : memref<7x32xf32, #tpu.memory_space<vmem>>[vector<16xi32>, vector<16xi32>], vector<16xf32>,
          tpu.vector_store_idx %arg9[%add3A_200, %and3A_304], %gather3A_307 : memref<320x32xf32, #tpu.memory_space<vmem>>[vector<16xi32>, vector<16xi32>], vector<16xf32>,
          %gather3A_308 = tpu.vector_load_idx %arg5[%get3A_185, %and3A_304] : memref<7x32xf32, #tpu.memory_space<vmem>>[vector<16xi32>, vector<16xi32>], vector<16xf32>,
          tpu.vector_store_idx %arg9[%add3A_205, %and3A_304], %gather3A_308 : memref<320x32xf32, #tpu.memory_space<vmem>>[vector<16xi32>, vector<16xi32>], vector<16xf32>,
          %add3A_309 = arith.constant 1 : i32
          %add3A_310 = vector.broadcast %add3A_309 : i32 to vector<16xi32>
          %add3A_311 = arith.addi %and3A_304, %add3A_310 : vector<16xi32>
          %and3A_312 = arith.constant 31 : i32
          %and3A_313 = vector.broadcast %and3A_312 : i32 to vector<16xi32>
          %and3A_314 = arith.andi %add3A_311, %and3A_313 : vector<16xi32>
          %gather3A_315 = tpu.vector_load_idx %arg5[%get3A_173, %and3A_314] : memref<7x32xf32, #tpu.memory_space<vmem>>[vector<16xi32>, vector<16xi32>], vector<16xf32>,
          tpu.vector_store_idx %arg9[%add3A_190, %and3A_314], %gather3A_315 : memref<320x32xf32, #tpu.memory_space<vmem>>[vector<16xi32>, vector<16xi32>], vector<16xf32>,
          %gather3A_316 = tpu.vector_load_idx %arg5[%get3A_177, %and3A_314] : memref<7x32xf32, #tpu.memory_space<vmem>>[vector<16xi32>, vector<16xi32>], vector<16xf32>,
          tpu.vector_store_idx %arg9[%add3A_195, %and3A_314], %gather3A_316 : memref<320x32xf32, #tpu.memory_space<vmem>>[vector<16xi32>, vector<16xi32>], vector<16xf32>,
          %gather3A_317 = tpu.vector_load_idx %arg5[%get3A_181, %and3A_314] : memref<7x32xf32, #tpu.memory_space<vmem>>[vector<16xi32>, vector<16xi32>], vector<16xf32>,
          tpu.vector_store_idx %arg9[%add3A_200, %and3A_314], %gather3A_317 : memref<320x32xf32, #tpu.memory_space<vmem>>[vector<16xi32>, vector<16xi32>], vector<16xf32>,
          %gather3A_318 = tpu.vector_load_idx %arg5[%get3A_185, %and3A_314] : memref<7x32xf32, #tpu.memory_space<vmem>>[vector<16xi32>, vector<16xi32>], vector<16xf32>,
          tpu.vector_store_idx %arg9[%add3A_205, %and3A_314], %gather3A_318 : memref<320x32xf32, #tpu.memory_space<vmem>>[vector<16xi32>, vector<16xi32>], vector<16xf32>,
          %add3A_319 = arith.constant 1 : i32
          %add3A_320 = vector.broadcast %add3A_319 : i32 to vector<16xi32>
          %add3A_321 = arith.addi %and3A_314, %add3A_320 : vector<16xi32>
          %and3A_322 = arith.constant 31 : i32
          %and3A_323 = vector.broadcast %and3A_322 : i32 to vector<16xi32>
          %and3A_324 = arith.andi %add3A_321, %and3A_323 : vector<16xi32>
          %gather3A_325 = tpu.vector_load_idx %arg5[%get3A_173, %and3A_324] : memref<7x32xf32, #tpu.memory_space<vmem>>[vector<16xi32>, vector<16xi32>], vector<16xf32>,
          tpu.vector_store_idx %arg9[%add3A_190, %and3A_324], %gather3A_325 : memref<320x32xf32, #tpu.memory_space<vmem>>[vector<16xi32>, vector<16xi32>], vector<16xf32>,
          %gather3A_326 = tpu.vector_load_idx %arg5[%get3A_177, %and3A_324] : memref<7x32xf32, #tpu.memory_space<vmem>>[vector<16xi32>, vector<16xi32>], vector<16xf32>,
          tpu.vector_store_idx %arg9[%add3A_195, %and3A_324], %gather3A_326 : memref<320x32xf32, #tpu.memory_space<vmem>>[vector<16xi32>, vector<16xi32>], vector<16xf32>,
          %gather3A_327 = tpu.vector_load_idx %arg5[%get3A_181, %and3A_324] : memref<7x32xf32, #tpu.memory_space<vmem>>[vector<16xi32>, vector<16xi32>], vector<16xf32>,
          tpu.vector_store_idx %arg9[%add3A_200, %and3A_324], %gather3A_327 : memref<320x32xf32, #tpu.memory_space<vmem>>[vector<16xi32>, vector<16xi32>], vector<16xf32>,
          %gather3A_328 = tpu.vector_load_idx %arg5[%get3A_185, %and3A_324] : memref<7x32xf32, #tpu.memory_space<vmem>>[vector<16xi32>, vector<16xi32>], vector<16xf32>,
          tpu.vector_store_idx %arg9[%add3A_205, %and3A_324], %gather3A_328 : memref<320x32xf32, #tpu.memory_space<vmem>>[vector<16xi32>, vector<16xi32>], vector<16xf32>,
          %add3A_329 = arith.constant 1 : i32
          %add3A_330 = vector.broadcast %add3A_329 : i32 to vector<16xi32>
          %add3A_331 = arith.addi %and3A_324, %add3A_330 : vector<16xi32>
          %and3A_332 = arith.constant 31 : i32
          %and3A_333 = vector.broadcast %and3A_332 : i32 to vector<16xi32>
          %and3A_334 = arith.andi %add3A_331, %and3A_333 : vector<16xi32>
          %gather3A_335 = tpu.vector_load_idx %arg5[%get3A_173, %and3A_334] : memref<7x32xf32, #tpu.memory_space<vmem>>[vector<16xi32>, vector<16xi32>], vector<16xf32>,
          tpu.vector_store_idx %arg9[%add3A_190, %and3A_334], %gather3A_335 : memref<320x32xf32, #tpu.memory_space<vmem>>[vector<16xi32>, vector<16xi32>], vector<16xf32>,
          %gather3A_336 = tpu.vector_load_idx %arg5[%get3A_177, %and3A_334] : memref<7x32xf32, #tpu.memory_space<vmem>>[vector<16xi32>, vector<16xi32>], vector<16xf32>,
          tpu.vector_store_idx %arg9[%add3A_195, %and3A_334], %gather3A_336 : memref<320x32xf32, #tpu.memory_space<vmem>>[vector<16xi32>, vector<16xi32>], vector<16xf32>,
          %gather3A_337 = tpu.vector_load_idx %arg5[%get3A_181, %and3A_334] : memref<7x32xf32, #tpu.memory_space<vmem>>[vector<16xi32>, vector<16xi32>], vector<16xf32>,
          tpu.vector_store_idx %arg9[%add3A_200, %and3A_334], %gather3A_337 : memref<320x32xf32, #tpu.memory_space<vmem>>[vector<16xi32>, vector<16xi32>], vector<16xf32>,
          %gather3A_338 = tpu.vector_load_idx %arg5[%get3A_185, %and3A_334] : memref<7x32xf32, #tpu.memory_space<vmem>>[vector<16xi32>, vector<16xi32>], vector<16xf32>,
          tpu.vector_store_idx %arg9[%add3A_205, %and3A_334], %gather3A_338 : memref<320x32xf32, #tpu.memory_space<vmem>>[vector<16xi32>, vector<16xi32>], vector<16xf32>,
          %add3A_339 = arith.constant 1 : i32
          %add3A_340 = vector.broadcast %add3A_339 : i32 to vector<16xi32>
          %add3A_341 = arith.addi %and3A_334, %add3A_340 : vector<16xi32>
          %and3A_342 = arith.constant 31 : i32
          %and3A_343 = vector.broadcast %and3A_342 : i32 to vector<16xi32>
          %and3A_344 = arith.andi %add3A_341, %and3A_343 : vector<16xi32>
          %gather3A_345 = tpu.vector_load_idx %arg5[%get3A_173, %and3A_344] : memref<7x32xf32, #tpu.memory_space<vmem>>[vector<16xi32>, vector<16xi32>], vector<16xf32>,
          tpu.vector_store_idx %arg9[%add3A_190, %and3A_344], %gather3A_345 : memref<320x32xf32, #tpu.memory_space<vmem>>[vector<16xi32>, vector<16xi32>], vector<16xf32>,
          %gather3A_346 = tpu.vector_load_idx %arg5[%get3A_177, %and3A_344] : memref<7x32xf32, #tpu.memory_space<vmem>>[vector<16xi32>, vector<16xi32>], vector<16xf32>,
          tpu.vector_store_idx %arg9[%add3A_195, %and3A_344], %gather3A_346 : memref<320x32xf32, #tpu.memory_space<vmem>>[vector<16xi32>, vector<16xi32>], vector<16xf32>,
          %gather3A_347 = tpu.vector_load_idx %arg5[%get3A_181, %and3A_344] : memref<7x32xf32, #tpu.memory_space<vmem>>[vector<16xi32>, vector<16xi32>], vector<16xf32>,
          tpu.vector_store_idx %arg9[%add3A_200, %and3A_344], %gather3A_347 : memref<320x32xf32, #tpu.memory_space<vmem>>[vector<16xi32>, vector<16xi32>], vector<16xf32>,
          %gather3A_348 = tpu.vector_load_idx %arg5[%get3A_185, %and3A_344] : memref<7x32xf32, #tpu.memory_space<vmem>>[vector<16xi32>, vector<16xi32>], vector<16xf32>,
          tpu.vector_store_idx %arg9[%add3A_205, %and3A_344], %gather3A_348 : memref<320x32xf32, #tpu.memory_space<vmem>>[vector<16xi32>, vector<16xi32>], vector<16xf32>,
          %add3A_349 = arith.constant 1 : i32
          %add3A_350 = vector.broadcast %add3A_349 : i32 to vector<16xi32>
          %add3A_351 = arith.addi %and3A_344, %add3A_350 : vector<16xi32>
          %and3A_352 = arith.constant 31 : i32
          %and3A_353 = vector.broadcast %and3A_352 : i32 to vector<16xi32>
          %and3A_354 = arith.andi %add3A_351, %and3A_353 : vector<16xi32>
          %gather3A_355 = tpu.vector_load_idx %arg5[%get3A_173, %and3A_354] : memref<7x32xf32, #tpu.memory_space<vmem>>[vector<16xi32>, vector<16xi32>], vector<16xf32>,
          tpu.vector_store_idx %arg9[%add3A_190, %and3A_354], %gather3A_355 : memref<320x32xf32, #tpu.memory_space<vmem>>[vector<16xi32>, vector<16xi32>], vector<16xf32>,
          %gather3A_356 = tpu.vector_load_idx %arg5[%get3A_177, %and3A_354] : memref<7x32xf32, #tpu.memory_space<vmem>>[vector<16xi32>, vector<16xi32>], vector<16xf32>,
          tpu.vector_store_idx %arg9[%add3A_195, %and3A_354], %gather3A_356 : memref<320x32xf32, #tpu.memory_space<vmem>>[vector<16xi32>, vector<16xi32>], vector<16xf32>,
          %gather3A_357 = tpu.vector_load_idx %arg5[%get3A_181, %and3A_354] : memref<7x32xf32, #tpu.memory_space<vmem>>[vector<16xi32>, vector<16xi32>], vector<16xf32>,
          tpu.vector_store_idx %arg9[%add3A_200, %and3A_354], %gather3A_357 : memref<320x32xf32, #tpu.memory_space<vmem>>[vector<16xi32>, vector<16xi32>], vector<16xf32>,
          %gather3A_358 = tpu.vector_load_idx %arg5[%get3A_185, %and3A_354] : memref<7x32xf32, #tpu.memory_space<vmem>>[vector<16xi32>, vector<16xi32>], vector<16xf32>,
          tpu.vector_store_idx %arg9[%add3A_205, %and3A_354], %gather3A_358 : memref<320x32xf32, #tpu.memory_space<vmem>>[vector<16xi32>, vector<16xi32>], vector<16xf32>,
          %add3A_359 = arith.constant 1 : i32
          %add3A_360 = vector.broadcast %add3A_359 : i32 to vector<16xi32>
          %add3A_361 = arith.addi %and3A_354, %add3A_360 : vector<16xi32>
          %and3A_362 = arith.constant 31 : i32
          %and3A_363 = vector.broadcast %and3A_362 : i32 to vector<16xi32>
          %and3A_364 = arith.andi %add3A_361, %and3A_363 : vector<16xi32>
          %gather3A_365 = tpu.vector_load_idx %arg5[%get3A_173, %and3A_364] : memref<7x32xf32, #tpu.memory_space<vmem>>[vector<16xi32>, vector<16xi32>], vector<16xf32>,
          tpu.vector_store_idx %arg9[%add3A_190, %and3A_364], %gather3A_365 : memref<320x32xf32, #tpu.memory_space<vmem>>[vector<16xi32>, vector<16xi32>], vector<16xf32>,
          %gather3A_366 = tpu.vector_load_idx %arg5[%get3A_177, %and3A_364] : memref<7x32xf32, #tpu.memory_space<vmem>>[vector<16xi32>, vector<16xi32>], vector<16xf32>,
          tpu.vector_store_idx %arg9[%add3A_195, %and3A_364], %gather3A_366 : memref<320x32xf32, #tpu.memory_space<vmem>>[vector<16xi32>, vector<16xi32>], vector<16xf32>,
          %gather3A_367 = tpu.vector_load_idx %arg5[%get3A_181, %and3A_364] : memref<7x32xf32, #tpu.memory_space<vmem>>[vector<16xi32>, vector<16xi32>], vector<16xf32>,
          tpu.vector_store_idx %arg9[%add3A_200, %and3A_364], %gather3A_367 : memref<320x32xf32, #tpu.memory_space<vmem>>[vector<16xi32>, vector<16xi32>], vector<16xf32>,
          %gather3A_368 = tpu.vector_load_idx %arg5[%get3A_185, %and3A_364] : memref<7x32xf32, #tpu.memory_space<vmem>>[vector<16xi32>, vector<16xi32>], vector<16xf32>,
          tpu.vector_store_idx %arg9[%add3A_205, %and3A_364], %gather3A_368 : memref<320x32xf32, #tpu.memory_space<vmem>>[vector<16xi32>, vector<16xi32>], vector<16xf32>,
          %add3A_369 = arith.constant 1 : i32
          %add3A_370 = vector.broadcast %add3A_369 : i32 to vector<16xi32>
          %add3A_371 = arith.addi %and3A_364, %add3A_370 : vector<16xi32>
          %and3A_372 = arith.constant 31 : i32
          %and3A_373 = vector.broadcast %and3A_372 : i32 to vector<16xi32>
          %and3A_374 = arith.andi %add3A_371, %and3A_373 : vector<16xi32>
          %gather3A_375 = tpu.vector_load_idx %arg5[%get3A_173, %and3A_374] : memref<7x32xf32, #tpu.memory_space<vmem>>[vector<16xi32>, vector<16xi32>], vector<16xf32>,
          tpu.vector_store_idx %arg9[%add3A_190, %and3A_374], %gather3A_375 : memref<320x32xf32, #tpu.memory_space<vmem>>[vector<16xi32>, vector<16xi32>], vector<16xf32>,
          %gather3A_376 = tpu.vector_load_idx %arg5[%get3A_177, %and3A_374] : memref<7x32xf32, #tpu.memory_space<vmem>>[vector<16xi32>, vector<16xi32>], vector<16xf32>,
          tpu.vector_store_idx %arg9[%add3A_195, %and3A_374], %gather3A_376 : memref<320x32xf32, #tpu.memory_space<vmem>>[vector<16xi32>, vector<16xi32>], vector<16xf32>,
          %gather3A_377 = tpu.vector_load_idx %arg5[%get3A_181, %and3A_374] : memref<7x32xf32, #tpu.memory_space<vmem>>[vector<16xi32>, vector<16xi32>], vector<16xf32>,
          tpu.vector_store_idx %arg9[%add3A_200, %and3A_374], %gather3A_377 : memref<320x32xf32, #tpu.memory_space<vmem>>[vector<16xi32>, vector<16xi32>], vector<16xf32>,
          %gather3A_378 = tpu.vector_load_idx %arg5[%get3A_185, %and3A_374] : memref<7x32xf32, #tpu.memory_space<vmem>>[vector<16xi32>, vector<16xi32>], vector<16xf32>,
          tpu.vector_store_idx %arg9[%add3A_205, %and3A_374], %gather3A_378 : memref<320x32xf32, #tpu.memory_space<vmem>>[vector<16xi32>, vector<16xi32>], vector<16xf32>,
          %add3A_379 = arith.constant 1 : i32
          %add3A_380 = vector.broadcast %add3A_379 : i32 to vector<16xi32>
          %add3A_381 = arith.addi %and3A_374, %add3A_380 : vector<16xi32>
          %and3A_382 = arith.constant 31 : i32
          %and3A_383 = vector.broadcast %and3A_382 : i32 to vector<16xi32>
          %and3A_384 = arith.andi %add3A_381, %and3A_383 : vector<16xi32>
          %gather3A_385 = tpu.vector_load_idx %arg5[%get3A_173, %and3A_384] : memref<7x32xf32, #tpu.memory_space<vmem>>[vector<16xi32>, vector<16xi32>], vector<16xf32>,
          tpu.vector_store_idx %arg9[%add3A_190, %and3A_384], %gather3A_385 : memref<320x32xf32, #tpu.memory_space<vmem>>[vector<16xi32>, vector<16xi32>], vector<16xf32>,
          %gather3A_386 = tpu.vector_load_idx %arg5[%get3A_177, %and3A_384] : memref<7x32xf32, #tpu.memory_space<vmem>>[vector<16xi32>, vector<16xi32>], vector<16xf32>,
          tpu.vector_store_idx %arg9[%add3A_195, %and3A_384], %gather3A_386 : memref<320x32xf32, #tpu.memory_space<vmem>>[vector<16xi32>, vector<16xi32>], vector<16xf32>,
          %gather3A_387 = tpu.vector_load_idx %arg5[%get3A_181, %and3A_384] : memref<7x32xf32, #tpu.memory_space<vmem>>[vector<16xi32>, vector<16xi32>], vector<16xf32>,
          tpu.vector_store_idx %arg9[%add3A_200, %and3A_384], %gather3A_387 : memref<320x32xf32, #tpu.memory_space<vmem>>[vector<16xi32>, vector<16xi32>], vector<16xf32>,
          %gather3A_388 = tpu.vector_load_idx %arg5[%get3A_185, %and3A_384] : memref<7x32xf32, #tpu.memory_space<vmem>>[vector<16xi32>, vector<16xi32>], vector<16xf32>,
          tpu.vector_store_idx %arg9[%add3A_205, %and3A_384], %gather3A_388 : memref<320x32xf32, #tpu.memory_space<vmem>>[vector<16xi32>, vector<16xi32>], vector<16xf32>,
          %add3A_389 = arith.constant 1 : i32
          %add3A_390 = vector.broadcast %add3A_389 : i32 to vector<16xi32>
          %add3A_391 = arith.addi %and3A_384, %add3A_390 : vector<16xi32>
          %and3A_392 = arith.constant 31 : i32
          %and3A_393 = vector.broadcast %and3A_392 : i32 to vector<16xi32>
          %and3A_394 = arith.andi %add3A_391, %and3A_393 : vector<16xi32>
          %gather3A_395 = tpu.vector_load_idx %arg5[%get3A_173, %and3A_394] : memref<7x32xf32, #tpu.memory_space<vmem>>[vector<16xi32>, vector<16xi32>], vector<16xf32>,
          tpu.vector_store_idx %arg9[%add3A_190, %and3A_394], %gather3A_395 : memref<320x32xf32, #tpu.memory_space<vmem>>[vector<16xi32>, vector<16xi32>], vector<16xf32>,
          %gather3A_396 = tpu.vector_load_idx %arg5[%get3A_177, %and3A_394] : memref<7x32xf32, #tpu.memory_space<vmem>>[vector<16xi32>, vector<16xi32>], vector<16xf32>,
          tpu.vector_store_idx %arg9[%add3A_195, %and3A_394], %gather3A_396 : memref<320x32xf32, #tpu.memory_space<vmem>>[vector<16xi32>, vector<16xi32>], vector<16xf32>,
          %gather3A_397 = tpu.vector_load_idx %arg5[%get3A_181, %and3A_394] : memref<7x32xf32, #tpu.memory_space<vmem>>[vector<16xi32>, vector<16xi32>], vector<16xf32>,
          tpu.vector_store_idx %arg9[%add3A_200, %and3A_394], %gather3A_397 : memref<320x32xf32, #tpu.memory_space<vmem>>[vector<16xi32>, vector<16xi32>], vector<16xf32>,
          %gather3A_398 = tpu.vector_load_idx %arg5[%get3A_185, %and3A_394] : memref<7x32xf32, #tpu.memory_space<vmem>>[vector<16xi32>, vector<16xi32>], vector<16xf32>,
          tpu.vector_store_idx %arg9[%add3A_205, %and3A_394], %gather3A_398 : memref<320x32xf32, #tpu.memory_space<vmem>>[vector<16xi32>, vector<16xi32>], vector<16xf32>,
          %add3A_399 = arith.constant 1 : i32
          %add3A_400 = vector.broadcast %add3A_399 : i32 to vector<16xi32>
          %add3A_401 = arith.addi %and3A_394, %add3A_400 : vector<16xi32>
          %and3A_402 = arith.constant 31 : i32
          %and3A_403 = vector.broadcast %and3A_402 : i32 to vector<16xi32>
          %and3A_404 = arith.andi %add3A_401, %and3A_403 : vector<16xi32>
          %gather3A_405 = tpu.vector_load_idx %arg5[%get3A_173, %and3A_404] : memref<7x32xf32, #tpu.memory_space<vmem>>[vector<16xi32>, vector<16xi32>], vector<16xf32>,
          tpu.vector_store_idx %arg9[%add3A_190, %and3A_404], %gather3A_405 : memref<320x32xf32, #tpu.memory_space<vmem>>[vector<16xi32>, vector<16xi32>], vector<16xf32>,
          %gather3A_406 = tpu.vector_load_idx %arg5[%get3A_177, %and3A_404] : memref<7x32xf32, #tpu.memory_space<vmem>>[vector<16xi32>, vector<16xi32>], vector<16xf32>,
          tpu.vector_store_idx %arg9[%add3A_195, %and3A_404], %gather3A_406 : memref<320x32xf32, #tpu.memory_space<vmem>>[vector<16xi32>, vector<16xi32>], vector<16xf32>,
          %gather3A_407 = tpu.vector_load_idx %arg5[%get3A_181, %and3A_404] : memref<7x32xf32, #tpu.memory_space<vmem>>[vector<16xi32>, vector<16xi32>], vector<16xf32>,
          tpu.vector_store_idx %arg9[%add3A_200, %and3A_404], %gather3A_407 : memref<320x32xf32, #tpu.memory_space<vmem>>[vector<16xi32>, vector<16xi32>], vector<16xf32>,
          %gather3A_408 = tpu.vector_load_idx %arg5[%get3A_185, %and3A_404] : memref<7x32xf32, #tpu.memory_space<vmem>>[vector<16xi32>, vector<16xi32>], vector<16xf32>,
          tpu.vector_store_idx %arg9[%add3A_205, %and3A_404], %gather3A_408 : memref<320x32xf32, #tpu.memory_space<vmem>>[vector<16xi32>, vector<16xi32>], vector<16xf32>,
          %add3A_409 = arith.constant 1 : i32
          %add3A_410 = vector.broadcast %add3A_409 : i32 to vector<16xi32>
          %add3A_411 = arith.addi %and3A_404, %add3A_410 : vector<16xi32>
          %and3A_412 = arith.constant 31 : i32
          %and3A_413 = vector.broadcast %and3A_412 : i32 to vector<16xi32>
          %and3A_414 = arith.andi %add3A_411, %and3A_413 : vector<16xi32>
          %gather3A_415 = tpu.vector_load_idx %arg5[%get3A_173, %and3A_414] : memref<7x32xf32, #tpu.memory_space<vmem>>[vector<16xi32>, vector<16xi32>], vector<16xf32>,
          tpu.vector_store_idx %arg9[%add3A_190, %and3A_414], %gather3A_415 : memref<320x32xf32, #tpu.memory_space<vmem>>[vector<16xi32>, vector<16xi32>], vector<16xf32>,
          %gather3A_416 = tpu.vector_load_idx %arg5[%get3A_177, %and3A_414] : memref<7x32xf32, #tpu.memory_space<vmem>>[vector<16xi32>, vector<16xi32>], vector<16xf32>,
          tpu.vector_store_idx %arg9[%add3A_195, %and3A_414], %gather3A_416 : memref<320x32xf32, #tpu.memory_space<vmem>>[vector<16xi32>, vector<16xi32>], vector<16xf32>,
          %gather3A_417 = tpu.vector_load_idx %arg5[%get3A_181, %and3A_414] : memref<7x32xf32, #tpu.memory_space<vmem>>[vector<16xi32>, vector<16xi32>], vector<16xf32>,
          tpu.vector_store_idx %arg9[%add3A_200, %and3A_414], %gather3A_417 : memref<320x32xf32, #tpu.memory_space<vmem>>[vector<16xi32>, vector<16xi32>], vector<16xf32>,
          %gather3A_418 = tpu.vector_load_idx %arg5[%get3A_185, %and3A_414] : memref<7x32xf32, #tpu.memory_space<vmem>>[vector<16xi32>, vector<16xi32>], vector<16xf32>,
          tpu.vector_store_idx %arg9[%add3A_205, %and3A_414], %gather3A_418 : memref<320x32xf32, #tpu.memory_space<vmem>>[vector<16xi32>, vector<16xi32>], vector<16xf32>,
          %add3A_419 = arith.constant 1 : i32
          %add3A_420 = vector.broadcast %add3A_419 : i32 to vector<16xi32>
          %add3A_421 = arith.addi %and3A_414, %add3A_420 : vector<16xi32>
          %and3A_422 = arith.constant 31 : i32
          %and3A_423 = vector.broadcast %and3A_422 : i32 to vector<16xi32>
          %and3A_424 = arith.andi %add3A_421, %and3A_423 : vector<16xi32>
          %gather3A_425 = tpu.vector_load_idx %arg5[%get3A_173, %and3A_424] : memref<7x32xf32, #tpu.memory_space<vmem>>[vector<16xi32>, vector<16xi32>], vector<16xf32>,
          tpu.vector_store_idx %arg9[%add3A_190, %and3A_424], %gather3A_425 : memref<320x32xf32, #tpu.memory_space<vmem>>[vector<16xi32>, vector<16xi32>], vector<16xf32>,
          %gather3A_426 = tpu.vector_load_idx %arg5[%get3A_177, %and3A_424] : memref<7x32xf32, #tpu.memory_space<vmem>>[vector<16xi32>, vector<16xi32>], vector<16xf32>,
          tpu.vector_store_idx %arg9[%add3A_195, %and3A_424], %gather3A_426 : memref<320x32xf32, #tpu.memory_space<vmem>>[vector<16xi32>, vector<16xi32>], vector<16xf32>,
          %gather3A_427 = tpu.vector_load_idx %arg5[%get3A_181, %and3A_424] : memref<7x32xf32, #tpu.memory_space<vmem>>[vector<16xi32>, vector<16xi32>], vector<16xf32>,
          tpu.vector_store_idx %arg9[%add3A_200, %and3A_424], %gather3A_427 : memref<320x32xf32, #tpu.memory_space<vmem>>[vector<16xi32>, vector<16xi32>], vector<16xf32>,
          %gather3A_428 = tpu.vector_load_idx %arg5[%get3A_185, %and3A_424] : memref<7x32xf32, #tpu.memory_space<vmem>>[vector<16xi32>, vector<16xi32>], vector<16xf32>,
          tpu.vector_store_idx %arg9[%add3A_205, %and3A_424], %gather3A_428 : memref<320x32xf32, #tpu.memory_space<vmem>>[vector<16xi32>, vector<16xi32>], vector<16xf32>,
          %add3A_429 = arith.constant 1 : i32
          %add3A_430 = vector.broadcast %add3A_429 : i32 to vector<16xi32>
          %add3A_431 = arith.addi %and3A_424, %add3A_430 : vector<16xi32>
          %and3A_432 = arith.constant 31 : i32
          %and3A_433 = vector.broadcast %and3A_432 : i32 to vector<16xi32>
          %and3A_434 = arith.andi %add3A_431, %and3A_433 : vector<16xi32>
          %gather3A_435 = tpu.vector_load_idx %arg5[%get3A_173, %and3A_434] : memref<7x32xf32, #tpu.memory_space<vmem>>[vector<16xi32>, vector<16xi32>], vector<16xf32>,
          tpu.vector_store_idx %arg9[%add3A_190, %and3A_434], %gather3A_435 : memref<320x32xf32, #tpu.memory_space<vmem>>[vector<16xi32>, vector<16xi32>], vector<16xf32>,
          %gather3A_436 = tpu.vector_load_idx %arg5[%get3A_177, %and3A_434] : memref<7x32xf32, #tpu.memory_space<vmem>>[vector<16xi32>, vector<16xi32>], vector<16xf32>,
          tpu.vector_store_idx %arg9[%add3A_195, %and3A_434], %gather3A_436 : memref<320x32xf32, #tpu.memory_space<vmem>>[vector<16xi32>, vector<16xi32>], vector<16xf32>,
          %gather3A_437 = tpu.vector_load_idx %arg5[%get3A_181, %and3A_434] : memref<7x32xf32, #tpu.memory_space<vmem>>[vector<16xi32>, vector<16xi32>], vector<16xf32>,
          tpu.vector_store_idx %arg9[%add3A_200, %and3A_434], %gather3A_437 : memref<320x32xf32, #tpu.memory_space<vmem>>[vector<16xi32>, vector<16xi32>], vector<16xf32>,
          %gather3A_438 = tpu.vector_load_idx %arg5[%get3A_185, %and3A_434] : memref<7x32xf32, #tpu.memory_space<vmem>>[vector<16xi32>, vector<16xi32>], vector<16xf32>,
          tpu.vector_store_idx %arg9[%add3A_205, %and3A_434], %gather3A_438 : memref<320x32xf32, #tpu.memory_space<vmem>>[vector<16xi32>, vector<16xi32>], vector<16xf32>,
          %add3A_439 = arith.constant 1 : i32
          %add3A_440 = vector.broadcast %add3A_439 : i32 to vector<16xi32>
          %add3A_441 = arith.addi %and3A_434, %add3A_440 : vector<16xi32>
          %and3A_442 = arith.constant 31 : i32
          %and3A_443 = vector.broadcast %and3A_442 : i32 to vector<16xi32>
          %and3A_444 = arith.andi %add3A_441, %and3A_443 : vector<16xi32>
          %gather3A_445 = tpu.vector_load_idx %arg5[%get3A_173, %and3A_444] : memref<7x32xf32, #tpu.memory_space<vmem>>[vector<16xi32>, vector<16xi32>], vector<16xf32>,
          tpu.vector_store_idx %arg9[%add3A_190, %and3A_444], %gather3A_445 : memref<320x32xf32, #tpu.memory_space<vmem>>[vector<16xi32>, vector<16xi32>], vector<16xf32>,
          %gather3A_446 = tpu.vector_load_idx %arg5[%get3A_177, %and3A_444] : memref<7x32xf32, #tpu.memory_space<vmem>>[vector<16xi32>, vector<16xi32>], vector<16xf32>,
          tpu.vector_store_idx %arg9[%add3A_195, %and3A_444], %gather3A_446 : memref<320x32xf32, #tpu.memory_space<vmem>>[vector<16xi32>, vector<16xi32>], vector<16xf32>,
          %gather3A_447 = tpu.vector_load_idx %arg5[%get3A_181, %and3A_444] : memref<7x32xf32, #tpu.memory_space<vmem>>[vector<16xi32>, vector<16xi32>], vector<16xf32>,
          tpu.vector_store_idx %arg9[%add3A_200, %and3A_444], %gather3A_447 : memref<320x32xf32, #tpu.memory_space<vmem>>[vector<16xi32>, vector<16xi32>], vector<16xf32>,
          %gather3A_448 = tpu.vector_load_idx %arg5[%get3A_185, %and3A_444] : memref<7x32xf32, #tpu.memory_space<vmem>>[vector<16xi32>, vector<16xi32>], vector<16xf32>,
          tpu.vector_store_idx %arg9[%add3A_205, %and3A_444], %gather3A_448 : memref<320x32xf32, #tpu.memory_space<vmem>>[vector<16xi32>, vector<16xi32>], vector<16xf32>,
          %add3A_449 = arith.constant 1 : i32
          %add3A_450 = vector.broadcast %add3A_449 : i32 to vector<16xi32>
          %add3A_451 = arith.addi %and3A_444, %add3A_450 : vector<16xi32>
          %and3A_452 = arith.constant 31 : i32
          %and3A_453 = vector.broadcast %and3A_452 : i32 to vector<16xi32>
          %and3A_454 = arith.andi %add3A_451, %and3A_453 : vector<16xi32>
          %gather3A_455 = tpu.vector_load_idx %arg5[%get3A_173, %and3A_454] : memref<7x32xf32, #tpu.memory_space<vmem>>[vector<16xi32>, vector<16xi32>], vector<16xf32>,
          tpu.vector_store_idx %arg9[%add3A_190, %and3A_454], %gather3A_455 : memref<320x32xf32, #tpu.memory_space<vmem>>[vector<16xi32>, vector<16xi32>], vector<16xf32>,
          %gather3A_456 = tpu.vector_load_idx %arg5[%get3A_177, %and3A_454] : memref<7x32xf32, #tpu.memory_space<vmem>>[vector<16xi32>, vector<16xi32>], vector<16xf32>,
          tpu.vector_store_idx %arg9[%add3A_195, %and3A_454], %gather3A_456 : memref<320x32xf32, #tpu.memory_space<vmem>>[vector<16xi32>, vector<16xi32>], vector<16xf32>,
          %gather3A_457 = tpu.vector_load_idx %arg5[%get3A_181, %and3A_454] : memref<7x32xf32, #tpu.memory_space<vmem>>[vector<16xi32>, vector<16xi32>], vector<16xf32>,
          tpu.vector_store_idx %arg9[%add3A_200, %and3A_454], %gather3A_457 : memref<320x32xf32, #tpu.memory_space<vmem>>[vector<16xi32>, vector<16xi32>], vector<16xf32>,
          %gather3A_458 = tpu.vector_load_idx %arg5[%get3A_185, %and3A_454] : memref<7x32xf32, #tpu.memory_space<vmem>>[vector<16xi32>, vector<16xi32>], vector<16xf32>,
          tpu.vector_store_idx %arg9[%add3A_205, %and3A_454], %gather3A_458 : memref<320x32xf32, #tpu.memory_space<vmem>>[vector<16xi32>, vector<16xi32>], vector<16xf32>,
          %add3A_459 = arith.constant 1 : i32
          %add3A_460 = vector.broadcast %add3A_459 : i32 to vector<16xi32>
          %add3A_461 = arith.addi %and3A_454, %add3A_460 : vector<16xi32>
          %and3A_462 = arith.constant 31 : i32
          %and3A_463 = vector.broadcast %and3A_462 : i32 to vector<16xi32>
          %and3A_464 = arith.andi %add3A_461, %and3A_463 : vector<16xi32>
          %gather3A_465 = tpu.vector_load_idx %arg5[%get3A_173, %and3A_464] : memref<7x32xf32, #tpu.memory_space<vmem>>[vector<16xi32>, vector<16xi32>], vector<16xf32>,
          tpu.vector_store_idx %arg9[%add3A_190, %and3A_464], %gather3A_465 : memref<320x32xf32, #tpu.memory_space<vmem>>[vector<16xi32>, vector<16xi32>], vector<16xf32>,
          %gather3A_466 = tpu.vector_load_idx %arg5[%get3A_177, %and3A_464] : memref<7x32xf32, #tpu.memory_space<vmem>>[vector<16xi32>, vector<16xi32>], vector<16xf32>,
          tpu.vector_store_idx %arg9[%add3A_195, %and3A_464], %gather3A_466 : memref<320x32xf32, #tpu.memory_space<vmem>>[vector<16xi32>, vector<16xi32>], vector<16xf32>,
          %gather3A_467 = tpu.vector_load_idx %arg5[%get3A_181, %and3A_464] : memref<7x32xf32, #tpu.memory_space<vmem>>[vector<16xi32>, vector<16xi32>], vector<16xf32>,
          tpu.vector_store_idx %arg9[%add3A_200, %and3A_464], %gather3A_467 : memref<320x32xf32, #tpu.memory_space<vmem>>[vector<16xi32>, vector<16xi32>], vector<16xf32>,
          %gather3A_468 = tpu.vector_load_idx %arg5[%get3A_185, %and3A_464] : memref<7x32xf32, #tpu.memory_space<vmem>>[vector<16xi32>, vector<16xi32>], vector<16xf32>,
          tpu.vector_store_idx %arg9[%add3A_205, %and3A_464], %gather3A_468 : memref<320x32xf32, #tpu.memory_space<vmem>>[vector<16xi32>, vector<16xi32>], vector<16xf32>,
          %add3A_469 = arith.constant 1 : i32
          %add3A_470 = vector.broadcast %add3A_469 : i32 to vector<16xi32>
          %add3A_471 = arith.addi %and3A_464, %add3A_470 : vector<16xi32>
          %and3A_472 = arith.constant 31 : i32
          %and3A_473 = vector.broadcast %and3A_472 : i32 to vector<16xi32>
          %and3A_474 = arith.andi %add3A_471, %and3A_473 : vector<16xi32>
          %gather3A_475 = tpu.vector_load_idx %arg5[%get3A_173, %and3A_474] : memref<7x32xf32, #tpu.memory_space<vmem>>[vector<16xi32>, vector<16xi32>], vector<16xf32>,
          tpu.vector_store_idx %arg9[%add3A_190, %and3A_474], %gather3A_475 : memref<320x32xf32, #tpu.memory_space<vmem>>[vector<16xi32>, vector<16xi32>], vector<16xf32>,
          %gather3A_476 = tpu.vector_load_idx %arg5[%get3A_177, %and3A_474] : memref<7x32xf32, #tpu.memory_space<vmem>>[vector<16xi32>, vector<16xi32>], vector<16xf32>,
          tpu.vector_store_idx %arg9[%add3A_195, %and3A_474], %gather3A_476 : memref<320x32xf32, #tpu.memory_space<vmem>>[vector<16xi32>, vector<16xi32>], vector<16xf32>,
          %gather3A_477 = tpu.vector_load_idx %arg5[%get3A_181, %and3A_474] : memref<7x32xf32, #tpu.memory_space<vmem>>[vector<16xi32>, vector<16xi32>], vector<16xf32>,
          tpu.vector_store_idx %arg9[%add3A_200, %and3A_474], %gather3A_477 : memref<320x32xf32, #tpu.memory_space<vmem>>[vector<16xi32>, vector<16xi32>], vector<16xf32>,
          %gather3A_478 = tpu.vector_load_idx %arg5[%get3A_185, %and3A_474] : memref<7x32xf32, #tpu.memory_space<vmem>>[vector<16xi32>, vector<16xi32>], vector<16xf32>,
          tpu.vector_store_idx %arg9[%add3A_205, %and3A_474], %gather3A_478 : memref<320x32xf32, #tpu.memory_space<vmem>>[vector<16xi32>, vector<16xi32>], vector<16xf32>,
          %add3A_479 = arith.constant 1 : i32
          %add3A_480 = vector.broadcast %add3A_479 : i32 to vector<16xi32>
          %add3A_481 = arith.addi %and3A_474, %add3A_480 : vector<16xi32>
          %and3A_482 = arith.constant 31 : i32
          %and3A_483 = vector.broadcast %and3A_482 : i32 to vector<16xi32>
          %and3A_484 = arith.andi %add3A_481, %and3A_483 : vector<16xi32>
          %gather3A_485 = tpu.vector_load_idx %arg5[%get3A_173, %and3A_484] : memref<7x32xf32, #tpu.memory_space<vmem>>[vector<16xi32>, vector<16xi32>], vector<16xf32>,
          tpu.vector_store_idx %arg9[%add3A_190, %and3A_484], %gather3A_485 : memref<320x32xf32, #tpu.memory_space<vmem>>[vector<16xi32>, vector<16xi32>], vector<16xf32>,
          %gather3A_486 = tpu.vector_load_idx %arg5[%get3A_177, %and3A_484] : memref<7x32xf32, #tpu.memory_space<vmem>>[vector<16xi32>, vector<16xi32>], vector<16xf32>,
          tpu.vector_store_idx %arg9[%add3A_195, %and3A_484], %gather3A_486 : memref<320x32xf32, #tpu.memory_space<vmem>>[vector<16xi32>, vector<16xi32>], vector<16xf32>,
          %gather3A_487 = tpu.vector_load_idx %arg5[%get3A_181, %and3A_484] : memref<7x32xf32, #tpu.memory_space<vmem>>[vector<16xi32>, vector<16xi32>], vector<16xf32>,
          tpu.vector_store_idx %arg9[%add3A_200, %and3A_484], %gather3A_487 : memref<320x32xf32, #tpu.memory_space<vmem>>[vector<16xi32>, vector<16xi32>], vector<16xf32>,
          %gather3A_488 = tpu.vector_load_idx %arg5[%get3A_185, %and3A_484] : memref<7x32xf32, #tpu.memory_space<vmem>>[vector<16xi32>, vector<16xi32>], vector<16xf32>,
          tpu.vector_store_idx %arg9[%add3A_205, %and3A_484], %gather3A_488 : memref<320x32xf32, #tpu.memory_space<vmem>>[vector<16xi32>, vector<16xi32>], vector<16xf32>,
          %add3A_489 = arith.constant 1 : i32
          %add3A_490 = vector.broadcast %add3A_489 : i32 to vector<16xi32>
          %add3A_491 = arith.addi %and3A_484, %add3A_490 : vector<16xi32>
          %and3A_492 = arith.constant 31 : i32
          %and3A_493 = vector.broadcast %and3A_492 : i32 to vector<16xi32>
          %and3A_494 = arith.andi %add3A_491, %and3A_493 : vector<16xi32>
          %gather3A_495 = tpu.vector_load_idx %arg5[%get3A_173, %and3A_494] : memref<7x32xf32, #tpu.memory_space<vmem>>[vector<16xi32>, vector<16xi32>], vector<16xf32>,
          tpu.vector_store_idx %arg9[%add3A_190, %and3A_494], %gather3A_495 : memref<320x32xf32, #tpu.memory_space<vmem>>[vector<16xi32>, vector<16xi32>], vector<16xf32>,
          %gather3A_496 = tpu.vector_load_idx %arg5[%get3A_177, %and3A_494] : memref<7x32xf32, #tpu.memory_space<vmem>>[vector<16xi32>, vector<16xi32>], vector<16xf32>,
          tpu.vector_store_idx %arg9[%add3A_195, %and3A_494], %gather3A_496 : memref<320x32xf32, #tpu.memory_space<vmem>>[vector<16xi32>, vector<16xi32>], vector<16xf32>,
          %gather3A_497 = tpu.vector_load_idx %arg5[%get3A_181, %and3A_494] : memref<7x32xf32, #tpu.memory_space<vmem>>[vector<16xi32>, vector<16xi32>], vector<16xf32>,
          tpu.vector_store_idx %arg9[%add3A_200, %and3A_494], %gather3A_497 : memref<320x32xf32, #tpu.memory_space<vmem>>[vector<16xi32>, vector<16xi32>], vector<16xf32>,
          %gather3A_498 = tpu.vector_load_idx %arg5[%get3A_185, %and3A_494] : memref<7x32xf32, #tpu.memory_space<vmem>>[vector<16xi32>, vector<16xi32>], vector<16xf32>,
          tpu.vector_store_idx %arg9[%add3A_205, %and3A_494], %gather3A_498 : memref<320x32xf32, #tpu.memory_space<vmem>>[vector<16xi32>, vector<16xi32>], vector<16xf32>,
          %add3A_499 = arith.constant 1 : i32
          %add3A_500 = vector.broadcast %add3A_499 : i32 to vector<16xi32>
          %add3A_501 = arith.addi %and3A_494, %add3A_500 : vector<16xi32>
          %and3A_502 = arith.constant 31 : i32
          %and3A_503 = vector.broadcast %and3A_502 : i32 to vector<16xi32>
          %and3A_504 = arith.andi %add3A_501, %and3A_503 : vector<16xi32>
          %gather3A_505 = tpu.vector_load_idx %arg5[%get3A_173, %and3A_504] : memref<7x32xf32, #tpu.memory_space<vmem>>[vector<16xi32>, vector<16xi32>], vector<16xf32>,
          tpu.vector_store_idx %arg9[%add3A_190, %and3A_504], %gather3A_505 : memref<320x32xf32, #tpu.memory_space<vmem>>[vector<16xi32>, vector<16xi32>], vector<16xf32>,
          %gather3A_506 = tpu.vector_load_idx %arg5[%get3A_177, %and3A_504] : memref<7x32xf32, #tpu.memory_space<vmem>>[vector<16xi32>, vector<16xi32>], vector<16xf32>,
          tpu.vector_store_idx %arg9[%add3A_195, %and3A_504], %gather3A_506 : memref<320x32xf32, #tpu.memory_space<vmem>>[vector<16xi32>, vector<16xi32>], vector<16xf32>,
          %gather3A_507 = tpu.vector_load_idx %arg5[%get3A_181, %and3A_504] : memref<7x32xf32, #tpu.memory_space<vmem>>[vector<16xi32>, vector<16xi32>], vector<16xf32>,
          tpu.vector_store_idx %arg9[%add3A_200, %and3A_504], %gather3A_507 : memref<320x32xf32, #tpu.memory_space<vmem>>[vector<16xi32>, vector<16xi32>], vector<16xf32>,
          %gather3A_508 = tpu.vector_load_idx %arg5[%get3A_185, %and3A_504] : memref<7x32xf32, #tpu.memory_space<vmem>>[vector<16xi32>, vector<16xi32>], vector<16xf32>,
          tpu.vector_store_idx %arg9[%add3A_205, %and3A_504], %gather3A_508 : memref<320x32xf32, #tpu.memory_space<vmem>>[vector<16xi32>, vector<16xi32>], vector<16xf32>,
          %add3A_509 = arith.constant 1 : i32
          %add3A_510 = vector.broadcast %add3A_509 : i32 to vector<16xi32>
          %add3A_511 = arith.addi %and3A_504, %add3A_510 : vector<16xi32>
          %and3A_512 = arith.constant 31 : i32
          %and3A_513 = vector.broadcast %and3A_512 : i32 to vector<16xi32>
          %and3A_514 = arith.andi %add3A_511, %and3A_513 : vector<16xi32>
          %gather3A_515 = tpu.vector_load_idx %arg5[%get3A_173, %and3A_514] : memref<7x32xf32, #tpu.memory_space<vmem>>[vector<16xi32>, vector<16xi32>], vector<16xf32>,
          tpu.vector_store_idx %arg9[%add3A_190, %and3A_514], %gather3A_515 : memref<320x32xf32, #tpu.memory_space<vmem>>[vector<16xi32>, vector<16xi32>], vector<16xf32>,
          %gather3A_516 = tpu.vector_load_idx %arg5[%get3A_177, %and3A_514] : memref<7x32xf32, #tpu.memory_space<vmem>>[vector<16xi32>, vector<16xi32>], vector<16xf32>,
          tpu.vector_store_idx %arg9[%add3A_195, %and3A_514], %gather3A_516 : memref<320x32xf32, #tpu.memory_space<vmem>>[vector<16xi32>, vector<16xi32>], vector<16xf32>,
          %gather3A_517 = tpu.vector_load_idx %arg5[%get3A_181, %and3A_514] : memref<7x32xf32, #tpu.memory_space<vmem>>[vector<16xi32>, vector<16xi32>], vector<16xf32>,
          tpu.vector_store_idx %arg9[%add3A_200, %and3A_514], %gather3A_517 : memref<320x32xf32, #tpu.memory_space<vmem>>[vector<16xi32>, vector<16xi32>], vector<16xf32>,
          %gather3A_518 = tpu.vector_load_idx %arg5[%get3A_185, %and3A_514] : memref<7x32xf32, #tpu.memory_space<vmem>>[vector<16xi32>, vector<16xi32>], vector<16xf32>,
          tpu.vector_store_idx %arg9[%add3A_205, %and3A_514], %gather3A_518 : memref<320x32xf32, #tpu.memory_space<vmem>>[vector<16xi32>, vector<16xi32>], vector<16xf32>,
          %add3A_519 = arith.constant 1 : i32
          %add3A_520 = vector.broadcast %add3A_519 : i32 to vector<16xi32>
          %add3A_521 = arith.addi %and3A_514, %add3A_520 : vector<16xi32>
          %and3A_522 = arith.constant 31 : i32
          %and3A_523 = vector.broadcast %and3A_522 : i32 to vector<16xi32>
          %and3A_524 = arith.andi %add3A_521, %and3A_523 : vector<16xi32>
        }
        %scan3A_149 = arith.constant 5 : i32
        %mul3A_150 = arith.constant 32 : i32
        %mul3A_151 = arith.muli %mul3A_150, %add3A_117 : i32
        %add3A_152 = arith.addi %add3A, %mul3A_151 : i32
        %mul3A_153 = arith.constant 320 : i32
        %mul3A_154 = arith.muli %add3A_152, %mul3A_153 : i32
        %dma_start3A = arith.constant 0 : i32
        %dma_start3A_155 = tpu.memref_slice %arg4[%mul3A_154, %dma_start3A] : memref<1600000x32xf32, #tpu.memory_space<hbm>> -> memref<320x32xf32, #tpu.memory_space<hbm>>
        %dma_start3A_156 = arith.constant 0 : i32
        %dma_start3A_157 = tpu.memref_slice %arg4[%mul3A_154, %dma_start3A_156] : memref<1600000x32xf32, #tpu.memory_space<hbm>> -> memref<320x32xf32, #tpu.memory_space<hbm>>
        tpu.enqueue_dma source(%arg9 : memref<320x32xf32, #tpu.memory_space<vmem>>) target(%dma_start3A_157 : memref<320x32xf32, #tpu.memory_space<hbm>>) target_semaphore(%arg15 : memref<!tpu.dma_semaphore, #tpu.memory_space<semaphore_mem>>)
        %add3A_158 = arith.constant 3 : i32
        %add3A_159 = arith.addi %add3A_117, %add3A_158 : i32
        %lt3A_160 = arith.cmpi slt, %add3A_159, %add3A_4 : i32
        %convert_element_type3A_161 = arith.extui %lt3A_160 : i1 to i32
        %cond3A_162 = arith.constant 0 : i32
        %cond3A_163 = arith.cmpi ne, %convert_element_type3A_161, %cond3A_162 : i32
        scf.if %cond3A_163 {
          %add3A_164 = arith.constant 3 : i32
          %add3A_165 = arith.addi %add3A_117, %add3A_164 : i32
          %mul3A_166 = arith.constant 32 : i32
          %mul3A_167 = arith.muli %mul3A_166, %add3A_165 : i32
          %add3A_168 = arith.addi %add3A, %mul3A_167 : i32
          %mul3A_169 = arith.constant 320 : i32
          %mul3A_170 = arith.muli %add3A_168, %mul3A_169 : i32
          %dma_start3A_171 = tpu.memref_slice %arg3[%mul3A_170] : memref<1600000xi32, #tpu.memory_space<hbm>> -> memref<320xi32, #tpu.memory_space<hbm>>
          %dma_start3A_172 = tpu.memref_slice %arg3[%mul3A_170] : memref<1600000xi32, #tpu.memory_space<hbm>> -> memref<320xi32, #tpu.memory_space<hbm>>
          tpu.enqueue_dma source(%dma_start3A_172 : memref<320xi32, #tpu.memory_space<hbm>>) target(%arg6 : memref<320xi32, #tpu.memory_space<vmem>>) target_semaphore(%arg12 : memref<!tpu.dma_semaphore, #tpu.memory_space<semaphore_mem>>)
        } else {
        }
      } else {
      }
      %add3A_122 = arith.constant 1 : i32
      %add3A_123 = arith.addi %add3A_115, %add3A_122 : i32
      %lt3A_124 = arith.cmpi slt, %add3A_123, %add3A_4 : i32
      %convert_element_type3A_125 = arith.extui %lt3A_124 : i1 to i32
      %cond3A_126 = arith.constant 0 : i32
      %cond3A_127 = arith.cmpi ne, %convert_element_type3A_125, %cond3A_126 : i32
      scf.if %cond3A_127 {
        %mul3A_134 = arith.constant 32 : i32
        %mul3A_135 = arith.muli %mul3A_134, %add3A_123 : i32
        %add3A_136 = arith.addi %add3A, %mul3A_135 : i32
        %mul3A_137 = arith.constant 320 : i32
        %mul3A_138 = arith.muli %add3A_136, %mul3A_137 : i32
        %dma_wait3A_139 = tpu.memref_slice %arg3[%mul3A_138] : memref<1600000xi32, #tpu.memory_space<hbm>> -> memref<320xi32, #tpu.memory_space<hbm>>
        %dma_wait3A_140 = tpu.memref_slice %arg3[%mul3A_138] : memref<1600000xi32, #tpu.memory_space<hbm>> -> memref<320xi32, #tpu.memory_space<hbm>>
        tpu.wait_dma2 semaphore(%arg13 : memref<!tpu.dma_semaphore, #tpu.memory_space<semaphore_mem>>) src(%dma_wait3A_140 : memref<320xi32, #tpu.memory_space<hbm>>) dst(%arg7 : memref<320xi32, #tpu.memory_space<vmem>>)
        %ge3A = arith.constant 3 : i32
        %ge3A_141 = arith.cmpi sge, %add3A_123, %ge3A : i32
        %convert_element_type3A_142 = arith.extui %ge3A_141 : i1 to i32
        %cond3A_143 = arith.constant 0 : i32
        %cond3A_144 = arith.cmpi ne, %convert_element_type3A_142, %cond3A_143 : i32
        scf.if %cond3A_144 {
          %sub3A_164 = arith.constant 3 : i32
          %sub3A_165 = arith.subi %add3A_123, %sub3A_164 : i32
          %mul3A_166 = arith.constant 32 : i32
          %mul3A_167 = arith.muli %mul3A_166, %sub3A_165 : i32
          %add3A_168 = arith.addi %add3A, %mul3A_167 : i32
          %mul3A_169 = arith.constant 320 : i32
          %mul3A_170 = arith.muli %add3A_168, %mul3A_169 : i32
          %dma_wait3A_171 = arith.constant 0 : i32
          %dma_wait3A_172 = tpu.memref_slice %arg4[%mul3A_170, %dma_wait3A_171] : memref<1600000x32xf32, #tpu.memory_space<hbm>> -> memref<320x32xf32, #tpu.memory_space<hbm>>
          %dma_wait3A_173 = arith.constant 0 : i32
          %dma_wait3A_174 = tpu.memref_slice %arg4[%mul3A_170, %dma_wait3A_173] : memref<1600000x32xf32, #tpu.memory_space<hbm>> -> memref<320x32xf32, #tpu.memory_space<hbm>>
          tpu.wait_dma2 semaphore(%arg16 : memref<!tpu.dma_semaphore, #tpu.memory_space<semaphore_mem>>) src(%arg10 : memref<320x32xf32, #tpu.memory_space<vmem>>) dst(%dma_wait3A_174 : memref<320x32xf32, #tpu.memory_space<hbm>>)
        } else {
        }
        %iota3A = tpu.iota {dimensions = array<i32: 0>} : vector<16xi32>
        %scan3A_145 = arith.constant 0 : i32
        %scan3A_146 = arith.constant 5 : i32
        %scan3A_147 = arith.addi %scan3A_145, %scan3A_146 : i32
        %scan3A_148 = arith.constant 1 : i32
        scf.for %scan3A_164 = %scan3A_145 to %scan3A_147 step %scan3A_148  : i32 {
          %mul3A_165 = arith.constant 1 : i32
          %mul3A_166 = arith.muli %scan3A_164, %mul3A_165 : i32
          %add3A_167 = arith.constant 0 : i32
          %add3A_168 = arith.addi %add3A_167, %mul3A_166 : i32
          %mul3A_169 = arith.constant 64 : i32
          %mul3A_170 = arith.muli %add3A_168, %mul3A_169 : i32
          %multiple_of3A = tpu.assume_multiple %mul3A_170, 16 : i32
          %add3A_171 = arith.constant 0 : i32
          %add3A_172 = arith.addi %multiple_of3A, %add3A_171 : i32
          %get3A = arith.index_cast %add3A_172 : i32 to index
          %get3A_173 = tpu.vector_load %arg7[%get3A] {strides = array<i32>} : memref<320xi32, #tpu.memory_space<vmem>>, vector<16xi32>,
          %add3A_174 = arith.constant 16 : i32
          %add3A_175 = arith.addi %multiple_of3A, %add3A_174 : i32
          %get3A_176 = arith.index_cast %add3A_175 : i32 to index
          %get3A_177 = tpu.vector_load %arg7[%get3A_176] {strides = array<i32>} : memref<320xi32, #tpu.memory_space<vmem>>, vector<16xi32>,
          %add3A_178 = arith.constant 32 : i32
          %add3A_179 = arith.addi %multiple_of3A, %add3A_178 : i32
          %get3A_180 = arith.index_cast %add3A_179 : i32 to index
          %get3A_181 = tpu.vector_load %arg7[%get3A_180] {strides = array<i32>} : memref<320xi32, #tpu.memory_space<vmem>>, vector<16xi32>,
          %add3A_182 = arith.constant 48 : i32
          %add3A_183 = arith.addi %multiple_of3A, %add3A_182 : i32
          %get3A_184 = arith.index_cast %add3A_183 : i32 to index
          %get3A_185 = tpu.vector_load %arg7[%get3A_184] {strides = array<i32>} : memref<320xi32, #tpu.memory_space<vmem>>, vector<16xi32>,
          %add3A_186 = vector.broadcast %multiple_of3A : i32 to vector<16xi32>
          %add3A_187 = arith.addi %iota3A, %add3A_186 : vector<16xi32>
          %add3A_188 = arith.constant 0 : i32
          %add3A_189 = vector.broadcast %add3A_188 : i32 to vector<16xi32>
          %add3A_190 = arith.addi %add3A_187, %add3A_189 : vector<16xi32>
          %add3A_191 = vector.broadcast %multiple_of3A : i32 to vector<16xi32>
          %add3A_192 = arith.addi %iota3A, %add3A_191 : vector<16xi32>
          %add3A_193 = arith.constant 16 : i32
          %add3A_194 = vector.broadcast %add3A_193 : i32 to vector<16xi32>
          %add3A_195 = arith.addi %add3A_192, %add3A_194 : vector<16xi32>
          %add3A_196 = vector.broadcast %multiple_of3A : i32 to vector<16xi32>
          %add3A_197 = arith.addi %iota3A, %add3A_196 : vector<16xi32>
          %add3A_198 = arith.constant 32 : i32
          %add3A_199 = vector.broadcast %add3A_198 : i32 to vector<16xi32>
          %add3A_200 = arith.addi %add3A_197, %add3A_199 : vector<16xi32>
          %add3A_201 = vector.broadcast %multiple_of3A : i32 to vector<16xi32>
          %add3A_202 = arith.addi %iota3A, %add3A_201 : vector<16xi32>
          %add3A_203 = arith.constant 48 : i32
          %add3A_204 = vector.broadcast %add3A_203 : i32 to vector<16xi32>
          %add3A_205 = arith.addi %add3A_202, %add3A_204 : vector<16xi32>
          %gather3A = tpu.vector_load_idx %arg5[%get3A_173, %iota3A] : memref<7x32xf32, #tpu.memory_space<vmem>>[vector<16xi32>, vector<16xi32>], vector<16xf32>,
          tpu.vector_store_idx %arg10[%add3A_190, %iota3A], %gather3A : memref<320x32xf32, #tpu.memory_space<vmem>>[vector<16xi32>, vector<16xi32>], vector<16xf32>,
          %gather3A_206 = tpu.vector_load_idx %arg5[%get3A_177, %iota3A] : memref<7x32xf32, #tpu.memory_space<vmem>>[vector<16xi32>, vector<16xi32>], vector<16xf32>,
          tpu.vector_store_idx %arg10[%add3A_195, %iota3A], %gather3A_206 : memref<320x32xf32, #tpu.memory_space<vmem>>[vector<16xi32>, vector<16xi32>], vector<16xf32>,
          %gather3A_207 = tpu.vector_load_idx %arg5[%get3A_181, %iota3A] : memref<7x32xf32, #tpu.memory_space<vmem>>[vector<16xi32>, vector<16xi32>], vector<16xf32>,
          tpu.vector_store_idx %arg10[%add3A_200, %iota3A], %gather3A_207 : memref<320x32xf32, #tpu.memory_space<vmem>>[vector<16xi32>, vector<16xi32>], vector<16xf32>,
          %gather3A_208 = tpu.vector_load_idx %arg5[%get3A_185, %iota3A] : memref<7x32xf32, #tpu.memory_space<vmem>>[vector<16xi32>, vector<16xi32>], vector<16xf32>,
          tpu.vector_store_idx %arg10[%add3A_205, %iota3A], %gather3A_208 : memref<320x32xf32, #tpu.memory_space<vmem>>[vector<16xi32>, vector<16xi32>], vector<16xf32>,
          %add3A_209 = arith.constant 1 : i32
          %add3A_210 = vector.broadcast %add3A_209 : i32 to vector<16xi32>
          %add3A_211 = arith.addi %iota3A, %add3A_210 : vector<16xi32>
          %and3A_212 = arith.constant 31 : i32
          %and3A_213 = vector.broadcast %and3A_212 : i32 to vector<16xi32>
          %and3A_214 = arith.andi %add3A_211, %and3A_213 : vector<16xi32>
          %gather3A_215 = tpu.vector_load_idx %arg5[%get3A_173, %and3A_214] : memref<7x32xf32, #tpu.memory_space<vmem>>[vector<16xi32>, vector<16xi32>], vector<16xf32>,
          tpu.vector_store_idx %arg10[%add3A_190, %and3A_214], %gather3A_215 : memref<320x32xf32, #tpu.memory_space<vmem>>[vector<16xi32>, vector<16xi32>], vector<16xf32>,
          %gather3A_216 = tpu.vector_load_idx %arg5[%get3A_177, %and3A_214] : memref<7x32xf32, #tpu.memory_space<vmem>>[vector<16xi32>, vector<16xi32>], vector<16xf32>,
          tpu.vector_store_idx %arg10[%add3A_195, %and3A_214], %gather3A_216 : memref<320x32xf32, #tpu.memory_space<vmem>>[vector<16xi32>, vector<16xi32>], vector<16xf32>,
          %gather3A_217 = tpu.vector_load_idx %arg5[%get3A_181, %and3A_214] : memref<7x32xf32, #tpu.memory_space<vmem>>[vector<16xi32>, vector<16xi32>], vector<16xf32>,
          tpu.vector_store_idx %arg10[%add3A_200, %and3A_214], %gather3A_217 : memref<320x32xf32, #tpu.memory_space<vmem>>[vector<16xi32>, vector<16xi32>], vector<16xf32>,
          %gather3A_218 = tpu.vector_load_idx %arg5[%get3A_185, %and3A_214] : memref<7x32xf32, #tpu.memory_space<vmem>>[vector<16xi32>, vector<16xi32>], vector<16xf32>,
          tpu.vector_store_idx %arg10[%add3A_205, %and3A_214], %gather3A_218 : memref<320x32xf32, #tpu.memory_space<vmem>>[vector<16xi32>, vector<16xi32>], vector<16xf32>,
          %add3A_219 = arith.constant 1 : i32
          %add3A_220 = vector.broadcast %add3A_219 : i32 to vector<16xi32>
          %add3A_221 = arith.addi %and3A_214, %add3A_220 : vector<16xi32>
          %and3A_222 = arith.constant 31 : i32
          %and3A_223 = vector.broadcast %and3A_222 : i32 to vector<16xi32>
          %and3A_224 = arith.andi %add3A_221, %and3A_223 : vector<16xi32>
          %gather3A_225 = tpu.vector_load_idx %arg5[%get3A_173, %and3A_224] : memref<7x32xf32, #tpu.memory_space<vmem>>[vector<16xi32>, vector<16xi32>], vector<16xf32>,
          tpu.vector_store_idx %arg10[%add3A_190, %and3A_224], %gather3A_225 : memref<320x32xf32, #tpu.memory_space<vmem>>[vector<16xi32>, vector<16xi32>], vector<16xf32>,
          %gather3A_226 = tpu.vector_load_idx %arg5[%get3A_177, %and3A_224] : memref<7x32xf32, #tpu.memory_space<vmem>>[vector<16xi32>, vector<16xi32>], vector<16xf32>,
          tpu.vector_store_idx %arg10[%add3A_195, %and3A_224], %gather3A_226 : memref<320x32xf32, #tpu.memory_space<vmem>>[vector<16xi32>, vector<16xi32>], vector<16xf32>,
          %gather3A_227 = tpu.vector_load_idx %arg5[%get3A_181, %and3A_224] : memref<7x32xf32, #tpu.memory_space<vmem>>[vector<16xi32>, vector<16xi32>], vector<16xf32>,
          tpu.vector_store_idx %arg10[%add3A_200, %and3A_224], %gather3A_227 : memref<320x32xf32, #tpu.memory_space<vmem>>[vector<16xi32>, vector<16xi32>], vector<16xf32>,
          %gather3A_228 = tpu.vector_load_idx %arg5[%get3A_185, %and3A_224] : memref<7x32xf32, #tpu.memory_space<vmem>>[vector<16xi32>, vector<16xi32>], vector<16xf32>,
          tpu.vector_store_idx %arg10[%add3A_205, %and3A_224], %gather3A_228 : memref<320x32xf32, #tpu.memory_space<vmem>>[vector<16xi32>, vector<16xi32>], vector<16xf32>,
          %add3A_229 = arith.constant 1 : i32
          %add3A_230 = vector.broadcast %add3A_229 : i32 to vector<16xi32>
          %add3A_231 = arith.addi %and3A_224, %add3A_230 : vector<16xi32>
          %and3A_232 = arith.constant 31 : i32
          %and3A_233 = vector.broadcast %and3A_232 : i32 to vector<16xi32>
          %and3A_234 = arith.andi %add3A_231, %and3A_233 : vector<16xi32>
          %gather3A_235 = tpu.vector_load_idx %arg5[%get3A_173, %and3A_234] : memref<7x32xf32, #tpu.memory_space<vmem>>[vector<16xi32>, vector<16xi32>], vector<16xf32>,
          tpu.vector_store_idx %arg10[%add3A_190, %and3A_234], %gather3A_235 : memref<320x32xf32, #tpu.memory_space<vmem>>[vector<16xi32>, vector<16xi32>], vector<16xf32>,
          %gather3A_236 = tpu.vector_load_idx %arg5[%get3A_177, %and3A_234] : memref<7x32xf32, #tpu.memory_space<vmem>>[vector<16xi32>, vector<16xi32>], vector<16xf32>,
          tpu.vector_store_idx %arg10[%add3A_195, %and3A_234], %gather3A_236 : memref<320x32xf32, #tpu.memory_space<vmem>>[vector<16xi32>, vector<16xi32>], vector<16xf32>,
          %gather3A_237 = tpu.vector_load_idx %arg5[%get3A_181, %and3A_234] : memref<7x32xf32, #tpu.memory_space<vmem>>[vector<16xi32>, vector<16xi32>], vector<16xf32>,
          tpu.vector_store_idx %arg10[%add3A_200, %and3A_234], %gather3A_237 : memref<320x32xf32, #tpu.memory_space<vmem>>[vector<16xi32>, vector<16xi32>], vector<16xf32>,
          %gather3A_238 = tpu.vector_load_idx %arg5[%get3A_185, %and3A_234] : memref<7x32xf32, #tpu.memory_space<vmem>>[vector<16xi32>, vector<16xi32>], vector<16xf32>,
          tpu.vector_store_idx %arg10[%add3A_205, %and3A_234], %gather3A_238 : memref<320x32xf32, #tpu.memory_space<vmem>>[vector<16xi32>, vector<16xi32>], vector<16xf32>,
          %add3A_239 = arith.constant 1 : i32
          %add3A_240 = vector.broadcast %add3A_239 : i32 to vector<16xi32>
          %add3A_241 = arith.addi %and3A_234, %add3A_240 : vector<16xi32>
          %and3A_242 = arith.constant 31 : i32
          %and3A_243 = vector.broadcast %and3A_242 : i32 to vector<16xi32>
          %and3A_244 = arith.andi %add3A_241, %and3A_243 : vector<16xi32>
          %gather3A_245 = tpu.vector_load_idx %arg5[%get3A_173, %and3A_244] : memref<7x32xf32, #tpu.memory_space<vmem>>[vector<16xi32>, vector<16xi32>], vector<16xf32>,
          tpu.vector_store_idx %arg10[%add3A_190, %and3A_244], %gather3A_245 : memref<320x32xf32, #tpu.memory_space<vmem>>[vector<16xi32>, vector<16xi32>], vector<16xf32>,
          %gather3A_246 = tpu.vector_load_idx %arg5[%get3A_177, %and3A_244] : memref<7x32xf32, #tpu.memory_space<vmem>>[vector<16xi32>, vector<16xi32>], vector<16xf32>,
          tpu.vector_store_idx %arg10[%add3A_195, %and3A_244], %gather3A_246 : memref<320x32xf32, #tpu.memory_space<vmem>>[vector<16xi32>, vector<16xi32>], vector<16xf32>,
          %gather3A_247 = tpu.vector_load_idx %arg5[%get3A_181, %and3A_244] : memref<7x32xf32, #tpu.memory_space<vmem>>[vector<16xi32>, vector<16xi32>], vector<16xf32>,
          tpu.vector_store_idx %arg10[%add3A_200, %and3A_244], %gather3A_247 : memref<320x32xf32, #tpu.memory_space<vmem>>[vector<16xi32>, vector<16xi32>], vector<16xf32>,
          %gather3A_248 = tpu.vector_load_idx %arg5[%get3A_185, %and3A_244] : memref<7x32xf32, #tpu.memory_space<vmem>>[vector<16xi32>, vector<16xi32>], vector<16xf32>,
          tpu.vector_store_idx %arg10[%add3A_205, %and3A_244], %gather3A_248 : memref<320x32xf32, #tpu.memory_space<vmem>>[vector<16xi32>, vector<16xi32>], vector<16xf32>,
          %add3A_249 = arith.constant 1 : i32
          %add3A_250 = vector.broadcast %add3A_249 : i32 to vector<16xi32>
          %add3A_251 = arith.addi %and3A_244, %add3A_250 : vector<16xi32>
          %and3A_252 = arith.constant 31 : i32
          %and3A_253 = vector.broadcast %and3A_252 : i32 to vector<16xi32>
          %and3A_254 = arith.andi %add3A_251, %and3A_253 : vector<16xi32>
          %gather3A_255 = tpu.vector_load_idx %arg5[%get3A_173, %and3A_254] : memref<7x32xf32, #tpu.memory_space<vmem>>[vector<16xi32>, vector<16xi32>], vector<16xf32>,
          tpu.vector_store_idx %arg10[%add3A_190, %and3A_254], %gather3A_255 : memref<320x32xf32, #tpu.memory_space<vmem>>[vector<16xi32>, vector<16xi32>], vector<16xf32>,
          %gather3A_256 = tpu.vector_load_idx %arg5[%get3A_177, %and3A_254] : memref<7x32xf32, #tpu.memory_space<vmem>>[vector<16xi32>, vector<16xi32>], vector<16xf32>,
          tpu.vector_store_idx %arg10[%add3A_195, %and3A_254], %gather3A_256 : memref<320x32xf32, #tpu.memory_space<vmem>>[vector<16xi32>, vector<16xi32>], vector<16xf32>,
          %gather3A_257 = tpu.vector_load_idx %arg5[%get3A_181, %and3A_254] : memref<7x32xf32, #tpu.memory_space<vmem>>[vector<16xi32>, vector<16xi32>], vector<16xf32>,
          tpu.vector_store_idx %arg10[%add3A_200, %and3A_254], %gather3A_257 : memref<320x32xf32, #tpu.memory_space<vmem>>[vector<16xi32>, vector<16xi32>], vector<16xf32>,
          %gather3A_258 = tpu.vector_load_idx %arg5[%get3A_185, %and3A_254] : memref<7x32xf32, #tpu.memory_space<vmem>>[vector<16xi32>, vector<16xi32>], vector<16xf32>,
          tpu.vector_store_idx %arg10[%add3A_205, %and3A_254], %gather3A_258 : memref<320x32xf32, #tpu.memory_space<vmem>>[vector<16xi32>, vector<16xi32>], vector<16xf32>,
          %add3A_259 = arith.constant 1 : i32
          %add3A_260 = vector.broadcast %add3A_259 : i32 to vector<16xi32>
          %add3A_261 = arith.addi %and3A_254, %add3A_260 : vector<16xi32>
          %and3A_262 = arith.constant 31 : i32
          %and3A_263 = vector.broadcast %and3A_262 : i32 to vector<16xi32>
          %and3A_264 = arith.andi %add3A_261, %and3A_263 : vector<16xi32>
          %gather3A_265 = tpu.vector_load_idx %arg5[%get3A_173, %and3A_264] : memref<7x32xf32, #tpu.memory_space<vmem>>[vector<16xi32>, vector<16xi32>], vector<16xf32>,
          tpu.vector_store_idx %arg10[%add3A_190, %and3A_264], %gather3A_265 : memref<320x32xf32, #tpu.memory_space<vmem>>[vector<16xi32>, vector<16xi32>], vector<16xf32>,
          %gather3A_266 = tpu.vector_load_idx %arg5[%get3A_177, %and3A_264] : memref<7x32xf32, #tpu.memory_space<vmem>>[vector<16xi32>, vector<16xi32>], vector<16xf32>,
          tpu.vector_store_idx %arg10[%add3A_195, %and3A_264], %gather3A_266 : memref<320x32xf32, #tpu.memory_space<vmem>>[vector<16xi32>, vector<16xi32>], vector<16xf32>,
          %gather3A_267 = tpu.vector_load_idx %arg5[%get3A_181, %and3A_264] : memref<7x32xf32, #tpu.memory_space<vmem>>[vector<16xi32>, vector<16xi32>], vector<16xf32>,
          tpu.vector_store_idx %arg10[%add3A_200, %and3A_264], %gather3A_267 : memref<320x32xf32, #tpu.memory_space<vmem>>[vector<16xi32>, vector<16xi32>], vector<16xf32>,
          %gather3A_268 = tpu.vector_load_idx %arg5[%get3A_185, %and3A_264] : memref<7x32xf32, #tpu.memory_space<vmem>>[vector<16xi32>, vector<16xi32>], vector<16xf32>,
          tpu.vector_store_idx %arg10[%add3A_205, %and3A_264], %gather3A_268 : memref<320x32xf32, #tpu.memory_space<vmem>>[vector<16xi32>, vector<16xi32>], vector<16xf32>,
          %add3A_269 = arith.constant 1 : i32
          %add3A_270 = vector.broadcast %add3A_269 : i32 to vector<16xi32>
          %add3A_271 = arith.addi %and3A_264, %add3A_270 : vector<16xi32>
          %and3A_272 = arith.constant 31 : i32
          %and3A_273 = vector.broadcast %and3A_272 : i32 to vector<16xi32>
          %and3A_274 = arith.andi %add3A_271, %and3A_273 : vector<16xi32>
          %gather3A_275 = tpu.vector_load_idx %arg5[%get3A_173, %and3A_274] : memref<7x32xf32, #tpu.memory_space<vmem>>[vector<16xi32>, vector<16xi32>], vector<16xf32>,
          tpu.vector_store_idx %arg10[%add3A_190, %and3A_274], %gather3A_275 : memref<320x32xf32, #tpu.memory_space<vmem>>[vector<16xi32>, vector<16xi32>], vector<16xf32>,
          %gather3A_276 = tpu.vector_load_idx %arg5[%get3A_177, %and3A_274] : memref<7x32xf32, #tpu.memory_space<vmem>>[vector<16xi32>, vector<16xi32>], vector<16xf32>,
          tpu.vector_store_idx %arg10[%add3A_195, %and3A_274], %gather3A_276 : memref<320x32xf32, #tpu.memory_space<vmem>>[vector<16xi32>, vector<16xi32>], vector<16xf32>,
          %gather3A_277 = tpu.vector_load_idx %arg5[%get3A_181, %and3A_274] : memref<7x32xf32, #tpu.memory_space<vmem>>[vector<16xi32>, vector<16xi32>], vector<16xf32>,
          tpu.vector_store_idx %arg10[%add3A_200, %and3A_274], %gather3A_277 : memref<320x32xf32, #tpu.memory_space<vmem>>[vector<16xi32>, vector<16xi32>], vector<16xf32>,
          %gather3A_278 = tpu.vector_load_idx %arg5[%get3A_185, %and3A_274] : memref<7x32xf32, #tpu.memory_space<vmem>>[vector<16xi32>, vector<16xi32>], vector<16xf32>,
          tpu.vector_store_idx %arg10[%add3A_205, %and3A_274], %gather3A_278 : memref<320x32xf32, #tpu.memory_space<vmem>>[vector<16xi32>, vector<16xi32>], vector<16xf32>,
          %add3A_279 = arith.constant 1 : i32
          %add3A_280 = vector.broadcast %add3A_279 : i32 to vector<16xi32>
          %add3A_281 = arith.addi %and3A_274, %add3A_280 : vector<16xi32>
          %and3A_282 = arith.constant 31 : i32
          %and3A_283 = vector.broadcast %and3A_282 : i32 to vector<16xi32>
          %and3A_284 = arith.andi %add3A_281, %and3A_283 : vector<16xi32>
          %gather3A_285 = tpu.vector_load_idx %arg5[%get3A_173, %and3A_284] : memref<7x32xf32, #tpu.memory_space<vmem>>[vector<16xi32>, vector<16xi32>], vector<16xf32>,
          tpu.vector_store_idx %arg10[%add3A_190, %and3A_284], %gather3A_285 : memref<320x32xf32, #tpu.memory_space<vmem>>[vector<16xi32>, vector<16xi32>], vector<16xf32>,
          %gather3A_286 = tpu.vector_load_idx %arg5[%get3A_177, %and3A_284] : memref<7x32xf32, #tpu.memory_space<vmem>>[vector<16xi32>, vector<16xi32>], vector<16xf32>,
          tpu.vector_store_idx %arg10[%add3A_195, %and3A_284], %gather3A_286 : memref<320x32xf32, #tpu.memory_space<vmem>>[vector<16xi32>, vector<16xi32>], vector<16xf32>,
          %gather3A_287 = tpu.vector_load_idx %arg5[%get3A_181, %and3A_284] : memref<7x32xf32, #tpu.memory_space<vmem>>[vector<16xi32>, vector<16xi32>], vector<16xf32>,
          tpu.vector_store_idx %arg10[%add3A_200, %and3A_284], %gather3A_287 : memref<320x32xf32, #tpu.memory_space<vmem>>[vector<16xi32>, vector<16xi32>], vector<16xf32>,
          %gather3A_288 = tpu.vector_load_idx %arg5[%get3A_185, %and3A_284] : memref<7x32xf32, #tpu.memory_space<vmem>>[vector<16xi32>, vector<16xi32>], vector<16xf32>,
          tpu.vector_store_idx %arg10[%add3A_205, %and3A_284], %gather3A_288 : memref<320x32xf32, #tpu.memory_space<vmem>>[vector<16xi32>, vector<16xi32>], vector<16xf32>,
          %add3A_289 = arith.constant 1 : i32
          %add3A_290 = vector.broadcast %add3A_289 : i32 to vector<16xi32>
          %add3A_291 = arith.addi %and3A_284, %add3A_290 : vector<16xi32>
          %and3A_292 = arith.constant 31 : i32
          %and3A_293 = vector.broadcast %and3A_292 : i32 to vector<16xi32>
          %and3A_294 = arith.andi %add3A_291, %and3A_293 : vector<16xi32>
          %gather3A_295 = tpu.vector_load_idx %arg5[%get3A_173, %and3A_294] : memref<7x32xf32, #tpu.memory_space<vmem>>[vector<16xi32>, vector<16xi32>], vector<16xf32>,
          tpu.vector_store_idx %arg10[%add3A_190, %and3A_294], %gather3A_295 : memref<320x32xf32, #tpu.memory_space<vmem>>[vector<16xi32>, vector<16xi32>], vector<16xf32>,
          %gather3A_296 = tpu.vector_load_idx %arg5[%get3A_177, %and3A_294] : memref<7x32xf32, #tpu.memory_space<vmem>>[vector<16xi32>, vector<16xi32>], vector<16xf32>,
          tpu.vector_store_idx %arg10[%add3A_195, %and3A_294], %gather3A_296 : memref<320x32xf32, #tpu.memory_space<vmem>>[vector<16xi32>, vector<16xi32>], vector<16xf32>,
          %gather3A_297 = tpu.vector_load_idx %arg5[%get3A_181, %and3A_294] : memref<7x32xf32, #tpu.memory_space<vmem>>[vector<16xi32>, vector<16xi32>], vector<16xf32>,
          tpu.vector_store_idx %arg10[%add3A_200, %and3A_294], %gather3A_297 : memref<320x32xf32, #tpu.memory_space<vmem>>[vector<16xi32>, vector<16xi32>], vector<16xf32>,
          %gather3A_298 = tpu.vector_load_idx %arg5[%get3A_185, %and3A_294] : memref<7x32xf32, #tpu.memory_space<vmem>>[vector<16xi32>, vector<16xi32>], vector<16xf32>,
          tpu.vector_store_idx %arg10[%add3A_205, %and3A_294], %gather3A_298 : memref<320x32xf32, #tpu.memory_space<vmem>>[vector<16xi32>, vector<16xi32>], vector<16xf32>,
          %add3A_299 = arith.constant 1 : i32
          %add3A_300 = vector.broadcast %add3A_299 : i32 to vector<16xi32>
          %add3A_301 = arith.addi %and3A_294, %add3A_300 : vector<16xi32>
          %and3A_302 = arith.constant 31 : i32
          %and3A_303 = vector.broadcast %and3A_302 : i32 to vector<16xi32>
          %and3A_304 = arith.andi %add3A_301, %and3A_303 : vector<16xi32>
          %gather3A_305 = tpu.vector_load_idx %arg5[%get3A_173, %and3A_304] : memref<7x32xf32, #tpu.memory_space<vmem>>[vector<16xi32>, vector<16xi32>], vector<16xf32>,
          tpu.vector_store_idx %arg10[%add3A_190, %and3A_304], %gather3A_305 : memref<320x32xf32, #tpu.memory_space<vmem>>[vector<16xi32>, vector<16xi32>], vector<16xf32>,
          %gather3A_306 = tpu.vector_load_idx %arg5[%get3A_177, %and3A_304] : memref<7x32xf32, #tpu.memory_space<vmem>>[vector<16xi32>, vector<16xi32>], vector<16xf32>,
          tpu.vector_store_idx %arg10[%add3A_195, %and3A_304], %gather3A_306 : memref<320x32xf32, #tpu.memory_space<vmem>>[vector<16xi32>, vector<16xi32>], vector<16xf32>,
          %gather3A_307 = tpu.vector_load_idx %arg5[%get3A_181, %and3A_304] : memref<7x32xf32, #tpu.memory_space<vmem>>[vector<16xi32>, vector<16xi32>], vector<16xf32>,
          tpu.vector_store_idx %arg10[%add3A_200, %and3A_304], %gather3A_307 : memref<320x32xf32, #tpu.memory_space<vmem>>[vector<16xi32>, vector<16xi32>], vector<16xf32>,
          %gather3A_308 = tpu.vector_load_idx %arg5[%get3A_185, %and3A_304] : memref<7x32xf32, #tpu.memory_space<vmem>>[vector<16xi32>, vector<16xi32>], vector<16xf32>,
          tpu.vector_store_idx %arg10[%add3A_205, %and3A_304], %gather3A_308 : memref<320x32xf32, #tpu.memory_space<vmem>>[vector<16xi32>, vector<16xi32>], vector<16xf32>,
          %add3A_309 = arith.constant 1 : i32
          %add3A_310 = vector.broadcast %add3A_309 : i32 to vector<16xi32>
          %add3A_311 = arith.addi %and3A_304, %add3A_310 : vector<16xi32>
          %and3A_312 = arith.constant 31 : i32
          %and3A_313 = vector.broadcast %and3A_312 : i32 to vector<16xi32>
          %and3A_314 = arith.andi %add3A_311, %and3A_313 : vector<16xi32>
          %gather3A_315 = tpu.vector_load_idx %arg5[%get3A_173, %and3A_314] : memref<7x32xf32, #tpu.memory_space<vmem>>[vector<16xi32>, vector<16xi32>], vector<16xf32>,
          tpu.vector_store_idx %arg10[%add3A_190, %and3A_314], %gather3A_315 : memref<320x32xf32, #tpu.memory_space<vmem>>[vector<16xi32>, vector<16xi32>], vector<16xf32>,
          %gather3A_316 = tpu.vector_load_idx %arg5[%get3A_177, %and3A_314] : memref<7x32xf32, #tpu.memory_space<vmem>>[vector<16xi32>, vector<16xi32>], vector<16xf32>,
          tpu.vector_store_idx %arg10[%add3A_195, %and3A_314], %gather3A_316 : memref<320x32xf32, #tpu.memory_space<vmem>>[vector<16xi32>, vector<16xi32>], vector<16xf32>,
          %gather3A_317 = tpu.vector_load_idx %arg5[%get3A_181, %and3A_314] : memref<7x32xf32, #tpu.memory_space<vmem>>[vector<16xi32>, vector<16xi32>], vector<16xf32>,
          tpu.vector_store_idx %arg10[%add3A_200, %and3A_314], %gather3A_317 : memref<320x32xf32, #tpu.memory_space<vmem>>[vector<16xi32>, vector<16xi32>], vector<16xf32>,
          %gather3A_318 = tpu.vector_load_idx %arg5[%get3A_185, %and3A_314] : memref<7x32xf32, #tpu.memory_space<vmem>>[vector<16xi32>, vector<16xi32>], vector<16xf32>,
          tpu.vector_store_idx %arg10[%add3A_205, %and3A_314], %gather3A_318 : memref<320x32xf32, #tpu.memory_space<vmem>>[vector<16xi32>, vector<16xi32>], vector<16xf32>,
          %add3A_319 = arith.constant 1 : i32
          %add3A_320 = vector.broadcast %add3A_319 : i32 to vector<16xi32>
          %add3A_321 = arith.addi %and3A_314, %add3A_320 : vector<16xi32>
          %and3A_322 = arith.constant 31 : i32
          %and3A_323 = vector.broadcast %and3A_322 : i32 to vector<16xi32>
          %and3A_324 = arith.andi %add3A_321, %and3A_323 : vector<16xi32>
          %gather3A_325 = tpu.vector_load_idx %arg5[%get3A_173, %and3A_324] : memref<7x32xf32, #tpu.memory_space<vmem>>[vector<16xi32>, vector<16xi32>], vector<16xf32>,
          tpu.vector_store_idx %arg10[%add3A_190, %and3A_324], %gather3A_325 : memref<320x32xf32, #tpu.memory_space<vmem>>[vector<16xi32>, vector<16xi32>], vector<16xf32>,
          %gather3A_326 = tpu.vector_load_idx %arg5[%get3A_177, %and3A_324] : memref<7x32xf32, #tpu.memory_space<vmem>>[vector<16xi32>, vector<16xi32>], vector<16xf32>,
          tpu.vector_store_idx %arg10[%add3A_195, %and3A_324], %gather3A_326 : memref<320x32xf32, #tpu.memory_space<vmem>>[vector<16xi32>, vector<16xi32>], vector<16xf32>,
          %gather3A_327 = tpu.vector_load_idx %arg5[%get3A_181, %and3A_324] : memref<7x32xf32, #tpu.memory_space<vmem>>[vector<16xi32>, vector<16xi32>], vector<16xf32>,
          tpu.vector_store_idx %arg10[%add3A_200, %and3A_324], %gather3A_327 : memref<320x32xf32, #tpu.memory_space<vmem>>[vector<16xi32>, vector<16xi32>], vector<16xf32>,
          %gather3A_328 = tpu.vector_load_idx %arg5[%get3A_185, %and3A_324] : memref<7x32xf32, #tpu.memory_space<vmem>>[vector<16xi32>, vector<16xi32>], vector<16xf32>,
          tpu.vector_store_idx %arg10[%add3A_205, %and3A_324], %gather3A_328 : memref<320x32xf32, #tpu.memory_space<vmem>>[vector<16xi32>, vector<16xi32>], vector<16xf32>,
          %add3A_329 = arith.constant 1 : i32
          %add3A_330 = vector.broadcast %add3A_329 : i32 to vector<16xi32>
          %add3A_331 = arith.addi %and3A_324, %add3A_330 : vector<16xi32>
          %and3A_332 = arith.constant 31 : i32
          %and3A_333 = vector.broadcast %and3A_332 : i32 to vector<16xi32>
          %and3A_334 = arith.andi %add3A_331, %and3A_333 : vector<16xi32>
          %gather3A_335 = tpu.vector_load_idx %arg5[%get3A_173, %and3A_334] : memref<7x32xf32, #tpu.memory_space<vmem>>[vector<16xi32>, vector<16xi32>], vector<16xf32>,
          tpu.vector_store_idx %arg10[%add3A_190, %and3A_334], %gather3A_335 : memref<320x32xf32, #tpu.memory_space<vmem>>[vector<16xi32>, vector<16xi32>], vector<16xf32>,
          %gather3A_336 = tpu.vector_load_idx %arg5[%get3A_177, %and3A_334] : memref<7x32xf32, #tpu.memory_space<vmem>>[vector<16xi32>, vector<16xi32>], vector<16xf32>,
          tpu.vector_store_idx %arg10[%add3A_195, %and3A_334], %gather3A_336 : memref<320x32xf32, #tpu.memory_space<vmem>>[vector<16xi32>, vector<16xi32>], vector<16xf32>,
          %gather3A_337 = tpu.vector_load_idx %arg5[%get3A_181, %and3A_334] : memref<7x32xf32, #tpu.memory_space<vmem>>[vector<16xi32>, vector<16xi32>], vector<16xf32>,
          tpu.vector_store_idx %arg10[%add3A_200, %and3A_334], %gather3A_337 : memref<320x32xf32, #tpu.memory_space<vmem>>[vector<16xi32>, vector<16xi32>], vector<16xf32>,
          %gather3A_338 = tpu.vector_load_idx %arg5[%get3A_185, %and3A_334] : memref<7x32xf32, #tpu.memory_space<vmem>>[vector<16xi32>, vector<16xi32>], vector<16xf32>,
          tpu.vector_store_idx %arg10[%add3A_205, %and3A_334], %gather3A_338 : memref<320x32xf32, #tpu.memory_space<vmem>>[vector<16xi32>, vector<16xi32>], vector<16xf32>,
          %add3A_339 = arith.constant 1 : i32
          %add3A_340 = vector.broadcast %add3A_339 : i32 to vector<16xi32>
          %add3A_341 = arith.addi %and3A_334, %add3A_340 : vector<16xi32>
          %and3A_342 = arith.constant 31 : i32
          %and3A_343 = vector.broadcast %and3A_342 : i32 to vector<16xi32>
          %and3A_344 = arith.andi %add3A_341, %and3A_343 : vector<16xi32>
          %gather3A_345 = tpu.vector_load_idx %arg5[%get3A_173, %and3A_344] : memref<7x32xf32, #tpu.memory_space<vmem>>[vector<16xi32>, vector<16xi32>], vector<16xf32>,
          tpu.vector_store_idx %arg10[%add3A_190, %and3A_344], %gather3A_345 : memref<320x32xf32, #tpu.memory_space<vmem>>[vector<16xi32>, vector<16xi32>], vector<16xf32>,
          %gather3A_346 = tpu.vector_load_idx %arg5[%get3A_177, %and3A_344] : memref<7x32xf32, #tpu.memory_space<vmem>>[vector<16xi32>, vector<16xi32>], vector<16xf32>,
          tpu.vector_store_idx %arg10[%add3A_195, %and3A_344], %gather3A_346 : memref<320x32xf32, #tpu.memory_space<vmem>>[vector<16xi32>, vector<16xi32>], vector<16xf32>,
          %gather3A_347 = tpu.vector_load_idx %arg5[%get3A_181, %and3A_344] : memref<7x32xf32, #tpu.memory_space<vmem>>[vector<16xi32>, vector<16xi32>], vector<16xf32>,
          tpu.vector_store_idx %arg10[%add3A_200, %and3A_344], %gather3A_347 : memref<320x32xf32, #tpu.memory_space<vmem>>[vector<16xi32>, vector<16xi32>], vector<16xf32>,
          %gather3A_348 = tpu.vector_load_idx %arg5[%get3A_185, %and3A_344] : memref<7x32xf32, #tpu.memory_space<vmem>>[vector<16xi32>, vector<16xi32>], vector<16xf32>,
          tpu.vector_store_idx %arg10[%add3A_205, %and3A_344], %gather3A_348 : memref<320x32xf32, #tpu.memory_space<vmem>>[vector<16xi32>, vector<16xi32>], vector<16xf32>,
          %add3A_349 = arith.constant 1 : i32
          %add3A_350 = vector.broadcast %add3A_349 : i32 to vector<16xi32>
          %add3A_351 = arith.addi %and3A_344, %add3A_350 : vector<16xi32>
          %and3A_352 = arith.constant 31 : i32
          %and3A_353 = vector.broadcast %and3A_352 : i32 to vector<16xi32>
          %and3A_354 = arith.andi %add3A_351, %and3A_353 : vector<16xi32>
          %gather3A_355 = tpu.vector_load_idx %arg5[%get3A_173, %and3A_354] : memref<7x32xf32, #tpu.memory_space<vmem>>[vector<16xi32>, vector<16xi32>], vector<16xf32>,
          tpu.vector_store_idx %arg10[%add3A_190, %and3A_354], %gather3A_355 : memref<320x32xf32, #tpu.memory_space<vmem>>[vector<16xi32>, vector<16xi32>], vector<16xf32>,
          %gather3A_356 = tpu.vector_load_idx %arg5[%get3A_177, %and3A_354] : memref<7x32xf32, #tpu.memory_space<vmem>>[vector<16xi32>, vector<16xi32>], vector<16xf32>,
          tpu.vector_store_idx %arg10[%add3A_195, %and3A_354], %gather3A_356 : memref<320x32xf32, #tpu.memory_space<vmem>>[vector<16xi32>, vector<16xi32>], vector<16xf32>,
          %gather3A_357 = tpu.vector_load_idx %arg5[%get3A_181, %and3A_354] : memref<7x32xf32, #tpu.memory_space<vmem>>[vector<16xi32>, vector<16xi32>], vector<16xf32>,
          tpu.vector_store_idx %arg10[%add3A_200, %and3A_354], %gather3A_357 : memref<320x32xf32, #tpu.memory_space<vmem>>[vector<16xi32>, vector<16xi32>], vector<16xf32>,
          %gather3A_358 = tpu.vector_load_idx %arg5[%get3A_185, %and3A_354] : memref<7x32xf32, #tpu.memory_space<vmem>>[vector<16xi32>, vector<16xi32>], vector<16xf32>,
          tpu.vector_store_idx %arg10[%add3A_205, %and3A_354], %gather3A_358 : memref<320x32xf32, #tpu.memory_space<vmem>>[vector<16xi32>, vector<16xi32>], vector<16xf32>,
          %add3A_359 = arith.constant 1 : i32
          %add3A_360 = vector.broadcast %add3A_359 : i32 to vector<16xi32>
          %add3A_361 = arith.addi %and3A_354, %add3A_360 : vector<16xi32>
          %and3A_362 = arith.constant 31 : i32
          %and3A_363 = vector.broadcast %and3A_362 : i32 to vector<16xi32>
          %and3A_364 = arith.andi %add3A_361, %and3A_363 : vector<16xi32>
          %gather3A_365 = tpu.vector_load_idx %arg5[%get3A_173, %and3A_364] : memref<7x32xf32, #tpu.memory_space<vmem>>[vector<16xi32>, vector<16xi32>], vector<16xf32>,
          tpu.vector_store_idx %arg10[%add3A_190, %and3A_364], %gather3A_365 : memref<320x32xf32, #tpu.memory_space<vmem>>[vector<16xi32>, vector<16xi32>], vector<16xf32>,
          %gather3A_366 = tpu.vector_load_idx %arg5[%get3A_177, %and3A_364] : memref<7x32xf32, #tpu.memory_space<vmem>>[vector<16xi32>, vector<16xi32>], vector<16xf32>,
          tpu.vector_store_idx %arg10[%add3A_195, %and3A_364], %gather3A_366 : memref<320x32xf32, #tpu.memory_space<vmem>>[vector<16xi32>, vector<16xi32>], vector<16xf32>,
          %gather3A_367 = tpu.vector_load_idx %arg5[%get3A_181, %and3A_364] : memref<7x32xf32, #tpu.memory_space<vmem>>[vector<16xi32>, vector<16xi32>], vector<16xf32>,
          tpu.vector_store_idx %arg10[%add3A_200, %and3A_364], %gather3A_367 : memref<320x32xf32, #tpu.memory_space<vmem>>[vector<16xi32>, vector<16xi32>], vector<16xf32>,
          %gather3A_368 = tpu.vector_load_idx %arg5[%get3A_185, %and3A_364] : memref<7x32xf32, #tpu.memory_space<vmem>>[vector<16xi32>, vector<16xi32>], vector<16xf32>,
          tpu.vector_store_idx %arg10[%add3A_205, %and3A_364], %gather3A_368 : memref<320x32xf32, #tpu.memory_space<vmem>>[vector<16xi32>, vector<16xi32>], vector<16xf32>,
          %add3A_369 = arith.constant 1 : i32
          %add3A_370 = vector.broadcast %add3A_369 : i32 to vector<16xi32>
          %add3A_371 = arith.addi %and3A_364, %add3A_370 : vector<16xi32>
          %and3A_372 = arith.constant 31 : i32
          %and3A_373 = vector.broadcast %and3A_372 : i32 to vector<16xi32>
          %and3A_374 = arith.andi %add3A_371, %and3A_373 : vector<16xi32>
          %gather3A_375 = tpu.vector_load_idx %arg5[%get3A_173, %and3A_374] : memref<7x32xf32, #tpu.memory_space<vmem>>[vector<16xi32>, vector<16xi32>], vector<16xf32>,
          tpu.vector_store_idx %arg10[%add3A_190, %and3A_374], %gather3A_375 : memref<320x32xf32, #tpu.memory_space<vmem>>[vector<16xi32>, vector<16xi32>], vector<16xf32>,
          %gather3A_376 = tpu.vector_load_idx %arg5[%get3A_177, %and3A_374] : memref<7x32xf32, #tpu.memory_space<vmem>>[vector<16xi32>, vector<16xi32>], vector<16xf32>,
          tpu.vector_store_idx %arg10[%add3A_195, %and3A_374], %gather3A_376 : memref<320x32xf32, #tpu.memory_space<vmem>>[vector<16xi32>, vector<16xi32>], vector<16xf32>,
          %gather3A_377 = tpu.vector_load_idx %arg5[%get3A_181, %and3A_374] : memref<7x32xf32, #tpu.memory_space<vmem>>[vector<16xi32>, vector<16xi32>], vector<16xf32>,
          tpu.vector_store_idx %arg10[%add3A_200, %and3A_374], %gather3A_377 : memref<320x32xf32, #tpu.memory_space<vmem>>[vector<16xi32>, vector<16xi32>], vector<16xf32>,
          %gather3A_378 = tpu.vector_load_idx %arg5[%get3A_185, %and3A_374] : memref<7x32xf32, #tpu.memory_space<vmem>>[vector<16xi32>, vector<16xi32>], vector<16xf32>,
          tpu.vector_store_idx %arg10[%add3A_205, %and3A_374], %gather3A_378 : memref<320x32xf32, #tpu.memory_space<vmem>>[vector<16xi32>, vector<16xi32>], vector<16xf32>,
          %add3A_379 = arith.constant 1 : i32
          %add3A_380 = vector.broadcast %add3A_379 : i32 to vector<16xi32>
          %add3A_381 = arith.addi %and3A_374, %add3A_380 : vector<16xi32>
          %and3A_382 = arith.constant 31 : i32
          %and3A_383 = vector.broadcast %and3A_382 : i32 to vector<16xi32>
          %and3A_384 = arith.andi %add3A_381, %and3A_383 : vector<16xi32>
          %gather3A_385 = tpu.vector_load_idx %arg5[%get3A_173, %and3A_384] : memref<7x32xf32, #tpu.memory_space<vmem>>[vector<16xi32>, vector<16xi32>], vector<16xf32>,
          tpu.vector_store_idx %arg10[%add3A_190, %and3A_384], %gather3A_385 : memref<320x32xf32, #tpu.memory_space<vmem>>[vector<16xi32>, vector<16xi32>], vector<16xf32>,
          %gather3A_386 = tpu.vector_load_idx %arg5[%get3A_177, %and3A_384] : memref<7x32xf32, #tpu.memory_space<vmem>>[vector<16xi32>, vector<16xi32>], vector<16xf32>,
          tpu.vector_store_idx %arg10[%add3A_195, %and3A_384], %gather3A_386 : memref<320x32xf32, #tpu.memory_space<vmem>>[vector<16xi32>, vector<16xi32>], vector<16xf32>,
          %gather3A_387 = tpu.vector_load_idx %arg5[%get3A_181, %and3A_384] : memref<7x32xf32, #tpu.memory_space<vmem>>[vector<16xi32>, vector<16xi32>], vector<16xf32>,
          tpu.vector_store_idx %arg10[%add3A_200, %and3A_384], %gather3A_387 : memref<320x32xf32, #tpu.memory_space<vmem>>[vector<16xi32>, vector<16xi32>], vector<16xf32>,
          %gather3A_388 = tpu.vector_load_idx %arg5[%get3A_185, %and3A_384] : memref<7x32xf32, #tpu.memory_space<vmem>>[vector<16xi32>, vector<16xi32>], vector<16xf32>,
          tpu.vector_store_idx %arg10[%add3A_205, %and3A_384], %gather3A_388 : memref<320x32xf32, #tpu.memory_space<vmem>>[vector<16xi32>, vector<16xi32>], vector<16xf32>,
          %add3A_389 = arith.constant 1 : i32
          %add3A_390 = vector.broadcast %add3A_389 : i32 to vector<16xi32>
          %add3A_391 = arith.addi %and3A_384, %add3A_390 : vector<16xi32>
          %and3A_392 = arith.constant 31 : i32
          %and3A_393 = vector.broadcast %and3A_392 : i32 to vector<16xi32>
          %and3A_394 = arith.andi %add3A_391, %and3A_393 : vector<16xi32>
          %gather3A_395 = tpu.vector_load_idx %arg5[%get3A_173, %and3A_394] : memref<7x32xf32, #tpu.memory_space<vmem>>[vector<16xi32>, vector<16xi32>], vector<16xf32>,
          tpu.vector_store_idx %arg10[%add3A_190, %and3A_394], %gather3A_395 : memref<320x32xf32, #tpu.memory_space<vmem>>[vector<16xi32>, vector<16xi32>], vector<16xf32>,
          %gather3A_396 = tpu.vector_load_idx %arg5[%get3A_177, %and3A_394] : memref<7x32xf32, #tpu.memory_space<vmem>>[vector<16xi32>, vector<16xi32>], vector<16xf32>,
          tpu.vector_store_idx %arg10[%add3A_195, %and3A_394], %gather3A_396 : memref<320x32xf32, #tpu.memory_space<vmem>>[vector<16xi32>, vector<16xi32>], vector<16xf32>,
          %gather3A_397 = tpu.vector_load_idx %arg5[%get3A_181, %and3A_394] : memref<7x32xf32, #tpu.memory_space<vmem>>[vector<16xi32>, vector<16xi32>], vector<16xf32>,
          tpu.vector_store_idx %arg10[%add3A_200, %and3A_394], %gather3A_397 : memref<320x32xf32, #tpu.memory_space<vmem>>[vector<16xi32>, vector<16xi32>], vector<16xf32>,
          %gather3A_398 = tpu.vector_load_idx %arg5[%get3A_185, %and3A_394] : memref<7x32xf32, #tpu.memory_space<vmem>>[vector<16xi32>, vector<16xi32>], vector<16xf32>,
          tpu.vector_store_idx %arg10[%add3A_205, %and3A_394], %gather3A_398 : memref<320x32xf32, #tpu.memory_space<vmem>>[vector<16xi32>, vector<16xi32>], vector<16xf32>,
          %add3A_399 = arith.constant 1 : i32
          %add3A_400 = vector.broadcast %add3A_399 : i32 to vector<16xi32>
          %add3A_401 = arith.addi %and3A_394, %add3A_400 : vector<16xi32>
          %and3A_402 = arith.constant 31 : i32
          %and3A_403 = vector.broadcast %and3A_402 : i32 to vector<16xi32>
          %and3A_404 = arith.andi %add3A_401, %and3A_403 : vector<16xi32>
          %gather3A_405 = tpu.vector_load_idx %arg5[%get3A_173, %and3A_404] : memref<7x32xf32, #tpu.memory_space<vmem>>[vector<16xi32>, vector<16xi32>], vector<16xf32>,
          tpu.vector_store_idx %arg10[%add3A_190, %and3A_404], %gather3A_405 : memref<320x32xf32, #tpu.memory_space<vmem>>[vector<16xi32>, vector<16xi32>], vector<16xf32>,
          %gather3A_406 = tpu.vector_load_idx %arg5[%get3A_177, %and3A_404] : memref<7x32xf32, #tpu.memory_space<vmem>>[vector<16xi32>, vector<16xi32>], vector<16xf32>,
          tpu.vector_store_idx %arg10[%add3A_195, %and3A_404], %gather3A_406 : memref<320x32xf32, #tpu.memory_space<vmem>>[vector<16xi32>, vector<16xi32>], vector<16xf32>,
          %gather3A_407 = tpu.vector_load_idx %arg5[%get3A_181, %and3A_404] : memref<7x32xf32, #tpu.memory_space<vmem>>[vector<16xi32>, vector<16xi32>], vector<16xf32>,
          tpu.vector_store_idx %arg10[%add3A_200, %and3A_404], %gather3A_407 : memref<320x32xf32, #tpu.memory_space<vmem>>[vector<16xi32>, vector<16xi32>], vector<16xf32>,
          %gather3A_408 = tpu.vector_load_idx %arg5[%get3A_185, %and3A_404] : memref<7x32xf32, #tpu.memory_space<vmem>>[vector<16xi32>, vector<16xi32>], vector<16xf32>,
          tpu.vector_store_idx %arg10[%add3A_205, %and3A_404], %gather3A_408 : memref<320x32xf32, #tpu.memory_space<vmem>>[vector<16xi32>, vector<16xi32>], vector<16xf32>,
          %add3A_409 = arith.constant 1 : i32
          %add3A_410 = vector.broadcast %add3A_409 : i32 to vector<16xi32>
          %add3A_411 = arith.addi %and3A_404, %add3A_410 : vector<16xi32>
          %and3A_412 = arith.constant 31 : i32
          %and3A_413 = vector.broadcast %and3A_412 : i32 to vector<16xi32>
          %and3A_414 = arith.andi %add3A_411, %and3A_413 : vector<16xi32>
          %gather3A_415 = tpu.vector_load_idx %arg5[%get3A_173, %and3A_414] : memref<7x32xf32, #tpu.memory_space<vmem>>[vector<16xi32>, vector<16xi32>], vector<16xf32>,
          tpu.vector_store_idx %arg10[%add3A_190, %and3A_414], %gather3A_415 : memref<320x32xf32, #tpu.memory_space<vmem>>[vector<16xi32>, vector<16xi32>], vector<16xf32>,
          %gather3A_416 = tpu.vector_load_idx %arg5[%get3A_177, %and3A_414] : memref<7x32xf32, #tpu.memory_space<vmem>>[vector<16xi32>, vector<16xi32>], vector<16xf32>,
          tpu.vector_store_idx %arg10[%add3A_195, %and3A_414], %gather3A_416 : memref<320x32xf32, #tpu.memory_space<vmem>>[vector<16xi32>, vector<16xi32>], vector<16xf32>,
          %gather3A_417 = tpu.vector_load_idx %arg5[%get3A_181, %and3A_414] : memref<7x32xf32, #tpu.memory_space<vmem>>[vector<16xi32>, vector<16xi32>], vector<16xf32>,
          tpu.vector_store_idx %arg10[%add3A_200, %and3A_414], %gather3A_417 : memref<320x32xf32, #tpu.memory_space<vmem>>[vector<16xi32>, vector<16xi32>], vector<16xf32>,
          %gather3A_418 = tpu.vector_load_idx %arg5[%get3A_185, %and3A_414] : memref<7x32xf32, #tpu.memory_space<vmem>>[vector<16xi32>, vector<16xi32>], vector<16xf32>,
          tpu.vector_store_idx %arg10[%add3A_205, %and3A_414], %gather3A_418 : memref<320x32xf32, #tpu.memory_space<vmem>>[vector<16xi32>, vector<16xi32>], vector<16xf32>,
          %add3A_419 = arith.constant 1 : i32
          %add3A_420 = vector.broadcast %add3A_419 : i32 to vector<16xi32>
          %add3A_421 = arith.addi %and3A_414, %add3A_420 : vector<16xi32>
          %and3A_422 = arith.constant 31 : i32
          %and3A_423 = vector.broadcast %and3A_422 : i32 to vector<16xi32>
          %and3A_424 = arith.andi %add3A_421, %and3A_423 : vector<16xi32>
          %gather3A_425 = tpu.vector_load_idx %arg5[%get3A_173, %and3A_424] : memref<7x32xf32, #tpu.memory_space<vmem>>[vector<16xi32>, vector<16xi32>], vector<16xf32>,
          tpu.vector_store_idx %arg10[%add3A_190, %and3A_424], %gather3A_425 : memref<320x32xf32, #tpu.memory_space<vmem>>[vector<16xi32>, vector<16xi32>], vector<16xf32>,
          %gather3A_426 = tpu.vector_load_idx %arg5[%get3A_177, %and3A_424] : memref<7x32xf32, #tpu.memory_space<vmem>>[vector<16xi32>, vector<16xi32>], vector<16xf32>,
          tpu.vector_store_idx %arg10[%add3A_195, %and3A_424], %gather3A_426 : memref<320x32xf32, #tpu.memory_space<vmem>>[vector<16xi32>, vector<16xi32>], vector<16xf32>,
          %gather3A_427 = tpu.vector_load_idx %arg5[%get3A_181, %and3A_424] : memref<7x32xf32, #tpu.memory_space<vmem>>[vector<16xi32>, vector<16xi32>], vector<16xf32>,
          tpu.vector_store_idx %arg10[%add3A_200, %and3A_424], %gather3A_427 : memref<320x32xf32, #tpu.memory_space<vmem>>[vector<16xi32>, vector<16xi32>], vector<16xf32>,
          %gather3A_428 = tpu.vector_load_idx %arg5[%get3A_185, %and3A_424] : memref<7x32xf32, #tpu.memory_space<vmem>>[vector<16xi32>, vector<16xi32>], vector<16xf32>,
          tpu.vector_store_idx %arg10[%add3A_205, %and3A_424], %gather3A_428 : memref<320x32xf32, #tpu.memory_space<vmem>>[vector<16xi32>, vector<16xi32>], vector<16xf32>,
          %add3A_429 = arith.constant 1 : i32
          %add3A_430 = vector.broadcast %add3A_429 : i32 to vector<16xi32>
          %add3A_431 = arith.addi %and3A_424, %add3A_430 : vector<16xi32>
          %and3A_432 = arith.constant 31 : i32
          %and3A_433 = vector.broadcast %and3A_432 : i32 to vector<16xi32>
          %and3A_434 = arith.andi %add3A_431, %and3A_433 : vector<16xi32>
          %gather3A_435 = tpu.vector_load_idx %arg5[%get3A_173, %and3A_434] : memref<7x32xf32, #tpu.memory_space<vmem>>[vector<16xi32>, vector<16xi32>], vector<16xf32>,
          tpu.vector_store_idx %arg10[%add3A_190, %and3A_434], %gather3A_435 : memref<320x32xf32, #tpu.memory_space<vmem>>[vector<16xi32>, vector<16xi32>], vector<16xf32>,
          %gather3A_436 = tpu.vector_load_idx %arg5[%get3A_177, %and3A_434] : memref<7x32xf32, #tpu.memory_space<vmem>>[vector<16xi32>, vector<16xi32>], vector<16xf32>,
          tpu.vector_store_idx %arg10[%add3A_195, %and3A_434], %gather3A_436 : memref<320x32xf32, #tpu.memory_space<vmem>>[vector<16xi32>, vector<16xi32>], vector<16xf32>,
          %gather3A_437 = tpu.vector_load_idx %arg5[%get3A_181, %and3A_434] : memref<7x32xf32, #tpu.memory_space<vmem>>[vector<16xi32>, vector<16xi32>], vector<16xf32>,
          tpu.vector_store_idx %arg10[%add3A_200, %and3A_434], %gather3A_437 : memref<320x32xf32, #tpu.memory_space<vmem>>[vector<16xi32>, vector<16xi32>], vector<16xf32>,
          %gather3A_438 = tpu.vector_load_idx %arg5[%get3A_185, %and3A_434] : memref<7x32xf32, #tpu.memory_space<vmem>>[vector<16xi32>, vector<16xi32>], vector<16xf32>,
          tpu.vector_store_idx %arg10[%add3A_205, %and3A_434], %gather3A_438 : memref<320x32xf32, #tpu.memory_space<vmem>>[vector<16xi32>, vector<16xi32>], vector<16xf32>,
          %add3A_439 = arith.constant 1 : i32
          %add3A_440 = vector.broadcast %add3A_439 : i32 to vector<16xi32>
          %add3A_441 = arith.addi %and3A_434, %add3A_440 : vector<16xi32>
          %and3A_442 = arith.constant 31 : i32
          %and3A_443 = vector.broadcast %and3A_442 : i32 to vector<16xi32>
          %and3A_444 = arith.andi %add3A_441, %and3A_443 : vector<16xi32>
          %gather3A_445 = tpu.vector_load_idx %arg5[%get3A_173, %and3A_444] : memref<7x32xf32, #tpu.memory_space<vmem>>[vector<16xi32>, vector<16xi32>], vector<16xf32>,
          tpu.vector_store_idx %arg10[%add3A_190, %and3A_444], %gather3A_445 : memref<320x32xf32, #tpu.memory_space<vmem>>[vector<16xi32>, vector<16xi32>], vector<16xf32>,
          %gather3A_446 = tpu.vector_load_idx %arg5[%get3A_177, %and3A_444] : memref<7x32xf32, #tpu.memory_space<vmem>>[vector<16xi32>, vector<16xi32>], vector<16xf32>,
          tpu.vector_store_idx %arg10[%add3A_195, %and3A_444], %gather3A_446 : memref<320x32xf32, #tpu.memory_space<vmem>>[vector<16xi32>, vector<16xi32>], vector<16xf32>,
          %gather3A_447 = tpu.vector_load_idx %arg5[%get3A_181, %and3A_444] : memref<7x32xf32, #tpu.memory_space<vmem>>[vector<16xi32>, vector<16xi32>], vector<16xf32>,
          tpu.vector_store_idx %arg10[%add3A_200, %and3A_444], %gather3A_447 : memref<320x32xf32, #tpu.memory_space<vmem>>[vector<16xi32>, vector<16xi32>], vector<16xf32>,
          %gather3A_448 = tpu.vector_load_idx %arg5[%get3A_185, %and3A_444] : memref<7x32xf32, #tpu.memory_space<vmem>>[vector<16xi32>, vector<16xi32>], vector<16xf32>,
          tpu.vector_store_idx %arg10[%add3A_205, %and3A_444], %gather3A_448 : memref<320x32xf32, #tpu.memory_space<vmem>>[vector<16xi32>, vector<16xi32>], vector<16xf32>,
          %add3A_449 = arith.constant 1 : i32
          %add3A_450 = vector.broadcast %add3A_449 : i32 to vector<16xi32>
          %add3A_451 = arith.addi %and3A_444, %add3A_450 : vector<16xi32>
          %and3A_452 = arith.constant 31 : i32
          %and3A_453 = vector.broadcast %and3A_452 : i32 to vector<16xi32>
          %and3A_454 = arith.andi %add3A_451, %and3A_453 : vector<16xi32>
          %gather3A_455 = tpu.vector_load_idx %arg5[%get3A_173, %and3A_454] : memref<7x32xf32, #tpu.memory_space<vmem>>[vector<16xi32>, vector<16xi32>], vector<16xf32>,
          tpu.vector_store_idx %arg10[%add3A_190, %and3A_454], %gather3A_455 : memref<320x32xf32, #tpu.memory_space<vmem>>[vector<16xi32>, vector<16xi32>], vector<16xf32>,
          %gather3A_456 = tpu.vector_load_idx %arg5[%get3A_177, %and3A_454] : memref<7x32xf32, #tpu.memory_space<vmem>>[vector<16xi32>, vector<16xi32>], vector<16xf32>,
          tpu.vector_store_idx %arg10[%add3A_195, %and3A_454], %gather3A_456 : memref<320x32xf32, #tpu.memory_space<vmem>>[vector<16xi32>, vector<16xi32>], vector<16xf32>,
          %gather3A_457 = tpu.vector_load_idx %arg5[%get3A_181, %and3A_454] : memref<7x32xf32, #tpu.memory_space<vmem>>[vector<16xi32>, vector<16xi32>], vector<16xf32>,
          tpu.vector_store_idx %arg10[%add3A_200, %and3A_454], %gather3A_457 : memref<320x32xf32, #tpu.memory_space<vmem>>[vector<16xi32>, vector<16xi32>], vector<16xf32>,
          %gather3A_458 = tpu.vector_load_idx %arg5[%get3A_185, %and3A_454] : memref<7x32xf32, #tpu.memory_space<vmem>>[vector<16xi32>, vector<16xi32>], vector<16xf32>,
          tpu.vector_store_idx %arg10[%add3A_205, %and3A_454], %gather3A_458 : memref<320x32xf32, #tpu.memory_space<vmem>>[vector<16xi32>, vector<16xi32>], vector<16xf32>,
          %add3A_459 = arith.constant 1 : i32
          %add3A_460 = vector.broadcast %add3A_459 : i32 to vector<16xi32>
          %add3A_461 = arith.addi %and3A_454, %add3A_460 : vector<16xi32>
          %and3A_462 = arith.constant 31 : i32
          %and3A_463 = vector.broadcast %and3A_462 : i32 to vector<16xi32>
          %and3A_464 = arith.andi %add3A_461, %and3A_463 : vector<16xi32>
          %gather3A_465 = tpu.vector_load_idx %arg5[%get3A_173, %and3A_464] : memref<7x32xf32, #tpu.memory_space<vmem>>[vector<16xi32>, vector<16xi32>], vector<16xf32>,
          tpu.vector_store_idx %arg10[%add3A_190, %and3A_464], %gather3A_465 : memref<320x32xf32, #tpu.memory_space<vmem>>[vector<16xi32>, vector<16xi32>], vector<16xf32>,
          %gather3A_466 = tpu.vector_load_idx %arg5[%get3A_177, %and3A_464] : memref<7x32xf32, #tpu.memory_space<vmem>>[vector<16xi32>, vector<16xi32>], vector<16xf32>,
          tpu.vector_store_idx %arg10[%add3A_195, %and3A_464], %gather3A_466 : memref<320x32xf32, #tpu.memory_space<vmem>>[vector<16xi32>, vector<16xi32>], vector<16xf32>,
          %gather3A_467 = tpu.vector_load_idx %arg5[%get3A_181, %and3A_464] : memref<7x32xf32, #tpu.memory_space<vmem>>[vector<16xi32>, vector<16xi32>], vector<16xf32>,
          tpu.vector_store_idx %arg10[%add3A_200, %and3A_464], %gather3A_467 : memref<320x32xf32, #tpu.memory_space<vmem>>[vector<16xi32>, vector<16xi32>], vector<16xf32>,
          %gather3A_468 = tpu.vector_load_idx %arg5[%get3A_185, %and3A_464] : memref<7x32xf32, #tpu.memory_space<vmem>>[vector<16xi32>, vector<16xi32>], vector<16xf32>,
          tpu.vector_store_idx %arg10[%add3A_205, %and3A_464], %gather3A_468 : memref<320x32xf32, #tpu.memory_space<vmem>>[vector<16xi32>, vector<16xi32>], vector<16xf32>,
          %add3A_469 = arith.constant 1 : i32
          %add3A_470 = vector.broadcast %add3A_469 : i32 to vector<16xi32>
          %add3A_471 = arith.addi %and3A_464, %add3A_470 : vector<16xi32>
          %and3A_472 = arith.constant 31 : i32
          %and3A_473 = vector.broadcast %and3A_472 : i32 to vector<16xi32>
          %and3A_474 = arith.andi %add3A_471, %and3A_473 : vector<16xi32>
          %gather3A_475 = tpu.vector_load_idx %arg5[%get3A_173, %and3A_474] : memref<7x32xf32, #tpu.memory_space<vmem>>[vector<16xi32>, vector<16xi32>], vector<16xf32>,
          tpu.vector_store_idx %arg10[%add3A_190, %and3A_474], %gather3A_475 : memref<320x32xf32, #tpu.memory_space<vmem>>[vector<16xi32>, vector<16xi32>], vector<16xf32>,
          %gather3A_476 = tpu.vector_load_idx %arg5[%get3A_177, %and3A_474] : memref<7x32xf32, #tpu.memory_space<vmem>>[vector<16xi32>, vector<16xi32>], vector<16xf32>,
          tpu.vector_store_idx %arg10[%add3A_195, %and3A_474], %gather3A_476 : memref<320x32xf32, #tpu.memory_space<vmem>>[vector<16xi32>, vector<16xi32>], vector<16xf32>,
          %gather3A_477 = tpu.vector_load_idx %arg5[%get3A_181, %and3A_474] : memref<7x32xf32, #tpu.memory_space<vmem>>[vector<16xi32>, vector<16xi32>], vector<16xf32>,
          tpu.vector_store_idx %arg10[%add3A_200, %and3A_474], %gather3A_477 : memref<320x32xf32, #tpu.memory_space<vmem>>[vector<16xi32>, vector<16xi32>], vector<16xf32>,
          %gather3A_478 = tpu.vector_load_idx %arg5[%get3A_185, %and3A_474] : memref<7x32xf32, #tpu.memory_space<vmem>>[vector<16xi32>, vector<16xi32>], vector<16xf32>,
          tpu.vector_store_idx %arg10[%add3A_205, %and3A_474], %gather3A_478 : memref<320x32xf32, #tpu.memory_space<vmem>>[vector<16xi32>, vector<16xi32>], vector<16xf32>,
          %add3A_479 = arith.constant 1 : i32
          %add3A_480 = vector.broadcast %add3A_479 : i32 to vector<16xi32>
          %add3A_481 = arith.addi %and3A_474, %add3A_480 : vector<16xi32>
          %and3A_482 = arith.constant 31 : i32
          %and3A_483 = vector.broadcast %and3A_482 : i32 to vector<16xi32>
          %and3A_484 = arith.andi %add3A_481, %and3A_483 : vector<16xi32>
          %gather3A_485 = tpu.vector_load_idx %arg5[%get3A_173, %and3A_484] : memref<7x32xf32, #tpu.memory_space<vmem>>[vector<16xi32>, vector<16xi32>], vector<16xf32>,
          tpu.vector_store_idx %arg10[%add3A_190, %and3A_484], %gather3A_485 : memref<320x32xf32, #tpu.memory_space<vmem>>[vector<16xi32>, vector<16xi32>], vector<16xf32>,
          %gather3A_486 = tpu.vector_load_idx %arg5[%get3A_177, %and3A_484] : memref<7x32xf32, #tpu.memory_space<vmem>>[vector<16xi32>, vector<16xi32>], vector<16xf32>,
          tpu.vector_store_idx %arg10[%add3A_195, %and3A_484], %gather3A_486 : memref<320x32xf32, #tpu.memory_space<vmem>>[vector<16xi32>, vector<16xi32>], vector<16xf32>,
          %gather3A_487 = tpu.vector_load_idx %arg5[%get3A_181, %and3A_484] : memref<7x32xf32, #tpu.memory_space<vmem>>[vector<16xi32>, vector<16xi32>], vector<16xf32>,
          tpu.vector_store_idx %arg10[%add3A_200, %and3A_484], %gather3A_487 : memref<320x32xf32, #tpu.memory_space<vmem>>[vector<16xi32>, vector<16xi32>], vector<16xf32>,
          %gather3A_488 = tpu.vector_load_idx %arg5[%get3A_185, %and3A_484] : memref<7x32xf32, #tpu.memory_space<vmem>>[vector<16xi32>, vector<16xi32>], vector<16xf32>,
          tpu.vector_store_idx %arg10[%add3A_205, %and3A_484], %gather3A_488 : memref<320x32xf32, #tpu.memory_space<vmem>>[vector<16xi32>, vector<16xi32>], vector<16xf32>,
          %add3A_489 = arith.constant 1 : i32
          %add3A_490 = vector.broadcast %add3A_489 : i32 to vector<16xi32>
          %add3A_491 = arith.addi %and3A_484, %add3A_490 : vector<16xi32>
          %and3A_492 = arith.constant 31 : i32
          %and3A_493 = vector.broadcast %and3A_492 : i32 to vector<16xi32>
          %and3A_494 = arith.andi %add3A_491, %and3A_493 : vector<16xi32>
          %gather3A_495 = tpu.vector_load_idx %arg5[%get3A_173, %and3A_494] : memref<7x32xf32, #tpu.memory_space<vmem>>[vector<16xi32>, vector<16xi32>], vector<16xf32>,
          tpu.vector_store_idx %arg10[%add3A_190, %and3A_494], %gather3A_495 : memref<320x32xf32, #tpu.memory_space<vmem>>[vector<16xi32>, vector<16xi32>], vector<16xf32>,
          %gather3A_496 = tpu.vector_load_idx %arg5[%get3A_177, %and3A_494] : memref<7x32xf32, #tpu.memory_space<vmem>>[vector<16xi32>, vector<16xi32>], vector<16xf32>,
          tpu.vector_store_idx %arg10[%add3A_195, %and3A_494], %gather3A_496 : memref<320x32xf32, #tpu.memory_space<vmem>>[vector<16xi32>, vector<16xi32>], vector<16xf32>,
          %gather3A_497 = tpu.vector_load_idx %arg5[%get3A_181, %and3A_494] : memref<7x32xf32, #tpu.memory_space<vmem>>[vector<16xi32>, vector<16xi32>], vector<16xf32>,
          tpu.vector_store_idx %arg10[%add3A_200, %and3A_494], %gather3A_497 : memref<320x32xf32, #tpu.memory_space<vmem>>[vector<16xi32>, vector<16xi32>], vector<16xf32>,
          %gather3A_498 = tpu.vector_load_idx %arg5[%get3A_185, %and3A_494] : memref<7x32xf32, #tpu.memory_space<vmem>>[vector<16xi32>, vector<16xi32>], vector<16xf32>,
          tpu.vector_store_idx %arg10[%add3A_205, %and3A_494], %gather3A_498 : memref<320x32xf32, #tpu.memory_space<vmem>>[vector<16xi32>, vector<16xi32>], vector<16xf32>,
          %add3A_499 = arith.constant 1 : i32
          %add3A_500 = vector.broadcast %add3A_499 : i32 to vector<16xi32>
          %add3A_501 = arith.addi %and3A_494, %add3A_500 : vector<16xi32>
          %and3A_502 = arith.constant 31 : i32
          %and3A_503 = vector.broadcast %and3A_502 : i32 to vector<16xi32>
          %and3A_504 = arith.andi %add3A_501, %and3A_503 : vector<16xi32>
          %gather3A_505 = tpu.vector_load_idx %arg5[%get3A_173, %and3A_504] : memref<7x32xf32, #tpu.memory_space<vmem>>[vector<16xi32>, vector<16xi32>], vector<16xf32>,
          tpu.vector_store_idx %arg10[%add3A_190, %and3A_504], %gather3A_505 : memref<320x32xf32, #tpu.memory_space<vmem>>[vector<16xi32>, vector<16xi32>], vector<16xf32>,
          %gather3A_506 = tpu.vector_load_idx %arg5[%get3A_177, %and3A_504] : memref<7x32xf32, #tpu.memory_space<vmem>>[vector<16xi32>, vector<16xi32>], vector<16xf32>,
          tpu.vector_store_idx %arg10[%add3A_195, %and3A_504], %gather3A_506 : memref<320x32xf32, #tpu.memory_space<vmem>>[vector<16xi32>, vector<16xi32>], vector<16xf32>,
          %gather3A_507 = tpu.vector_load_idx %arg5[%get3A_181, %and3A_504] : memref<7x32xf32, #tpu.memory_space<vmem>>[vector<16xi32>, vector<16xi32>], vector<16xf32>,
          tpu.vector_store_idx %arg10[%add3A_200, %and3A_504], %gather3A_507 : memref<320x32xf32, #tpu.memory_space<vmem>>[vector<16xi32>, vector<16xi32>], vector<16xf32>,
          %gather3A_508 = tpu.vector_load_idx %arg5[%get3A_185, %and3A_504] : memref<7x32xf32, #tpu.memory_space<vmem>>[vector<16xi32>, vector<16xi32>], vector<16xf32>,
          tpu.vector_store_idx %arg10[%add3A_205, %and3A_504], %gather3A_508 : memref<320x32xf32, #tpu.memory_space<vmem>>[vector<16xi32>, vector<16xi32>], vector<16xf32>,
          %add3A_509 = arith.constant 1 : i32
          %add3A_510 = vector.broadcast %add3A_509 : i32 to vector<16xi32>
          %add3A_511 = arith.addi %and3A_504, %add3A_510 : vector<16xi32>
          %and3A_512 = arith.constant 31 : i32
          %and3A_513 = vector.broadcast %and3A_512 : i32 to vector<16xi32>
          %and3A_514 = arith.andi %add3A_511, %and3A_513 : vector<16xi32>
          %gather3A_515 = tpu.vector_load_idx %arg5[%get3A_173, %and3A_514] : memref<7x32xf32, #tpu.memory_space<vmem>>[vector<16xi32>, vector<16xi32>], vector<16xf32>,
          tpu.vector_store_idx %arg10[%add3A_190, %and3A_514], %gather3A_515 : memref<320x32xf32, #tpu.memory_space<vmem>>[vector<16xi32>, vector<16xi32>], vector<16xf32>,
          %gather3A_516 = tpu.vector_load_idx %arg5[%get3A_177, %and3A_514] : memref<7x32xf32, #tpu.memory_space<vmem>>[vector<16xi32>, vector<16xi32>], vector<16xf32>,
          tpu.vector_store_idx %arg10[%add3A_195, %and3A_514], %gather3A_516 : memref<320x32xf32, #tpu.memory_space<vmem>>[vector<16xi32>, vector<16xi32>], vector<16xf32>,
          %gather3A_517 = tpu.vector_load_idx %arg5[%get3A_181, %and3A_514] : memref<7x32xf32, #tpu.memory_space<vmem>>[vector<16xi32>, vector<16xi32>], vector<16xf32>,
          tpu.vector_store_idx %arg10[%add3A_200, %and3A_514], %gather3A_517 : memref<320x32xf32, #tpu.memory_space<vmem>>[vector<16xi32>, vector<16xi32>], vector<16xf32>,
          %gather3A_518 = tpu.vector_load_idx %arg5[%get3A_185, %and3A_514] : memref<7x32xf32, #tpu.memory_space<vmem>>[vector<16xi32>, vector<16xi32>], vector<16xf32>,
          tpu.vector_store_idx %arg10[%add3A_205, %and3A_514], %gather3A_518 : memref<320x32xf32, #tpu.memory_space<vmem>>[vector<16xi32>, vector<16xi32>], vector<16xf32>,
          %add3A_519 = arith.constant 1 : i32
          %add3A_520 = vector.broadcast %add3A_519 : i32 to vector<16xi32>
          %add3A_521 = arith.addi %and3A_514, %add3A_520 : vector<16xi32>
          %and3A_522 = arith.constant 31 : i32
          %and3A_523 = vector.broadcast %and3A_522 : i32 to vector<16xi32>
          %and3A_524 = arith.andi %add3A_521, %and3A_523 : vector<16xi32>
        }
        %scan3A_149 = arith.constant 5 : i32
        %mul3A_150 = arith.constant 32 : i32
        %mul3A_151 = arith.muli %mul3A_150, %add3A_123 : i32
        %add3A_152 = arith.addi %add3A, %mul3A_151 : i32
        %mul3A_153 = arith.constant 320 : i32
        %mul3A_154 = arith.muli %add3A_152, %mul3A_153 : i32
        %dma_start3A = arith.constant 0 : i32
        %dma_start3A_155 = tpu.memref_slice %arg4[%mul3A_154, %dma_start3A] : memref<1600000x32xf32, #tpu.memory_space<hbm>> -> memref<320x32xf32, #tpu.memory_space<hbm>>
        %dma_start3A_156 = arith.constant 0 : i32
        %dma_start3A_157 = tpu.memref_slice %arg4[%mul3A_154, %dma_start3A_156] : memref<1600000x32xf32, #tpu.memory_space<hbm>> -> memref<320x32xf32, #tpu.memory_space<hbm>>
        tpu.enqueue_dma source(%arg10 : memref<320x32xf32, #tpu.memory_space<vmem>>) target(%dma_start3A_157 : memref<320x32xf32, #tpu.memory_space<hbm>>) target_semaphore(%arg16 : memref<!tpu.dma_semaphore, #tpu.memory_space<semaphore_mem>>)
        %add3A_158 = arith.constant 3 : i32
        %add3A_159 = arith.addi %add3A_123, %add3A_158 : i32
        %lt3A_160 = arith.cmpi slt, %add3A_159, %add3A_4 : i32
        %convert_element_type3A_161 = arith.extui %lt3A_160 : i1 to i32
        %cond3A_162 = arith.constant 0 : i32
        %cond3A_163 = arith.cmpi ne, %convert_element_type3A_161, %cond3A_162 : i32
        scf.if %cond3A_163 {
          %add3A_164 = arith.constant 3 : i32
          %add3A_165 = arith.addi %add3A_123, %add3A_164 : i32
          %mul3A_166 = arith.constant 32 : i32
          %mul3A_167 = arith.muli %mul3A_166, %add3A_165 : i32
          %add3A_168 = arith.addi %add3A, %mul3A_167 : i32
          %mul3A_169 = arith.constant 320 : i32
          %mul3A_170 = arith.muli %add3A_168, %mul3A_169 : i32
          %dma_start3A_171 = tpu.memref_slice %arg3[%mul3A_170] : memref<1600000xi32, #tpu.memory_space<hbm>> -> memref<320xi32, #tpu.memory_space<hbm>>
          %dma_start3A_172 = tpu.memref_slice %arg3[%mul3A_170] : memref<1600000xi32, #tpu.memory_space<hbm>> -> memref<320xi32, #tpu.memory_space<hbm>>
          tpu.enqueue_dma source(%dma_start3A_172 : memref<320xi32, #tpu.memory_space<hbm>>) target(%arg7 : memref<320xi32, #tpu.memory_space<vmem>>) target_semaphore(%arg13 : memref<!tpu.dma_semaphore, #tpu.memory_space<semaphore_mem>>)
        } else {
        }
      } else {
      }
      %add3A_128 = arith.constant 2 : i32
      %add3A_129 = arith.addi %add3A_115, %add3A_128 : i32
      %lt3A_130 = arith.cmpi slt, %add3A_129, %add3A_4 : i32
      %convert_element_type3A_131 = arith.extui %lt3A_130 : i1 to i32
      %cond3A_132 = arith.constant 0 : i32
      %cond3A_133 = arith.cmpi ne, %convert_element_type3A_131, %cond3A_132 : i32
      scf.if %cond3A_133 {
        %mul3A_134 = arith.constant 32 : i32
        %mul3A_135 = arith.muli %mul3A_134, %add3A_129 : i32
        %add3A_136 = arith.addi %add3A, %mul3A_135 : i32
        %mul3A_137 = arith.constant 320 : i32
        %mul3A_138 = arith.muli %add3A_136, %mul3A_137 : i32
        %dma_wait3A_139 = tpu.memref_slice %arg3[%mul3A_138] : memref<1600000xi32, #tpu.memory_space<hbm>> -> memref<320xi32, #tpu.memory_space<hbm>>
        %dma_wait3A_140 = tpu.memref_slice %arg3[%mul3A_138] : memref<1600000xi32, #tpu.memory_space<hbm>> -> memref<320xi32, #tpu.memory_space<hbm>>
        tpu.wait_dma2 semaphore(%arg14 : memref<!tpu.dma_semaphore, #tpu.memory_space<semaphore_mem>>) src(%dma_wait3A_140 : memref<320xi32, #tpu.memory_space<hbm>>) dst(%arg8 : memref<320xi32, #tpu.memory_space<vmem>>)
        %ge3A = arith.constant 3 : i32
        %ge3A_141 = arith.cmpi sge, %add3A_129, %ge3A : i32
        %convert_element_type3A_142 = arith.extui %ge3A_141 : i1 to i32
        %cond3A_143 = arith.constant 0 : i32
        %cond3A_144 = arith.cmpi ne, %convert_element_type3A_142, %cond3A_143 : i32
        scf.if %cond3A_144 {
          %sub3A_164 = arith.constant 3 : i32
          %sub3A_165 = arith.subi %add3A_129, %sub3A_164 : i32
          %mul3A_166 = arith.constant 32 : i32
          %mul3A_167 = arith.muli %mul3A_166, %sub3A_165 : i32
          %add3A_168 = arith.addi %add3A, %mul3A_167 : i32
          %mul3A_169 = arith.constant 320 : i32
          %mul3A_170 = arith.muli %add3A_168, %mul3A_169 : i32
          %dma_wait3A_171 = arith.constant 0 : i32
          %dma_wait3A_172 = tpu.memref_slice %arg4[%mul3A_170, %dma_wait3A_171] : memref<1600000x32xf32, #tpu.memory_space<hbm>> -> memref<320x32xf32, #tpu.memory_space<hbm>>
          %dma_wait3A_173 = arith.constant 0 : i32
          %dma_wait3A_174 = tpu.memref_slice %arg4[%mul3A_170, %dma_wait3A_173] : memref<1600000x32xf32, #tpu.memory_space<hbm>> -> memref<320x32xf32, #tpu.memory_space<hbm>>
          tpu.wait_dma2 semaphore(%arg17 : memref<!tpu.dma_semaphore, #tpu.memory_space<semaphore_mem>>) src(%arg11 : memref<320x32xf32, #tpu.memory_space<vmem>>) dst(%dma_wait3A_174 : memref<320x32xf32, #tpu.memory_space<hbm>>)
        } else {
        }
        %iota3A = tpu.iota {dimensions = array<i32: 0>} : vector<16xi32>
        %scan3A_145 = arith.constant 0 : i32
        %scan3A_146 = arith.constant 5 : i32
        %scan3A_147 = arith.addi %scan3A_145, %scan3A_146 : i32
        %scan3A_148 = arith.constant 1 : i32
        scf.for %scan3A_164 = %scan3A_145 to %scan3A_147 step %scan3A_148  : i32 {
          %mul3A_165 = arith.constant 1 : i32
          %mul3A_166 = arith.muli %scan3A_164, %mul3A_165 : i32
          %add3A_167 = arith.constant 0 : i32
          %add3A_168 = arith.addi %add3A_167, %mul3A_166 : i32
          %mul3A_169 = arith.constant 64 : i32
          %mul3A_170 = arith.muli %add3A_168, %mul3A_169 : i32
          %multiple_of3A = tpu.assume_multiple %mul3A_170, 16 : i32
          %add3A_171 = arith.constant 0 : i32
          %add3A_172 = arith.addi %multiple_of3A, %add3A_171 : i32
          %get3A = arith.index_cast %add3A_172 : i32 to index
          %get3A_173 = tpu.vector_load %arg8[%get3A] {strides = array<i32>} : memref<320xi32, #tpu.memory_space<vmem>>, vector<16xi32>,
          %add3A_174 = arith.constant 16 : i32
          %add3A_175 = arith.addi %multiple_of3A, %add3A_174 : i32
          %get3A_176 = arith.index_cast %add3A_175 : i32 to index
          %get3A_177 = tpu.vector_load %arg8[%get3A_176] {strides = array<i32>} : memref<320xi32, #tpu.memory_space<vmem>>, vector<16xi32>,
          %add3A_178 = arith.constant 32 : i32
          %add3A_179 = arith.addi %multiple_of3A, %add3A_178 : i32
          %get3A_180 = arith.index_cast %add3A_179 : i32 to index
          %get3A_181 = tpu.vector_load %arg8[%get3A_180] {strides = array<i32>} : memref<320xi32, #tpu.memory_space<vmem>>, vector<16xi32>,
          %add3A_182 = arith.constant 48 : i32
          %add3A_183 = arith.addi %multiple_of3A, %add3A_182 : i32
          %get3A_184 = arith.index_cast %add3A_183 : i32 to index
          %get3A_185 = tpu.vector_load %arg8[%get3A_184] {strides = array<i32>} : memref<320xi32, #tpu.memory_space<vmem>>, vector<16xi32>,
          %add3A_186 = vector.broadcast %multiple_of3A : i32 to vector<16xi32>
          %add3A_187 = arith.addi %iota3A, %add3A_186 : vector<16xi32>
          %add3A_188 = arith.constant 0 : i32
          %add3A_189 = vector.broadcast %add3A_188 : i32 to vector<16xi32>
          %add3A_190 = arith.addi %add3A_187, %add3A_189 : vector<16xi32>
          %add3A_191 = vector.broadcast %multiple_of3A : i32 to vector<16xi32>
          %add3A_192 = arith.addi %iota3A, %add3A_191 : vector<16xi32>
          %add3A_193 = arith.constant 16 : i32
          %add3A_194 = vector.broadcast %add3A_193 : i32 to vector<16xi32>
          %add3A_195 = arith.addi %add3A_192, %add3A_194 : vector<16xi32>
          %add3A_196 = vector.broadcast %multiple_of3A : i32 to vector<16xi32>
          %add3A_197 = arith.addi %iota3A, %add3A_196 : vector<16xi32>
          %add3A_198 = arith.constant 32 : i32
          %add3A_199 = vector.broadcast %add3A_198 : i32 to vector<16xi32>
          %add3A_200 = arith.addi %add3A_197, %add3A_199 : vector<16xi32>
          %add3A_201 = vector.broadcast %multiple_of3A : i32 to vector<16xi32>
          %add3A_202 = arith.addi %iota3A, %add3A_201 : vector<16xi32>
          %add3A_203 = arith.constant 48 : i32
          %add3A_204 = vector.broadcast %add3A_203 : i32 to vector<16xi32>
          %add3A_205 = arith.addi %add3A_202, %add3A_204 : vector<16xi32>
          %gather3A = tpu.vector_load_idx %arg5[%get3A_173, %iota3A] : memref<7x32xf32, #tpu.memory_space<vmem>>[vector<16xi32>, vector<16xi32>], vector<16xf32>,
          tpu.vector_store_idx %arg11[%add3A_190, %iota3A], %gather3A : memref<320x32xf32, #tpu.memory_space<vmem>>[vector<16xi32>, vector<16xi32>], vector<16xf32>,
          %gather3A_206 = tpu.vector_load_idx %arg5[%get3A_177, %iota3A] : memref<7x32xf32, #tpu.memory_space<vmem>>[vector<16xi32>, vector<16xi32>], vector<16xf32>,
          tpu.vector_store_idx %arg11[%add3A_195, %iota3A], %gather3A_206 : memref<320x32xf32, #tpu.memory_space<vmem>>[vector<16xi32>, vector<16xi32>], vector<16xf32>,
          %gather3A_207 = tpu.vector_load_idx %arg5[%get3A_181, %iota3A] : memref<7x32xf32, #tpu.memory_space<vmem>>[vector<16xi32>, vector<16xi32>], vector<16xf32>,
          tpu.vector_store_idx %arg11[%add3A_200, %iota3A], %gather3A_207 : memref<320x32xf32, #tpu.memory_space<vmem>>[vector<16xi32>, vector<16xi32>], vector<16xf32>,
          %gather3A_208 = tpu.vector_load_idx %arg5[%get3A_185, %iota3A] : memref<7x32xf32, #tpu.memory_space<vmem>>[vector<16xi32>, vector<16xi32>], vector<16xf32>,
          tpu.vector_store_idx %arg11[%add3A_205, %iota3A], %gather3A_208 : memref<320x32xf32, #tpu.memory_space<vmem>>[vector<16xi32>, vector<16xi32>], vector<16xf32>,
          %add3A_209 = arith.constant 1 : i32
          %add3A_210 = vector.broadcast %add3A_209 : i32 to vector<16xi32>
          %add3A_211 = arith.addi %iota3A, %add3A_210 : vector<16xi32>
          %and3A_212 = arith.constant 31 : i32
          %and3A_213 = vector.broadcast %and3A_212 : i32 to vector<16xi32>
          %and3A_214 = arith.andi %add3A_211, %and3A_213 : vector<16xi32>
          %gather3A_215 = tpu.vector_load_idx %arg5[%get3A_173, %and3A_214] : memref<7x32xf32, #tpu.memory_space<vmem>>[vector<16xi32>, vector<16xi32>], vector<16xf32>,
          tpu.vector_store_idx %arg11[%add3A_190, %and3A_214], %gather3A_215 : memref<320x32xf32, #tpu.memory_space<vmem>>[vector<16xi32>, vector<16xi32>], vector<16xf32>,
          %gather3A_216 = tpu.vector_load_idx %arg5[%get3A_177, %and3A_214] : memref<7x32xf32, #tpu.memory_space<vmem>>[vector<16xi32>, vector<16xi32>], vector<16xf32>,
          tpu.vector_store_idx %arg11[%add3A_195, %and3A_214], %gather3A_216 : memref<320x32xf32, #tpu.memory_space<vmem>>[vector<16xi32>, vector<16xi32>], vector<16xf32>,
          %gather3A_217 = tpu.vector_load_idx %arg5[%get3A_181, %and3A_214] : memref<7x32xf32, #tpu.memory_space<vmem>>[vector<16xi32>, vector<16xi32>], vector<16xf32>,
          tpu.vector_store_idx %arg11[%add3A_200, %and3A_214], %gather3A_217 : memref<320x32xf32, #tpu.memory_space<vmem>>[vector<16xi32>, vector<16xi32>], vector<16xf32>,
          %gather3A_218 = tpu.vector_load_idx %arg5[%get3A_185, %and3A_214] : memref<7x32xf32, #tpu.memory_space<vmem>>[vector<16xi32>, vector<16xi32>], vector<16xf32>,
          tpu.vector_store_idx %arg11[%add3A_205, %and3A_214], %gather3A_218 : memref<320x32xf32, #tpu.memory_space<vmem>>[vector<16xi32>, vector<16xi32>], vector<16xf32>,
          %add3A_219 = arith.constant 1 : i32
          %add3A_220 = vector.broadcast %add3A_219 : i32 to vector<16xi32>
          %add3A_221 = arith.addi %and3A_214, %add3A_220 : vector<16xi32>
          %and3A_222 = arith.constant 31 : i32
          %and3A_223 = vector.broadcast %and3A_222 : i32 to vector<16xi32>
          %and3A_224 = arith.andi %add3A_221, %and3A_223 : vector<16xi32>
          %gather3A_225 = tpu.vector_load_idx %arg5[%get3A_173, %and3A_224] : memref<7x32xf32, #tpu.memory_space<vmem>>[vector<16xi32>, vector<16xi32>], vector<16xf32>,
          tpu.vector_store_idx %arg11[%add3A_190, %and3A_224], %gather3A_225 : memref<320x32xf32, #tpu.memory_space<vmem>>[vector<16xi32>, vector<16xi32>], vector<16xf32>,
          %gather3A_226 = tpu.vector_load_idx %arg5[%get3A_177, %and3A_224] : memref<7x32xf32, #tpu.memory_space<vmem>>[vector<16xi32>, vector<16xi32>], vector<16xf32>,
          tpu.vector_store_idx %arg11[%add3A_195, %and3A_224], %gather3A_226 : memref<320x32xf32, #tpu.memory_space<vmem>>[vector<16xi32>, vector<16xi32>], vector<16xf32>,
          %gather3A_227 = tpu.vector_load_idx %arg5[%get3A_181, %and3A_224] : memref<7x32xf32, #tpu.memory_space<vmem>>[vector<16xi32>, vector<16xi32>], vector<16xf32>,
          tpu.vector_store_idx %arg11[%add3A_200, %and3A_224], %gather3A_227 : memref<320x32xf32, #tpu.memory_space<vmem>>[vector<16xi32>, vector<16xi32>], vector<16xf32>,
          %gather3A_228 = tpu.vector_load_idx %arg5[%get3A_185, %and3A_224] : memref<7x32xf32, #tpu.memory_space<vmem>>[vector<16xi32>, vector<16xi32>], vector<16xf32>,
          tpu.vector_store_idx %arg11[%add3A_205, %and3A_224], %gather3A_228 : memref<320x32xf32, #tpu.memory_space<vmem>>[vector<16xi32>, vector<16xi32>], vector<16xf32>,
          %add3A_229 = arith.constant 1 : i32
          %add3A_230 = vector.broadcast %add3A_229 : i32 to vector<16xi32>
          %add3A_231 = arith.addi %and3A_224, %add3A_230 : vector<16xi32>
          %and3A_232 = arith.constant 31 : i32
          %and3A_233 = vector.broadcast %and3A_232 : i32 to vector<16xi32>
          %and3A_234 = arith.andi %add3A_231, %and3A_233 : vector<16xi32>
          %gather3A_235 = tpu.vector_load_idx %arg5[%get3A_173, %and3A_234] : memref<7x32xf32, #tpu.memory_space<vmem>>[vector<16xi32>, vector<16xi32>], vector<16xf32>,
          tpu.vector_store_idx %arg11[%add3A_190, %and3A_234], %gather3A_235 : memref<320x32xf32, #tpu.memory_space<vmem>>[vector<16xi32>, vector<16xi32>], vector<16xf32>,
          %gather3A_236 = tpu.vector_load_idx %arg5[%get3A_177, %and3A_234] : memref<7x32xf32, #tpu.memory_space<vmem>>[vector<16xi32>, vector<16xi32>], vector<16xf32>,
          tpu.vector_store_idx %arg11[%add3A_195, %and3A_234], %gather3A_236 : memref<320x32xf32, #tpu.memory_space<vmem>>[vector<16xi32>, vector<16xi32>], vector<16xf32>,
          %gather3A_237 = tpu.vector_load_idx %arg5[%get3A_181, %and3A_234] : memref<7x32xf32, #tpu.memory_space<vmem>>[vector<16xi32>, vector<16xi32>], vector<16xf32>,
          tpu.vector_store_idx %arg11[%add3A_200, %and3A_234], %gather3A_237 : memref<320x32xf32, #tpu.memory_space<vmem>>[vector<16xi32>, vector<16xi32>], vector<16xf32>,
          %gather3A_238 = tpu.vector_load_idx %arg5[%get3A_185, %and3A_234] : memref<7x32xf32, #tpu.memory_space<vmem>>[vector<16xi32>, vector<16xi32>], vector<16xf32>,
          tpu.vector_store_idx %arg11[%add3A_205, %and3A_234], %gather3A_238 : memref<320x32xf32, #tpu.memory_space<vmem>>[vector<16xi32>, vector<16xi32>], vector<16xf32>,
          %add3A_239 = arith.constant 1 : i32
          %add3A_240 = vector.broadcast %add3A_239 : i32 to vector<16xi32>
          %add3A_241 = arith.addi %and3A_234, %add3A_240 : vector<16xi32>
          %and3A_242 = arith.constant 31 : i32
          %and3A_243 = vector.broadcast %and3A_242 : i32 to vector<16xi32>
          %and3A_244 = arith.andi %add3A_241, %and3A_243 : vector<16xi32>
          %gather3A_245 = tpu.vector_load_idx %arg5[%get3A_173, %and3A_244] : memref<7x32xf32, #tpu.memory_space<vmem>>[vector<16xi32>, vector<16xi32>], vector<16xf32>,
          tpu.vector_store_idx %arg11[%add3A_190, %and3A_244], %gather3A_245 : memref<320x32xf32, #tpu.memory_space<vmem>>[vector<16xi32>, vector<16xi32>], vector<16xf32>,
          %gather3A_246 = tpu.vector_load_idx %arg5[%get3A_177, %and3A_244] : memref<7x32xf32, #tpu.memory_space<vmem>>[vector<16xi32>, vector<16xi32>], vector<16xf32>,
          tpu.vector_store_idx %arg11[%add3A_195, %and3A_244], %gather3A_246 : memref<320x32xf32, #tpu.memory_space<vmem>>[vector<16xi32>, vector<16xi32>], vector<16xf32>,
          %gather3A_247 = tpu.vector_load_idx %arg5[%get3A_181, %and3A_244] : memref<7x32xf32, #tpu.memory_space<vmem>>[vector<16xi32>, vector<16xi32>], vector<16xf32>,
          tpu.vector_store_idx %arg11[%add3A_200, %and3A_244], %gather3A_247 : memref<320x32xf32, #tpu.memory_space<vmem>>[vector<16xi32>, vector<16xi32>], vector<16xf32>,
          %gather3A_248 = tpu.vector_load_idx %arg5[%get3A_185, %and3A_244] : memref<7x32xf32, #tpu.memory_space<vmem>>[vector<16xi32>, vector<16xi32>], vector<16xf32>,
          tpu.vector_store_idx %arg11[%add3A_205, %and3A_244], %gather3A_248 : memref<320x32xf32, #tpu.memory_space<vmem>>[vector<16xi32>, vector<16xi32>], vector<16xf32>,
          %add3A_249 = arith.constant 1 : i32
          %add3A_250 = vector.broadcast %add3A_249 : i32 to vector<16xi32>
          %add3A_251 = arith.addi %and3A_244, %add3A_250 : vector<16xi32>
          %and3A_252 = arith.constant 31 : i32
          %and3A_253 = vector.broadcast %and3A_252 : i32 to vector<16xi32>
          %and3A_254 = arith.andi %add3A_251, %and3A_253 : vector<16xi32>
          %gather3A_255 = tpu.vector_load_idx %arg5[%get3A_173, %and3A_254] : memref<7x32xf32, #tpu.memory_space<vmem>>[vector<16xi32>, vector<16xi32>], vector<16xf32>,
          tpu.vector_store_idx %arg11[%add3A_190, %and3A_254], %gather3A_255 : memref<320x32xf32, #tpu.memory_space<vmem>>[vector<16xi32>, vector<16xi32>], vector<16xf32>,
          %gather3A_256 = tpu.vector_load_idx %arg5[%get3A_177, %and3A_254] : memref<7x32xf32, #tpu.memory_space<vmem>>[vector<16xi32>, vector<16xi32>], vector<16xf32>,
          tpu.vector_store_idx %arg11[%add3A_195, %and3A_254], %gather3A_256 : memref<320x32xf32, #tpu.memory_space<vmem>>[vector<16xi32>, vector<16xi32>], vector<16xf32>,
          %gather3A_257 = tpu.vector_load_idx %arg5[%get3A_181, %and3A_254] : memref<7x32xf32, #tpu.memory_space<vmem>>[vector<16xi32>, vector<16xi32>], vector<16xf32>,
          tpu.vector_store_idx %arg11[%add3A_200, %and3A_254], %gather3A_257 : memref<320x32xf32, #tpu.memory_space<vmem>>[vector<16xi32>, vector<16xi32>], vector<16xf32>,
          %gather3A_258 = tpu.vector_load_idx %arg5[%get3A_185, %and3A_254] : memref<7x32xf32, #tpu.memory_space<vmem>>[vector<16xi32>, vector<16xi32>], vector<16xf32>,
          tpu.vector_store_idx %arg11[%add3A_205, %and3A_254], %gather3A_258 : memref<320x32xf32, #tpu.memory_space<vmem>>[vector<16xi32>, vector<16xi32>], vector<16xf32>,
          %add3A_259 = arith.constant 1 : i32
          %add3A_260 = vector.broadcast %add3A_259 : i32 to vector<16xi32>
          %add3A_261 = arith.addi %and3A_254, %add3A_260 : vector<16xi32>
          %and3A_262 = arith.constant 31 : i32
          %and3A_263 = vector.broadcast %and3A_262 : i32 to vector<16xi32>
          %and3A_264 = arith.andi %add3A_261, %and3A_263 : vector<16xi32>
          %gather3A_265 = tpu.vector_load_idx %arg5[%get3A_173, %and3A_264] : memref<7x32xf32, #tpu.memory_space<vmem>>[vector<16xi32>, vector<16xi32>], vector<16xf32>,
          tpu.vector_store_idx %arg11[%add3A_190, %and3A_264], %gather3A_265 : memref<320x32xf32, #tpu.memory_space<vmem>>[vector<16xi32>, vector<16xi32>], vector<16xf32>,
          %gather3A_266 = tpu.vector_load_idx %arg5[%get3A_177, %and3A_264] : memref<7x32xf32, #tpu.memory_space<vmem>>[vector<16xi32>, vector<16xi32>], vector<16xf32>,
          tpu.vector_store_idx %arg11[%add3A_195, %and3A_264], %gather3A_266 : memref<320x32xf32, #tpu.memory_space<vmem>>[vector<16xi32>, vector<16xi32>], vector<16xf32>,
          %gather3A_267 = tpu.vector_load_idx %arg5[%get3A_181, %and3A_264] : memref<7x32xf32, #tpu.memory_space<vmem>>[vector<16xi32>, vector<16xi32>], vector<16xf32>,
          tpu.vector_store_idx %arg11[%add3A_200, %and3A_264], %gather3A_267 : memref<320x32xf32, #tpu.memory_space<vmem>>[vector<16xi32>, vector<16xi32>], vector<16xf32>,
          %gather3A_268 = tpu.vector_load_idx %arg5[%get3A_185, %and3A_264] : memref<7x32xf32, #tpu.memory_space<vmem>>[vector<16xi32>, vector<16xi32>], vector<16xf32>,
          tpu.vector_store_idx %arg11[%add3A_205, %and3A_264], %gather3A_268 : memref<320x32xf32, #tpu.memory_space<vmem>>[vector<16xi32>, vector<16xi32>], vector<16xf32>,
          %add3A_269 = arith.constant 1 : i32
          %add3A_270 = vector.broadcast %add3A_269 : i32 to vector<16xi32>
          %add3A_271 = arith.addi %and3A_264, %add3A_270 : vector<16xi32>
          %and3A_272 = arith.constant 31 : i32
          %and3A_273 = vector.broadcast %and3A_272 : i32 to vector<16xi32>
          %and3A_274 = arith.andi %add3A_271, %and3A_273 : vector<16xi32>
          %gather3A_275 = tpu.vector_load_idx %arg5[%get3A_173, %and3A_274] : memref<7x32xf32, #tpu.memory_space<vmem>>[vector<16xi32>, vector<16xi32>], vector<16xf32>,
          tpu.vector_store_idx %arg11[%add3A_190, %and3A_274], %gather3A_275 : memref<320x32xf32, #tpu.memory_space<vmem>>[vector<16xi32>, vector<16xi32>], vector<16xf32>,
          %gather3A_276 = tpu.vector_load_idx %arg5[%get3A_177, %and3A_274] : memref<7x32xf32, #tpu.memory_space<vmem>>[vector<16xi32>, vector<16xi32>], vector<16xf32>,
          tpu.vector_store_idx %arg11[%add3A_195, %and3A_274], %gather3A_276 : memref<320x32xf32, #tpu.memory_space<vmem>>[vector<16xi32>, vector<16xi32>], vector<16xf32>,
          %gather3A_277 = tpu.vector_load_idx %arg5[%get3A_181, %and3A_274] : memref<7x32xf32, #tpu.memory_space<vmem>>[vector<16xi32>, vector<16xi32>], vector<16xf32>,
          tpu.vector_store_idx %arg11[%add3A_200, %and3A_274], %gather3A_277 : memref<320x32xf32, #tpu.memory_space<vmem>>[vector<16xi32>, vector<16xi32>], vector<16xf32>,
          %gather3A_278 = tpu.vector_load_idx %arg5[%get3A_185, %and3A_274] : memref<7x32xf32, #tpu.memory_space<vmem>>[vector<16xi32>, vector<16xi32>], vector<16xf32>,
          tpu.vector_store_idx %arg11[%add3A_205, %and3A_274], %gather3A_278 : memref<320x32xf32, #tpu.memory_space<vmem>>[vector<16xi32>, vector<16xi32>], vector<16xf32>,
          %add3A_279 = arith.constant 1 : i32
          %add3A_280 = vector.broadcast %add3A_279 : i32 to vector<16xi32>
          %add3A_281 = arith.addi %and3A_274, %add3A_280 : vector<16xi32>
          %and3A_282 = arith.constant 31 : i32
          %and3A_283 = vector.broadcast %and3A_282 : i32 to vector<16xi32>
          %and3A_284 = arith.andi %add3A_281, %and3A_283 : vector<16xi32>
          %gather3A_285 = tpu.vector_load_idx %arg5[%get3A_173, %and3A_284] : memref<7x32xf32, #tpu.memory_space<vmem>>[vector<16xi32>, vector<16xi32>], vector<16xf32>,
          tpu.vector_store_idx %arg11[%add3A_190, %and3A_284], %gather3A_285 : memref<320x32xf32, #tpu.memory_space<vmem>>[vector<16xi32>, vector<16xi32>], vector<16xf32>,
          %gather3A_286 = tpu.vector_load_idx %arg5[%get3A_177, %and3A_284] : memref<7x32xf32, #tpu.memory_space<vmem>>[vector<16xi32>, vector<16xi32>], vector<16xf32>,
          tpu.vector_store_idx %arg11[%add3A_195, %and3A_284], %gather3A_286 : memref<320x32xf32, #tpu.memory_space<vmem>>[vector<16xi32>, vector<16xi32>], vector<16xf32>,
          %gather3A_287 = tpu.vector_load_idx %arg5[%get3A_181, %and3A_284] : memref<7x32xf32, #tpu.memory_space<vmem>>[vector<16xi32>, vector<16xi32>], vector<16xf32>,
          tpu.vector_store_idx %arg11[%add3A_200, %and3A_284], %gather3A_287 : memref<320x32xf32, #tpu.memory_space<vmem>>[vector<16xi32>, vector<16xi32>], vector<16xf32>,
          %gather3A_288 = tpu.vector_load_idx %arg5[%get3A_185, %and3A_284] : memref<7x32xf32, #tpu.memory_space<vmem>>[vector<16xi32>, vector<16xi32>], vector<16xf32>,
          tpu.vector_store_idx %arg11[%add3A_205, %and3A_284], %gather3A_288 : memref<320x32xf32, #tpu.memory_space<vmem>>[vector<16xi32>, vector<16xi32>], vector<16xf32>,
          %add3A_289 = arith.constant 1 : i32
          %add3A_290 = vector.broadcast %add3A_289 : i32 to vector<16xi32>
          %add3A_291 = arith.addi %and3A_284, %add3A_290 : vector<16xi32>
          %and3A_292 = arith.constant 31 : i32
          %and3A_293 = vector.broadcast %and3A_292 : i32 to vector<16xi32>
          %and3A_294 = arith.andi %add3A_291, %and3A_293 : vector<16xi32>
          %gather3A_295 = tpu.vector_load_idx %arg5[%get3A_173, %and3A_294] : memref<7x32xf32, #tpu.memory_space<vmem>>[vector<16xi32>, vector<16xi32>], vector<16xf32>,
          tpu.vector_store_idx %arg11[%add3A_190, %and3A_294], %gather3A_295 : memref<320x32xf32, #tpu.memory_space<vmem>>[vector<16xi32>, vector<16xi32>], vector<16xf32>,
          %gather3A_296 = tpu.vector_load_idx %arg5[%get3A_177, %and3A_294] : memref<7x32xf32, #tpu.memory_space<vmem>>[vector<16xi32>, vector<16xi32>], vector<16xf32>,
          tpu.vector_store_idx %arg11[%add3A_195, %and3A_294], %gather3A_296 : memref<320x32xf32, #tpu.memory_space<vmem>>[vector<16xi32>, vector<16xi32>], vector<16xf32>,
          %gather3A_297 = tpu.vector_load_idx %arg5[%get3A_181, %and3A_294] : memref<7x32xf32, #tpu.memory_space<vmem>>[vector<16xi32>, vector<16xi32>], vector<16xf32>,
          tpu.vector_store_idx %arg11[%add3A_200, %and3A_294], %gather3A_297 : memref<320x32xf32, #tpu.memory_space<vmem>>[vector<16xi32>, vector<16xi32>], vector<16xf32>,
          %gather3A_298 = tpu.vector_load_idx %arg5[%get3A_185, %and3A_294] : memref<7x32xf32, #tpu.memory_space<vmem>>[vector<16xi32>, vector<16xi32>], vector<16xf32>,
          tpu.vector_store_idx %arg11[%add3A_205, %and3A_294], %gather3A_298 : memref<320x32xf32, #tpu.memory_space<vmem>>[vector<16xi32>, vector<16xi32>], vector<16xf32>,
          %add3A_299 = arith.constant 1 : i32
          %add3A_300 = vector.broadcast %add3A_299 : i32 to vector<16xi32>
          %add3A_301 = arith.addi %and3A_294, %add3A_300 : vector<16xi32>
          %and3A_302 = arith.constant 31 : i32
          %and3A_303 = vector.broadcast %and3A_302 : i32 to vector<16xi32>
          %and3A_304 = arith.andi %add3A_301, %and3A_303 : vector<16xi32>
          %gather3A_305 = tpu.vector_load_idx %arg5[%get3A_173, %and3A_304] : memref<7x32xf32, #tpu.memory_space<vmem>>[vector<16xi32>, vector<16xi32>], vector<16xf32>,
          tpu.vector_store_idx %arg11[%add3A_190, %and3A_304], %gather3A_305 : memref<320x32xf32, #tpu.memory_space<vmem>>[vector<16xi32>, vector<16xi32>], vector<16xf32>,
          %gather3A_306 = tpu.vector_load_idx %arg5[%get3A_177, %and3A_304] : memref<7x32xf32, #tpu.memory_space<vmem>>[vector<16xi32>, vector<16xi32>], vector<16xf32>,
          tpu.vector_store_idx %arg11[%add3A_195, %and3A_304], %gather3A_306 : memref<320x32xf32, #tpu.memory_space<vmem>>[vector<16xi32>, vector<16xi32>], vector<16xf32>,
          %gather3A_307 = tpu.vector_load_idx %arg5[%get3A_181, %and3A_304] : memref<7x32xf32, #tpu.memory_space<vmem>>[vector<16xi32>, vector<16xi32>], vector<16xf32>,
          tpu.vector_store_idx %arg11[%add3A_200, %and3A_304], %gather3A_307 : memref<320x32xf32, #tpu.memory_space<vmem>>[vector<16xi32>, vector<16xi32>], vector<16xf32>,
          %gather3A_308 = tpu.vector_load_idx %arg5[%get3A_185, %and3A_304] : memref<7x32xf32, #tpu.memory_space<vmem>>[vector<16xi32>, vector<16xi32>], vector<16xf32>,
          tpu.vector_store_idx %arg11[%add3A_205, %and3A_304], %gather3A_308 : memref<320x32xf32, #tpu.memory_space<vmem>>[vector<16xi32>, vector<16xi32>], vector<16xf32>,
          %add3A_309 = arith.constant 1 : i32
          %add3A_310 = vector.broadcast %add3A_309 : i32 to vector<16xi32>
          %add3A_311 = arith.addi %and3A_304, %add3A_310 : vector<16xi32>
          %and3A_312 = arith.constant 31 : i32
          %and3A_313 = vector.broadcast %and3A_312 : i32 to vector<16xi32>
          %and3A_314 = arith.andi %add3A_311, %and3A_313 : vector<16xi32>
          %gather3A_315 = tpu.vector_load_idx %arg5[%get3A_173, %and3A_314] : memref<7x32xf32, #tpu.memory_space<vmem>>[vector<16xi32>, vector<16xi32>], vector<16xf32>,
          tpu.vector_store_idx %arg11[%add3A_190, %and3A_314], %gather3A_315 : memref<320x32xf32, #tpu.memory_space<vmem>>[vector<16xi32>, vector<16xi32>], vector<16xf32>,
          %gather3A_316 = tpu.vector_load_idx %arg5[%get3A_177, %and3A_314] : memref<7x32xf32, #tpu.memory_space<vmem>>[vector<16xi32>, vector<16xi32>], vector<16xf32>,
          tpu.vector_store_idx %arg11[%add3A_195, %and3A_314], %gather3A_316 : memref<320x32xf32, #tpu.memory_space<vmem>>[vector<16xi32>, vector<16xi32>], vector<16xf32>,
          %gather3A_317 = tpu.vector_load_idx %arg5[%get3A_181, %and3A_314] : memref<7x32xf32, #tpu.memory_space<vmem>>[vector<16xi32>, vector<16xi32>], vector<16xf32>,
          tpu.vector_store_idx %arg11[%add3A_200, %and3A_314], %gather3A_317 : memref<320x32xf32, #tpu.memory_space<vmem>>[vector<16xi32>, vector<16xi32>], vector<16xf32>,
          %gather3A_318 = tpu.vector_load_idx %arg5[%get3A_185, %and3A_314] : memref<7x32xf32, #tpu.memory_space<vmem>>[vector<16xi32>, vector<16xi32>], vector<16xf32>,
          tpu.vector_store_idx %arg11[%add3A_205, %and3A_314], %gather3A_318 : memref<320x32xf32, #tpu.memory_space<vmem>>[vector<16xi32>, vector<16xi32>], vector<16xf32>,
          %add3A_319 = arith.constant 1 : i32
          %add3A_320 = vector.broadcast %add3A_319 : i32 to vector<16xi32>
          %add3A_321 = arith.addi %and3A_314, %add3A_320 : vector<16xi32>
          %and3A_322 = arith.constant 31 : i32
          %and3A_323 = vector.broadcast %and3A_322 : i32 to vector<16xi32>
          %and3A_324 = arith.andi %add3A_321, %and3A_323 : vector<16xi32>
          %gather3A_325 = tpu.vector_load_idx %arg5[%get3A_173, %and3A_324] : memref<7x32xf32, #tpu.memory_space<vmem>>[vector<16xi32>, vector<16xi32>], vector<16xf32>,
          tpu.vector_store_idx %arg11[%add3A_190, %and3A_324], %gather3A_325 : memref<320x32xf32, #tpu.memory_space<vmem>>[vector<16xi32>, vector<16xi32>], vector<16xf32>,
          %gather3A_326 = tpu.vector_load_idx %arg5[%get3A_177, %and3A_324] : memref<7x32xf32, #tpu.memory_space<vmem>>[vector<16xi32>, vector<16xi32>], vector<16xf32>,
          tpu.vector_store_idx %arg11[%add3A_195, %and3A_324], %gather3A_326 : memref<320x32xf32, #tpu.memory_space<vmem>>[vector<16xi32>, vector<16xi32>], vector<16xf32>,
          %gather3A_327 = tpu.vector_load_idx %arg5[%get3A_181, %and3A_324] : memref<7x32xf32, #tpu.memory_space<vmem>>[vector<16xi32>, vector<16xi32>], vector<16xf32>,
          tpu.vector_store_idx %arg11[%add3A_200, %and3A_324], %gather3A_327 : memref<320x32xf32, #tpu.memory_space<vmem>>[vector<16xi32>, vector<16xi32>], vector<16xf32>,
          %gather3A_328 = tpu.vector_load_idx %arg5[%get3A_185, %and3A_324] : memref<7x32xf32, #tpu.memory_space<vmem>>[vector<16xi32>, vector<16xi32>], vector<16xf32>,
          tpu.vector_store_idx %arg11[%add3A_205, %and3A_324], %gather3A_328 : memref<320x32xf32, #tpu.memory_space<vmem>>[vector<16xi32>, vector<16xi32>], vector<16xf32>,
          %add3A_329 = arith.constant 1 : i32
          %add3A_330 = vector.broadcast %add3A_329 : i32 to vector<16xi32>
          %add3A_331 = arith.addi %and3A_324, %add3A_330 : vector<16xi32>
          %and3A_332 = arith.constant 31 : i32
          %and3A_333 = vector.broadcast %and3A_332 : i32 to vector<16xi32>
          %and3A_334 = arith.andi %add3A_331, %and3A_333 : vector<16xi32>
          %gather3A_335 = tpu.vector_load_idx %arg5[%get3A_173, %and3A_334] : memref<7x32xf32, #tpu.memory_space<vmem>>[vector<16xi32>, vector<16xi32>], vector<16xf32>,
          tpu.vector_store_idx %arg11[%add3A_190, %and3A_334], %gather3A_335 : memref<320x32xf32, #tpu.memory_space<vmem>>[vector<16xi32>, vector<16xi32>], vector<16xf32>,
          %gather3A_336 = tpu.vector_load_idx %arg5[%get3A_177, %and3A_334] : memref<7x32xf32, #tpu.memory_space<vmem>>[vector<16xi32>, vector<16xi32>], vector<16xf32>,
          tpu.vector_store_idx %arg11[%add3A_195, %and3A_334], %gather3A_336 : memref<320x32xf32, #tpu.memory_space<vmem>>[vector<16xi32>, vector<16xi32>], vector<16xf32>,
          %gather3A_337 = tpu.vector_load_idx %arg5[%get3A_181, %and3A_334] : memref<7x32xf32, #tpu.memory_space<vmem>>[vector<16xi32>, vector<16xi32>], vector<16xf32>,
          tpu.vector_store_idx %arg11[%add3A_200, %and3A_334], %gather3A_337 : memref<320x32xf32, #tpu.memory_space<vmem>>[vector<16xi32>, vector<16xi32>], vector<16xf32>,
          %gather3A_338 = tpu.vector_load_idx %arg5[%get3A_185, %and3A_334] : memref<7x32xf32, #tpu.memory_space<vmem>>[vector<16xi32>, vector<16xi32>], vector<16xf32>,
          tpu.vector_store_idx %arg11[%add3A_205, %and3A_334], %gather3A_338 : memref<320x32xf32, #tpu.memory_space<vmem>>[vector<16xi32>, vector<16xi32>], vector<16xf32>,
          %add3A_339 = arith.constant 1 : i32
          %add3A_340 = vector.broadcast %add3A_339 : i32 to vector<16xi32>
          %add3A_341 = arith.addi %and3A_334, %add3A_340 : vector<16xi32>
          %and3A_342 = arith.constant 31 : i32
          %and3A_343 = vector.broadcast %and3A_342 : i32 to vector<16xi32>
          %and3A_344 = arith.andi %add3A_341, %and3A_343 : vector<16xi32>
          %gather3A_345 = tpu.vector_load_idx %arg5[%get3A_173, %and3A_344] : memref<7x32xf32, #tpu.memory_space<vmem>>[vector<16xi32>, vector<16xi32>], vector<16xf32>,
          tpu.vector_store_idx %arg11[%add3A_190, %and3A_344], %gather3A_345 : memref<320x32xf32, #tpu.memory_space<vmem>>[vector<16xi32>, vector<16xi32>], vector<16xf32>,
          %gather3A_346 = tpu.vector_load_idx %arg5[%get3A_177, %and3A_344] : memref<7x32xf32, #tpu.memory_space<vmem>>[vector<16xi32>, vector<16xi32>], vector<16xf32>,
          tpu.vector_store_idx %arg11[%add3A_195, %and3A_344], %gather3A_346 : memref<320x32xf32, #tpu.memory_space<vmem>>[vector<16xi32>, vector<16xi32>], vector<16xf32>,
          %gather3A_347 = tpu.vector_load_idx %arg5[%get3A_181, %and3A_344] : memref<7x32xf32, #tpu.memory_space<vmem>>[vector<16xi32>, vector<16xi32>], vector<16xf32>,
          tpu.vector_store_idx %arg11[%add3A_200, %and3A_344], %gather3A_347 : memref<320x32xf32, #tpu.memory_space<vmem>>[vector<16xi32>, vector<16xi32>], vector<16xf32>,
          %gather3A_348 = tpu.vector_load_idx %arg5[%get3A_185, %and3A_344] : memref<7x32xf32, #tpu.memory_space<vmem>>[vector<16xi32>, vector<16xi32>], vector<16xf32>,
          tpu.vector_store_idx %arg11[%add3A_205, %and3A_344], %gather3A_348 : memref<320x32xf32, #tpu.memory_space<vmem>>[vector<16xi32>, vector<16xi32>], vector<16xf32>,
          %add3A_349 = arith.constant 1 : i32
          %add3A_350 = vector.broadcast %add3A_349 : i32 to vector<16xi32>
          %add3A_351 = arith.addi %and3A_344, %add3A_350 : vector<16xi32>
          %and3A_352 = arith.constant 31 : i32
          %and3A_353 = vector.broadcast %and3A_352 : i32 to vector<16xi32>
          %and3A_354 = arith.andi %add3A_351, %and3A_353 : vector<16xi32>
          %gather3A_355 = tpu.vector_load_idx %arg5[%get3A_173, %and3A_354] : memref<7x32xf32, #tpu.memory_space<vmem>>[vector<16xi32>, vector<16xi32>], vector<16xf32>,
          tpu.vector_store_idx %arg11[%add3A_190, %and3A_354], %gather3A_355 : memref<320x32xf32, #tpu.memory_space<vmem>>[vector<16xi32>, vector<16xi32>], vector<16xf32>,
          %gather3A_356 = tpu.vector_load_idx %arg5[%get3A_177, %and3A_354] : memref<7x32xf32, #tpu.memory_space<vmem>>[vector<16xi32>, vector<16xi32>], vector<16xf32>,
          tpu.vector_store_idx %arg11[%add3A_195, %and3A_354], %gather3A_356 : memref<320x32xf32, #tpu.memory_space<vmem>>[vector<16xi32>, vector<16xi32>], vector<16xf32>,
          %gather3A_357 = tpu.vector_load_idx %arg5[%get3A_181, %and3A_354] : memref<7x32xf32, #tpu.memory_space<vmem>>[vector<16xi32>, vector<16xi32>], vector<16xf32>,
          tpu.vector_store_idx %arg11[%add3A_200, %and3A_354], %gather3A_357 : memref<320x32xf32, #tpu.memory_space<vmem>>[vector<16xi32>, vector<16xi32>], vector<16xf32>,
          %gather3A_358 = tpu.vector_load_idx %arg5[%get3A_185, %and3A_354] : memref<7x32xf32, #tpu.memory_space<vmem>>[vector<16xi32>, vector<16xi32>], vector<16xf32>,
          tpu.vector_store_idx %arg11[%add3A_205, %and3A_354], %gather3A_358 : memref<320x32xf32, #tpu.memory_space<vmem>>[vector<16xi32>, vector<16xi32>], vector<16xf32>,
          %add3A_359 = arith.constant 1 : i32
          %add3A_360 = vector.broadcast %add3A_359 : i32 to vector<16xi32>
          %add3A_361 = arith.addi %and3A_354, %add3A_360 : vector<16xi32>
          %and3A_362 = arith.constant 31 : i32
          %and3A_363 = vector.broadcast %and3A_362 : i32 to vector<16xi32>
          %and3A_364 = arith.andi %add3A_361, %and3A_363 : vector<16xi32>
          %gather3A_365 = tpu.vector_load_idx %arg5[%get3A_173, %and3A_364] : memref<7x32xf32, #tpu.memory_space<vmem>>[vector<16xi32>, vector<16xi32>], vector<16xf32>,
          tpu.vector_store_idx %arg11[%add3A_190, %and3A_364], %gather3A_365 : memref<320x32xf32, #tpu.memory_space<vmem>>[vector<16xi32>, vector<16xi32>], vector<16xf32>,
          %gather3A_366 = tpu.vector_load_idx %arg5[%get3A_177, %and3A_364] : memref<7x32xf32, #tpu.memory_space<vmem>>[vector<16xi32>, vector<16xi32>], vector<16xf32>,
          tpu.vector_store_idx %arg11[%add3A_195, %and3A_364], %gather3A_366 : memref<320x32xf32, #tpu.memory_space<vmem>>[vector<16xi32>, vector<16xi32>], vector<16xf32>,
          %gather3A_367 = tpu.vector_load_idx %arg5[%get3A_181, %and3A_364] : memref<7x32xf32, #tpu.memory_space<vmem>>[vector<16xi32>, vector<16xi32>], vector<16xf32>,
          tpu.vector_store_idx %arg11[%add3A_200, %and3A_364], %gather3A_367 : memref<320x32xf32, #tpu.memory_space<vmem>>[vector<16xi32>, vector<16xi32>], vector<16xf32>,
          %gather3A_368 = tpu.vector_load_idx %arg5[%get3A_185, %and3A_364] : memref<7x32xf32, #tpu.memory_space<vmem>>[vector<16xi32>, vector<16xi32>], vector<16xf32>,
          tpu.vector_store_idx %arg11[%add3A_205, %and3A_364], %gather3A_368 : memref<320x32xf32, #tpu.memory_space<vmem>>[vector<16xi32>, vector<16xi32>], vector<16xf32>,
          %add3A_369 = arith.constant 1 : i32
          %add3A_370 = vector.broadcast %add3A_369 : i32 to vector<16xi32>
          %add3A_371 = arith.addi %and3A_364, %add3A_370 : vector<16xi32>
          %and3A_372 = arith.constant 31 : i32
          %and3A_373 = vector.broadcast %and3A_372 : i32 to vector<16xi32>
          %and3A_374 = arith.andi %add3A_371, %and3A_373 : vector<16xi32>
          %gather3A_375 = tpu.vector_load_idx %arg5[%get3A_173, %and3A_374] : memref<7x32xf32, #tpu.memory_space<vmem>>[vector<16xi32>, vector<16xi32>], vector<16xf32>,
          tpu.vector_store_idx %arg11[%add3A_190, %and3A_374], %gather3A_375 : memref<320x32xf32, #tpu.memory_space<vmem>>[vector<16xi32>, vector<16xi32>], vector<16xf32>,
          %gather3A_376 = tpu.vector_load_idx %arg5[%get3A_177, %and3A_374] : memref<7x32xf32, #tpu.memory_space<vmem>>[vector<16xi32>, vector<16xi32>], vector<16xf32>,
          tpu.vector_store_idx %arg11[%add3A_195, %and3A_374], %gather3A_376 : memref<320x32xf32, #tpu.memory_space<vmem>>[vector<16xi32>, vector<16xi32>], vector<16xf32>,
          %gather3A_377 = tpu.vector_load_idx %arg5[%get3A_181, %and3A_374] : memref<7x32xf32, #tpu.memory_space<vmem>>[vector<16xi32>, vector<16xi32>], vector<16xf32>,
          tpu.vector_store_idx %arg11[%add3A_200, %and3A_374], %gather3A_377 : memref<320x32xf32, #tpu.memory_space<vmem>>[vector<16xi32>, vector<16xi32>], vector<16xf32>,
          %gather3A_378 = tpu.vector_load_idx %arg5[%get3A_185, %and3A_374] : memref<7x32xf32, #tpu.memory_space<vmem>>[vector<16xi32>, vector<16xi32>], vector<16xf32>,
          tpu.vector_store_idx %arg11[%add3A_205, %and3A_374], %gather3A_378 : memref<320x32xf32, #tpu.memory_space<vmem>>[vector<16xi32>, vector<16xi32>], vector<16xf32>,
          %add3A_379 = arith.constant 1 : i32
          %add3A_380 = vector.broadcast %add3A_379 : i32 to vector<16xi32>
          %add3A_381 = arith.addi %and3A_374, %add3A_380 : vector<16xi32>
          %and3A_382 = arith.constant 31 : i32
          %and3A_383 = vector.broadcast %and3A_382 : i32 to vector<16xi32>
          %and3A_384 = arith.andi %add3A_381, %and3A_383 : vector<16xi32>
          %gather3A_385 = tpu.vector_load_idx %arg5[%get3A_173, %and3A_384] : memref<7x32xf32, #tpu.memory_space<vmem>>[vector<16xi32>, vector<16xi32>], vector<16xf32>,
          tpu.vector_store_idx %arg11[%add3A_190, %and3A_384], %gather3A_385 : memref<320x32xf32, #tpu.memory_space<vmem>>[vector<16xi32>, vector<16xi32>], vector<16xf32>,
          %gather3A_386 = tpu.vector_load_idx %arg5[%get3A_177, %and3A_384] : memref<7x32xf32, #tpu.memory_space<vmem>>[vector<16xi32>, vector<16xi32>], vector<16xf32>,
          tpu.vector_store_idx %arg11[%add3A_195, %and3A_384], %gather3A_386 : memref<320x32xf32, #tpu.memory_space<vmem>>[vector<16xi32>, vector<16xi32>], vector<16xf32>,
          %gather3A_387 = tpu.vector_load_idx %arg5[%get3A_181, %and3A_384] : memref<7x32xf32, #tpu.memory_space<vmem>>[vector<16xi32>, vector<16xi32>], vector<16xf32>,
          tpu.vector_store_idx %arg11[%add3A_200, %and3A_384], %gather3A_387 : memref<320x32xf32, #tpu.memory_space<vmem>>[vector<16xi32>, vector<16xi32>], vector<16xf32>,
          %gather3A_388 = tpu.vector_load_idx %arg5[%get3A_185, %and3A_384] : memref<7x32xf32, #tpu.memory_space<vmem>>[vector<16xi32>, vector<16xi32>], vector<16xf32>,
          tpu.vector_store_idx %arg11[%add3A_205, %and3A_384], %gather3A_388 : memref<320x32xf32, #tpu.memory_space<vmem>>[vector<16xi32>, vector<16xi32>], vector<16xf32>,
          %add3A_389 = arith.constant 1 : i32
          %add3A_390 = vector.broadcast %add3A_389 : i32 to vector<16xi32>
          %add3A_391 = arith.addi %and3A_384, %add3A_390 : vector<16xi32>
          %and3A_392 = arith.constant 31 : i32
          %and3A_393 = vector.broadcast %and3A_392 : i32 to vector<16xi32>
          %and3A_394 = arith.andi %add3A_391, %and3A_393 : vector<16xi32>
          %gather3A_395 = tpu.vector_load_idx %arg5[%get3A_173, %and3A_394] : memref<7x32xf32, #tpu.memory_space<vmem>>[vector<16xi32>, vector<16xi32>], vector<16xf32>,
          tpu.vector_store_idx %arg11[%add3A_190, %and3A_394], %gather3A_395 : memref<320x32xf32, #tpu.memory_space<vmem>>[vector<16xi32>, vector<16xi32>], vector<16xf32>,
          %gather3A_396 = tpu.vector_load_idx %arg5[%get3A_177, %and3A_394] : memref<7x32xf32, #tpu.memory_space<vmem>>[vector<16xi32>, vector<16xi32>], vector<16xf32>,
          tpu.vector_store_idx %arg11[%add3A_195, %and3A_394], %gather3A_396 : memref<320x32xf32, #tpu.memory_space<vmem>>[vector<16xi32>, vector<16xi32>], vector<16xf32>,
          %gather3A_397 = tpu.vector_load_idx %arg5[%get3A_181, %and3A_394] : memref<7x32xf32, #tpu.memory_space<vmem>>[vector<16xi32>, vector<16xi32>], vector<16xf32>,
          tpu.vector_store_idx %arg11[%add3A_200, %and3A_394], %gather3A_397 : memref<320x32xf32, #tpu.memory_space<vmem>>[vector<16xi32>, vector<16xi32>], vector<16xf32>,
          %gather3A_398 = tpu.vector_load_idx %arg5[%get3A_185, %and3A_394] : memref<7x32xf32, #tpu.memory_space<vmem>>[vector<16xi32>, vector<16xi32>], vector<16xf32>,
          tpu.vector_store_idx %arg11[%add3A_205, %and3A_394], %gather3A_398 : memref<320x32xf32, #tpu.memory_space<vmem>>[vector<16xi32>, vector<16xi32>], vector<16xf32>,
          %add3A_399 = arith.constant 1 : i32
          %add3A_400 = vector.broadcast %add3A_399 : i32 to vector<16xi32>
          %add3A_401 = arith.addi %and3A_394, %add3A_400 : vector<16xi32>
          %and3A_402 = arith.constant 31 : i32
          %and3A_403 = vector.broadcast %and3A_402 : i32 to vector<16xi32>
          %and3A_404 = arith.andi %add3A_401, %and3A_403 : vector<16xi32>
          %gather3A_405 = tpu.vector_load_idx %arg5[%get3A_173, %and3A_404] : memref<7x32xf32, #tpu.memory_space<vmem>>[vector<16xi32>, vector<16xi32>], vector<16xf32>,
          tpu.vector_store_idx %arg11[%add3A_190, %and3A_404], %gather3A_405 : memref<320x32xf32, #tpu.memory_space<vmem>>[vector<16xi32>, vector<16xi32>], vector<16xf32>,
          %gather3A_406 = tpu.vector_load_idx %arg5[%get3A_177, %and3A_404] : memref<7x32xf32, #tpu.memory_space<vmem>>[vector<16xi32>, vector<16xi32>], vector<16xf32>,
          tpu.vector_store_idx %arg11[%add3A_195, %and3A_404], %gather3A_406 : memref<320x32xf32, #tpu.memory_space<vmem>>[vector<16xi32>, vector<16xi32>], vector<16xf32>,
          %gather3A_407 = tpu.vector_load_idx %arg5[%get3A_181, %and3A_404] : memref<7x32xf32, #tpu.memory_space<vmem>>[vector<16xi32>, vector<16xi32>], vector<16xf32>,
          tpu.vector_store_idx %arg11[%add3A_200, %and3A_404], %gather3A_407 : memref<320x32xf32, #tpu.memory_space<vmem>>[vector<16xi32>, vector<16xi32>], vector<16xf32>,
          %gather3A_408 = tpu.vector_load_idx %arg5[%get3A_185, %and3A_404] : memref<7x32xf32, #tpu.memory_space<vmem>>[vector<16xi32>, vector<16xi32>], vector<16xf32>,
          tpu.vector_store_idx %arg11[%add3A_205, %and3A_404], %gather3A_408 : memref<320x32xf32, #tpu.memory_space<vmem>>[vector<16xi32>, vector<16xi32>], vector<16xf32>,
          %add3A_409 = arith.constant 1 : i32
          %add3A_410 = vector.broadcast %add3A_409 : i32 to vector<16xi32>
          %add3A_411 = arith.addi %and3A_404, %add3A_410 : vector<16xi32>
          %and3A_412 = arith.constant 31 : i32
          %and3A_413 = vector.broadcast %and3A_412 : i32 to vector<16xi32>
          %and3A_414 = arith.andi %add3A_411, %and3A_413 : vector<16xi32>
          %gather3A_415 = tpu.vector_load_idx %arg5[%get3A_173, %and3A_414] : memref<7x32xf32, #tpu.memory_space<vmem>>[vector<16xi32>, vector<16xi32>], vector<16xf32>,
          tpu.vector_store_idx %arg11[%add3A_190, %and3A_414], %gather3A_415 : memref<320x32xf32, #tpu.memory_space<vmem>>[vector<16xi32>, vector<16xi32>], vector<16xf32>,
          %gather3A_416 = tpu.vector_load_idx %arg5[%get3A_177, %and3A_414] : memref<7x32xf32, #tpu.memory_space<vmem>>[vector<16xi32>, vector<16xi32>], vector<16xf32>,
          tpu.vector_store_idx %arg11[%add3A_195, %and3A_414], %gather3A_416 : memref<320x32xf32, #tpu.memory_space<vmem>>[vector<16xi32>, vector<16xi32>], vector<16xf32>,
          %gather3A_417 = tpu.vector_load_idx %arg5[%get3A_181, %and3A_414] : memref<7x32xf32, #tpu.memory_space<vmem>>[vector<16xi32>, vector<16xi32>], vector<16xf32>,
          tpu.vector_store_idx %arg11[%add3A_200, %and3A_414], %gather3A_417 : memref<320x32xf32, #tpu.memory_space<vmem>>[vector<16xi32>, vector<16xi32>], vector<16xf32>,
          %gather3A_418 = tpu.vector_load_idx %arg5[%get3A_185, %and3A_414] : memref<7x32xf32, #tpu.memory_space<vmem>>[vector<16xi32>, vector<16xi32>], vector<16xf32>,
          tpu.vector_store_idx %arg11[%add3A_205, %and3A_414], %gather3A_418 : memref<320x32xf32, #tpu.memory_space<vmem>>[vector<16xi32>, vector<16xi32>], vector<16xf32>,
          %add3A_419 = arith.constant 1 : i32
          %add3A_420 = vector.broadcast %add3A_419 : i32 to vector<16xi32>
          %add3A_421 = arith.addi %and3A_414, %add3A_420 : vector<16xi32>
          %and3A_422 = arith.constant 31 : i32
          %and3A_423 = vector.broadcast %and3A_422 : i32 to vector<16xi32>
          %and3A_424 = arith.andi %add3A_421, %and3A_423 : vector<16xi32>
          %gather3A_425 = tpu.vector_load_idx %arg5[%get3A_173, %and3A_424] : memref<7x32xf32, #tpu.memory_space<vmem>>[vector<16xi32>, vector<16xi32>], vector<16xf32>,
          tpu.vector_store_idx %arg11[%add3A_190, %and3A_424], %gather3A_425 : memref<320x32xf32, #tpu.memory_space<vmem>>[vector<16xi32>, vector<16xi32>], vector<16xf32>,
          %gather3A_426 = tpu.vector_load_idx %arg5[%get3A_177, %and3A_424] : memref<7x32xf32, #tpu.memory_space<vmem>>[vector<16xi32>, vector<16xi32>], vector<16xf32>,
          tpu.vector_store_idx %arg11[%add3A_195, %and3A_424], %gather3A_426 : memref<320x32xf32, #tpu.memory_space<vmem>>[vector<16xi32>, vector<16xi32>], vector<16xf32>,
          %gather3A_427 = tpu.vector_load_idx %arg5[%get3A_181, %and3A_424] : memref<7x32xf32, #tpu.memory_space<vmem>>[vector<16xi32>, vector<16xi32>], vector<16xf32>,
          tpu.vector_store_idx %arg11[%add3A_200, %and3A_424], %gather3A_427 : memref<320x32xf32, #tpu.memory_space<vmem>>[vector<16xi32>, vector<16xi32>], vector<16xf32>,
          %gather3A_428 = tpu.vector_load_idx %arg5[%get3A_185, %and3A_424] : memref<7x32xf32, #tpu.memory_space<vmem>>[vector<16xi32>, vector<16xi32>], vector<16xf32>,
          tpu.vector_store_idx %arg11[%add3A_205, %and3A_424], %gather3A_428 : memref<320x32xf32, #tpu.memory_space<vmem>>[vector<16xi32>, vector<16xi32>], vector<16xf32>,
          %add3A_429 = arith.constant 1 : i32
          %add3A_430 = vector.broadcast %add3A_429 : i32 to vector<16xi32>
          %add3A_431 = arith.addi %and3A_424, %add3A_430 : vector<16xi32>
          %and3A_432 = arith.constant 31 : i32
          %and3A_433 = vector.broadcast %and3A_432 : i32 to vector<16xi32>
          %and3A_434 = arith.andi %add3A_431, %and3A_433 : vector<16xi32>
          %gather3A_435 = tpu.vector_load_idx %arg5[%get3A_173, %and3A_434] : memref<7x32xf32, #tpu.memory_space<vmem>>[vector<16xi32>, vector<16xi32>], vector<16xf32>,
          tpu.vector_store_idx %arg11[%add3A_190, %and3A_434], %gather3A_435 : memref<320x32xf32, #tpu.memory_space<vmem>>[vector<16xi32>, vector<16xi32>], vector<16xf32>,
          %gather3A_436 = tpu.vector_load_idx %arg5[%get3A_177, %and3A_434] : memref<7x32xf32, #tpu.memory_space<vmem>>[vector<16xi32>, vector<16xi32>], vector<16xf32>,
          tpu.vector_store_idx %arg11[%add3A_195, %and3A_434], %gather3A_436 : memref<320x32xf32, #tpu.memory_space<vmem>>[vector<16xi32>, vector<16xi32>], vector<16xf32>,
          %gather3A_437 = tpu.vector_load_idx %arg5[%get3A_181, %and3A_434] : memref<7x32xf32, #tpu.memory_space<vmem>>[vector<16xi32>, vector<16xi32>], vector<16xf32>,
          tpu.vector_store_idx %arg11[%add3A_200, %and3A_434], %gather3A_437 : memref<320x32xf32, #tpu.memory_space<vmem>>[vector<16xi32>, vector<16xi32>], vector<16xf32>,
          %gather3A_438 = tpu.vector_load_idx %arg5[%get3A_185, %and3A_434] : memref<7x32xf32, #tpu.memory_space<vmem>>[vector<16xi32>, vector<16xi32>], vector<16xf32>,
          tpu.vector_store_idx %arg11[%add3A_205, %and3A_434], %gather3A_438 : memref<320x32xf32, #tpu.memory_space<vmem>>[vector<16xi32>, vector<16xi32>], vector<16xf32>,
          %add3A_439 = arith.constant 1 : i32
          %add3A_440 = vector.broadcast %add3A_439 : i32 to vector<16xi32>
          %add3A_441 = arith.addi %and3A_434, %add3A_440 : vector<16xi32>
          %and3A_442 = arith.constant 31 : i32
          %and3A_443 = vector.broadcast %and3A_442 : i32 to vector<16xi32>
          %and3A_444 = arith.andi %add3A_441, %and3A_443 : vector<16xi32>
          %gather3A_445 = tpu.vector_load_idx %arg5[%get3A_173, %and3A_444] : memref<7x32xf32, #tpu.memory_space<vmem>>[vector<16xi32>, vector<16xi32>], vector<16xf32>,
          tpu.vector_store_idx %arg11[%add3A_190, %and3A_444], %gather3A_445 : memref<320x32xf32, #tpu.memory_space<vmem>>[vector<16xi32>, vector<16xi32>], vector<16xf32>,
          %gather3A_446 = tpu.vector_load_idx %arg5[%get3A_177, %and3A_444] : memref<7x32xf32, #tpu.memory_space<vmem>>[vector<16xi32>, vector<16xi32>], vector<16xf32>,
          tpu.vector_store_idx %arg11[%add3A_195, %and3A_444], %gather3A_446 : memref<320x32xf32, #tpu.memory_space<vmem>>[vector<16xi32>, vector<16xi32>], vector<16xf32>,
          %gather3A_447 = tpu.vector_load_idx %arg5[%get3A_181, %and3A_444] : memref<7x32xf32, #tpu.memory_space<vmem>>[vector<16xi32>, vector<16xi32>], vector<16xf32>,
          tpu.vector_store_idx %arg11[%add3A_200, %and3A_444], %gather3A_447 : memref<320x32xf32, #tpu.memory_space<vmem>>[vector<16xi32>, vector<16xi32>], vector<16xf32>,
          %gather3A_448 = tpu.vector_load_idx %arg5[%get3A_185, %and3A_444] : memref<7x32xf32, #tpu.memory_space<vmem>>[vector<16xi32>, vector<16xi32>], vector<16xf32>,
          tpu.vector_store_idx %arg11[%add3A_205, %and3A_444], %gather3A_448 : memref<320x32xf32, #tpu.memory_space<vmem>>[vector<16xi32>, vector<16xi32>], vector<16xf32>,
          %add3A_449 = arith.constant 1 : i32
          %add3A_450 = vector.broadcast %add3A_449 : i32 to vector<16xi32>
          %add3A_451 = arith.addi %and3A_444, %add3A_450 : vector<16xi32>
          %and3A_452 = arith.constant 31 : i32
          %and3A_453 = vector.broadcast %and3A_452 : i32 to vector<16xi32>
          %and3A_454 = arith.andi %add3A_451, %and3A_453 : vector<16xi32>
          %gather3A_455 = tpu.vector_load_idx %arg5[%get3A_173, %and3A_454] : memref<7x32xf32, #tpu.memory_space<vmem>>[vector<16xi32>, vector<16xi32>], vector<16xf32>,
          tpu.vector_store_idx %arg11[%add3A_190, %and3A_454], %gather3A_455 : memref<320x32xf32, #tpu.memory_space<vmem>>[vector<16xi32>, vector<16xi32>], vector<16xf32>,
          %gather3A_456 = tpu.vector_load_idx %arg5[%get3A_177, %and3A_454] : memref<7x32xf32, #tpu.memory_space<vmem>>[vector<16xi32>, vector<16xi32>], vector<16xf32>,
          tpu.vector_store_idx %arg11[%add3A_195, %and3A_454], %gather3A_456 : memref<320x32xf32, #tpu.memory_space<vmem>>[vector<16xi32>, vector<16xi32>], vector<16xf32>,
          %gather3A_457 = tpu.vector_load_idx %arg5[%get3A_181, %and3A_454] : memref<7x32xf32, #tpu.memory_space<vmem>>[vector<16xi32>, vector<16xi32>], vector<16xf32>,
          tpu.vector_store_idx %arg11[%add3A_200, %and3A_454], %gather3A_457 : memref<320x32xf32, #tpu.memory_space<vmem>>[vector<16xi32>, vector<16xi32>], vector<16xf32>,
          %gather3A_458 = tpu.vector_load_idx %arg5[%get3A_185, %and3A_454] : memref<7x32xf32, #tpu.memory_space<vmem>>[vector<16xi32>, vector<16xi32>], vector<16xf32>,
          tpu.vector_store_idx %arg11[%add3A_205, %and3A_454], %gather3A_458 : memref<320x32xf32, #tpu.memory_space<vmem>>[vector<16xi32>, vector<16xi32>], vector<16xf32>,
          %add3A_459 = arith.constant 1 : i32
          %add3A_460 = vector.broadcast %add3A_459 : i32 to vector<16xi32>
          %add3A_461 = arith.addi %and3A_454, %add3A_460 : vector<16xi32>
          %and3A_462 = arith.constant 31 : i32
          %and3A_463 = vector.broadcast %and3A_462 : i32 to vector<16xi32>
          %and3A_464 = arith.andi %add3A_461, %and3A_463 : vector<16xi32>
          %gather3A_465 = tpu.vector_load_idx %arg5[%get3A_173, %and3A_464] : memref<7x32xf32, #tpu.memory_space<vmem>>[vector<16xi32>, vector<16xi32>], vector<16xf32>,
          tpu.vector_store_idx %arg11[%add3A_190, %and3A_464], %gather3A_465 : memref<320x32xf32, #tpu.memory_space<vmem>>[vector<16xi32>, vector<16xi32>], vector<16xf32>,
          %gather3A_466 = tpu.vector_load_idx %arg5[%get3A_177, %and3A_464] : memref<7x32xf32, #tpu.memory_space<vmem>>[vector<16xi32>, vector<16xi32>], vector<16xf32>,
          tpu.vector_store_idx %arg11[%add3A_195, %and3A_464], %gather3A_466 : memref<320x32xf32, #tpu.memory_space<vmem>>[vector<16xi32>, vector<16xi32>], vector<16xf32>,
          %gather3A_467 = tpu.vector_load_idx %arg5[%get3A_181, %and3A_464] : memref<7x32xf32, #tpu.memory_space<vmem>>[vector<16xi32>, vector<16xi32>], vector<16xf32>,
          tpu.vector_store_idx %arg11[%add3A_200, %and3A_464], %gather3A_467 : memref<320x32xf32, #tpu.memory_space<vmem>>[vector<16xi32>, vector<16xi32>], vector<16xf32>,
          %gather3A_468 = tpu.vector_load_idx %arg5[%get3A_185, %and3A_464] : memref<7x32xf32, #tpu.memory_space<vmem>>[vector<16xi32>, vector<16xi32>], vector<16xf32>,
          tpu.vector_store_idx %arg11[%add3A_205, %and3A_464], %gather3A_468 : memref<320x32xf32, #tpu.memory_space<vmem>>[vector<16xi32>, vector<16xi32>], vector<16xf32>,
          %add3A_469 = arith.constant 1 : i32
          %add3A_470 = vector.broadcast %add3A_469 : i32 to vector<16xi32>
          %add3A_471 = arith.addi %and3A_464, %add3A_470 : vector<16xi32>
          %and3A_472 = arith.constant 31 : i32
          %and3A_473 = vector.broadcast %and3A_472 : i32 to vector<16xi32>
          %and3A_474 = arith.andi %add3A_471, %and3A_473 : vector<16xi32>
          %gather3A_475 = tpu.vector_load_idx %arg5[%get3A_173, %and3A_474] : memref<7x32xf32, #tpu.memory_space<vmem>>[vector<16xi32>, vector<16xi32>], vector<16xf32>,
          tpu.vector_store_idx %arg11[%add3A_190, %and3A_474], %gather3A_475 : memref<320x32xf32, #tpu.memory_space<vmem>>[vector<16xi32>, vector<16xi32>], vector<16xf32>,
          %gather3A_476 = tpu.vector_load_idx %arg5[%get3A_177, %and3A_474] : memref<7x32xf32, #tpu.memory_space<vmem>>[vector<16xi32>, vector<16xi32>], vector<16xf32>,
          tpu.vector_store_idx %arg11[%add3A_195, %and3A_474], %gather3A_476 : memref<320x32xf32, #tpu.memory_space<vmem>>[vector<16xi32>, vector<16xi32>], vector<16xf32>,
          %gather3A_477 = tpu.vector_load_idx %arg5[%get3A_181, %and3A_474] : memref<7x32xf32, #tpu.memory_space<vmem>>[vector<16xi32>, vector<16xi32>], vector<16xf32>,
          tpu.vector_store_idx %arg11[%add3A_200, %and3A_474], %gather3A_477 : memref<320x32xf32, #tpu.memory_space<vmem>>[vector<16xi32>, vector<16xi32>], vector<16xf32>,
          %gather3A_478 = tpu.vector_load_idx %arg5[%get3A_185, %and3A_474] : memref<7x32xf32, #tpu.memory_space<vmem>>[vector<16xi32>, vector<16xi32>], vector<16xf32>,
          tpu.vector_store_idx %arg11[%add3A_205, %and3A_474], %gather3A_478 : memref<320x32xf32, #tpu.memory_space<vmem>>[vector<16xi32>, vector<16xi32>], vector<16xf32>,
          %add3A_479 = arith.constant 1 : i32
          %add3A_480 = vector.broadcast %add3A_479 : i32 to vector<16xi32>
          %add3A_481 = arith.addi %and3A_474, %add3A_480 : vector<16xi32>
          %and3A_482 = arith.constant 31 : i32
          %and3A_483 = vector.broadcast %and3A_482 : i32 to vector<16xi32>
          %and3A_484 = arith.andi %add3A_481, %and3A_483 : vector<16xi32>
          %gather3A_485 = tpu.vector_load_idx %arg5[%get3A_173, %and3A_484] : memref<7x32xf32, #tpu.memory_space<vmem>>[vector<16xi32>, vector<16xi32>], vector<16xf32>,
          tpu.vector_store_idx %arg11[%add3A_190, %and3A_484], %gather3A_485 : memref<320x32xf32, #tpu.memory_space<vmem>>[vector<16xi32>, vector<16xi32>], vector<16xf32>,
          %gather3A_486 = tpu.vector_load_idx %arg5[%get3A_177, %and3A_484] : memref<7x32xf32, #tpu.memory_space<vmem>>[vector<16xi32>, vector<16xi32>], vector<16xf32>,
          tpu.vector_store_idx %arg11[%add3A_195, %and3A_484], %gather3A_486 : memref<320x32xf32, #tpu.memory_space<vmem>>[vector<16xi32>, vector<16xi32>], vector<16xf32>,
          %gather3A_487 = tpu.vector_load_idx %arg5[%get3A_181, %and3A_484] : memref<7x32xf32, #tpu.memory_space<vmem>>[vector<16xi32>, vector<16xi32>], vector<16xf32>,
          tpu.vector_store_idx %arg11[%add3A_200, %and3A_484], %gather3A_487 : memref<320x32xf32, #tpu.memory_space<vmem>>[vector<16xi32>, vector<16xi32>], vector<16xf32>,
          %gather3A_488 = tpu.vector_load_idx %arg5[%get3A_185, %and3A_484] : memref<7x32xf32, #tpu.memory_space<vmem>>[vector<16xi32>, vector<16xi32>], vector<16xf32>,
          tpu.vector_store_idx %arg11[%add3A_205, %and3A_484], %gather3A_488 : memref<320x32xf32, #tpu.memory_space<vmem>>[vector<16xi32>, vector<16xi32>], vector<16xf32>,
          %add3A_489 = arith.constant 1 : i32
          %add3A_490 = vector.broadcast %add3A_489 : i32 to vector<16xi32>
          %add3A_491 = arith.addi %and3A_484, %add3A_490 : vector<16xi32>
          %and3A_492 = arith.constant 31 : i32
          %and3A_493 = vector.broadcast %and3A_492 : i32 to vector<16xi32>
          %and3A_494 = arith.andi %add3A_491, %and3A_493 : vector<16xi32>
          %gather3A_495 = tpu.vector_load_idx %arg5[%get3A_173, %and3A_494] : memref<7x32xf32, #tpu.memory_space<vmem>>[vector<16xi32>, vector<16xi32>], vector<16xf32>,
          tpu.vector_store_idx %arg11[%add3A_190, %and3A_494], %gather3A_495 : memref<320x32xf32, #tpu.memory_space<vmem>>[vector<16xi32>, vector<16xi32>], vector<16xf32>,
          %gather3A_496 = tpu.vector_load_idx %arg5[%get3A_177, %and3A_494] : memref<7x32xf32, #tpu.memory_space<vmem>>[vector<16xi32>, vector<16xi32>], vector<16xf32>,
          tpu.vector_store_idx %arg11[%add3A_195, %and3A_494], %gather3A_496 : memref<320x32xf32, #tpu.memory_space<vmem>>[vector<16xi32>, vector<16xi32>], vector<16xf32>,
          %gather3A_497 = tpu.vector_load_idx %arg5[%get3A_181, %and3A_494] : memref<7x32xf32, #tpu.memory_space<vmem>>[vector<16xi32>, vector<16xi32>], vector<16xf32>,
          tpu.vector_store_idx %arg11[%add3A_200, %and3A_494], %gather3A_497 : memref<320x32xf32, #tpu.memory_space<vmem>>[vector<16xi32>, vector<16xi32>], vector<16xf32>,
          %gather3A_498 = tpu.vector_load_idx %arg5[%get3A_185, %and3A_494] : memref<7x32xf32, #tpu.memory_space<vmem>>[vector<16xi32>, vector<16xi32>], vector<16xf32>,
          tpu.vector_store_idx %arg11[%add3A_205, %and3A_494], %gather3A_498 : memref<320x32xf32, #tpu.memory_space<vmem>>[vector<16xi32>, vector<16xi32>], vector<16xf32>,
          %add3A_499 = arith.constant 1 : i32
          %add3A_500 = vector.broadcast %add3A_499 : i32 to vector<16xi32>
          %add3A_501 = arith.addi %and3A_494, %add3A_500 : vector<16xi32>
          %and3A_502 = arith.constant 31 : i32
          %and3A_503 = vector.broadcast %and3A_502 : i32 to vector<16xi32>
          %and3A_504 = arith.andi %add3A_501, %and3A_503 : vector<16xi32>
          %gather3A_505 = tpu.vector_load_idx %arg5[%get3A_173, %and3A_504] : memref<7x32xf32, #tpu.memory_space<vmem>>[vector<16xi32>, vector<16xi32>], vector<16xf32>,
          tpu.vector_store_idx %arg11[%add3A_190, %and3A_504], %gather3A_505 : memref<320x32xf32, #tpu.memory_space<vmem>>[vector<16xi32>, vector<16xi32>], vector<16xf32>,
          %gather3A_506 = tpu.vector_load_idx %arg5[%get3A_177, %and3A_504] : memref<7x32xf32, #tpu.memory_space<vmem>>[vector<16xi32>, vector<16xi32>], vector<16xf32>,
          tpu.vector_store_idx %arg11[%add3A_195, %and3A_504], %gather3A_506 : memref<320x32xf32, #tpu.memory_space<vmem>>[vector<16xi32>, vector<16xi32>], vector<16xf32>,
          %gather3A_507 = tpu.vector_load_idx %arg5[%get3A_181, %and3A_504] : memref<7x32xf32, #tpu.memory_space<vmem>>[vector<16xi32>, vector<16xi32>], vector<16xf32>,
          tpu.vector_store_idx %arg11[%add3A_200, %and3A_504], %gather3A_507 : memref<320x32xf32, #tpu.memory_space<vmem>>[vector<16xi32>, vector<16xi32>], vector<16xf32>,
          %gather3A_508 = tpu.vector_load_idx %arg5[%get3A_185, %and3A_504] : memref<7x32xf32, #tpu.memory_space<vmem>>[vector<16xi32>, vector<16xi32>], vector<16xf32>,
          tpu.vector_store_idx %arg11[%add3A_205, %and3A_504], %gather3A_508 : memref<320x32xf32, #tpu.memory_space<vmem>>[vector<16xi32>, vector<16xi32>], vector<16xf32>,
          %add3A_509 = arith.constant 1 : i32
          %add3A_510 = vector.broadcast %add3A_509 : i32 to vector<16xi32>
          %add3A_511 = arith.addi %and3A_504, %add3A_510 : vector<16xi32>
          %and3A_512 = arith.constant 31 : i32
          %and3A_513 = vector.broadcast %and3A_512 : i32 to vector<16xi32>
          %and3A_514 = arith.andi %add3A_511, %and3A_513 : vector<16xi32>
          %gather3A_515 = tpu.vector_load_idx %arg5[%get3A_173, %and3A_514] : memref<7x32xf32, #tpu.memory_space<vmem>>[vector<16xi32>, vector<16xi32>], vector<16xf32>,
          tpu.vector_store_idx %arg11[%add3A_190, %and3A_514], %gather3A_515 : memref<320x32xf32, #tpu.memory_space<vmem>>[vector<16xi32>, vector<16xi32>], vector<16xf32>,
          %gather3A_516 = tpu.vector_load_idx %arg5[%get3A_177, %and3A_514] : memref<7x32xf32, #tpu.memory_space<vmem>>[vector<16xi32>, vector<16xi32>], vector<16xf32>,
          tpu.vector_store_idx %arg11[%add3A_195, %and3A_514], %gather3A_516 : memref<320x32xf32, #tpu.memory_space<vmem>>[vector<16xi32>, vector<16xi32>], vector<16xf32>,
          %gather3A_517 = tpu.vector_load_idx %arg5[%get3A_181, %and3A_514] : memref<7x32xf32, #tpu.memory_space<vmem>>[vector<16xi32>, vector<16xi32>], vector<16xf32>,
          tpu.vector_store_idx %arg11[%add3A_200, %and3A_514], %gather3A_517 : memref<320x32xf32, #tpu.memory_space<vmem>>[vector<16xi32>, vector<16xi32>], vector<16xf32>,
          %gather3A_518 = tpu.vector_load_idx %arg5[%get3A_185, %and3A_514] : memref<7x32xf32, #tpu.memory_space<vmem>>[vector<16xi32>, vector<16xi32>], vector<16xf32>,
          tpu.vector_store_idx %arg11[%add3A_205, %and3A_514], %gather3A_518 : memref<320x32xf32, #tpu.memory_space<vmem>>[vector<16xi32>, vector<16xi32>], vector<16xf32>,
          %add3A_519 = arith.constant 1 : i32
          %add3A_520 = vector.broadcast %add3A_519 : i32 to vector<16xi32>
          %add3A_521 = arith.addi %and3A_514, %add3A_520 : vector<16xi32>
          %and3A_522 = arith.constant 31 : i32
          %and3A_523 = vector.broadcast %and3A_522 : i32 to vector<16xi32>
          %and3A_524 = arith.andi %add3A_521, %and3A_523 : vector<16xi32>
        }
        %scan3A_149 = arith.constant 5 : i32
        %mul3A_150 = arith.constant 32 : i32
        %mul3A_151 = arith.muli %mul3A_150, %add3A_129 : i32
        %add3A_152 = arith.addi %add3A, %mul3A_151 : i32
        %mul3A_153 = arith.constant 320 : i32
        %mul3A_154 = arith.muli %add3A_152, %mul3A_153 : i32
        %dma_start3A = arith.constant 0 : i32
        %dma_start3A_155 = tpu.memref_slice %arg4[%mul3A_154, %dma_start3A] : memref<1600000x32xf32, #tpu.memory_space<hbm>> -> memref<320x32xf32, #tpu.memory_space<hbm>>
        %dma_start3A_156 = arith.constant 0 : i32
        %dma_start3A_157 = tpu.memref_slice %arg4[%mul3A_154, %dma_start3A_156] : memref<1600000x32xf32, #tpu.memory_space<hbm>> -> memref<320x32xf32, #tpu.memory_space<hbm>>
        tpu.enqueue_dma source(%arg11 : memref<320x32xf32, #tpu.memory_space<vmem>>) target(%dma_start3A_157 : memref<320x32xf32, #tpu.memory_space<hbm>>) target_semaphore(%arg17 : memref<!tpu.dma_semaphore, #tpu.memory_space<semaphore_mem>>)
        %add3A_158 = arith.constant 3 : i32
        %add3A_159 = arith.addi %add3A_129, %add3A_158 : i32
        %lt3A_160 = arith.cmpi slt, %add3A_159, %add3A_4 : i32
        %convert_element_type3A_161 = arith.extui %lt3A_160 : i1 to i32
        %cond3A_162 = arith.constant 0 : i32
        %cond3A_163 = arith.cmpi ne, %convert_element_type3A_161, %cond3A_162 : i32
        scf.if %cond3A_163 {
          %add3A_164 = arith.constant 3 : i32
          %add3A_165 = arith.addi %add3A_129, %add3A_164 : i32
          %mul3A_166 = arith.constant 32 : i32
          %mul3A_167 = arith.muli %mul3A_166, %add3A_165 : i32
          %add3A_168 = arith.addi %add3A, %mul3A_167 : i32
          %mul3A_169 = arith.constant 320 : i32
          %mul3A_170 = arith.muli %add3A_168, %mul3A_169 : i32
          %dma_start3A_171 = tpu.memref_slice %arg3[%mul3A_170] : memref<1600000xi32, #tpu.memory_space<hbm>> -> memref<320xi32, #tpu.memory_space<hbm>>
          %dma_start3A_172 = tpu.memref_slice %arg3[%mul3A_170] : memref<1600000xi32, #tpu.memory_space<hbm>> -> memref<320xi32, #tpu.memory_space<hbm>>
          tpu.enqueue_dma source(%dma_start3A_172 : memref<320xi32, #tpu.memory_space<hbm>>) target(%arg8 : memref<320xi32, #tpu.memory_space<vmem>>) target_semaphore(%arg14 : memref<!tpu.dma_semaphore, #tpu.memory_space<semaphore_mem>>)
        } else {
        }
      } else {
      }
    }
    %scan3A_20 = arith.constant 53 : i32
    %sub3A = arith.constant 1 : i32
    %sub3A_21 = arith.subi %add3A_4, %sub3A : i32
    %sub3A_22 = arith.constant 1 : i32
    %sub3A_23 = arith.subi %add3A_4, %sub3A_22 : i32
    %sub3A_24 = arith.constant 0 : i32
    %sub3A_25 = arith.subi %sub3A_23, %sub3A_24 : i32
    %jit3A_26 = arith.constant 3 : i32
    %eq3A = arith.constant 0 : i32
    %eq3A_27 = arith.cmpi eq, %jit3A_26, %eq3A : i32
    %jit3A_28 = arith.constant 1 : i32
    %select_n3A_29 = arith.select %eq3A_27, %jit3A_28, %jit3A_26 : i32
    %rem3A = arith.remsi %sub3A_25, %select_n3A_29 : i32
    %ne3A = arith.constant 0 : i32
    %ne3A_30 = arith.cmpi ne, %rem3A, %ne3A : i32
    %lt3A_31 = arith.constant 0 : i32
    %lt3A_32 = arith.cmpi slt, %rem3A, %lt3A_31 : i32
    %lt3A_33 = arith.constant 0 : i32
    %lt3A_34 = arith.cmpi slt, %select_n3A_29, %lt3A_33 : i32
    %ne3A_35 = arith.xori %lt3A_32, %lt3A_34 : i1
    %and3A = arith.andi %ne3A_35, %ne3A_30 : i1
    %add3A_36 = arith.addi %rem3A, %select_n3A_29 : i32
    %select_n3A_37 = arith.select %and3A, %add3A_36, %rem3A : i32
    %sub3A_38 = arith.subi %sub3A_21, %select_n3A_37 : i32
    %mul3A_39 = arith.constant 32 : i32
    %mul3A_40 = arith.muli %mul3A_39, %sub3A_38 : i32
    %add3A_41 = arith.addi %add3A, %mul3A_40 : i32
    %mul3A_42 = arith.constant 320 : i32
    %mul3A_43 = arith.muli %add3A_41, %mul3A_42 : i32
    %dma_wait3A = arith.constant 0 : i32
    %dma_wait3A_44 = tpu.memref_slice %arg4[%mul3A_43, %dma_wait3A] : memref<1600000x32xf32, #tpu.memory_space<hbm>> -> memref<320x32xf32, #tpu.memory_space<hbm>>
    %dma_wait3A_45 = arith.constant 0 : i32
    %dma_wait3A_46 = tpu.memref_slice %arg4[%mul3A_43, %dma_wait3A_45] : memref<1600000x32xf32, #tpu.memory_space<hbm>> -> memref<320x32xf32, #tpu.memory_space<hbm>>
    tpu.wait_dma2 semaphore(%arg15 : memref<!tpu.dma_semaphore, #tpu.memory_space<semaphore_mem>>) src(%arg9 : memref<320x32xf32, #tpu.memory_space<vmem>>) dst(%dma_wait3A_46 : memref<320x32xf32, #tpu.memory_space<hbm>>)
    %sub3A_47 = arith.constant 1 : i32
    %sub3A_48 = arith.subi %add3A_4, %sub3A_47 : i32
    %sub3A_49 = arith.constant 1 : i32
    %sub3A_50 = arith.subi %add3A_4, %sub3A_49 : i32
    %sub3A_51 = arith.constant 1 : i32
    %sub3A_52 = arith.subi %sub3A_50, %sub3A_51 : i32
    %jit3A_53 = arith.constant 3 : i32
    %eq3A_54 = arith.constant 0 : i32
    %eq3A_55 = arith.cmpi eq, %jit3A_53, %eq3A_54 : i32
    %jit3A_56 = arith.constant 1 : i32
    %select_n3A_57 = arith.select %eq3A_55, %jit3A_56, %jit3A_53 : i32
    %rem3A_58 = arith.remsi %sub3A_52, %select_n3A_57 : i32
    %ne3A_59 = arith.constant 0 : i32
    %ne3A_60 = arith.cmpi ne, %rem3A_58, %ne3A_59 : i32
    %lt3A_61 = arith.constant 0 : i32
    %lt3A_62 = arith.cmpi slt, %rem3A_58, %lt3A_61 : i32
    %lt3A_63 = arith.constant 0 : i32
    %lt3A_64 = arith.cmpi slt, %select_n3A_57, %lt3A_63 : i32
    %ne3A_65 = arith.xori %lt3A_62, %lt3A_64 : i1
    %and3A_66 = arith.andi %ne3A_65, %ne3A_60 : i1
    %add3A_67 = arith.addi %rem3A_58, %select_n3A_57 : i32
    %select_n3A_68 = arith.select %and3A_66, %add3A_67, %rem3A_58 : i32
    %sub3A_69 = arith.subi %sub3A_48, %select_n3A_68 : i32
    %mul3A_70 = arith.constant 32 : i32
    %mul3A_71 = arith.muli %mul3A_70, %sub3A_69 : i32
    %add3A_72 = arith.addi %add3A, %mul3A_71 : i32
    %mul3A_73 = arith.constant 320 : i32
    %mul3A_74 = arith.muli %add3A_72, %mul3A_73 : i32
    %dma_wait3A_75 = arith.constant 0 : i32
    %dma_wait3A_76 = tpu.memref_slice %arg4[%mul3A_74, %dma_wait3A_75] : memref<1600000x32xf32, #tpu.memory_space<hbm>> -> memref<320x32xf32, #tpu.memory_space<hbm>>
    %dma_wait3A_77 = arith.constant 0 : i32
    %dma_wait3A_78 = tpu.memref_slice %arg4[%mul3A_74, %dma_wait3A_77] : memref<1600000x32xf32, #tpu.memory_space<hbm>> -> memref<320x32xf32, #tpu.memory_space<hbm>>
    tpu.wait_dma2 semaphore(%arg16 : memref<!tpu.dma_semaphore, #tpu.memory_space<semaphore_mem>>) src(%arg10 : memref<320x32xf32, #tpu.memory_space<vmem>>) dst(%dma_wait3A_78 : memref<320x32xf32, #tpu.memory_space<hbm>>)
    %sub3A_79 = arith.constant 1 : i32
    %sub3A_80 = arith.subi %add3A_4, %sub3A_79 : i32
    %sub3A_81 = arith.constant 1 : i32
    %sub3A_82 = arith.subi %add3A_4, %sub3A_81 : i32
    %sub3A_83 = arith.constant 2 : i32
    %sub3A_84 = arith.subi %sub3A_82, %sub3A_83 : i32
    %jit3A_85 = arith.constant 3 : i32
    %eq3A_86 = arith.constant 0 : i32
    %eq3A_87 = arith.cmpi eq, %jit3A_85, %eq3A_86 : i32
    %jit3A_88 = arith.constant 1 : i32
    %select_n3A_89 = arith.select %eq3A_87, %jit3A_88, %jit3A_85 : i32
    %rem3A_90 = arith.remsi %sub3A_84, %select_n3A_89 : i32
    %ne3A_91 = arith.constant 0 : i32
    %ne3A_92 = arith.cmpi ne, %rem3A_90, %ne3A_91 : i32
    %lt3A_93 = arith.constant 0 : i32
    %lt3A_94 = arith.cmpi slt, %rem3A_90, %lt3A_93 : i32
    %lt3A_95 = arith.constant 0 : i32
    %lt3A_96 = arith.cmpi slt, %select_n3A_89, %lt3A_95 : i32
    %ne3A_97 = arith.xori %lt3A_94, %lt3A_96 : i1
    %and3A_98 = arith.andi %ne3A_97, %ne3A_92 : i1
    %add3A_99 = arith.addi %rem3A_90, %select_n3A_89 : i32
    %select_n3A_100 = arith.select %and3A_98, %add3A_99, %rem3A_90 : i32
    %sub3A_101 = arith.subi %sub3A_80, %select_n3A_100 : i32
    %mul3A_102 = arith.constant 32 : i32
    %mul3A_103 = arith.muli %mul3A_102, %sub3A_101 : i32
    %add3A_104 = arith.addi %add3A, %mul3A_103 : i32
    %mul3A_105 = arith.constant 320 : i32
    %mul3A_106 = arith.muli %add3A_104, %mul3A_105 : i32
    %dma_wait3A_107 = arith.constant 0 : i32
    %dma_wait3A_108 = tpu.memref_slice %arg4[%mul3A_106, %dma_wait3A_107] : memref<1600000x32xf32, #tpu.memory_space<hbm>> -> memref<320x32xf32, #tpu.memory_space<hbm>>
    %dma_wait3A_109 = arith.constant 0 : i32
    %dma_wait3A_110 = tpu.memref_slice %arg4[%mul3A_106, %dma_wait3A_109] : memref<1600000x32xf32, #tpu.memory_space<hbm>> -> memref<320x32xf32, #tpu.memory_space<hbm>>
    tpu.wait_dma2 semaphore(%arg17 : memref<!tpu.dma_semaphore, #tpu.memory_space<semaphore_mem>>) src(%arg11 : memref<320x32xf32, #tpu.memory_space<vmem>>) dst(%dma_wait3A_110 : memref<320x32xf32, #tpu.memory_space<hbm>>)
    return
  }
}

module attributes {stable_mosaic.version = 14 : i64} {
  func.func @_renorm_body(%arg0: memref<7x32xf32, #tpu.memory_space<vmem>>, %arg1: memref<7x32xf32, #tpu.memory_space<vmem>>) attributes {dimension_semantics = [], scalar_prefetch = 0 : i64, scratch_operands = 0 : i64, tpu.core_type = #tpu.core_type<tc>} {
    %get3A = arith.constant 0 : index
    %get3A_0 = arith.constant 0 : index
    %get3A_1 = vector.load %arg0[%get3A, %get3A_0] : memref<7x32xf32, #tpu.memory_space<vmem>>, vector<7x32xf32>
    %mul3A = arith.mulf %get3A_1, %get3A_1 : vector<7x32xf32>
    %reduce_sum3A = arith.constant dense<0.000000e+00> : vector<7xf32>
    %reduce_sum3A_2 = vector.multi_reduction <add>, %mul3A, %reduce_sum3A [1] : vector<7x32xf32> to vector<7xf32>
    %broadcast_in_dim3A = vector.shape_cast %reduce_sum3A_2 : vector<7xf32> to vector<7x1xf32>
    %sqrt3A = math.sqrt %broadcast_in_dim3A : vector<7x1xf32>
    %gt3A = arith.constant 1.000000e+01 : f32
    %gt3A_3 = vector.broadcast %gt3A : f32 to vector<7x1xf32>
    %gt3A_4 = arith.cmpf ogt, %sqrt3A, %gt3A_3 : vector<7x1xf32>
    %max3A = arith.constant 9.99999996E-13 : f32
    %max3A_5 = vector.broadcast %max3A : f32 to vector<7x1xf32>
    %max3A_6 = arith.maximumf %sqrt3A, %max3A_5 : vector<7x1xf32>
    %div3A = arith.constant 1.000000e+01 : f32
    %div3A_7 = vector.broadcast %div3A : f32 to vector<7x1xf32>
    %div3A_8 = arith.divf %div3A_7, %max3A_6 : vector<7x1xf32>
    %jit3A = arith.constant 1.000000e+00 : f32
    %broadcast_in_dim3A_9 = vector.broadcast %jit3A : f32 to vector<7x1xf32>
    %select_n3A = arith.select %gt3A_4, %div3A_8, %broadcast_in_dim3A_9 : vector<7x1xi1>, vector<7x1xf32>
    %mul3A_10 = vector.broadcast %select_n3A : vector<7x1xf32> to vector<7x32xf32>
    %mul3A_11 = arith.mulf %get3A_1, %mul3A_10 : vector<7x32xf32>
    %swap3A = arith.constant 0 : index
    %swap3A_12 = arith.constant 0 : index
    %swap3A_13 = vector.load %arg1[%swap3A, %swap3A_12] : memref<7x32xf32, #tpu.memory_space<vmem>>, vector<7x32xf32>
    tpu.vector_store %arg1[%swap3A, %swap3A_12], %mul3A_11 {strides = array<i32>} : memref<7x32xf32, #tpu.memory_space<vmem>>, vector<7x32xf32>,
    return
  }
}

</mosaic_0001>

<sc_bundles>
// kernel: kernel.4.cloned.1.call-start
scs
__scs_entry_jumppad:
0x0: {  	(pc) =	sbr.rel $0x88, $3  }
0x1: {  	(tag) =	ssettag $0x0;
	lr =	simm.s32 $0x1  }
0x2: {  	[smem:$0x3F9F] =	sst lr;
	_ =	strace $0xD0000000  }
0x3: {  	_ = 	snop  }
0x4: {  	_ = 	snop  }
0x5: {  	_ = 	snop  }
0x6: {  	_ = 	snop  }
0x7: {  	_ = 	snop  }
__scs_overlays_trampoline_lowered:
0x8: {  	[smem:$0x3FAE] =	sst s0  }
0x9: {  	[smem:$0x3FAF] =	sst s1  }
0xa: {  	[smem:$0x3FB0] =	sst s2  }
0xb: {  	[smem:$0x3FB1] =	sst s3  }
0xc: {  	[smem:$0x3FB2] =	sst s4  }
0xd: {  	[smem:$0x3FB3] =	sst s5  }
0xe: {  	[smem:$0x3FB4] =	sst s6  }
0xf: {  	[smem:$0x3FB5] =	sst s7  }
0x10: {  	[smem:$0x3FB6] =	sst s8  }
0x11: {  	[smem:$0x3FB7] =	sst s9;
	s0 =	simm.s32 @!p0 $0x0  }
0x12: {  	s1 =	sld [smem:$0x3F9D];
	s0 =	simm.s32 @p0 $0x1  }
0x13: {  	[smem:$0x3FB8] =	sst s0;
	s0 =	simm.s32 @!p1 $0x0  }
0x14: {  	s2 =	sld [smem:$0x3F9C];
	s0 =	simm.s32 @p1 $0x1  }
0x15: {  	[smem:$0x3FB9] =	sst s0;
	s0 =	simm.s32 @!p2 $0x0  }
0x16: {  	s3 =	sld [smem:$0x3FDB];
	s0 =	simm.s32 @p2 $0x1  }
0x17: {  	s4 =	simm.s32 $0x1BF5;
	[smem:$0x3FBB] =	sst s0  }
0x18: {  	s0 =	sld [smem:$0x3F9E];
	_ =	swait.ge [sflag:s4], $0x0  }
0x19: {  	s7 =	sld [smem:$0x3F9F]  }
0x1a: {  	s8 =	sadd.s32 $0xFFFFE003, lr  }
0x1b: {  	s9 =	sadd.s32 $0xFFFFFEF7, lr;
	s5 =	simm.s32 $0xFFFFFFFF;
	p2 =	slt.u32 s8, $0xFFFFF086  }
0x1c: {  	p1 =	slt.u32 s9, $0xF7A;
	s5 =	simm.s32 @!p2 $0x0  }
0x1d: {  	s5 =	simm.s32 @p1 $0x1;
	p0 =	seq.s32 s7, s2  }
0x1e: {  	s7 =	smul.u32 @!p0 $0xF7A, s2;
	p2 =	seq.s32 @!p0 s5, $0x0  }
0x1f: {  	s9 =	smul.u32 $0xF7A, s1;
	s8 =	simm.s32 @!p0 $0x1BF5;
	p2 =	por !p2, p0  }
0x20: {  	[sflag:s8] =	ssyncset.s32 @!p0 $0xFFFFF086;
	s6 =	sadd.s32 @!p0 s3, s7;
	s7 =	simm.s32 @!p0 $0x108  }
0x21: {  	s3 =	sadd.s32 s3, s9;
	s6 =	sadd.s32 @!p0 $0x88, s6;
	s7 =	simm.s32 @p2 $0x1082  }
0x22: {  	[simem:s7], [sflag:s8] =	dma.local @!p0 [hbm:s6], $0xF7A  }
0x23: {  	s9 =	sor.u32 $0xD0000000, s2;
	s6 =	simm.s32 $0x108;
	_ =	swait.ge @!p0 [sflag:s8], $0x0  }
0x24: {  	s3 =	sadd.s32 $0x88, s3;
	s6 =	simm.s32 @!p1 $0x1082;
	[sflag:s4] =	ssyncset.s32 $0xFFFFF086  }
0x25: {  	[simem:s6], [sflag:s4] =	dma.local [hbm:s3], $0xF7A  }
0x26: {  	[smem:$0x3F9F] =	sst s1;
	(tag) =	ssettag s2;
	_ =	strace s9  }
0x27: {  	s1 =	sld [smem:$0x3FAF]  }
0x28: {  	s2 =	sld [smem:$0x3FB0]  }
0x29: {  	s4 =	sld [smem:$0x3FB2]  }
0x2a: {  	p0 =	seq.s32 s5, $0x0;
	s5 =	sld [smem:$0x3FB3]  }
0x2b: {  	s6 =	sld [smem:$0x3FB4]  }
0x2c: {  	s7 =	sld [smem:$0x3FB5]  }
0x2d: {  	s3 =	simm.s32 $0x108;
	s8 =	sld [smem:$0x3FB6]  }
0x2e: {  	s3 =	simm.s32 @!p0 $0x1082;
	s9 =	sld [smem:$0x3FB7]  }
0x2f: {  	lr =	sadd.s32 s0, s3;
	s0 =	sld [smem:$0x3FAE]  }
0x30: {  	s3 =	sld [smem:$0x3FB1]  }
0x31: {  	[smem:$0x3FBA] =	sst s10  }
0x32: {  	s10 =	sld [smem:$0x3FB8];
	_ =	sdelay $0x3  }
0x33: {  	p0 =	seq.s32 s10, $0x1;
	s10 =	sld [smem:$0x3FBA];
	_ =	sdelay $0x3  }
0x34: {  	[smem:$0x3FBA] =	sst s10  }
0x35: {  	s10 =	sld [smem:$0x3FB9];
	_ =	sdelay $0x3  }
0x36: {  	p1 =	seq.s32 s10, $0x1;
	s10 =	sld [smem:$0x3FBA];
	_ =	sdelay $0x3  }
0x37: {  	[smem:$0x3FBA] =	sst s10  }
0x38: {  	s10 =	sld [smem:$0x3FBB]  }
0x39: {  	_ = 	snop;
	(pc) =	sbr.ind lr, $3  }
0x3a: {  	_ = 	snop  }
0x3b: {  	_ = 	snop  }
0x3c: {  	p2 =	seq.s32 s10, $0x1;
	s10 =	sld [smem:$0x3FBA]  }
0x3d: {  	_ =	shalt  }
0x3e: {  	_ =	shalt  }
0x3f: {  	_ =	shalt  }
0x40: {  	_ =	shalt  }
0x41: {  	_ =	shalt  }
0x42: {  	_ =	shalt  }
0x43: {  	_ =	shalt  }
0x44: {  	_ =	shalt  }
0x45: {  	_ =	shalt  }
0x46: {  	_ =	shalt  }
0x47: {  	_ =	shalt  }
0x48: {  	_ =	shalt  }
0x49: {  	_ =	shalt  }
0x4a: {  	_ =	shalt  }
0x4b: {  	_ =	shalt  }
0x4c: {  	_ =	shalt  }
0x4d: {  	_ =	shalt  }
0x4e: {  	_ =	shalt  }
0x4f: {  	_ =	shalt  }
0x50: {  	_ =	shalt  }
0x51: {  	_ =	shalt  }
0x52: {  	_ =	shalt  }
0x53: {  	_ =	shalt  }
0x54: {  	_ =	shalt  }
0x55: {  	_ =	shalt  }
0x56: {  	_ =	shalt  }
0x57: {  	_ =	shalt  }
0x58: {  	_ =	shalt  }
0x59: {  	_ =	shalt  }
0x5a: {  	_ =	shalt  }
0x5b: {  	_ =	shalt  }
0x5c: {  	_ =	shalt  }
0x5d: {  	_ =	shalt  }
0x5e: {  	_ =	shalt  }
0x5f: {  	_ =	shalt  }
0x60: {  	_ =	shalt  }
0x61: {  	_ =	shalt  }
0x62: {  	_ =	shalt  }
0x63: {  	_ =	shalt  }
0x64: {  	_ =	shalt  }
0x65: {  	_ =	shalt  }
0x66: {  	_ =	shalt  }
0x67: {  	_ =	shalt  }
0x68: {  	_ =	shalt  }
0x69: {  	_ =	shalt  }
0x6a: {  	_ =	shalt  }
0x6b: {  	_ =	shalt  }
0x6c: {  	_ =	shalt  }
0x6d: {  	_ =	shalt  }
0x6e: {  	_ =	shalt  }
0x6f: {  	_ =	shalt  }
0x70: {  	_ =	shalt  }
0x71: {  	_ =	shalt  }
0x72: {  	_ =	shalt  }
0x73: {  	_ =	shalt  }
0x74: {  	_ =	shalt  }
0x75: {  	_ =	shalt  }
0x76: {  	_ =	shalt  }
0x77: {  	_ =	shalt  }
0x78: {  	_ =	shalt  }
0x79: {  	_ =	shalt  }
0x7a: {  	_ =	shalt  }
0x7b: {  	_ =	shalt  }
0x7c: {  	_ =	shalt  }
0x7d: {  	_ =	shalt  }
0x7e: {  	_ =	shalt  }
0x7f: {  	_ =	shalt  }
0x80: {  	_ =	shalt  }
0x81: {  	_ =	shalt  }
0x82: {  	_ =	shalt  }
0x83: {  	_ =	shalt  }
0x84: {  	_ =	shalt  }
0x85: {  	_ =	shalt  }
0x86: {  	_ =	shalt  }
0x87: {  	_ =	shalt  }
.Lfunc_end0:
.L_simem_size_0:
called_computation_lowered:
.L_overlay_start_0:
0x88: {  	s2 =	sld [smem:$0x3FD9]  }
0x89: {  	s3 =	sld [smem:$0x3FFE];
	_ =	sdelay $0x1  }
0x8a: {  	s1 =	srdreg.scid  }
0x8b: {  	s0 =	sand.u32 $0x1, s1  }
0x8c: {  	s17 =	sshll.u32 s0, $0xA;
	s2 =	sadd.s32 s3, s2  }
0x8d: {  	s2 =	sadd.s32 s2, s17  }
0x8e: {  	[smem:$0x3FC6] =	sst s2  }
0x8f: {  	_ = 	snop  }
0x90: {  	s2 =	sld [smem:$0x3FC9]  }
0x91: {  	s18 =	sld [smem:$0x3FD0];
	(tm) =	ssettm $0x1  }
0x92: {  	s4 =	sld [smem:$0x3FFB];
	_ =	sdelay $0x3  }
0x93: {  	_ =	strace s4  }
0x94: {  	s4 =	sld [smem:$0x3FFC];
	_ =	sdelay $0x3  }
0x95: {  	_ =	strace s4  }
0x96: {  	s4 =	sld [smem:$0x3FFD];
	_ =	sdelay $0x3  }
0x97: {  	_ =	strace s4  }
0x98: {  	_ =	strace $0x8FFFFFFF  }
0x99: {  	s19 =	sld [smem:$0x3FDB];
	_ =	sdelay $0x1  }
0x9a: {  	s5 =	simm.s32 $_scs_section_size  }
0x9b: {  	s6 =	simm.s32 $_size__tile_overlayer_lowered;
	s7 =	simm.s32 $_tile_overlayer_lowered  }
0x9c: {  	s22 =	simm.s32 $0x1BFF;
	s21 =	sshll.u32 s7, $0x1;
	s4 =	sadd.s32 s5, s19  }
0x9d: {  	s8 =	simm.s32 $0x0;
	s20 =	sshll.u32 s6, $0x1;
	s6 =	sadd.s32 s21, s4  }
0x9e: {  	[timem:s8], [sflag:s22] =	dma.local [hbm:s6], s20  }
0x9f: {  	_ =	swait.ge [sflag:s22], s20  }
0xa0: {  	s5 =	ssub.s32 $0x0, s20;
	[sflag:s22] =	ssyncset.done $0x0  }
0xa1: {  	[sflag:s22] =	ssyncadd.s32 s5;
	_ =	sdelay $0x1  }
0xa2: {  	s23 =	simm.s32 $0x1B8B  }
0xa3: {  	_ =	swait.ge [sflag:s23], $0x1  }
0xa4: {  	[sflag:s23] =	ssyncset.done $0x0  }
0xa5: {  	s25 =	simm.s32 $0x1B8E;
	s24 =	sld [smem:$0x3FFE];
	[sflag:s23] =	ssyncadd.s32 $0xFFFFFFFF  }
0xa6: {  	s26 =	simm.s32 $execute0_lowered;
	[smem:$0x3FD2] =	sst s25  }
0xa7: {  	s6 =	sshll.u32 s26, $0x1;
	_ =	strace $0x80000046;
	[dreg:$0x1] =	wrdreg $0xFFFFFFFF  }
0xa8: {  	s28 =	simm.s32 $_size_execute0_lowered;
	s4 =	sadd.s32 s4, s6;
	[dreg:$0x0] =	wrdreg $0x0  }
0xa9: {  	s6 =	sshll.u32 s28, $0x1;
	[dreg:$0x2] =	wrdreg s4  }
0xaa: {  	[dreg:$0x3] =	wrdreg s6  }
0xab: {  	[dreg:$0x4] =	wrdreg $0xC0  }
0xac: {  	_ =	task [dreg:s8], $0x5FFFF  }
0xad: {  	[dreg:$0x1] =	wrdreg $0xFFFFFFFF  }
0xae: {  	[dreg:$0x0] =	wrdreg $0x60  }
0xaf: {  	[dreg:$0x2] =	wrdreg s18  }
0xb0: {  	[dreg:$0x3] =	wrdreg s2  }
0xb1: {  	[dreg:$0x4] =	wrdreg s24  }
0xb2: {  	[dreg:$0x5] =	wrdreg $0x9  }
0xb3: {  	_ =	task.clear_ibuf [dreg:s8], $0x6FFFF;
	_ =	strace $0x90000046  }
0xb4: {  	s29 =	simm.s32 $0x9;
	_ =	strace $0x80000048  }
0xb5: {  	_ =	swait.ge [sflag:s29], $0x1  }
0xb6: {  	[sflag:s29] =	ssyncadd.s32 $0xFFFFFFFF  }
0xb7: {  	_ =	strace $0x90000048  }
0xb8: {  	_ =	sfence  }
0xb9: {  	s30 =	sld [smem:$0x0];
	_ =	sdelay $0x2  }
0xba: {  	s31 =	sshll.u32 s1, $0xD;
	s1 =	sshrl.u32 s1, $0x2  }
0xbb: {  	s3 =	sand.u32 $0x4000, s31;
	s1 =	sadd.s32 s1, s30  }
0xbc: {  	s0 =	sor.u32 s3, s0;
	s1 =	sshll.u32 s1, $0x11  }
0xbd: {  	s0 =	sor.u32 s1, s0  }
0xbe: {  	s0 =	sadd.s32 $0x8F2B, s0  }
0xbf: {  	[sflag:s0] =	ssyncadd.remote.s32 $0x1  }
0xc0: {  	_ =	sfence.sel $0xFFFF  }
0xc1: {  	[dreg:$0x0] =	wrdreg $0xFFFFFFFF;
	(pc) =	sbr.abs _section_cstart, $3  }
0xc2: {  	[dreg:$0x1] =	wrdreg $0xFFFFFFFF  }
0xc3: {  	_ =	task.clear_ibuf [dreg:s8], $0x2FFFF;
	_ =	strace $0x9FFFFFFF  }
0xc4: {  	(tm) =	ssettm $0x7FFFFFFF  }
0xc5: {  	_ =	shalt  }
tec
execute0_lowered:
.L_overlay_start_1:
0x0: {  	(tag) =	ssettag $0x1  }
0x1: {  	v0 =	vlaneseq.u32;
	v20 =	vimm.s32 $0x14131211;
	v21 =	vimm.s32 $0x18171615  }
0x2: {  	v22 =	vimm.s32 $0x1C1B1A19;
	v24 =	vimm.s32 $0x19181716;
	vm0 =	vcmask $0x1F10  }
0x3: {  	v25 =	vimm.s32 $0x1D1C1B1A;
	v27 =	vimm.s32 $0x16151413;
	v29 =	vimm.s32 $0x1A191817  }
0x4: {  	v32 =	vimm.s32 $0x201001F;
	v33 =	vimm.s32 $0x3020100;
	v34 =	vimm.s32 $0x1F1E1D1C  }
0x5: {  	v35 =	vimm.s32 $0x17161514;
	v36 =	vimm.s32 $0x1B1A1918;
	v48 =	vimm.s32 $0x4030201  }
0x6: {  	v50 =	vimm.s32 $0x5040302;
	v41 =	vimm.s32 $0x6050403;
	v51 =	vimm.s32 $0x87654321  }
0x7: {  	v52 =	vimm.s32 $0x98765432;
	v53 =	vimm.s32 $0xA9876543;
	v54 =	vimm.s32 $0x32107654  }
0x8: {  	v57 =	vimm.s32 $0x43218765;
	v58 =	vimm.s32 $0x54329876;
	v59 =	vimm.s32 $0x6543A987  }
0x9: {  	vm15 =	vcmask $0x2F10;
	v60 =	vimm.s32 $0xB0A0908;
	vm1 =	vcmask $0x3F30  }
0xa: {  	v61 =	vimm.s32 $0xE0D0C0B;
	v1 =	vmul.u32 $0x80, v0;
	v2 =	vor.u32 $0x10, v0  }
0xb: {  	v6 =	vadd.s32 $0x1, v0;
	v7 =	vadd.s32 $0x2, v0;
	v8 =	vadd.s32 $0x3, v0  }
0xc: {  	v9 =	vadd.s32 $0x4, v0;
	v10 =	vadd.s32 $0x5, v0;
	v11 =	vadd.s32 $0x6, v0  }
0xd: {  	v12 =	vadd.s32 $0x7, v0;
	v13 =	vadd.s32 $0x8, v0;
	v14 =	vadd.s32 $0x9, v0  }
0xe: {  	v15 =	vadd.s32 $0xA, v0;
	v16 =	vadd.s32 $0xB, v0;
	v17 =	vadd.s32 $0xC, v0  }
0xf: {  	v18 =	vadd.s32 $0xD, v0;
	v19 =	vadd.s32 $0xE, v0;
	v20 =	vunpack.c.0.s8.s32 v20  }
0x10: {  	v23 =	vunpack.c.0.s8.s32 v21;
	v22 =	vunpack.c.0.s8.s32 v22;
	v21 =	vimm.s32 $0x1F1E1D  }
0x11: {  	v24 =	vunpack.c.0.s8.s32 v24;
	v25 =	vunpack.c.0.s8.s32 v25;
	v32 =	vunpack.c.0.s8.s32 v32  }
0x12: {  	v33 =	vunpack.c.0.s8.s32 v33;
	v34 =	vunpack.c.0.s8.s32 v34;
	v35 =	vunpack.c.0.s8.s32 v35  }
0x13: {  	v36 =	vunpack.c.0.s8.s32 v36;
	v30 =	vunpack.c.0.s8.s32 v21;
	v21 =	vimm.s32 $0x15141312  }
0x14: {  	v49 =	vunpack.c.0.s8.s32 v48;
	v55 =	vunpack.c.l.s4.s8 v54;
	v21 =	vunpack.c.0.s8.s32 v21  }
0x15: {  	v42 =	vunpack.c.0.s8.s32 v61;
	v3 =	vor.u32 $0x1800, v1;
	v20 =	vsel vm0, v23, v20  }
0x16: {  	v47 =	vsel vm0, v36, v35;
	v26 =	vsel vm0, v24, v21;
	v21 =	vimm.s32 $0x1001F1E  }
0x17: {  	v40 =	vsel vm0, v22, v23;
	v35 =	vunpack.c.0.s8.s32 v50;
	v31 =	vunpack.c.0.s8.s32 v21  }
0x18: {  	v21 =	vunpack.c.0.s8.s32 v27;
	v27 =	vunpack.c.0.s8.s32 v29;
	v29 =	vimm.s32 $0x1E1D1C1B  }
0x19: {  	v28 =	vsel vm0, v30, v22;
	v29 =	vunpack.c.0.s8.s32 v29;
	v37 =	vsel vm0, v31, v25  }
0x1a: {  	v38 =	vsel vm0, v27, v21;
	v21 =	vsel vm0, v33, v34;
	v33 =	vsel vm0, v49, v30  }
0x1b: {  	v35 =	vsel vm0, v35, v31;
	v25 =	vsel vm0, v25, v24;
	v39 =	vsel vm0, v32, v29  }
0x1c: {  	v22 =	vcombine.low v26, v37;
	v26 =	vunpack.c.0.s8.s32 v41;
	v24 =	vcombine.low v40, v33  }
0x1d: {  	s0 =	rddreg [dreg:$0x0];
	v27 =	vsel vm0, v29, v27;
	v29 =	vimm.s32 $0x76543210;
	v33 =	vunpack.c.l.s4.s8 v51  }
0x1e: {  	s1 =	rddreg [dreg:$0x1];
	v25 =	vcombine.low v25, v35;
	v29 =	vunpack.c.l.s4.s8 v29;
	v26 =	vsel vm0, v26, v32  }
0x1f: {  	s6 =	rddreg [dreg:$0x2];
	v35 =	vunpack.c.l.s4.s8 v52;
	v33 =	vunpack.c.0.s8.s32 v33;
	v26 =	vcombine.low v27, v26  }
0x20: {  	s2 =	rddreg [dreg:$0x3];
	v27 =	vsel vm0, v34, v36;
	v29 =	vunpack.c.0.s8.s32 v29;
	v36 =	vunpack.c.l.s4.s8 v53  }
0x21: {  	s5 =	srdreg.scid;
	s3 =	stileid.u32;
	v4 =	vor.u32 $0x1000, v1;
	v20 =	vcombine.low v20, v28;
	v35 =	vunpack.c.0.s8.s32 v35  }
0x22: {  	s4 =	simm.s32 $0x0;
	s13 =	simm.s32 $0x400;
	s14 =	simm.s32 $0x580;
	v27 =	vcombine.low v27, v29;
	v29 =	vand.u32 $0xF, v33;
	v56 =	vunpack.c.0.s8.s32 v36  }
0x23: {  	s15 =	simm.s32 $0x700;
	s16 =	simm.s32 $0x1;
	s17 =	simm.s32 $0x880;
	v36 =	vunpack.c.l.s4.s8 v57;
	v28 =	vcombine.low v28, v29;
	v29 =	vand.u32 $0xF, v35  }
0x24: {  	s18 =	simm.s32 $0x2;
	s19 =	simm.s32 $0xA880;
	s20 =	simm.s32 $0x3;
	v23 =	vcombine.low v38, v39;
	v29 =	vcombine.low v37, v29;
	v37 =	vunpack.c.l.s4.s8 v58  }
0x25: {  	s21 =	simm.s32 $0x14880;
	s22 =	simm.s32 $0x4;
	s23 =	simm.s32 $0x5;
	v38 =	vunpack.c.l.s4.s8 v59;
	v33 =	vunpack.c.0.s8.s32 v55;
	v36 =	vunpack.c.0.s8.s32 v36  }
0x26: {  	s24 =	simm.s32 $0x6;
	s7 =	sand.u32 $0x1, s5;
	s30 =	sshll.u32 s3, $0x1;
	v5 =	vor.u32 $0x800, v1;
	v21 =	vcombine.low v47, v21;
	v37 =	vunpack.c.0.s8.s32 v37  }
0x27: {  	s25 =	simm.s32 $0x0;
	[smem:$0x7FF] =	sst s4;
	s5 =	sor.u32 s7, s30;
	v38 =	vunpack.c.0.s8.s32 v38;
	v33 =	vand.u32 $0xF, v33;
	v36 =	vand.u32 $0xF, v36  }
0x28: {  	s6 =	sadd.s32 $0x800, s6;
	p0 =	slt.u32 s3, $0x4;
	s9 =	smul.u32 $0x140, s5;
	v33 =	vsel vm15, v33, v34;
	v36 =	vsel vm15, v36, v30;
	v30 =	vand.u32 $0xF, v37  }
.Ltmp0:
0x29: {  	_ =	strace $0x80000047;
	s8 =	ssub.s32 $0x2, s7;
	v34 =	vunpack.c.0.s8.s32 v60;
	v37 =	vsel vm15, v30, v31;
	v31 =	vand.u32 $0xF, v38;
	(pc) =	sbr.rel .LBB2_1-.Ltmp0, $4  }
0x2a: {  	s7 =	simm.s32 $0x9D;
	s10 =	sshrl.u32 s8, $0x1;
	s11 =	smul.u32 $0x28, s5;
	v30 =	vimm.s32 $0xC0B0A09;
	v38 =	vsel vm15, v31, v32;
	v31 =	vimm.s32 $0xD0C0B0A  }
0x2b: {  	s7 =	simm.s32 @!p0 $0x9C;
	s12 =	ssub.s32 s8, s10;
	s9 =	sshrl.u32 s9, $0x3;
	v35 =	vand.u32 $0xF, v56;
	v62 =	vunpack.c.0.s8.s32 v30;
	v63 =	vunpack.c.0.s8.s32 v31  }
0x2c: {  	s8 =	sadd.s32 s1, s11;
	s11 =	smax.u32 s12, $0x1;
	s31 =	sadd.s32 s1, s9;
	v30 =	vcombine.low v39, v35;
	v32 =	vsel vm1, v34, v33;
	v31 =	vadd.s32 $0xF, v0  }
0x2d: {  	s12 =	simm.s32 $0x7;
	s9 =	sadd.s32 $0x500, s31;
	s10 =	sadd.s32 $0xA00, s31;
	v35 =	vsel vm1, v42, v38;
	v33 =	vsel vm1, v62, v36;
	v34 =	vsel vm1, v63, v37  }
.LBB2_15:
0x2e: {  	_ =	swait.ge [sflag:s22], $0xA000  }
0x2f: {  	[sflag:s22] =	ssyncset.done $0x0  }
0x30: {  	s25 =	sadd.s32 $0x1, s25;
	[sflag:s22] =	ssyncadd.s32 $0xFFFF6000  }
0x31: {  	p0 =	sne.s32 s25, s11;
	_ =	swait.ge [sflag:s23], $0xA000  }
.Ltmp1:
0x32: {  	[sflag:s23] =	ssyncset.done $0x0;
	(pc) =	sbr.rel @!p0 .LBB2_16-.Ltmp1, $4  }
0x33: {  	[sflag:s23] =	ssyncadd.s32 $0xFFFF6000  }
0x34: {  	_ =	swait.ge [sflag:s24], $0xA000  }
0x35: {  	[sflag:s24] =	ssyncset.done $0x0  }
0x36: {  	[sflag:s24] =	ssyncadd.s32 $0xFFFF6000  }
.LBB2_1:
0x37: {  	[tilespmem:s4], [sflag:$0x7] =	stream.linear.gather [hbm4b:s0+s4], $0x380, $0x38;
	[tilespmem:$0x1E880] =	vst v63  }
0x38: {  	_ =	swait.ge [sflag:s12], $0x380  }
0x39: {  	[sflag:s12] =	ssyncset.done $0x0  }
0x3a: {  	[sflag:s12] =	ssyncadd.s32 $0xFFFFFC80  }
0x3b: {  	[tilespmem:s13], [sflag:$0x1] =	stream.linear.gather [hbm4b:s8+s4], $0x140, $0x38;
	[tilespmem:$0x1E880] =	vst v63  }
.Ltmp2:
0x3c: {  	_ = 	snop;
	(pc) =	sbr.rel .LBB2_2-.Ltmp2, $4  }
0x3d: {  	_ = 	snop  }
0x3e: {  	[tilespmem:s14], [sflag:$0x2] =	stream.linear.gather [hbm4b:s9+s4], $0x140, $0x38;
	[tilespmem:$0x1E880] =	vst v63  }
0x3f: {  	s26 =	simm.s32 $0x0  }
0x40: {  	[tilespmem:s15], [sflag:$0x3] =	stream.linear.gather [hbm4b:s10+s4], $0x140, $0x38;
	[tilespmem:$0x1E880] =	vst v63  }
.LBB2_14:
0x41: {  	s26 =	sadd.s32 $0x1, s26  }
0x42: {  	p0 =	sne.s32 s26, $0x35  }
.Ltmp3:
0x43: {  	_ = 	snop;
	(pc) =	sbr.rel @!p0 .LBB2_15-.Ltmp3, $1  }
0x44: {  	_ =	sdelay $0x3  }
.LBB2_2:
0x45: {  	s28 =	smul.u32 $0x3, s26;
	_ =	sdelay $0x1  }
0x46: {  	p0 =	sge.u32 s28, s7  }
.Ltmp4:
0x47: {  	_ = 	snop;
	(pc) =	sbr.rel @p0 .LBB2_6-.Ltmp4, $1  }
0x48: {  	_ =	sdelay $0x3  }
0x49: {  	_ =	swait.ge [sflag:s16], $0x140  }
0x4a: {  	p0 =	seq.s32 s26, $0x0;
	[sflag:s16] =	ssyncset.done $0x0  }
0x4b: {  	s30 =	simm.s32 @!p0 $0x4;
	[sflag:s16] =	ssyncadd.s32 $0xFFFFFEC0  }
0x4c: {  	s29 =	smul.u32 $0x60, s26;
	_ =	swait.ge @!p0 [sflag:s30], $0xA000  }
0x4d: {  	s31 =	simm.s32 $0x420;
	[sflag:s30] =	ssyncset.done @!p0 $0x0  }
0x4e: {  	s29 =	sor.u32 s5, s29;
	[sflag:s30] =	ssyncadd.s32 @!p0 $0xFFFF6000;
	s30 =	simm.s32 $0x0  }
.LBB2_4:
0x4f: {  	v36 =	vld [tilespmem:s31+$0xFFFFFFE0];
	_ =	sdelay $0x4  }
0x50: {  	v36 =	vshll.u32 v36, $0x7  }
0x51: {  	v38 =	vld [tilespmem:s31+$0xFFFFFFF0];
	v39 =	vor.u32 v0, v36;
	_ =	sdelay $0x1  }
0x52: {  	v37 =	vmov s30  }
0x53: {  	v43 =	vshll.u32 v37, $0x7  }
0x54: {  	v37 =	vor.u32 v1, v43  }
0x55: {  	v40 =	vor.u32 v0, v37;
	v38 =	vshll.u32 v38, $0x7;
	v39 =	vld.idx.msk [tilespmem:v39+s4+$0x0], $0xffff  }
0x56: {  	v41 =	vld [tilespmem:s31+$0x0];
	v42 =	vor.u32 v0, v38;
	_ =	sdelay $0x3  }
0x57: {  	v44 =	vld [tilespmem:s31+$0x10];
	[tilespmem:v40+s17+$0x0] =	vst.idx.msk $0xffff, v39;
	v39 =	vor.u32 v5, v43  }
0x58: {  	v40 =	vshll.u32 v41, $0x7;
	v42 =	vld.idx.msk [tilespmem:v42+s4+$0x0], $0xffff;
	v45 =	vor.u32 v0, v39  }
0x59: {  	v46 =	vor.u32 v0, v40;
	_ =	sdelay $0x3  }
0x5a: {  	v41 =	vor.u32 v4, v43;
	[tilespmem:v45+s17+$0x0] =	vst.idx.msk $0xffff, v42  }
0x5b: {  	v57 =	vor.u32 v0, v41;
	v42 =	vshll.u32 v44, $0x7;
	v45 =	vld.idx.msk [tilespmem:v46+s4+$0x0], $0xffff  }
0x5c: {  	v44 =	vor.u32 v0, v42;
	_ =	sdelay $0x3  }
0x5d: {  	v43 =	vor.u32 v3, v43;
	[tilespmem:v57+s17+$0x0] =	vst.idx.msk $0xffff, v45  }
0x5e: {  	v58 =	vor.u32 v0, v43;
	v44 =	vld.idx.msk [tilespmem:v44+s4+$0x0], $0xffff  }
0x5f: {  	v59 =	vor.u32 v6, v36;
	_ =	sdelay $0x3  }
0x60: {  	[tilespmem:v58+s17+$0x0] =	vst.idx.msk $0xffff, v44  }
0x61: {  	v60 =	vor.u32 v6, v37;
	v44 =	vld.idx.msk [tilespmem:v59+s4+$0x0], $0xffff  }
0x62: {  	v61 =	vor.u32 v6, v38;
	_ =	sdelay $0x3  }
0x63: {  	[tilespmem:v60+s17+$0x0] =	vst.idx.msk $0xffff, v44  }
0x64: {  	v62 =	vor.u32 v6, v39;
	v44 =	vld.idx.msk [tilespmem:v61+s4+$0x0], $0xffff  }
0x65: {  	v63 =	vor.u32 v6, v40;
	_ =	sdelay $0x3  }
0x66: {  	[tilespmem:v62+s17+$0x0] =	vst.idx.msk $0xffff, v44  }
0x67: {  	v48 =	vor.u32 v6, v41;
	v44 =	vld.idx.msk [tilespmem:v63+s4+$0x0], $0xffff  }
0x68: {  	v49 =	vor.u32 v6, v42;
	_ =	sdelay $0x3  }
0x69: {  	[tilespmem:v48+s17+$0x0] =	vst.idx.msk $0xffff, v44  }
0x6a: {  	v50 =	vor.u32 v6, v43;
	v44 =	vld.idx.msk [tilespmem:v49+s4+$0x0], $0xffff  }
0x6b: {  	v51 =	vor.u32 v7, v36;
	_ =	sdelay $0x3  }
0x6c: {  	[tilespmem:v50+s17+$0x0] =	vst.idx.msk $0xffff, v44  }
0x6d: {  	v52 =	vor.u32 v7, v37;
	v44 =	vld.idx.msk [tilespmem:v51+s4+$0x0], $0xffff  }
0x6e: {  	v53 =	vor.u32 v7, v38;
	_ =	sdelay $0x3  }
0x6f: {  	[tilespmem:v52+s17+$0x0] =	vst.idx.msk $0xffff, v44  }
0x70: {  	v54 =	vor.u32 v7, v39;
	v44 =	vld.idx.msk [tilespmem:v53+s4+$0x0], $0xffff  }
0x71: {  	v55 =	vor.u32 v7, v40;
	_ =	sdelay $0x3  }
0x72: {  	[tilespmem:v54+s17+$0x0] =	vst.idx.msk $0xffff, v44  }
0x73: {  	v56 =	vor.u32 v7, v41;
	v44 =	vld.idx.msk [tilespmem:v55+s4+$0x0], $0xffff  }
0x74: {  	v57 =	vor.u32 v7, v42;
	_ =	sdelay $0x3  }
0x75: {  	[tilespmem:v56+s17+$0x0] =	vst.idx.msk $0xffff, v44  }
0x76: {  	v58 =	vor.u32 v7, v43;
	v44 =	vld.idx.msk [tilespmem:v57+s4+$0x0], $0xffff  }
0x77: {  	v59 =	vor.u32 v8, v36;
	_ =	sdelay $0x3  }
0x78: {  	[tilespmem:v58+s17+$0x0] =	vst.idx.msk $0xffff, v44  }
0x79: {  	v60 =	vor.u32 v8, v37;
	v44 =	vld.idx.msk [tilespmem:v59+s4+$0x0], $0xffff  }
0x7a: {  	v61 =	vor.u32 v8, v38;
	_ =	sdelay $0x3  }
0x7b: {  	[tilespmem:v60+s17+$0x0] =	vst.idx.msk $0xffff, v44  }
0x7c: {  	v62 =	vor.u32 v8, v39;
	v44 =	vld.idx.msk [tilespmem:v61+s4+$0x0], $0xffff  }
0x7d: {  	v63 =	vor.u32 v8, v40;
	_ =	sdelay $0x3  }
0x7e: {  	[tilespmem:v62+s17+$0x0] =	vst.idx.msk $0xffff, v44  }
0x7f: {  	v48 =	vor.u32 v8, v41;
	v44 =	vld.idx.msk [tilespmem:v63+s4+$0x0], $0xffff  }
0x80: {  	v49 =	vor.u32 v8, v42;
	_ =	sdelay $0x3  }
0x81: {  	[tilespmem:v48+s17+$0x0] =	vst.idx.msk $0xffff, v44  }
0x82: {  	v50 =	vor.u32 v8, v43;
	v44 =	vld.idx.msk [tilespmem:v49+s4+$0x0], $0xffff  }
0x83: {  	v51 =	vor.u32 v9, v36;
	_ =	sdelay $0x3  }
0x84: {  	[tilespmem:v50+s17+$0x0] =	vst.idx.msk $0xffff, v44  }
0x85: {  	v52 =	vor.u32 v9, v37;
	v44 =	vld.idx.msk [tilespmem:v51+s4+$0x0], $0xffff  }
0x86: {  	v53 =	vor.u32 v9, v38;
	_ =	sdelay $0x3  }
0x87: {  	[tilespmem:v52+s17+$0x0] =	vst.idx.msk $0xffff, v44  }
0x88: {  	v54 =	vor.u32 v9, v39;
	v44 =	vld.idx.msk [tilespmem:v53+s4+$0x0], $0xffff  }
0x89: {  	v55 =	vor.u32 v9, v40;
	_ =	sdelay $0x3  }
0x8a: {  	[tilespmem:v54+s17+$0x0] =	vst.idx.msk $0xffff, v44  }
0x8b: {  	v56 =	vor.u32 v9, v41;
	v44 =	vld.idx.msk [tilespmem:v55+s4+$0x0], $0xffff  }
0x8c: {  	v57 =	vor.u32 v9, v42;
	_ =	sdelay $0x3  }
0x8d: {  	[tilespmem:v56+s17+$0x0] =	vst.idx.msk $0xffff, v44  }
0x8e: {  	v58 =	vor.u32 v9, v43;
	v44 =	vld.idx.msk [tilespmem:v57+s4+$0x0], $0xffff  }
0x8f: {  	v59 =	vor.u32 v10, v36;
	_ =	sdelay $0x3  }
0x90: {  	[tilespmem:v58+s17+$0x0] =	vst.idx.msk $0xffff, v44  }
0x91: {  	v60 =	vor.u32 v10, v37;
	v44 =	vld.idx.msk [tilespmem:v59+s4+$0x0], $0xffff  }
0x92: {  	v61 =	vor.u32 v10, v38;
	_ =	sdelay $0x3  }
0x93: {  	[tilespmem:v60+s17+$0x0] =	vst.idx.msk $0xffff, v44  }
0x94: {  	v62 =	vor.u32 v10, v39;
	v44 =	vld.idx.msk [tilespmem:v61+s4+$0x0], $0xffff  }
0x95: {  	v63 =	vor.u32 v10, v40;
	_ =	sdelay $0x3  }
0x96: {  	[tilespmem:v62+s17+$0x0] =	vst.idx.msk $0xffff, v44  }
0x97: {  	v48 =	vor.u32 v10, v41;
	v44 =	vld.idx.msk [tilespmem:v63+s4+$0x0], $0xffff  }
0x98: {  	v49 =	vor.u32 v10, v42;
	_ =	sdelay $0x3  }
0x99: {  	[tilespmem:v48+s17+$0x0] =	vst.idx.msk $0xffff, v44  }
0x9a: {  	v50 =	vor.u32 v10, v43;
	v44 =	vld.idx.msk [tilespmem:v49+s4+$0x0], $0xffff  }
0x9b: {  	v51 =	vor.u32 v11, v36;
	_ =	sdelay $0x3  }
0x9c: {  	[tilespmem:v50+s17+$0x0] =	vst.idx.msk $0xffff, v44  }
0x9d: {  	v52 =	vor.u32 v11, v37;
	v44 =	vld.idx.msk [tilespmem:v51+s4+$0x0], $0xffff  }
0x9e: {  	v53 =	vor.u32 v11, v38;
	_ =	sdelay $0x3  }
0x9f: {  	[tilespmem:v52+s17+$0x0] =	vst.idx.msk $0xffff, v44  }
0xa0: {  	v54 =	vor.u32 v11, v39;
	v44 =	vld.idx.msk [tilespmem:v53+s4+$0x0], $0xffff  }
0xa1: {  	v55 =	vor.u32 v11, v40;
	_ =	sdelay $0x3  }
0xa2: {  	[tilespmem:v54+s17+$0x0] =	vst.idx.msk $0xffff, v44  }
0xa3: {  	v56 =	vor.u32 v11, v41;
	v44 =	vld.idx.msk [tilespmem:v55+s4+$0x0], $0xffff  }
0xa4: {  	v57 =	vor.u32 v11, v42;
	_ =	sdelay $0x3  }
0xa5: {  	[tilespmem:v56+s17+$0x0] =	vst.idx.msk $0xffff, v44  }
0xa6: {  	v58 =	vor.u32 v11, v43;
	v44 =	vld.idx.msk [tilespmem:v57+s4+$0x0], $0xffff  }
0xa7: {  	v59 =	vor.u32 v12, v36;
	_ =	sdelay $0x3  }
0xa8: {  	[tilespmem:v58+s17+$0x0] =	vst.idx.msk $0xffff, v44  }
0xa9: {  	v60 =	vor.u32 v12, v37;
	v44 =	vld.idx.msk [tilespmem:v59+s4+$0x0], $0xffff  }
0xaa: {  	v61 =	vor.u32 v12, v38;
	_ =	sdelay $0x3  }
0xab: {  	[tilespmem:v60+s17+$0x0] =	vst.idx.msk $0xffff, v44  }
0xac: {  	v62 =	vor.u32 v12, v39;
	v44 =	vld.idx.msk [tilespmem:v61+s4+$0x0], $0xffff  }
0xad: {  	v63 =	vor.u32 v12, v40;
	_ =	sdelay $0x3  }
0xae: {  	[tilespmem:v62+s17+$0x0] =	vst.idx.msk $0xffff, v44  }
0xaf: {  	v48 =	vor.u32 v12, v41;
	v44 =	vld.idx.msk [tilespmem:v63+s4+$0x0], $0xffff  }
0xb0: {  	v49 =	vor.u32 v12, v42;
	_ =	sdelay $0x3  }
0xb1: {  	[tilespmem:v48+s17+$0x0] =	vst.idx.msk $0xffff, v44  }
0xb2: {  	v50 =	vor.u32 v12, v43;
	v44 =	vld.idx.msk [tilespmem:v49+s4+$0x0], $0xffff  }
0xb3: {  	v51 =	vor.u32 v13, v36;
	_ =	sdelay $0x3  }
0xb4: {  	[tilespmem:v50+s17+$0x0] =	vst.idx.msk $0xffff, v44  }
0xb5: {  	v52 =	vor.u32 v13, v37;
	v44 =	vld.idx.msk [tilespmem:v51+s4+$0x0], $0xffff  }
0xb6: {  	v53 =	vor.u32 v13, v38;
	_ =	sdelay $0x3  }
0xb7: {  	[tilespmem:v52+s17+$0x0] =	vst.idx.msk $0xffff, v44  }
0xb8: {  	v54 =	vor.u32 v13, v39;
	v44 =	vld.idx.msk [tilespmem:v53+s4+$0x0], $0xffff  }
0xb9: {  	v55 =	vor.u32 v13, v40;
	_ =	sdelay $0x3  }
0xba: {  	[tilespmem:v54+s17+$0x0] =	vst.idx.msk $0xffff, v44  }
0xbb: {  	v56 =	vor.u32 v13, v41;
	v44 =	vld.idx.msk [tilespmem:v55+s4+$0x0], $0xffff  }
0xbc: {  	v57 =	vor.u32 v13, v42;
	_ =	sdelay $0x3  }
0xbd: {  	[tilespmem:v56+s17+$0x0] =	vst.idx.msk $0xffff, v44  }
0xbe: {  	v58 =	vor.u32 v13, v43;
	v44 =	vld.idx.msk [tilespmem:v57+s4+$0x0], $0xffff  }
0xbf: {  	v59 =	vor.u32 v14, v36;
	_ =	sdelay $0x3  }
0xc0: {  	[tilespmem:v58+s17+$0x0] =	vst.idx.msk $0xffff, v44  }
0xc1: {  	v60 =	vor.u32 v14, v37;
	v44 =	vld.idx.msk [tilespmem:v59+s4+$0x0], $0xffff  }
0xc2: {  	v61 =	vor.u32 v14, v38;
	_ =	sdelay $0x3  }
0xc3: {  	[tilespmem:v60+s17+$0x0] =	vst.idx.msk $0xffff, v44  }
0xc4: {  	v62 =	vor.u32 v14, v39;
	v44 =	vld.idx.msk [tilespmem:v61+s4+$0x0], $0xffff  }
0xc5: {  	v63 =	vor.u32 v14, v40;
	_ =	sdelay $0x3  }
0xc6: {  	[tilespmem:v62+s17+$0x0] =	vst.idx.msk $0xffff, v44  }
0xc7: {  	v48 =	vor.u32 v14, v41;
	v44 =	vld.idx.msk [tilespmem:v63+s4+$0x0], $0xffff  }
0xc8: {  	v49 =	vor.u32 v14, v42;
	_ =	sdelay $0x3  }
0xc9: {  	[tilespmem:v48+s17+$0x0] =	vst.idx.msk $0xffff, v44  }
0xca: {  	v50 =	vor.u32 v14, v43;
	v44 =	vld.idx.msk [tilespmem:v49+s4+$0x0], $0xffff  }
0xcb: {  	v51 =	vor.u32 v15, v36;
	_ =	sdelay $0x3  }
0xcc: {  	[tilespmem:v50+s17+$0x0] =	vst.idx.msk $0xffff, v44  }
0xcd: {  	v52 =	vor.u32 v15, v37;
	v44 =	vld.idx.msk [tilespmem:v51+s4+$0x0], $0xffff  }
0xce: {  	v53 =	vor.u32 v15, v38;
	_ =	sdelay $0x3  }
0xcf: {  	[tilespmem:v52+s17+$0x0] =	vst.idx.msk $0xffff, v44  }
0xd0: {  	v54 =	vor.u32 v15, v39;
	v44 =	vld.idx.msk [tilespmem:v53+s4+$0x0], $0xffff  }
0xd1: {  	v55 =	vor.u32 v15, v40;
	_ =	sdelay $0x3  }
0xd2: {  	[tilespmem:v54+s17+$0x0] =	vst.idx.msk $0xffff, v44  }
0xd3: {  	v56 =	vor.u32 v15, v41;
	v44 =	vld.idx.msk [tilespmem:v55+s4+$0x0], $0xffff  }
0xd4: {  	v57 =	vor.u32 v15, v42;
	_ =	sdelay $0x3  }
0xd5: {  	[tilespmem:v56+s17+$0x0] =	vst.idx.msk $0xffff, v44  }
0xd6: {  	v58 =	vor.u32 v15, v43;
	v44 =	vld.idx.msk [tilespmem:v57+s4+$0x0], $0xffff  }
0xd7: {  	v59 =	vor.u32 v16, v36;
	_ =	sdelay $0x3  }
0xd8: {  	[tilespmem:v58+s17+$0x0] =	vst.idx.msk $0xffff, v44  }
0xd9: {  	v60 =	vor.u32 v16, v37;
	v44 =	vld.idx.msk [tilespmem:v59+s4+$0x0], $0xffff  }
0xda: {  	v61 =	vor.u32 v16, v38;
	_ =	sdelay $0x3  }
0xdb: {  	[tilespmem:v60+s17+$0x0] =	vst.idx.msk $0xffff, v44  }
0xdc: {  	v62 =	vor.u32 v16, v39;
	v44 =	vld.idx.msk [tilespmem:v61+s4+$0x0], $0xffff  }
0xdd: {  	v63 =	vor.u32 v16, v40;
	_ =	sdelay $0x3  }
0xde: {  	[tilespmem:v62+s17+$0x0] =	vst.idx.msk $0xffff, v44  }
0xdf: {  	v48 =	vor.u32 v16, v41;
	v44 =	vld.idx.msk [tilespmem:v63+s4+$0x0], $0xffff  }
0xe0: {  	v49 =	vor.u32 v16, v42;
	_ =	sdelay $0x3  }
0xe1: {  	[tilespmem:v48+s17+$0x0] =	vst.idx.msk $0xffff, v44  }
0xe2: {  	v50 =	vor.u32 v16, v43;
	v44 =	vld.idx.msk [tilespmem:v49+s4+$0x0], $0xffff  }
0xe3: {  	v51 =	vor.u32 v17, v36;
	_ =	sdelay $0x3  }
0xe4: {  	[tilespmem:v50+s17+$0x0] =	vst.idx.msk $0xffff, v44  }
0xe5: {  	v52 =	vor.u32 v17, v37;
	v44 =	vld.idx.msk [tilespmem:v51+s4+$0x0], $0xffff  }
0xe6: {  	v53 =	vor.u32 v17, v38;
	_ =	sdelay $0x3  }
0xe7: {  	[tilespmem:v52+s17+$0x0] =	vst.idx.msk $0xffff, v44  }
0xe8: {  	v54 =	vor.u32 v17, v39;
	v44 =	vld.idx.msk [tilespmem:v53+s4+$0x0], $0xffff  }
0xe9: {  	v55 =	vor.u32 v17, v40;
	_ =	sdelay $0x3  }
0xea: {  	[tilespmem:v54+s17+$0x0] =	vst.idx.msk $0xffff, v44  }
0xeb: {  	v56 =	vor.u32 v17, v41;
	v44 =	vld.idx.msk [tilespmem:v55+s4+$0x0], $0xffff  }
0xec: {  	v57 =	vor.u32 v17, v42;
	_ =	sdelay $0x3  }
0xed: {  	[tilespmem:v56+s17+$0x0] =	vst.idx.msk $0xffff, v44  }
0xee: {  	v58 =	vor.u32 v17, v43;
	v44 =	vld.idx.msk [tilespmem:v57+s4+$0x0], $0xffff  }
0xef: {  	v59 =	vor.u32 v18, v36;
	_ =	sdelay $0x3  }
0xf0: {  	[tilespmem:v58+s17+$0x0] =	vst.idx.msk $0xffff, v44  }
0xf1: {  	v60 =	vor.u32 v18, v37;
	v44 =	vld.idx.msk [tilespmem:v59+s4+$0x0], $0xffff  }
0xf2: {  	v61 =	vor.u32 v18, v38;
	_ =	sdelay $0x3  }
0xf3: {  	[tilespmem:v60+s17+$0x0] =	vst.idx.msk $0xffff, v44  }
0xf4: {  	v62 =	vor.u32 v18, v39;
	v44 =	vld.idx.msk [tilespmem:v61+s4+$0x0], $0xffff  }
0xf5: {  	v63 =	vor.u32 v18, v40;
	_ =	sdelay $0x3  }
0xf6: {  	[tilespmem:v62+s17+$0x0] =	vst.idx.msk $0xffff, v44  }
0xf7: {  	v48 =	vor.u32 v18, v41;
	v44 =	vld.idx.msk [tilespmem:v63+s4+$0x0], $0xffff  }
0xf8: {  	v49 =	vor.u32 v18, v42;
	_ =	sdelay $0x3  }
0xf9: {  	[tilespmem:v48+s17+$0x0] =	vst.idx.msk $0xffff, v44  }
0xfa: {  	v50 =	vor.u32 v18, v43;
	v44 =	vld.idx.msk [tilespmem:v49+s4+$0x0], $0xffff  }
0xfb: {  	v51 =	vor.u32 v19, v36;
	_ =	sdelay $0x3  }
0xfc: {  	[tilespmem:v50+s17+$0x0] =	vst.idx.msk $0xffff, v44  }
0xfd: {  	v52 =	vor.u32 v19, v37;
	v44 =	vld.idx.msk [tilespmem:v51+s4+$0x0], $0xffff  }
0xfe: {  	v53 =	vor.u32 v19, v38;
	_ =	sdelay $0x3  }
0xff: {  	[tilespmem:v52+s17+$0x0] =	vst.idx.msk $0xffff, v44  }
0x100: {  	v54 =	vor.u32 v19, v39;
	v44 =	vld.idx.msk [tilespmem:v53+s4+$0x0], $0xffff  }
0x101: {  	v55 =	vor.u32 v19, v40;
	_ =	sdelay $0x3  }
0x102: {  	[tilespmem:v54+s17+$0x0] =	vst.idx.msk $0xffff, v44  }
0x103: {  	v56 =	vor.u32 v19, v41;
	v44 =	vld.idx.msk [tilespmem:v55+s4+$0x0], $0xffff  }
0x104: {  	v57 =	vor.u32 v19, v42;
	_ =	sdelay $0x3  }
0x105: {  	[tilespmem:v56+s17+$0x0] =	vst.idx.msk $0xffff, v44  }
0x106: {  	v58 =	vor.u32 v19, v43;
	v44 =	vld.idx.msk [tilespmem:v57+s4+$0x0], $0xffff  }
0x107: {  	v59 =	vor.u32 v31, v36;
	_ =	sdelay $0x3  }
0x108: {  	[tilespmem:v58+s17+$0x0] =	vst.idx.msk $0xffff, v44  }
0x109: {  	v60 =	vor.u32 v31, v37;
	v44 =	vld.idx.msk [tilespmem:v59+s4+$0x0], $0xffff  }
0x10a: {  	v61 =	vor.u32 v31, v38;
	_ =	sdelay $0x3  }
0x10b: {  	[tilespmem:v60+s17+$0x0] =	vst.idx.msk $0xffff, v44  }
0x10c: {  	v62 =	vor.u32 v31, v39;
	v44 =	vld.idx.msk [tilespmem:v61+s4+$0x0], $0xffff  }
0x10d: {  	v63 =	vor.u32 v31, v40;
	_ =	sdelay $0x3  }
0x10e: {  	[tilespmem:v62+s17+$0x0] =	vst.idx.msk $0xffff, v44  }
0x10f: {  	v48 =	vor.u32 v31, v41;
	v44 =	vld.idx.msk [tilespmem:v63+s4+$0x0], $0xffff  }
0x110: {  	v49 =	vor.u32 v31, v42;
	_ =	sdelay $0x3  }
0x111: {  	[tilespmem:v48+s17+$0x0] =	vst.idx.msk $0xffff, v44  }
0x112: {  	v50 =	vor.u32 v31, v43;
	v44 =	vld.idx.msk [tilespmem:v49+s4+$0x0], $0xffff  }
0x113: {  	v51 =	vor.u32 v2, v36;
	_ =	sdelay $0x3  }
0x114: {  	[tilespmem:v50+s17+$0x0] =	vst.idx.msk $0xffff, v44  }
0x115: {  	v52 =	vor.u32 v2, v37;
	v44 =	vld.idx.msk [tilespmem:v51+s4+$0x0], $0xffff  }
0x116: {  	v53 =	vor.u32 v2, v38;
	_ =	sdelay $0x3  }
0x117: {  	[tilespmem:v52+s17+$0x0] =	vst.idx.msk $0xffff, v44  }
0x118: {  	v54 =	vor.u32 v2, v39;
	v44 =	vld.idx.msk [tilespmem:v53+s4+$0x0], $0xffff  }
0x119: {  	v55 =	vor.u32 v2, v40;
	_ =	sdelay $0x3  }
0x11a: {  	[tilespmem:v54+s17+$0x0] =	vst.idx.msk $0xffff, v44  }
0x11b: {  	v56 =	vor.u32 v2, v41;
	v44 =	vld.idx.msk [tilespmem:v55+s4+$0x0], $0xffff  }
0x11c: {  	v57 =	vor.u32 v2, v42;
	_ =	sdelay $0x3  }
0x11d: {  	[tilespmem:v56+s17+$0x0] =	vst.idx.msk $0xffff, v44  }
0x11e: {  	v58 =	vor.u32 v2, v43;
	v44 =	vld.idx.msk [tilespmem:v57+s4+$0x0], $0xffff  }
0x11f: {  	v59 =	vor.u32 v20, v36;
	_ =	sdelay $0x3  }
0x120: {  	[tilespmem:v58+s17+$0x0] =	vst.idx.msk $0xffff, v44  }
0x121: {  	v60 =	vor.u32 v20, v37;
	v44 =	vld.idx.msk [tilespmem:v59+s4+$0x0], $0xffff  }
0x122: {  	v61 =	vor.u32 v20, v38;
	_ =	sdelay $0x3  }
0x123: {  	[tilespmem:v60+s17+$0x0] =	vst.idx.msk $0xffff, v44  }
0x124: {  	v62 =	vor.u32 v20, v39;
	v44 =	vld.idx.msk [tilespmem:v61+s4+$0x0], $0xffff  }
0x125: {  	v63 =	vor.u32 v20, v40;
	_ =	sdelay $0x3  }
0x126: {  	[tilespmem:v62+s17+$0x0] =	vst.idx.msk $0xffff, v44  }
0x127: {  	v48 =	vor.u32 v20, v41;
	v44 =	vld.idx.msk [tilespmem:v63+s4+$0x0], $0xffff  }
0x128: {  	v49 =	vor.u32 v20, v42;
	_ =	sdelay $0x3  }
0x129: {  	[tilespmem:v48+s17+$0x0] =	vst.idx.msk $0xffff, v44  }
0x12a: {  	v50 =	vor.u32 v20, v43;
	v44 =	vld.idx.msk [tilespmem:v49+s4+$0x0], $0xffff  }
0x12b: {  	v51 =	vor.u32 v22, v36;
	_ =	sdelay $0x3  }
0x12c: {  	[tilespmem:v50+s17+$0x0] =	vst.idx.msk $0xffff, v44  }
0x12d: {  	v52 =	vor.u32 v22, v37;
	v44 =	vld.idx.msk [tilespmem:v51+s4+$0x0], $0xffff  }
0x12e: {  	v53 =	vor.u32 v22, v38;
	_ =	sdelay $0x3  }
0x12f: {  	[tilespmem:v52+s17+$0x0] =	vst.idx.msk $0xffff, v44  }
0x130: {  	v54 =	vor.u32 v22, v39;
	v44 =	vld.idx.msk [tilespmem:v53+s4+$0x0], $0xffff  }
0x131: {  	v55 =	vor.u32 v22, v40;
	_ =	sdelay $0x3  }
0x132: {  	[tilespmem:v54+s17+$0x0] =	vst.idx.msk $0xffff, v44  }
0x133: {  	v56 =	vor.u32 v22, v41;
	v44 =	vld.idx.msk [tilespmem:v55+s4+$0x0], $0xffff  }
0x134: {  	v57 =	vor.u32 v22, v42;
	_ =	sdelay $0x3  }
0x135: {  	[tilespmem:v56+s17+$0x0] =	vst.idx.msk $0xffff, v44  }
0x136: {  	v58 =	vor.u32 v22, v43;
	v44 =	vld.idx.msk [tilespmem:v57+s4+$0x0], $0xffff  }
0x137: {  	v59 =	vor.u32 v23, v36;
	_ =	sdelay $0x3  }
0x138: {  	[tilespmem:v58+s17+$0x0] =	vst.idx.msk $0xffff, v44  }
0x139: {  	v60 =	vor.u32 v23, v37;
	v44 =	vld.idx.msk [tilespmem:v59+s4+$0x0], $0xffff  }
0x13a: {  	v61 =	vor.u32 v23, v38;
	_ =	sdelay $0x3  }
0x13b: {  	[tilespmem:v60+s17+$0x0] =	vst.idx.msk $0xffff, v44  }
0x13c: {  	v62 =	vor.u32 v23, v39;
	v44 =	vld.idx.msk [tilespmem:v61+s4+$0x0], $0xffff  }
0x13d: {  	v63 =	vor.u32 v23, v40;
	_ =	sdelay $0x3  }
0x13e: {  	[tilespmem:v62+s17+$0x0] =	vst.idx.msk $0xffff, v44  }
0x13f: {  	v48 =	vor.u32 v23, v41;
	v44 =	vld.idx.msk [tilespmem:v63+s4+$0x0], $0xffff  }
0x140: {  	v49 =	vor.u32 v23, v42;
	_ =	sdelay $0x3  }
0x141: {  	[tilespmem:v48+s17+$0x0] =	vst.idx.msk $0xffff, v44  }
0x142: {  	v50 =	vor.u32 v23, v43;
	v44 =	vld.idx.msk [tilespmem:v49+s4+$0x0], $0xffff  }
0x143: {  	v51 =	vor.u32 v21, v36;
	_ =	sdelay $0x3  }
0x144: {  	[tilespmem:v50+s17+$0x0] =	vst.idx.msk $0xffff, v44  }
0x145: {  	v52 =	vor.u32 v21, v37;
	v44 =	vld.idx.msk [tilespmem:v51+s4+$0x0], $0xffff  }
0x146: {  	v53 =	vor.u32 v21, v38;
	_ =	sdelay $0x3  }
0x147: {  	[tilespmem:v52+s17+$0x0] =	vst.idx.msk $0xffff, v44  }
0x148: {  	v54 =	vor.u32 v21, v39;
	v44 =	vld.idx.msk [tilespmem:v53+s4+$0x0], $0xffff  }
0x149: {  	v55 =	vor.u32 v21, v40;
	_ =	sdelay $0x3  }
0x14a: {  	[tilespmem:v54+s17+$0x0] =	vst.idx.msk $0xffff, v44  }
0x14b: {  	v56 =	vor.u32 v21, v41;
	v44 =	vld.idx.msk [tilespmem:v55+s4+$0x0], $0xffff  }
0x14c: {  	v57 =	vor.u32 v21, v42;
	_ =	sdelay $0x3  }
0x14d: {  	[tilespmem:v56+s17+$0x0] =	vst.idx.msk $0xffff, v44  }
0x14e: {  	v58 =	vor.u32 v21, v43;
	v44 =	vld.idx.msk [tilespmem:v57+s4+$0x0], $0xffff  }
0x14f: {  	v59 =	vor.u32 v24, v36;
	_ =	sdelay $0x3  }
0x150: {  	[tilespmem:v58+s17+$0x0] =	vst.idx.msk $0xffff, v44  }
0x151: {  	v60 =	vor.u32 v24, v37;
	v44 =	vld.idx.msk [tilespmem:v59+s4+$0x0], $0xffff  }
0x152: {  	v61 =	vor.u32 v24, v38;
	_ =	sdelay $0x3  }
0x153: {  	[tilespmem:v60+s17+$0x0] =	vst.idx.msk $0xffff, v44  }
0x154: {  	v62 =	vor.u32 v24, v39;
	v44 =	vld.idx.msk [tilespmem:v61+s4+$0x0], $0xffff  }
0x155: {  	v63 =	vor.u32 v24, v40;
	_ =	sdelay $0x3  }
0x156: {  	[tilespmem:v62+s17+$0x0] =	vst.idx.msk $0xffff, v44  }
0x157: {  	v48 =	vor.u32 v24, v41;
	v44 =	vld.idx.msk [tilespmem:v63+s4+$0x0], $0xffff  }
0x158: {  	v49 =	vor.u32 v24, v42;
	_ =	sdelay $0x3  }
0x159: {  	[tilespmem:v48+s17+$0x0] =	vst.idx.msk $0xffff, v44  }
0x15a: {  	v50 =	vor.u32 v24, v43;
	v44 =	vld.idx.msk [tilespmem:v49+s4+$0x0], $0xffff  }
0x15b: {  	v51 =	vor.u32 v25, v36;
	_ =	sdelay $0x3  }
0x15c: {  	[tilespmem:v50+s17+$0x0] =	vst.idx.msk $0xffff, v44  }
0x15d: {  	v52 =	vor.u32 v25, v37;
	v44 =	vld.idx.msk [tilespmem:v51+s4+$0x0], $0xffff  }
0x15e: {  	v53 =	vor.u32 v25, v38;
	_ =	sdelay $0x3  }
0x15f: {  	[tilespmem:v52+s17+$0x0] =	vst.idx.msk $0xffff, v44  }
0x160: {  	v54 =	vor.u32 v25, v39;
	v44 =	vld.idx.msk [tilespmem:v53+s4+$0x0], $0xffff  }
0x161: {  	v55 =	vor.u32 v25, v40;
	_ =	sdelay $0x3  }
0x162: {  	[tilespmem:v54+s17+$0x0] =	vst.idx.msk $0xffff, v44  }
0x163: {  	v56 =	vor.u32 v25, v41;
	v44 =	vld.idx.msk [tilespmem:v55+s4+$0x0], $0xffff  }
0x164: {  	v57 =	vor.u32 v25, v42;
	_ =	sdelay $0x3  }
0x165: {  	[tilespmem:v56+s17+$0x0] =	vst.idx.msk $0xffff, v44  }
0x166: {  	v58 =	vor.u32 v25, v43;
	v44 =	vld.idx.msk [tilespmem:v57+s4+$0x0], $0xffff  }
0x167: {  	v59 =	vor.u32 v26, v36;
	_ =	sdelay $0x3  }
0x168: {  	[tilespmem:v58+s17+$0x0] =	vst.idx.msk $0xffff, v44  }
0x169: {  	v60 =	vor.u32 v26, v37;
	v44 =	vld.idx.msk [tilespmem:v59+s4+$0x0], $0xffff  }
0x16a: {  	v61 =	vor.u32 v26, v38;
	_ =	sdelay $0x3  }
0x16b: {  	[tilespmem:v60+s17+$0x0] =	vst.idx.msk $0xffff, v44  }
0x16c: {  	v62 =	vor.u32 v26, v39;
	v44 =	vld.idx.msk [tilespmem:v61+s4+$0x0], $0xffff  }
0x16d: {  	v63 =	vor.u32 v26, v40;
	_ =	sdelay $0x3  }
0x16e: {  	[tilespmem:v62+s17+$0x0] =	vst.idx.msk $0xffff, v44  }
0x16f: {  	v48 =	vor.u32 v26, v41;
	v44 =	vld.idx.msk [tilespmem:v63+s4+$0x0], $0xffff  }
0x170: {  	v49 =	vor.u32 v26, v42;
	_ =	sdelay $0x3  }
0x171: {  	[tilespmem:v48+s17+$0x0] =	vst.idx.msk $0xffff, v44  }
0x172: {  	v50 =	vor.u32 v26, v43;
	v44 =	vld.idx.msk [tilespmem:v49+s4+$0x0], $0xffff  }
0x173: {  	v51 =	vor.u32 v27, v36;
	_ =	sdelay $0x3  }
0x174: {  	[tilespmem:v50+s17+$0x0] =	vst.idx.msk $0xffff, v44  }
0x175: {  	v52 =	vor.u32 v27, v37;
	v44 =	vld.idx.msk [tilespmem:v51+s4+$0x0], $0xffff  }
0x176: {  	v53 =	vor.u32 v27, v38;
	_ =	sdelay $0x3  }
0x177: {  	[tilespmem:v52+s17+$0x0] =	vst.idx.msk $0xffff, v44  }
0x178: {  	v54 =	vor.u32 v27, v39;
	v44 =	vld.idx.msk [tilespmem:v53+s4+$0x0], $0xffff  }
0x179: {  	v55 =	vor.u32 v27, v40;
	_ =	sdelay $0x3  }
0x17a: {  	[tilespmem:v54+s17+$0x0] =	vst.idx.msk $0xffff, v44  }
0x17b: {  	v56 =	vor.u32 v27, v41;
	v44 =	vld.idx.msk [tilespmem:v55+s4+$0x0], $0xffff  }
0x17c: {  	v57 =	vor.u32 v27, v42;
	_ =	sdelay $0x3  }
0x17d: {  	[tilespmem:v56+s17+$0x0] =	vst.idx.msk $0xffff, v44  }
0x17e: {  	v58 =	vor.u32 v27, v43;
	v44 =	vld.idx.msk [tilespmem:v57+s4+$0x0], $0xffff  }
0x17f: {  	v59 =	vor.u32 v28, v36;
	_ =	sdelay $0x3  }
0x180: {  	[tilespmem:v58+s17+$0x0] =	vst.idx.msk $0xffff, v44  }
0x181: {  	v60 =	vor.u32 v28, v37;
	v44 =	vld.idx.msk [tilespmem:v59+s4+$0x0], $0xffff  }
0x182: {  	v61 =	vor.u32 v28, v38;
	_ =	sdelay $0x3  }
0x183: {  	[tilespmem:v60+s17+$0x0] =	vst.idx.msk $0xffff, v44  }
0x184: {  	v62 =	vor.u32 v28, v39;
	v44 =	vld.idx.msk [tilespmem:v61+s4+$0x0], $0xffff  }
0x185: {  	v63 =	vor.u32 v28, v40;
	_ =	sdelay $0x3  }
0x186: {  	[tilespmem:v62+s17+$0x0] =	vst.idx.msk $0xffff, v44  }
0x187: {  	v48 =	vor.u32 v28, v41;
	v44 =	vld.idx.msk [tilespmem:v63+s4+$0x0], $0xffff  }
0x188: {  	v49 =	vor.u32 v28, v42;
	_ =	sdelay $0x3  }
0x189: {  	[tilespmem:v48+s17+$0x0] =	vst.idx.msk $0xffff, v44  }
0x18a: {  	v50 =	vor.u32 v28, v43;
	v44 =	vld.idx.msk [tilespmem:v49+s4+$0x0], $0xffff  }
0x18b: {  	v51 =	vor.u32 v29, v36;
	_ =	sdelay $0x3  }
0x18c: {  	[tilespmem:v50+s17+$0x0] =	vst.idx.msk $0xffff, v44  }
0x18d: {  	v52 =	vor.u32 v29, v37;
	v44 =	vld.idx.msk [tilespmem:v51+s4+$0x0], $0xffff  }
0x18e: {  	v53 =	vor.u32 v29, v38;
	_ =	sdelay $0x3  }
0x18f: {  	[tilespmem:v52+s17+$0x0] =	vst.idx.msk $0xffff, v44  }
0x190: {  	v54 =	vor.u32 v29, v39;
	v44 =	vld.idx.msk [tilespmem:v53+s4+$0x0], $0xffff  }
0x191: {  	v55 =	vor.u32 v29, v40;
	_ =	sdelay $0x3  }
0x192: {  	[tilespmem:v54+s17+$0x0] =	vst.idx.msk $0xffff, v44  }
0x193: {  	v56 =	vor.u32 v29, v41;
	v44 =	vld.idx.msk [tilespmem:v55+s4+$0x0], $0xffff  }
0x194: {  	v57 =	vor.u32 v29, v42;
	_ =	sdelay $0x3  }
0x195: {  	[tilespmem:v56+s17+$0x0] =	vst.idx.msk $0xffff, v44  }
0x196: {  	v58 =	vor.u32 v29, v43;
	v44 =	vld.idx.msk [tilespmem:v57+s4+$0x0], $0xffff  }
0x197: {  	v59 =	vor.u32 v30, v36;
	_ =	sdelay $0x3  }
0x198: {  	[tilespmem:v58+s17+$0x0] =	vst.idx.msk $0xffff, v44  }
0x199: {  	v60 =	vor.u32 v30, v37;
	v44 =	vld.idx.msk [tilespmem:v59+s4+$0x0], $0xffff  }
0x19a: {  	v61 =	vor.u32 v30, v38;
	_ =	sdelay $0x3  }
0x19b: {  	[tilespmem:v60+s17+$0x0] =	vst.idx.msk $0xffff, v44  }
0x19c: {  	v62 =	vor.u32 v30, v39;
	v44 =	vld.idx.msk [tilespmem:v61+s4+$0x0], $0xffff  }
0x19d: {  	v63 =	vor.u32 v30, v40;
	_ =	sdelay $0x3  }
0x19e: {  	[tilespmem:v62+s17+$0x0] =	vst.idx.msk $0xffff, v44  }
0x19f: {  	v48 =	vor.u32 v30, v41;
	v44 =	vld.idx.msk [tilespmem:v63+s4+$0x0], $0xffff  }
0x1a0: {  	v49 =	vor.u32 v30, v42;
	_ =	sdelay $0x3  }
0x1a1: {  	[tilespmem:v48+s17+$0x0] =	vst.idx.msk $0xffff, v44  }
0x1a2: {  	v50 =	vor.u32 v30, v43;
	v44 =	vld.idx.msk [tilespmem:v49+s4+$0x0], $0xffff  }
0x1a3: {  	v51 =	vor.u32 v32, v36;
	_ =	sdelay $0x3  }
0x1a4: {  	[tilespmem:v50+s17+$0x0] =	vst.idx.msk $0xffff, v44  }
0x1a5: {  	v52 =	vor.u32 v32, v37;
	v44 =	vld.idx.msk [tilespmem:v51+s4+$0x0], $0xffff  }
0x1a6: {  	v53 =	vor.u32 v32, v38;
	_ =	sdelay $0x3  }
0x1a7: {  	[tilespmem:v52+s17+$0x0] =	vst.idx.msk $0xffff, v44  }
0x1a8: {  	v54 =	vor.u32 v32, v39;
	v44 =	vld.idx.msk [tilespmem:v53+s4+$0x0], $0xffff  }
0x1a9: {  	v55 =	vor.u32 v32, v40;
	_ =	sdelay $0x3  }
0x1aa: {  	[tilespmem:v54+s17+$0x0] =	vst.idx.msk $0xffff, v44  }
0x1ab: {  	v56 =	vor.u32 v32, v41;
	v44 =	vld.idx.msk [tilespmem:v55+s4+$0x0], $0xffff  }
0x1ac: {  	v57 =	vor.u32 v32, v42;
	_ =	sdelay $0x3  }
0x1ad: {  	[tilespmem:v56+s17+$0x0] =	vst.idx.msk $0xffff, v44  }
0x1ae: {  	v58 =	vor.u32 v32, v43;
	v44 =	vld.idx.msk [tilespmem:v57+s4+$0x0], $0xffff  }
0x1af: {  	v59 =	vor.u32 v33, v36;
	_ =	sdelay $0x3  }
0x1b0: {  	[tilespmem:v58+s17+$0x0] =	vst.idx.msk $0xffff, v44  }
0x1b1: {  	v60 =	vor.u32 v33, v37;
	v44 =	vld.idx.msk [tilespmem:v59+s4+$0x0], $0xffff  }
0x1b2: {  	v61 =	vor.u32 v33, v38;
	_ =	sdelay $0x3  }
0x1b3: {  	[tilespmem:v60+s17+$0x0] =	vst.idx.msk $0xffff, v44  }
0x1b4: {  	v62 =	vor.u32 v33, v39;
	v44 =	vld.idx.msk [tilespmem:v61+s4+$0x0], $0xffff  }
0x1b5: {  	v63 =	vor.u32 v33, v40;
	_ =	sdelay $0x3  }
0x1b6: {  	[tilespmem:v62+s17+$0x0] =	vst.idx.msk $0xffff, v44  }
0x1b7: {  	v48 =	vor.u32 v33, v41;
	v44 =	vld.idx.msk [tilespmem:v63+s4+$0x0], $0xffff  }
0x1b8: {  	v49 =	vor.u32 v33, v42;
	_ =	sdelay $0x3  }
0x1b9: {  	[tilespmem:v48+s17+$0x0] =	vst.idx.msk $0xffff, v44  }
0x1ba: {  	v50 =	vor.u32 v33, v43;
	v44 =	vld.idx.msk [tilespmem:v49+s4+$0x0], $0xffff  }
0x1bb: {  	v51 =	vor.u32 v34, v36;
	_ =	sdelay $0x3  }
0x1bc: {  	[tilespmem:v50+s17+$0x0] =	vst.idx.msk $0xffff, v44  }
0x1bd: {  	v52 =	vor.u32 v34, v37;
	v44 =	vld.idx.msk [tilespmem:v51+s4+$0x0], $0xffff  }
0x1be: {  	v53 =	vor.u32 v34, v38;
	_ =	sdelay $0x3  }
0x1bf: {  	[tilespmem:v52+s17+$0x0] =	vst.idx.msk $0xffff, v44  }
0x1c0: {  	v54 =	vor.u32 v34, v39;
	v44 =	vld.idx.msk [tilespmem:v53+s4+$0x0], $0xffff  }
0x1c1: {  	v55 =	vor.u32 v34, v40;
	_ =	sdelay $0x3  }
0x1c2: {  	[tilespmem:v54+s17+$0x0] =	vst.idx.msk $0xffff, v44  }
0x1c3: {  	v56 =	vor.u32 v34, v41;
	v44 =	vld.idx.msk [tilespmem:v55+s4+$0x0], $0xffff  }
0x1c4: {  	v57 =	vor.u32 v34, v42;
	_ =	sdelay $0x3  }
0x1c5: {  	[tilespmem:v56+s17+$0x0] =	vst.idx.msk $0xffff, v44  }
0x1c6: {  	v58 =	vor.u32 v34, v43;
	v44 =	vld.idx.msk [tilespmem:v57+s4+$0x0], $0xffff  }
0x1c7: {  	v36 =	vor.u32 v35, v36;
	_ =	sdelay $0x3  }
0x1c8: {  	[tilespmem:v58+s17+$0x0] =	vst.idx.msk $0xffff, v44  }
0x1c9: {  	v37 =	vor.u32 v35, v37;
	v36 =	vld.idx.msk [tilespmem:v36+s4+$0x0], $0xffff  }
0x1ca: {  	v38 =	vor.u32 v35, v38;
	_ =	sdelay $0x3  }
0x1cb: {  	[tilespmem:v37+s17+$0x0] =	vst.idx.msk $0xffff, v36  }
0x1cc: {  	v59 =	vor.u32 v35, v39;
	v36 =	vld.idx.msk [tilespmem:v38+s4+$0x0], $0xffff  }
0x1cd: {  	v60 =	vor.u32 v35, v40;
	_ =	sdelay $0x3  }
0x1ce: {  	[tilespmem:v59+s17+$0x0] =	vst.idx.msk $0xffff, v36  }
0x1cf: {  	v61 =	vor.u32 v35, v41;
	v36 =	vld.idx.msk [tilespmem:v60+s4+$0x0], $0xffff  }
0x1d0: {  	v62 =	vor.u32 v35, v42;
	_ =	sdelay $0x3  }
0x1d1: {  	[tilespmem:v61+s17+$0x0] =	vst.idx.msk $0xffff, v36  }
0x1d2: {  	p0 =	sne.s32 s30, $0x100;
	v63 =	vor.u32 v35, v43;
	v36 =	vld.idx.msk [tilespmem:v62+s4+$0x0], $0xffff  }
.Ltmp5:
0x1d3: {  	_ = 	snop;
	(pc) =	sbr.rel @p0 .LBB2_4-.Ltmp5, $2  }
0x1d4: {  	_ =	sdelay $0x2  }
0x1d5: {  	s31 =	sadd.s32 $0x40, s31;
	s30 =	sadd.s32 $0x40, s30;
	[tilespmem:v63+s17+$0x0] =	vst.idx.msk $0xffff, v36  }
0x1d6: {  	s30 =	sadd.s32 $0x3, s28  }
0x1d7: {  	p0 =	sge.u32 s30, s7  }
0x1d8: {  	s29 =	smul.u32 $0x1400, s29;
	s30 =	sshll.u32 @!p0 s30, $0x5  }
0x1d9: {  	s30 =	sor.u32 @!p0 s5, s30  }
0x1da: {  	s29 =	sadd.s32 s6, s29;
	s30 =	smul.u32 @!p0 $0x28, s30  }
0x1db: {  	[hbm4b:s29+s4] =	stream.linear.scatter [tilespmem:s17], [sflag:$0x4], $0xA000, $0x38;
	[tilespmem:$0x1E880] =	vst v63  }
0x1dc: {  	s31 =	simm.s32 @!p0 $0x400;
	s29 =	sadd.s32 @!p0 s1, s30;
	s30 =	simm.s32 @!p0 $0x0  }
0x1dd: {  	[tilespmem:s31], [sflag:$0x1] =	stream.linear.gather @!p0 [hbm4b:s29+s30], $0x140, $0x38;
	[tilespmem:$0x1E880] =	vst v63  }
.LBB2_6:
0x1de: {  	s29 =	sadd.s32 $0x1, s28  }
0x1df: {  	p0 =	sge.u32 s29, s7  }
.Ltmp6:
0x1e0: {  	_ = 	snop;
	(pc) =	sbr.rel @p0 .LBB2_10-.Ltmp6, $1  }
0x1e1: {  	_ =	sdelay $0x3  }
0x1e2: {  	_ =	swait.ge [sflag:s18], $0x140  }
0x1e3: {  	p0 =	seq.s32 s26, $0x0;
	[sflag:s18] =	ssyncset.done $0x0  }
0x1e4: {  	s30 =	simm.s32 @!p0 $0x5;
	[sflag:s18] =	ssyncadd.s32 $0xFFFFFEC0  }
0x1e5: {  	_ =	swait.ge @!p0 [sflag:s30], $0xA000  }
0x1e6: {  	s29 =	sshll.u32 s29, $0x5;
	s31 =	simm.s32 $0x5A0;
	[sflag:s30] =	ssyncset.done @!p0 $0x0  }
0x1e7: {  	s29 =	sor.u32 s5, s29;
	[sflag:s30] =	ssyncadd.s32 @!p0 $0xFFFF6000;
	s30 =	simm.s32 $0x0  }
.LBB2_8:
0x1e8: {  	v36 =	vld [tilespmem:s31+$0xFFFFFFE0];
	_ =	sdelay $0x4  }
0x1e9: {  	v36 =	vshll.u32 v36, $0x7  }
0x1ea: {  	v38 =	vld [tilespmem:s31+$0xFFFFFFF0];
	v39 =	vor.u32 v0, v36;
	_ =	sdelay $0x1  }
0x1eb: {  	v37 =	vmov s30  }
0x1ec: {  	v43 =	vshll.u32 v37, $0x7  }
0x1ed: {  	v37 =	vor.u32 v1, v43  }
0x1ee: {  	v40 =	vor.u32 v0, v37;
	v38 =	vshll.u32 v38, $0x7;
	v39 =	vld.idx.msk [tilespmem:v39+s4+$0x0], $0xffff  }
0x1ef: {  	v41 =	vld [tilespmem:s31+$0x0];
	v42 =	vor.u32 v0, v38;
	_ =	sdelay $0x3  }
0x1f0: {  	v44 =	vld [tilespmem:s31+$0x10];
	[tilespmem:v40+s19+$0x0] =	vst.idx.msk $0xffff, v39;
	v39 =	vor.u32 v5, v43  }
0x1f1: {  	v40 =	vshll.u32 v41, $0x7;
	v42 =	vld.idx.msk [tilespmem:v42+s4+$0x0], $0xffff;
	v45 =	vor.u32 v0, v39  }
0x1f2: {  	v46 =	vor.u32 v0, v40;
	_ =	sdelay $0x3  }
0x1f3: {  	v41 =	vor.u32 v4, v43;
	[tilespmem:v45+s19+$0x0] =	vst.idx.msk $0xffff, v42  }
0x1f4: {  	v57 =	vor.u32 v0, v41;
	v42 =	vshll.u32 v44, $0x7;
	v45 =	vld.idx.msk [tilespmem:v46+s4+$0x0], $0xffff  }
0x1f5: {  	v44 =	vor.u32 v0, v42;
	_ =	sdelay $0x3  }
0x1f6: {  	v43 =	vor.u32 v3, v43;
	[tilespmem:v57+s19+$0x0] =	vst.idx.msk $0xffff, v45  }
0x1f7: {  	v58 =	vor.u32 v0, v43;
	v44 =	vld.idx.msk [tilespmem:v44+s4+$0x0], $0xffff  }
0x1f8: {  	v59 =	vor.u32 v6, v36;
	_ =	sdelay $0x3  }
0x1f9: {  	[tilespmem:v58+s19+$0x0] =	vst.idx.msk $0xffff, v44  }
0x1fa: {  	v60 =	vor.u32 v6, v37;
	v44 =	vld.idx.msk [tilespmem:v59+s4+$0x0], $0xffff  }
0x1fb: {  	v61 =	vor.u32 v6, v38;
	_ =	sdelay $0x3  }
0x1fc: {  	[tilespmem:v60+s19+$0x0] =	vst.idx.msk $0xffff, v44  }
0x1fd: {  	v62 =	vor.u32 v6, v39;
	v44 =	vld.idx.msk [tilespmem:v61+s4+$0x0], $0xffff  }
0x1fe: {  	v63 =	vor.u32 v6, v40;
	_ =	sdelay $0x3  }
0x1ff: {  	[tilespmem:v62+s19+$0x0] =	vst.idx.msk $0xffff, v44  }
0x200: {  	v48 =	vor.u32 v6, v41;
	v44 =	vld.idx.msk [tilespmem:v63+s4+$0x0], $0xffff  }
0x201: {  	v49 =	vor.u32 v6, v42;
	_ =	sdelay $0x3  }
0x202: {  	[tilespmem:v48+s19+$0x0] =	vst.idx.msk $0xffff, v44  }
0x203: {  	v50 =	vor.u32 v6, v43;
	v44 =	vld.idx.msk [tilespmem:v49+s4+$0x0], $0xffff  }
0x204: {  	v51 =	vor.u32 v7, v36;
	_ =	sdelay $0x3  }
0x205: {  	[tilespmem:v50+s19+$0x0] =	vst.idx.msk $0xffff, v44  }
0x206: {  	v52 =	vor.u32 v7, v37;
	v44 =	vld.idx.msk [tilespmem:v51+s4+$0x0], $0xffff  }
0x207: {  	v53 =	vor.u32 v7, v38;
	_ =	sdelay $0x3  }
0x208: {  	[tilespmem:v52+s19+$0x0] =	vst.idx.msk $0xffff, v44  }
0x209: {  	v54 =	vor.u32 v7, v39;
	v44 =	vld.idx.msk [tilespmem:v53+s4+$0x0], $0xffff  }
0x20a: {  	v55 =	vor.u32 v7, v40;
	_ =	sdelay $0x3  }
0x20b: {  	[tilespmem:v54+s19+$0x0] =	vst.idx.msk $0xffff, v44  }
0x20c: {  	v56 =	vor.u32 v7, v41;
	v44 =	vld.idx.msk [tilespmem:v55+s4+$0x0], $0xffff  }
0x20d: {  	v57 =	vor.u32 v7, v42;
	_ =	sdelay $0x3  }
0x20e: {  	[tilespmem:v56+s19+$0x0] =	vst.idx.msk $0xffff, v44  }
0x20f: {  	v58 =	vor.u32 v7, v43;
	v44 =	vld.idx.msk [tilespmem:v57+s4+$0x0], $0xffff  }
0x210: {  	v59 =	vor.u32 v8, v36;
	_ =	sdelay $0x3  }
0x211: {  	[tilespmem:v58+s19+$0x0] =	vst.idx.msk $0xffff, v44  }
0x212: {  	v60 =	vor.u32 v8, v37;
	v44 =	vld.idx.msk [tilespmem:v59+s4+$0x0], $0xffff  }
0x213: {  	v61 =	vor.u32 v8, v38;
	_ =	sdelay $0x3  }
0x214: {  	[tilespmem:v60+s19+$0x0] =	vst.idx.msk $0xffff, v44  }
0x215: {  	v62 =	vor.u32 v8, v39;
	v44 =	vld.idx.msk [tilespmem:v61+s4+$0x0], $0xffff  }
0x216: {  	v63 =	vor.u32 v8, v40;
	_ =	sdelay $0x3  }
0x217: {  	[tilespmem:v62+s19+$0x0] =	vst.idx.msk $0xffff, v44  }
0x218: {  	v48 =	vor.u32 v8, v41;
	v44 =	vld.idx.msk [tilespmem:v63+s4+$0x0], $0xffff  }
0x219: {  	v49 =	vor.u32 v8, v42;
	_ =	sdelay $0x3  }
0x21a: {  	[tilespmem:v48+s19+$0x0] =	vst.idx.msk $0xffff, v44  }
0x21b: {  	v50 =	vor.u32 v8, v43;
	v44 =	vld.idx.msk [tilespmem:v49+s4+$0x0], $0xffff  }
0x21c: {  	v51 =	vor.u32 v9, v36;
	_ =	sdelay $0x3  }
0x21d: {  	[tilespmem:v50+s19+$0x0] =	vst.idx.msk $0xffff, v44  }
0x21e: {  	v52 =	vor.u32 v9, v37;
	v44 =	vld.idx.msk [tilespmem:v51+s4+$0x0], $0xffff  }
0x21f: {  	v53 =	vor.u32 v9, v38;
	_ =	sdelay $0x3  }
0x220: {  	[tilespmem:v52+s19+$0x0] =	vst.idx.msk $0xffff, v44  }
0x221: {  	v54 =	vor.u32 v9, v39;
	v44 =	vld.idx.msk [tilespmem:v53+s4+$0x0], $0xffff  }
0x222: {  	v55 =	vor.u32 v9, v40;
	_ =	sdelay $0x3  }
0x223: {  	[tilespmem:v54+s19+$0x0] =	vst.idx.msk $0xffff, v44  }
0x224: {  	v56 =	vor.u32 v9, v41;
	v44 =	vld.idx.msk [tilespmem:v55+s4+$0x0], $0xffff  }
0x225: {  	v57 =	vor.u32 v9, v42;
	_ =	sdelay $0x3  }
0x226: {  	[tilespmem:v56+s19+$0x0] =	vst.idx.msk $0xffff, v44  }
0x227: {  	v58 =	vor.u32 v9, v43;
	v44 =	vld.idx.msk [tilespmem:v57+s4+$0x0], $0xffff  }
0x228: {  	v59 =	vor.u32 v10, v36;
	_ =	sdelay $0x3  }
0x229: {  	[tilespmem:v58+s19+$0x0] =	vst.idx.msk $0xffff, v44  }
0x22a: {  	v60 =	vor.u32 v10, v37;
	v44 =	vld.idx.msk [tilespmem:v59+s4+$0x0], $0xffff  }
0x22b: {  	v61 =	vor.u32 v10, v38;
	_ =	sdelay $0x3  }
0x22c: {  	[tilespmem:v60+s19+$0x0] =	vst.idx.msk $0xffff, v44  }
0x22d: {  	v62 =	vor.u32 v10, v39;
	v44 =	vld.idx.msk [tilespmem:v61+s4+$0x0], $0xffff  }
0x22e: {  	v63 =	vor.u32 v10, v40;
	_ =	sdelay $0x3  }
0x22f: {  	[tilespmem:v62+s19+$0x0] =	vst.idx.msk $0xffff, v44  }
0x230: {  	v48 =	vor.u32 v10, v41;
	v44 =	vld.idx.msk [tilespmem:v63+s4+$0x0], $0xffff  }
0x231: {  	v49 =	vor.u32 v10, v42;
	_ =	sdelay $0x3  }
0x232: {  	[tilespmem:v48+s19+$0x0] =	vst.idx.msk $0xffff, v44  }
0x233: {  	v50 =	vor.u32 v10, v43;
	v44 =	vld.idx.msk [tilespmem:v49+s4+$0x0], $0xffff  }
0x234: {  	v51 =	vor.u32 v11, v36;
	_ =	sdelay $0x3  }
0x235: {  	[tilespmem:v50+s19+$0x0] =	vst.idx.msk $0xffff, v44  }
0x236: {  	v52 =	vor.u32 v11, v37;
	v44 =	vld.idx.msk [tilespmem:v51+s4+$0x0], $0xffff  }
0x237: {  	v53 =	vor.u32 v11, v38;
	_ =	sdelay $0x3  }
0x238: {  	[tilespmem:v52+s19+$0x0] =	vst.idx.msk $0xffff, v44  }
0x239: {  	v54 =	vor.u32 v11, v39;
	v44 =	vld.idx.msk [tilespmem:v53+s4+$0x0], $0xffff  }
0x23a: {  	v55 =	vor.u32 v11, v40;
	_ =	sdelay $0x3  }
0x23b: {  	[tilespmem:v54+s19+$0x0] =	vst.idx.msk $0xffff, v44  }
0x23c: {  	v56 =	vor.u32 v11, v41;
	v44 =	vld.idx.msk [tilespmem:v55+s4+$0x0], $0xffff  }
0x23d: {  	v57 =	vor.u32 v11, v42;
	_ =	sdelay $0x3  }
0x23e: {  	[tilespmem:v56+s19+$0x0] =	vst.idx.msk $0xffff, v44  }
0x23f: {  	v58 =	vor.u32 v11, v43;
	v44 =	vld.idx.msk [tilespmem:v57+s4+$0x0], $0xffff  }
0x240: {  	v59 =	vor.u32 v12, v36;
	_ =	sdelay $0x3  }
0x241: {  	[tilespmem:v58+s19+$0x0] =	vst.idx.msk $0xffff, v44  }
0x242: {  	v60 =	vor.u32 v12, v37;
	v44 =	vld.idx.msk [tilespmem:v59+s4+$0x0], $0xffff  }
0x243: {  	v61 =	vor.u32 v12, v38;
	_ =	sdelay $0x3  }
0x244: {  	[tilespmem:v60+s19+$0x0] =	vst.idx.msk $0xffff, v44  }
0x245: {  	v62 =	vor.u32 v12, v39;
	v44 =	vld.idx.msk [tilespmem:v61+s4+$0x0], $0xffff  }
0x246: {  	v63 =	vor.u32 v12, v40;
	_ =	sdelay $0x3  }
0x247: {  	[tilespmem:v62+s19+$0x0] =	vst.idx.msk $0xffff, v44  }
0x248: {  	v48 =	vor.u32 v12, v41;
	v44 =	vld.idx.msk [tilespmem:v63+s4+$0x0], $0xffff  }
0x249: {  	v49 =	vor.u32 v12, v42;
	_ =	sdelay $0x3  }
0x24a: {  	[tilespmem:v48+s19+$0x0] =	vst.idx.msk $0xffff, v44  }
0x24b: {  	v50 =	vor.u32 v12, v43;
	v44 =	vld.idx.msk [tilespmem:v49+s4+$0x0], $0xffff  }
0x24c: {  	v51 =	vor.u32 v13, v36;
	_ =	sdelay $0x3  }
0x24d: {  	[tilespmem:v50+s19+$0x0] =	vst.idx.msk $0xffff, v44  }
0x24e: {  	v52 =	vor.u32 v13, v37;
	v44 =	vld.idx.msk [tilespmem:v51+s4+$0x0], $0xffff  }
0x24f: {  	v53 =	vor.u32 v13, v38;
	_ =	sdelay $0x3  }
0x250: {  	[tilespmem:v52+s19+$0x0] =	vst.idx.msk $0xffff, v44  }
0x251: {  	v54 =	vor.u32 v13, v39;
	v44 =	vld.idx.msk [tilespmem:v53+s4+$0x0], $0xffff  }
0x252: {  	v55 =	vor.u32 v13, v40;
	_ =	sdelay $0x3  }
0x253: {  	[tilespmem:v54+s19+$0x0] =	vst.idx.msk $0xffff, v44  }
0x254: {  	v56 =	vor.u32 v13, v41;
	v44 =	vld.idx.msk [tilespmem:v55+s4+$0x0], $0xffff  }
0x255: {  	v57 =	vor.u32 v13, v42;
	_ =	sdelay $0x3  }
0x256: {  	[tilespmem:v56+s19+$0x0] =	vst.idx.msk $0xffff, v44  }
0x257: {  	v58 =	vor.u32 v13, v43;
	v44 =	vld.idx.msk [tilespmem:v57+s4+$0x0], $0xffff  }
0x258: {  	v59 =	vor.u32 v14, v36;
	_ =	sdelay $0x3  }
0x259: {  	[tilespmem:v58+s19+$0x0] =	vst.idx.msk $0xffff, v44  }
0x25a: {  	v60 =	vor.u32 v14, v37;
	v44 =	vld.idx.msk [tilespmem:v59+s4+$0x0], $0xffff  }
0x25b: {  	v61 =	vor.u32 v14, v38;
	_ =	sdelay $0x3  }
0x25c: {  	[tilespmem:v60+s19+$0x0] =	vst.idx.msk $0xffff, v44  }
0x25d: {  	v62 =	vor.u32 v14, v39;
	v44 =	vld.idx.msk [tilespmem:v61+s4+$0x0], $0xffff  }
0x25e: {  	v63 =	vor.u32 v14, v40;
	_ =	sdelay $0x3  }
0x25f: {  	[tilespmem:v62+s19+$0x0] =	vst.idx.msk $0xffff, v44  }
0x260: {  	v48 =	vor.u32 v14, v41;
	v44 =	vld.idx.msk [tilespmem:v63+s4+$0x0], $0xffff  }
0x261: {  	v49 =	vor.u32 v14, v42;
	_ =	sdelay $0x3  }
0x262: {  	[tilespmem:v48+s19+$0x0] =	vst.idx.msk $0xffff, v44  }
0x263: {  	v50 =	vor.u32 v14, v43;
	v44 =	vld.idx.msk [tilespmem:v49+s4+$0x0], $0xffff  }
0x264: {  	v51 =	vor.u32 v15, v36;
	_ =	sdelay $0x3  }
0x265: {  	[tilespmem:v50+s19+$0x0] =	vst.idx.msk $0xffff, v44  }
0x266: {  	v52 =	vor.u32 v15, v37;
	v44 =	vld.idx.msk [tilespmem:v51+s4+$0x0], $0xffff  }
0x267: {  	v53 =	vor.u32 v15, v38;
	_ =	sdelay $0x3  }
0x268: {  	[tilespmem:v52+s19+$0x0] =	vst.idx.msk $0xffff, v44  }
0x269: {  	v54 =	vor.u32 v15, v39;
	v44 =	vld.idx.msk [tilespmem:v53+s4+$0x0], $0xffff  }
0x26a: {  	v55 =	vor.u32 v15, v40;
	_ =	sdelay $0x3  }
0x26b: {  	[tilespmem:v54+s19+$0x0] =	vst.idx.msk $0xffff, v44  }
0x26c: {  	v56 =	vor.u32 v15, v41;
	v44 =	vld.idx.msk [tilespmem:v55+s4+$0x0], $0xffff  }
0x26d: {  	v57 =	vor.u32 v15, v42;
	_ =	sdelay $0x3  }
0x26e: {  	[tilespmem:v56+s19+$0x0] =	vst.idx.msk $0xffff, v44  }
0x26f: {  	v58 =	vor.u32 v15, v43;
	v44 =	vld.idx.msk [tilespmem:v57+s4+$0x0], $0xffff  }
0x270: {  	v59 =	vor.u32 v16, v36;
	_ =	sdelay $0x3  }
0x271: {  	[tilespmem:v58+s19+$0x0] =	vst.idx.msk $0xffff, v44  }
0x272: {  	v60 =	vor.u32 v16, v37;
	v44 =	vld.idx.msk [tilespmem:v59+s4+$0x0], $0xffff  }
0x273: {  	v61 =	vor.u32 v16, v38;
	_ =	sdelay $0x3  }
0x274: {  	[tilespmem:v60+s19+$0x0] =	vst.idx.msk $0xffff, v44  }
0x275: {  	v62 =	vor.u32 v16, v39;
	v44 =	vld.idx.msk [tilespmem:v61+s4+$0x0], $0xffff  }
0x276: {  	v63 =	vor.u32 v16, v40;
	_ =	sdelay $0x3  }
0x277: {  	[tilespmem:v62+s19+$0x0] =	vst.idx.msk $0xffff, v44  }
0x278: {  	v48 =	vor.u32 v16, v41;
	v44 =	vld.idx.msk [tilespmem:v63+s4+$0x0], $0xffff  }
0x279: {  	v49 =	vor.u32 v16, v42;
	_ =	sdelay $0x3  }
0x27a: {  	[tilespmem:v48+s19+$0x0] =	vst.idx.msk $0xffff, v44  }
0x27b: {  	v50 =	vor.u32 v16, v43;
	v44 =	vld.idx.msk [tilespmem:v49+s4+$0x0], $0xffff  }
0x27c: {  	v51 =	vor.u32 v17, v36;
	_ =	sdelay $0x3  }
0x27d: {  	[tilespmem:v50+s19+$0x0] =	vst.idx.msk $0xffff, v44  }
0x27e: {  	v52 =	vor.u32 v17, v37;
	v44 =	vld.idx.msk [tilespmem:v51+s4+$0x0], $0xffff  }
0x27f: {  	v53 =	vor.u32 v17, v38;
	_ =	sdelay $0x3  }
0x280: {  	[tilespmem:v52+s19+$0x0] =	vst.idx.msk $0xffff, v44  }
0x281: {  	v54 =	vor.u32 v17, v39;
	v44 =	vld.idx.msk [tilespmem:v53+s4+$0x0], $0xffff  }
0x282: {  	v55 =	vor.u32 v17, v40;
	_ =	sdelay $0x3  }
0x283: {  	[tilespmem:v54+s19+$0x0] =	vst.idx.msk $0xffff, v44  }
0x284: {  	v56 =	vor.u32 v17, v41;
	v44 =	vld.idx.msk [tilespmem:v55+s4+$0x0], $0xffff  }
0x285: {  	v57 =	vor.u32 v17, v42;
	_ =	sdelay $0x3  }
0x286: {  	[tilespmem:v56+s19+$0x0] =	vst.idx.msk $0xffff, v44  }
0x287: {  	v58 =	vor.u32 v17, v43;
	v44 =	vld.idx.msk [tilespmem:v57+s4+$0x0], $0xffff  }
0x288: {  	v59 =	vor.u32 v18, v36;
	_ =	sdelay $0x3  }
0x289: {  	[tilespmem:v58+s19+$0x0] =	vst.idx.msk $0xffff, v44  }
0x28a: {  	v60 =	vor.u32 v18, v37;
	v44 =	vld.idx.msk [tilespmem:v59+s4+$0x0], $0xffff  }
0x28b: {  	v61 =	vor.u32 v18, v38;
	_ =	sdelay $0x3  }
0x28c: {  	[tilespmem:v60+s19+$0x0] =	vst.idx.msk $0xffff, v44  }
0x28d: {  	v62 =	vor.u32 v18, v39;
	v44 =	vld.idx.msk [tilespmem:v61+s4+$0x0], $0xffff  }
0x28e: {  	v63 =	vor.u32 v18, v40;
	_ =	sdelay $0x3  }
0x28f: {  	[tilespmem:v62+s19+$0x0] =	vst.idx.msk $0xffff, v44  }
0x290: {  	v48 =	vor.u32 v18, v41;
	v44 =	vld.idx.msk [tilespmem:v63+s4+$0x0], $0xffff  }
0x291: {  	v49 =	vor.u32 v18, v42;
	_ =	sdelay $0x3  }
0x292: {  	[tilespmem:v48+s19+$0x0] =	vst.idx.msk $0xffff, v44  }
0x293: {  	v50 =	vor.u32 v18, v43;
	v44 =	vld.idx.msk [tilespmem:v49+s4+$0x0], $0xffff  }
0x294: {  	v51 =	vor.u32 v19, v36;
	_ =	sdelay $0x3  }
0x295: {  	[tilespmem:v50+s19+$0x0] =	vst.idx.msk $0xffff, v44  }
0x296: {  	v52 =	vor.u32 v19, v37;
	v44 =	vld.idx.msk [tilespmem:v51+s4+$0x0], $0xffff  }
0x297: {  	v53 =	vor.u32 v19, v38;
	_ =	sdelay $0x3  }
0x298: {  	[tilespmem:v52+s19+$0x0] =	vst.idx.msk $0xffff, v44  }
0x299: {  	v54 =	vor.u32 v19, v39;
	v44 =	vld.idx.msk [tilespmem:v53+s4+$0x0], $0xffff  }
0x29a: {  	v55 =	vor.u32 v19, v40;
	_ =	sdelay $0x3  }
0x29b: {  	[tilespmem:v54+s19+$0x0] =	vst.idx.msk $0xffff, v44  }
0x29c: {  	v56 =	vor.u32 v19, v41;
	v44 =	vld.idx.msk [tilespmem:v55+s4+$0x0], $0xffff  }
0x29d: {  	v57 =	vor.u32 v19, v42;
	_ =	sdelay $0x3  }
0x29e: {  	[tilespmem:v56+s19+$0x0] =	vst.idx.msk $0xffff, v44  }
0x29f: {  	v58 =	vor.u32 v19, v43;
	v44 =	vld.idx.msk [tilespmem:v57+s4+$0x0], $0xffff  }
0x2a0: {  	v59 =	vor.u32 v31, v36;
	_ =	sdelay $0x3  }
0x2a1: {  	[tilespmem:v58+s19+$0x0] =	vst.idx.msk $0xffff, v44  }
0x2a2: {  	v60 =	vor.u32 v31, v37;
	v44 =	vld.idx.msk [tilespmem:v59+s4+$0x0], $0xffff  }
0x2a3: {  	v61 =	vor.u32 v31, v38;
	_ =	sdelay $0x3  }
0x2a4: {  	[tilespmem:v60+s19+$0x0] =	vst.idx.msk $0xffff, v44  }
0x2a5: {  	v62 =	vor.u32 v31, v39;
	v44 =	vld.idx.msk [tilespmem:v61+s4+$0x0], $0xffff  }
0x2a6: {  	v63 =	vor.u32 v31, v40;
	_ =	sdelay $0x3  }
0x2a7: {  	[tilespmem:v62+s19+$0x0] =	vst.idx.msk $0xffff, v44  }
0x2a8: {  	v48 =	vor.u32 v31, v41;
	v44 =	vld.idx.msk [tilespmem:v63+s4+$0x0], $0xffff  }
0x2a9: {  	v49 =	vor.u32 v31, v42;
	_ =	sdelay $0x3  }
0x2aa: {  	[tilespmem:v48+s19+$0x0] =	vst.idx.msk $0xffff, v44  }
0x2ab: {  	v50 =	vor.u32 v31, v43;
	v44 =	vld.idx.msk [tilespmem:v49+s4+$0x0], $0xffff  }
0x2ac: {  	v51 =	vor.u32 v2, v36;
	_ =	sdelay $0x3  }
0x2ad: {  	[tilespmem:v50+s19+$0x0] =	vst.idx.msk $0xffff, v44  }
0x2ae: {  	v52 =	vor.u32 v2, v37;
	v44 =	vld.idx.msk [tilespmem:v51+s4+$0x0], $0xffff  }
0x2af: {  	v53 =	vor.u32 v2, v38;
	_ =	sdelay $0x3  }
0x2b0: {  	[tilespmem:v52+s19+$0x0] =	vst.idx.msk $0xffff, v44  }
0x2b1: {  	v54 =	vor.u32 v2, v39;
	v44 =	vld.idx.msk [tilespmem:v53+s4+$0x0], $0xffff  }
0x2b2: {  	v55 =	vor.u32 v2, v40;
	_ =	sdelay $0x3  }
0x2b3: {  	[tilespmem:v54+s19+$0x0] =	vst.idx.msk $0xffff, v44  }
0x2b4: {  	v56 =	vor.u32 v2, v41;
	v44 =	vld.idx.msk [tilespmem:v55+s4+$0x0], $0xffff  }
0x2b5: {  	v57 =	vor.u32 v2, v42;
	_ =	sdelay $0x3  }
0x2b6: {  	[tilespmem:v56+s19+$0x0] =	vst.idx.msk $0xffff, v44  }
0x2b7: {  	v58 =	vor.u32 v2, v43;
	v44 =	vld.idx.msk [tilespmem:v57+s4+$0x0], $0xffff  }
0x2b8: {  	v59 =	vor.u32 v20, v36;
	_ =	sdelay $0x3  }
0x2b9: {  	[tilespmem:v58+s19+$0x0] =	vst.idx.msk $0xffff, v44  }
0x2ba: {  	v60 =	vor.u32 v20, v37;
	v44 =	vld.idx.msk [tilespmem:v59+s4+$0x0], $0xffff  }
0x2bb: {  	v61 =	vor.u32 v20, v38;
	_ =	sdelay $0x3  }
0x2bc: {  	[tilespmem:v60+s19+$0x0] =	vst.idx.msk $0xffff, v44  }
0x2bd: {  	v62 =	vor.u32 v20, v39;
	v44 =	vld.idx.msk [tilespmem:v61+s4+$0x0], $0xffff  }
0x2be: {  	v63 =	vor.u32 v20, v40;
	_ =	sdelay $0x3  }
0x2bf: {  	[tilespmem:v62+s19+$0x0] =	vst.idx.msk $0xffff, v44  }
0x2c0: {  	v48 =	vor.u32 v20, v41;
	v44 =	vld.idx.msk [tilespmem:v63+s4+$0x0], $0xffff  }
0x2c1: {  	v49 =	vor.u32 v20, v42;
	_ =	sdelay $0x3  }
0x2c2: {  	[tilespmem:v48+s19+$0x0] =	vst.idx.msk $0xffff, v44  }
0x2c3: {  	v50 =	vor.u32 v20, v43;
	v44 =	vld.idx.msk [tilespmem:v49+s4+$0x0], $0xffff  }
0x2c4: {  	v51 =	vor.u32 v22, v36;
	_ =	sdelay $0x3  }
0x2c5: {  	[tilespmem:v50+s19+$0x0] =	vst.idx.msk $0xffff, v44  }
0x2c6: {  	v52 =	vor.u32 v22, v37;
	v44 =	vld.idx.msk [tilespmem:v51+s4+$0x0], $0xffff  }
0x2c7: {  	v53 =	vor.u32 v22, v38;
	_ =	sdelay $0x3  }
0x2c8: {  	[tilespmem:v52+s19+$0x0] =	vst.idx.msk $0xffff, v44  }
0x2c9: {  	v54 =	vor.u32 v22, v39;
	v44 =	vld.idx.msk [tilespmem:v53+s4+$0x0], $0xffff  }
0x2ca: {  	v55 =	vor.u32 v22, v40;
	_ =	sdelay $0x3  }
0x2cb: {  	[tilespmem:v54+s19+$0x0] =	vst.idx.msk $0xffff, v44  }
0x2cc: {  	v56 =	vor.u32 v22, v41;
	v44 =	vld.idx.msk [tilespmem:v55+s4+$0x0], $0xffff  }
0x2cd: {  	v57 =	vor.u32 v22, v42;
	_ =	sdelay $0x3  }
0x2ce: {  	[tilespmem:v56+s19+$0x0] =	vst.idx.msk $0xffff, v44  }
0x2cf: {  	v58 =	vor.u32 v22, v43;
	v44 =	vld.idx.msk [tilespmem:v57+s4+$0x0], $0xffff  }
0x2d0: {  	v59 =	vor.u32 v23, v36;
	_ =	sdelay $0x3  }
0x2d1: {  	[tilespmem:v58+s19+$0x0] =	vst.idx.msk $0xffff, v44  }
0x2d2: {  	v60 =	vor.u32 v23, v37;
	v44 =	vld.idx.msk [tilespmem:v59+s4+$0x0], $0xffff  }
0x2d3: {  	v61 =	vor.u32 v23, v38;
	_ =	sdelay $0x3  }
0x2d4: {  	[tilespmem:v60+s19+$0x0] =	vst.idx.msk $0xffff, v44  }
0x2d5: {  	v62 =	vor.u32 v23, v39;
	v44 =	vld.idx.msk [tilespmem:v61+s4+$0x0], $0xffff  }
0x2d6: {  	v63 =	vor.u32 v23, v40;
	_ =	sdelay $0x3  }
0x2d7: {  	[tilespmem:v62+s19+$0x0] =	vst.idx.msk $0xffff, v44  }
0x2d8: {  	v48 =	vor.u32 v23, v41;
	v44 =	vld.idx.msk [tilespmem:v63+s4+$0x0], $0xffff  }
0x2d9: {  	v49 =	vor.u32 v23, v42;
	_ =	sdelay $0x3  }
0x2da: {  	[tilespmem:v48+s19+$0x0] =	vst.idx.msk $0xffff, v44  }
0x2db: {  	v50 =	vor.u32 v23, v43;
	v44 =	vld.idx.msk [tilespmem:v49+s4+$0x0], $0xffff  }
0x2dc: {  	v51 =	vor.u32 v21, v36;
	_ =	sdelay $0x3  }
0x2dd: {  	[tilespmem:v50+s19+$0x0] =	vst.idx.msk $0xffff, v44  }
0x2de: {  	v52 =	vor.u32 v21, v37;
	v44 =	vld.idx.msk [tilespmem:v51+s4+$0x0], $0xffff  }
0x2df: {  	v53 =	vor.u32 v21, v38;
	_ =	sdelay $0x3  }
0x2e0: {  	[tilespmem:v52+s19+$0x0] =	vst.idx.msk $0xffff, v44  }
0x2e1: {  	v54 =	vor.u32 v21, v39;
	v44 =	vld.idx.msk [tilespmem:v53+s4+$0x0], $0xffff  }
0x2e2: {  	v55 =	vor.u32 v21, v40;
	_ =	sdelay $0x3  }
0x2e3: {  	[tilespmem:v54+s19+$0x0] =	vst.idx.msk $0xffff, v44  }
0x2e4: {  	v56 =	vor.u32 v21, v41;
	v44 =	vld.idx.msk [tilespmem:v55+s4+$0x0], $0xffff  }
0x2e5: {  	v57 =	vor.u32 v21, v42;
	_ =	sdelay $0x3  }
0x2e6: {  	[tilespmem:v56+s19+$0x0] =	vst.idx.msk $0xffff, v44  }
0x2e7: {  	v58 =	vor.u32 v21, v43;
	v44 =	vld.idx.msk [tilespmem:v57+s4+$0x0], $0xffff  }
0x2e8: {  	v59 =	vor.u32 v24, v36;
	_ =	sdelay $0x3  }
0x2e9: {  	[tilespmem:v58+s19+$0x0] =	vst.idx.msk $0xffff, v44  }
0x2ea: {  	v60 =	vor.u32 v24, v37;
	v44 =	vld.idx.msk [tilespmem:v59+s4+$0x0], $0xffff  }
0x2eb: {  	v61 =	vor.u32 v24, v38;
	_ =	sdelay $0x3  }
0x2ec: {  	[tilespmem:v60+s19+$0x0] =	vst.idx.msk $0xffff, v44  }
0x2ed: {  	v62 =	vor.u32 v24, v39;
	v44 =	vld.idx.msk [tilespmem:v61+s4+$0x0], $0xffff  }
0x2ee: {  	v63 =	vor.u32 v24, v40;
	_ =	sdelay $0x3  }
0x2ef: {  	[tilespmem:v62+s19+$0x0] =	vst.idx.msk $0xffff, v44  }
0x2f0: {  	v48 =	vor.u32 v24, v41;
	v44 =	vld.idx.msk [tilespmem:v63+s4+$0x0], $0xffff  }
0x2f1: {  	v49 =	vor.u32 v24, v42;
	_ =	sdelay $0x3  }
0x2f2: {  	[tilespmem:v48+s19+$0x0] =	vst.idx.msk $0xffff, v44  }
0x2f3: {  	v50 =	vor.u32 v24, v43;
	v44 =	vld.idx.msk [tilespmem:v49+s4+$0x0], $0xffff  }
0x2f4: {  	v51 =	vor.u32 v25, v36;
	_ =	sdelay $0x3  }
0x2f5: {  	[tilespmem:v50+s19+$0x0] =	vst.idx.msk $0xffff, v44  }
0x2f6: {  	v52 =	vor.u32 v25, v37;
	v44 =	vld.idx.msk [tilespmem:v51+s4+$0x0], $0xffff  }
0x2f7: {  	v53 =	vor.u32 v25, v38;
	_ =	sdelay $0x3  }
0x2f8: {  	[tilespmem:v52+s19+$0x0] =	vst.idx.msk $0xffff, v44  }
0x2f9: {  	v54 =	vor.u32 v25, v39;
	v44 =	vld.idx.msk [tilespmem:v53+s4+$0x0], $0xffff  }
0x2fa: {  	v55 =	vor.u32 v25, v40;
	_ =	sdelay $0x3  }
0x2fb: {  	[tilespmem:v54+s19+$0x0] =	vst.idx.msk $0xffff, v44  }
0x2fc: {  	v56 =	vor.u32 v25, v41;
	v44 =	vld.idx.msk [tilespmem:v55+s4+$0x0], $0xffff  }
0x2fd: {  	v57 =	vor.u32 v25, v42;
	_ =	sdelay $0x3  }
0x2fe: {  	[tilespmem:v56+s19+$0x0] =	vst.idx.msk $0xffff, v44  }
0x2ff: {  	v58 =	vor.u32 v25, v43;
	v44 =	vld.idx.msk [tilespmem:v57+s4+$0x0], $0xffff  }
0x300: {  	v59 =	vor.u32 v26, v36;
	_ =	sdelay $0x3  }
0x301: {  	[tilespmem:v58+s19+$0x0] =	vst.idx.msk $0xffff, v44  }
0x302: {  	v60 =	vor.u32 v26, v37;
	v44 =	vld.idx.msk [tilespmem:v59+s4+$0x0], $0xffff  }
0x303: {  	v61 =	vor.u32 v26, v38;
	_ =	sdelay $0x3  }
0x304: {  	[tilespmem:v60+s19+$0x0] =	vst.idx.msk $0xffff, v44  }
0x305: {  	v62 =	vor.u32 v26, v39;
	v44 =	vld.idx.msk [tilespmem:v61+s4+$0x0], $0xffff  }
0x306: {  	v63 =	vor.u32 v26, v40;
	_ =	sdelay $0x3  }
0x307: {  	[tilespmem:v62+s19+$0x0] =	vst.idx.msk $0xffff, v44  }
0x308: {  	v48 =	vor.u32 v26, v41;
	v44 =	vld.idx.msk [tilespmem:v63+s4+$0x0], $0xffff  }
0x309: {  	v49 =	vor.u32 v26, v42;
	_ =	sdelay $0x3  }
0x30a: {  	[tilespmem:v48+s19+$0x0] =	vst.idx.msk $0xffff, v44  }
0x30b: {  	v50 =	vor.u32 v26, v43;
	v44 =	vld.idx.msk [tilespmem:v49+s4+$0x0], $0xffff  }
0x30c: {  	v51 =	vor.u32 v27, v36;
	_ =	sdelay $0x3  }
0x30d: {  	[tilespmem:v50+s19+$0x0] =	vst.idx.msk $0xffff, v44  }
0x30e: {  	v52 =	vor.u32 v27, v37;
	v44 =	vld.idx.msk [tilespmem:v51+s4+$0x0], $0xffff  }
0x30f: {  	v53 =	vor.u32 v27, v38;
	_ =	sdelay $0x3  }
0x310: {  	[tilespmem:v52+s19+$0x0] =	vst.idx.msk $0xffff, v44  }
0x311: {  	v54 =	vor.u32 v27, v39;
	v44 =	vld.idx.msk [tilespmem:v53+s4+$0x0], $0xffff  }
0x312: {  	v55 =	vor.u32 v27, v40;
	_ =	sdelay $0x3  }
0x313: {  	[tilespmem:v54+s19+$0x0] =	vst.idx.msk $0xffff, v44  }
0x314: {  	v56 =	vor.u32 v27, v41;
	v44 =	vld.idx.msk [tilespmem:v55+s4+$0x0], $0xffff  }
0x315: {  	v57 =	vor.u32 v27, v42;
	_ =	sdelay $0x3  }
0x316: {  	[tilespmem:v56+s19+$0x0] =	vst.idx.msk $0xffff, v44  }
0x317: {  	v58 =	vor.u32 v27, v43;
	v44 =	vld.idx.msk [tilespmem:v57+s4+$0x0], $0xffff  }
0x318: {  	v59 =	vor.u32 v28, v36;
	_ =	sdelay $0x3  }
0x319: {  	[tilespmem:v58+s19+$0x0] =	vst.idx.msk $0xffff, v44  }
0x31a: {  	v60 =	vor.u32 v28, v37;
	v44 =	vld.idx.msk [tilespmem:v59+s4+$0x0], $0xffff  }
0x31b: {  	v61 =	vor.u32 v28, v38;
	_ =	sdelay $0x3  }
0x31c: {  	[tilespmem:v60+s19+$0x0] =	vst.idx.msk $0xffff, v44  }
0x31d: {  	v62 =	vor.u32 v28, v39;
	v44 =	vld.idx.msk [tilespmem:v61+s4+$0x0], $0xffff  }
0x31e: {  	v63 =	vor.u32 v28, v40;
	_ =	sdelay $0x3  }
0x31f: {  	[tilespmem:v62+s19+$0x0] =	vst.idx.msk $0xffff, v44  }
0x320: {  	v48 =	vor.u32 v28, v41;
	v44 =	vld.idx.msk [tilespmem:v63+s4+$0x0], $0xffff  }
0x321: {  	v49 =	vor.u32 v28, v42;
	_ =	sdelay $0x3  }
0x322: {  	[tilespmem:v48+s19+$0x0] =	vst.idx.msk $0xffff, v44  }
0x323: {  	v50 =	vor.u32 v28, v43;
	v44 =	vld.idx.msk [tilespmem:v49+s4+$0x0], $0xffff  }
0x324: {  	v51 =	vor.u32 v29, v36;
	_ =	sdelay $0x3  }
0x325: {  	[tilespmem:v50+s19+$0x0] =	vst.idx.msk $0xffff, v44  }
0x326: {  	v52 =	vor.u32 v29, v37;
	v44 =	vld.idx.msk [tilespmem:v51+s4+$0x0], $0xffff  }
0x327: {  	v53 =	vor.u32 v29, v38;
	_ =	sdelay $0x3  }
0x328: {  	[tilespmem:v52+s19+$0x0] =	vst.idx.msk $0xffff, v44  }
0x329: {  	v54 =	vor.u32 v29, v39;
	v44 =	vld.idx.msk [tilespmem:v53+s4+$0x0], $0xffff  }
0x32a: {  	v55 =	vor.u32 v29, v40;
	_ =	sdelay $0x3  }
0x32b: {  	[tilespmem:v54+s19+$0x0] =	vst.idx.msk $0xffff, v44  }
0x32c: {  	v56 =	vor.u32 v29, v41;
	v44 =	vld.idx.msk [tilespmem:v55+s4+$0x0], $0xffff  }
0x32d: {  	v57 =	vor.u32 v29, v42;
	_ =	sdelay $0x3  }
0x32e: {  	[tilespmem:v56+s19+$0x0] =	vst.idx.msk $0xffff, v44  }
0x32f: {  	v58 =	vor.u32 v29, v43;
	v44 =	vld.idx.msk [tilespmem:v57+s4+$0x0], $0xffff  }
0x330: {  	v59 =	vor.u32 v30, v36;
	_ =	sdelay $0x3  }
0x331: {  	[tilespmem:v58+s19+$0x0] =	vst.idx.msk $0xffff, v44  }
0x332: {  	v60 =	vor.u32 v30, v37;
	v44 =	vld.idx.msk [tilespmem:v59+s4+$0x0], $0xffff  }
0x333: {  	v61 =	vor.u32 v30, v38;
	_ =	sdelay $0x3  }
0x334: {  	[tilespmem:v60+s19+$0x0] =	vst.idx.msk $0xffff, v44  }
0x335: {  	v62 =	vor.u32 v30, v39;
	v44 =	vld.idx.msk [tilespmem:v61+s4+$0x0], $0xffff  }
0x336: {  	v63 =	vor.u32 v30, v40;
	_ =	sdelay $0x3  }
0x337: {  	[tilespmem:v62+s19+$0x0] =	vst.idx.msk $0xffff, v44  }
0x338: {  	v48 =	vor.u32 v30, v41;
	v44 =	vld.idx.msk [tilespmem:v63+s4+$0x0], $0xffff  }
0x339: {  	v49 =	vor.u32 v30, v42;
	_ =	sdelay $0x3  }
0x33a: {  	[tilespmem:v48+s19+$0x0] =	vst.idx.msk $0xffff, v44  }
0x33b: {  	v50 =	vor.u32 v30, v43;
	v44 =	vld.idx.msk [tilespmem:v49+s4+$0x0], $0xffff  }
0x33c: {  	v51 =	vor.u32 v32, v36;
	_ =	sdelay $0x3  }
0x33d: {  	[tilespmem:v50+s19+$0x0] =	vst.idx.msk $0xffff, v44  }
0x33e: {  	v52 =	vor.u32 v32, v37;
	v44 =	vld.idx.msk [tilespmem:v51+s4+$0x0], $0xffff  }
0x33f: {  	v53 =	vor.u32 v32, v38;
	_ =	sdelay $0x3  }
0x340: {  	[tilespmem:v52+s19+$0x0] =	vst.idx.msk $0xffff, v44  }
0x341: {  	v54 =	vor.u32 v32, v39;
	v44 =	vld.idx.msk [tilespmem:v53+s4+$0x0], $0xffff  }
0x342: {  	v55 =	vor.u32 v32, v40;
	_ =	sdelay $0x3  }
0x343: {  	[tilespmem:v54+s19+$0x0] =	vst.idx.msk $0xffff, v44  }
0x344: {  	v56 =	vor.u32 v32, v41;
	v44 =	vld.idx.msk [tilespmem:v55+s4+$0x0], $0xffff  }
0x345: {  	v57 =	vor.u32 v32, v42;
	_ =	sdelay $0x3  }
0x346: {  	[tilespmem:v56+s19+$0x0] =	vst.idx.msk $0xffff, v44  }
0x347: {  	v58 =	vor.u32 v32, v43;
	v44 =	vld.idx.msk [tilespmem:v57+s4+$0x0], $0xffff  }
0x348: {  	v59 =	vor.u32 v33, v36;
	_ =	sdelay $0x3  }
0x349: {  	[tilespmem:v58+s19+$0x0] =	vst.idx.msk $0xffff, v44  }
0x34a: {  	v60 =	vor.u32 v33, v37;
	v44 =	vld.idx.msk [tilespmem:v59+s4+$0x0], $0xffff  }
0x34b: {  	v61 =	vor.u32 v33, v38;
	_ =	sdelay $0x3  }
0x34c: {  	[tilespmem:v60+s19+$0x0] =	vst.idx.msk $0xffff, v44  }
0x34d: {  	v62 =	vor.u32 v33, v39;
	v44 =	vld.idx.msk [tilespmem:v61+s4+$0x0], $0xffff  }
0x34e: {  	v63 =	vor.u32 v33, v40;
	_ =	sdelay $0x3  }
0x34f: {  	[tilespmem:v62+s19+$0x0] =	vst.idx.msk $0xffff, v44  }
0x350: {  	v48 =	vor.u32 v33, v41;
	v44 =	vld.idx.msk [tilespmem:v63+s4+$0x0], $0xffff  }
0x351: {  	v49 =	vor.u32 v33, v42;
	_ =	sdelay $0x3  }
0x352: {  	[tilespmem:v48+s19+$0x0] =	vst.idx.msk $0xffff, v44  }
0x353: {  	v50 =	vor.u32 v33, v43;
	v44 =	vld.idx.msk [tilespmem:v49+s4+$0x0], $0xffff  }
0x354: {  	v51 =	vor.u32 v34, v36;
	_ =	sdelay $0x3  }
0x355: {  	[tilespmem:v50+s19+$0x0] =	vst.idx.msk $0xffff, v44  }
0x356: {  	v52 =	vor.u32 v34, v37;
	v44 =	vld.idx.msk [tilespmem:v51+s4+$0x0], $0xffff  }
0x357: {  	v53 =	vor.u32 v34, v38;
	_ =	sdelay $0x3  }
0x358: {  	[tilespmem:v52+s19+$0x0] =	vst.idx.msk $0xffff, v44  }
0x359: {  	v54 =	vor.u32 v34, v39;
	v44 =	vld.idx.msk [tilespmem:v53+s4+$0x0], $0xffff  }
0x35a: {  	v55 =	vor.u32 v34, v40;
	_ =	sdelay $0x3  }
0x35b: {  	[tilespmem:v54+s19+$0x0] =	vst.idx.msk $0xffff, v44  }
0x35c: {  	v56 =	vor.u32 v34, v41;
	v44 =	vld.idx.msk [tilespmem:v55+s4+$0x0], $0xffff  }
0x35d: {  	v57 =	vor.u32 v34, v42;
	_ =	sdelay $0x3  }
0x35e: {  	[tilespmem:v56+s19+$0x0] =	vst.idx.msk $0xffff, v44  }
0x35f: {  	v58 =	vor.u32 v34, v43;
	v44 =	vld.idx.msk [tilespmem:v57+s4+$0x0], $0xffff  }
0x360: {  	v36 =	vor.u32 v35, v36;
	_ =	sdelay $0x3  }
0x361: {  	[tilespmem:v58+s19+$0x0] =	vst.idx.msk $0xffff, v44  }
0x362: {  	v37 =	vor.u32 v35, v37;
	v36 =	vld.idx.msk [tilespmem:v36+s4+$0x0], $0xffff  }
0x363: {  	v38 =	vor.u32 v35, v38;
	_ =	sdelay $0x3  }
0x364: {  	[tilespmem:v37+s19+$0x0] =	vst.idx.msk $0xffff, v36  }
0x365: {  	v59 =	vor.u32 v35, v39;
	v36 =	vld.idx.msk [tilespmem:v38+s4+$0x0], $0xffff  }
0x366: {  	v60 =	vor.u32 v35, v40;
	_ =	sdelay $0x3  }
0x367: {  	[tilespmem:v59+s19+$0x0] =	vst.idx.msk $0xffff, v36  }
0x368: {  	v61 =	vor.u32 v35, v41;
	v36 =	vld.idx.msk [tilespmem:v60+s4+$0x0], $0xffff  }
0x369: {  	v62 =	vor.u32 v35, v42;
	_ =	sdelay $0x3  }
0x36a: {  	[tilespmem:v61+s19+$0x0] =	vst.idx.msk $0xffff, v36  }
0x36b: {  	p0 =	sne.s32 s30, $0x100;
	v63 =	vor.u32 v35, v43;
	v36 =	vld.idx.msk [tilespmem:v62+s4+$0x0], $0xffff  }
.Ltmp7:
0x36c: {  	_ = 	snop;
	(pc) =	sbr.rel @p0 .LBB2_8-.Ltmp7, $2  }
0x36d: {  	_ =	sdelay $0x2  }
0x36e: {  	s31 =	sadd.s32 $0x40, s31;
	s30 =	sadd.s32 $0x40, s30;
	[tilespmem:v63+s19+$0x0] =	vst.idx.msk $0xffff, v36  }
0x36f: {  	s30 =	sadd.s32 $0x4, s28  }
0x370: {  	p0 =	sge.u32 s30, s7  }
0x371: {  	s29 =	smul.u32 $0x1400, s29;
	s30 =	sshll.u32 @!p0 s30, $0x5  }
0x372: {  	s30 =	sor.u32 @!p0 s5, s30  }
0x373: {  	s29 =	sadd.s32 s6, s29;
	s30 =	smul.u32 @!p0 $0x28, s30  }
0x374: {  	[hbm4b:s29+s4] =	stream.linear.scatter [tilespmem:s19], [sflag:$0x5], $0xA000, $0x38;
	[tilespmem:$0x1E880] =	vst v63  }
0x375: {  	s31 =	simm.s32 @!p0 $0x580;
	s29 =	sadd.s32 @!p0 s1, s30;
	s30 =	simm.s32 @!p0 $0x0  }
0x376: {  	[tilespmem:s31], [sflag:$0x2] =	stream.linear.gather @!p0 [hbm4b:s29+s30], $0x140, $0x38;
	[tilespmem:$0x1E880] =	vst v63  }
.LBB2_10:
0x377: {  	s29 =	sadd.s32 $0x2, s28  }
0x378: {  	p0 =	sge.u32 s29, s7  }
.Ltmp8:
0x379: {  	_ = 	snop;
	(pc) =	sbr.rel @p0 .LBB2_14-.Ltmp8, $1  }
0x37a: {  	_ =	sdelay $0x3  }
0x37b: {  	_ =	swait.ge [sflag:s20], $0x140  }
0x37c: {  	p0 =	seq.s32 s26, $0x0;
	[sflag:s20] =	ssyncset.done $0x0  }
0x37d: {  	s30 =	simm.s32 @!p0 $0x6;
	[sflag:s20] =	ssyncadd.s32 $0xFFFFFEC0  }
0x37e: {  	_ =	swait.ge @!p0 [sflag:s30], $0xA000  }
0x37f: {  	s29 =	sshll.u32 s29, $0x5;
	s31 =	simm.s32 $0x720;
	[sflag:s30] =	ssyncset.done @!p0 $0x0  }
0x380: {  	s29 =	sor.u32 s5, s29;
	[sflag:s30] =	ssyncadd.s32 @!p0 $0xFFFF6000;
	s30 =	simm.s32 $0x0  }
.LBB2_12:
0x381: {  	v36 =	vld [tilespmem:s31+$0xFFFFFFE0];
	_ =	sdelay $0x4  }
0x382: {  	v36 =	vshll.u32 v36, $0x7  }
0x383: {  	v38 =	vld [tilespmem:s31+$0xFFFFFFF0];
	v39 =	vor.u32 v0, v36;
	_ =	sdelay $0x1  }
0x384: {  	v37 =	vmov s30  }
0x385: {  	v43 =	vshll.u32 v37, $0x7  }
0x386: {  	v37 =	vor.u32 v1, v43  }
0x387: {  	v40 =	vor.u32 v0, v37;
	v38 =	vshll.u32 v38, $0x7;
	v39 =	vld.idx.msk [tilespmem:v39+s4+$0x0], $0xffff  }
0x388: {  	v41 =	vld [tilespmem:s31+$0x0];
	v42 =	vor.u32 v0, v38;
	_ =	sdelay $0x3  }
0x389: {  	v44 =	vld [tilespmem:s31+$0x10];
	[tilespmem:v40+s21+$0x0] =	vst.idx.msk $0xffff, v39;
	v39 =	vor.u32 v5, v43  }
0x38a: {  	v40 =	vshll.u32 v41, $0x7;
	v42 =	vld.idx.msk [tilespmem:v42+s4+$0x0], $0xffff;
	v45 =	vor.u32 v0, v39  }
0x38b: {  	v46 =	vor.u32 v0, v40;
	_ =	sdelay $0x3  }
0x38c: {  	v41 =	vor.u32 v4, v43;
	[tilespmem:v45+s21+$0x0] =	vst.idx.msk $0xffff, v42  }
0x38d: {  	v57 =	vor.u32 v0, v41;
	v42 =	vshll.u32 v44, $0x7;
	v45 =	vld.idx.msk [tilespmem:v46+s4+$0x0], $0xffff  }
0x38e: {  	v44 =	vor.u32 v0, v42;
	_ =	sdelay $0x3  }
0x38f: {  	v43 =	vor.u32 v3, v43;
	[tilespmem:v57+s21+$0x0] =	vst.idx.msk $0xffff, v45  }
0x390: {  	v58 =	vor.u32 v0, v43;
	v44 =	vld.idx.msk [tilespmem:v44+s4+$0x0], $0xffff  }
0x391: {  	v59 =	vor.u32 v6, v36;
	_ =	sdelay $0x3  }
0x392: {  	[tilespmem:v58+s21+$0x0] =	vst.idx.msk $0xffff, v44  }
0x393: {  	v60 =	vor.u32 v6, v37;
	v44 =	vld.idx.msk [tilespmem:v59+s4+$0x0], $0xffff  }
0x394: {  	v61 =	vor.u32 v6, v38;
	_ =	sdelay $0x3  }
0x395: {  	[tilespmem:v60+s21+$0x0] =	vst.idx.msk $0xffff, v44  }
0x396: {  	v62 =	vor.u32 v6, v39;
	v44 =	vld.idx.msk [tilespmem:v61+s4+$0x0], $0xffff  }
0x397: {  	v63 =	vor.u32 v6, v40;
	_ =	sdelay $0x3  }
0x398: {  	[tilespmem:v62+s21+$0x0] =	vst.idx.msk $0xffff, v44  }
0x399: {  	v48 =	vor.u32 v6, v41;
	v44 =	vld.idx.msk [tilespmem:v63+s4+$0x0], $0xffff  }
0x39a: {  	v49 =	vor.u32 v6, v42;
	_ =	sdelay $0x3  }
0x39b: {  	[tilespmem:v48+s21+$0x0] =	vst.idx.msk $0xffff, v44  }
0x39c: {  	v50 =	vor.u32 v6, v43;
	v44 =	vld.idx.msk [tilespmem:v49+s4+$0x0], $0xffff  }
0x39d: {  	v51 =	vor.u32 v7, v36;
	_ =	sdelay $0x3  }
0x39e: {  	[tilespmem:v50+s21+$0x0] =	vst.idx.msk $0xffff, v44  }
0x39f: {  	v52 =	vor.u32 v7, v37;
	v44 =	vld.idx.msk [tilespmem:v51+s4+$0x0], $0xffff  }
0x3a0: {  	v53 =	vor.u32 v7, v38;
	_ =	sdelay $0x3  }
0x3a1: {  	[tilespmem:v52+s21+$0x0] =	vst.idx.msk $0xffff, v44  }
0x3a2: {  	v54 =	vor.u32 v7, v39;
	v44 =	vld.idx.msk [tilespmem:v53+s4+$0x0], $0xffff  }
0x3a3: {  	v55 =	vor.u32 v7, v40;
	_ =	sdelay $0x3  }
0x3a4: {  	[tilespmem:v54+s21+$0x0] =	vst.idx.msk $0xffff, v44  }
0x3a5: {  	v56 =	vor.u32 v7, v41;
	v44 =	vld.idx.msk [tilespmem:v55+s4+$0x0], $0xffff  }
0x3a6: {  	v57 =	vor.u32 v7, v42;
	_ =	sdelay $0x3  }
0x3a7: {  	[tilespmem:v56+s21+$0x0] =	vst.idx.msk $0xffff, v44  }
0x3a8: {  	v58 =	vor.u32 v7, v43;
	v44 =	vld.idx.msk [tilespmem:v57+s4+$0x0], $0xffff  }
0x3a9: {  	v59 =	vor.u32 v8, v36;
	_ =	sdelay $0x3  }
0x3aa: {  	[tilespmem:v58+s21+$0x0] =	vst.idx.msk $0xffff, v44  }
0x3ab: {  	v60 =	vor.u32 v8, v37;
	v44 =	vld.idx.msk [tilespmem:v59+s4+$0x0], $0xffff  }
0x3ac: {  	v61 =	vor.u32 v8, v38;
	_ =	sdelay $0x3  }
0x3ad: {  	[tilespmem:v60+s21+$0x0] =	vst.idx.msk $0xffff, v44  }
0x3ae: {  	v62 =	vor.u32 v8, v39;
	v44 =	vld.idx.msk [tilespmem:v61+s4+$0x0], $0xffff  }
0x3af: {  	v63 =	vor.u32 v8, v40;
	_ =	sdelay $0x3  }
0x3b0: {  	[tilespmem:v62+s21+$0x0] =	vst.idx.msk $0xffff, v44  }
0x3b1: {  	v48 =	vor.u32 v8, v41;
	v44 =	vld.idx.msk [tilespmem:v63+s4+$0x0], $0xffff  }
0x3b2: {  	v49 =	vor.u32 v8, v42;
	_ =	sdelay $0x3  }
0x3b3: {  	[tilespmem:v48+s21+$0x0] =	vst.idx.msk $0xffff, v44  }
0x3b4: {  	v50 =	vor.u32 v8, v43;
	v44 =	vld.idx.msk [tilespmem:v49+s4+$0x0], $0xffff  }
0x3b5: {  	v51 =	vor.u32 v9, v36;
	_ =	sdelay $0x3  }
0x3b6: {  	[tilespmem:v50+s21+$0x0] =	vst.idx.msk $0xffff, v44  }
0x3b7: {  	v52 =	vor.u32 v9, v37;
	v44 =	vld.idx.msk [tilespmem:v51+s4+$0x0], $0xffff  }
0x3b8: {  	v53 =	vor.u32 v9, v38;
	_ =	sdelay $0x3  }
0x3b9: {  	[tilespmem:v52+s21+$0x0] =	vst.idx.msk $0xffff, v44  }
0x3ba: {  	v54 =	vor.u32 v9, v39;
	v44 =	vld.idx.msk [tilespmem:v53+s4+$0x0], $0xffff  }
0x3bb: {  	v55 =	vor.u32 v9, v40;
	_ =	sdelay $0x3  }
0x3bc: {  	[tilespmem:v54+s21+$0x0] =	vst.idx.msk $0xffff, v44  }
0x3bd: {  	v56 =	vor.u32 v9, v41;
	v44 =	vld.idx.msk [tilespmem:v55+s4+$0x0], $0xffff  }
0x3be: {  	v57 =	vor.u32 v9, v42;
	_ =	sdelay $0x3  }
0x3bf: {  	[tilespmem:v56+s21+$0x0] =	vst.idx.msk $0xffff, v44  }
0x3c0: {  	v58 =	vor.u32 v9, v43;
	v44 =	vld.idx.msk [tilespmem:v57+s4+$0x0], $0xffff  }
0x3c1: {  	v59 =	vor.u32 v10, v36;
	_ =	sdelay $0x3  }
0x3c2: {  	[tilespmem:v58+s21+$0x0] =	vst.idx.msk $0xffff, v44  }
0x3c3: {  	v60 =	vor.u32 v10, v37;
	v44 =	vld.idx.msk [tilespmem:v59+s4+$0x0], $0xffff  }
0x3c4: {  	v61 =	vor.u32 v10, v38;
	_ =	sdelay $0x3  }
0x3c5: {  	[tilespmem:v60+s21+$0x0] =	vst.idx.msk $0xffff, v44  }
0x3c6: {  	v62 =	vor.u32 v10, v39;
	v44 =	vld.idx.msk [tilespmem:v61+s4+$0x0], $0xffff  }
0x3c7: {  	v63 =	vor.u32 v10, v40;
	_ =	sdelay $0x3  }
0x3c8: {  	[tilespmem:v62+s21+$0x0] =	vst.idx.msk $0xffff, v44  }
0x3c9: {  	v48 =	vor.u32 v10, v41;
	v44 =	vld.idx.msk [tilespmem:v63+s4+$0x0], $0xffff  }
0x3ca: {  	v49 =	vor.u32 v10, v42;
	_ =	sdelay $0x3  }
0x3cb: {  	[tilespmem:v48+s21+$0x0] =	vst.idx.msk $0xffff, v44  }
0x3cc: {  	v50 =	vor.u32 v10, v43;
	v44 =	vld.idx.msk [tilespmem:v49+s4+$0x0], $0xffff  }
0x3cd: {  	v51 =	vor.u32 v11, v36;
	_ =	sdelay $0x3  }
0x3ce: {  	[tilespmem:v50+s21+$0x0] =	vst.idx.msk $0xffff, v44  }
0x3cf: {  	v52 =	vor.u32 v11, v37;
	v44 =	vld.idx.msk [tilespmem:v51+s4+$0x0], $0xffff  }
0x3d0: {  	v53 =	vor.u32 v11, v38;
	_ =	sdelay $0x3  }
0x3d1: {  	[tilespmem:v52+s21+$0x0] =	vst.idx.msk $0xffff, v44  }
0x3d2: {  	v54 =	vor.u32 v11, v39;
	v44 =	vld.idx.msk [tilespmem:v53+s4+$0x0], $0xffff  }
0x3d3: {  	v55 =	vor.u32 v11, v40;
	_ =	sdelay $0x3  }
0x3d4: {  	[tilespmem:v54+s21+$0x0] =	vst.idx.msk $0xffff, v44  }
0x3d5: {  	v56 =	vor.u32 v11, v41;
	v44 =	vld.idx.msk [tilespmem:v55+s4+$0x0], $0xffff  }
0x3d6: {  	v57 =	vor.u32 v11, v42;
	_ =	sdelay $0x3  }
0x3d7: {  	[tilespmem:v56+s21+$0x0] =	vst.idx.msk $0xffff, v44  }
0x3d8: {  	v58 =	vor.u32 v11, v43;
	v44 =	vld.idx.msk [tilespmem:v57+s4+$0x0], $0xffff  }
0x3d9: {  	v59 =	vor.u32 v12, v36;
	_ =	sdelay $0x3  }
0x3da: {  	[tilespmem:v58+s21+$0x0] =	vst.idx.msk $0xffff, v44  }
0x3db: {  	v60 =	vor.u32 v12, v37;
	v44 =	vld.idx.msk [tilespmem:v59+s4+$0x0], $0xffff  }
0x3dc: {  	v61 =	vor.u32 v12, v38;
	_ =	sdelay $0x3  }
0x3dd: {  	[tilespmem:v60+s21+$0x0] =	vst.idx.msk $0xffff, v44  }
0x3de: {  	v62 =	vor.u32 v12, v39;
	v44 =	vld.idx.msk [tilespmem:v61+s4+$0x0], $0xffff  }
0x3df: {  	v63 =	vor.u32 v12, v40;
	_ =	sdelay $0x3  }
0x3e0: {  	[tilespmem:v62+s21+$0x0] =	vst.idx.msk $0xffff, v44  }
0x3e1: {  	v48 =	vor.u32 v12, v41;
	v44 =	vld.idx.msk [tilespmem:v63+s4+$0x0], $0xffff  }
0x3e2: {  	v49 =	vor.u32 v12, v42;
	_ =	sdelay $0x3  }
0x3e3: {  	[tilespmem:v48+s21+$0x0] =	vst.idx.msk $0xffff, v44  }
0x3e4: {  	v50 =	vor.u32 v12, v43;
	v44 =	vld.idx.msk [tilespmem:v49+s4+$0x0], $0xffff  }
0x3e5: {  	v51 =	vor.u32 v13, v36;
	_ =	sdelay $0x3  }
0x3e6: {  	[tilespmem:v50+s21+$0x0] =	vst.idx.msk $0xffff, v44  }
0x3e7: {  	v52 =	vor.u32 v13, v37;
	v44 =	vld.idx.msk [tilespmem:v51+s4+$0x0], $0xffff  }
0x3e8: {  	v53 =	vor.u32 v13, v38;
	_ =	sdelay $0x3  }
0x3e9: {  	[tilespmem:v52+s21+$0x0] =	vst.idx.msk $0xffff, v44  }
0x3ea: {  	v54 =	vor.u32 v13, v39;
	v44 =	vld.idx.msk [tilespmem:v53+s4+$0x0], $0xffff  }
0x3eb: {  	v55 =	vor.u32 v13, v40;
	_ =	sdelay $0x3  }
0x3ec: {  	[tilespmem:v54+s21+$0x0] =	vst.idx.msk $0xffff, v44  }
0x3ed: {  	v56 =	vor.u32 v13, v41;
	v44 =	vld.idx.msk [tilespmem:v55+s4+$0x0], $0xffff  }
0x3ee: {  	v57 =	vor.u32 v13, v42;
	_ =	sdelay $0x3  }
0x3ef: {  	[tilespmem:v56+s21+$0x0] =	vst.idx.msk $0xffff, v44  }
0x3f0: {  	v58 =	vor.u32 v13, v43;
	v44 =	vld.idx.msk [tilespmem:v57+s4+$0x0], $0xffff  }
0x3f1: {  	v59 =	vor.u32 v14, v36;
	_ =	sdelay $0x3  }
0x3f2: {  	[tilespmem:v58+s21+$0x0] =	vst.idx.msk $0xffff, v44  }
0x3f3: {  	v60 =	vor.u32 v14, v37;
	v44 =	vld.idx.msk [tilespmem:v59+s4+$0x0], $0xffff  }
0x3f4: {  	v61 =	vor.u32 v14, v38;
	_ =	sdelay $0x3  }
0x3f5: {  	[tilespmem:v60+s21+$0x0] =	vst.idx.msk $0xffff, v44  }
0x3f6: {  	v62 =	vor.u32 v14, v39;
	v44 =	vld.idx.msk [tilespmem:v61+s4+$0x0], $0xffff  }
0x3f7: {  	v63 =	vor.u32 v14, v40;
	_ =	sdelay $0x3  }
0x3f8: {  	[tilespmem:v62+s21+$0x0] =	vst.idx.msk $0xffff, v44  }
0x3f9: {  	v48 =	vor.u32 v14, v41;
	v44 =	vld.idx.msk [tilespmem:v63+s4+$0x0], $0xffff  }
0x3fa: {  	v49 =	vor.u32 v14, v42;
	_ =	sdelay $0x3  }
0x3fb: {  	[tilespmem:v48+s21+$0x0] =	vst.idx.msk $0xffff, v44  }
0x3fc: {  	v50 =	vor.u32 v14, v43;
	v44 =	vld.idx.msk [tilespmem:v49+s4+$0x0], $0xffff  }
0x3fd: {  	v51 =	vor.u32 v15, v36;
	_ =	sdelay $0x3  }
0x3fe: {  	[tilespmem:v50+s21+$0x0] =	vst.idx.msk $0xffff, v44  }
0x3ff: {  	v52 =	vor.u32 v15, v37;
	v44 =	vld.idx.msk [tilespmem:v51+s4+$0x0], $0xffff  }
0x400: {  	v53 =	vor.u32 v15, v38;
	_ =	sdelay $0x3  }
0x401: {  	[tilespmem:v52+s21+$0x0] =	vst.idx.msk $0xffff, v44  }
0x402: {  	v54 =	vor.u32 v15, v39;
	v44 =	vld.idx.msk [tilespmem:v53+s4+$0x0], $0xffff  }
0x403: {  	v55 =	vor.u32 v15, v40;
	_ =	sdelay $0x3  }
0x404: {  	[tilespmem:v54+s21+$0x0] =	vst.idx.msk $0xffff, v44  }
0x405: {  	v56 =	vor.u32 v15, v41;
	v44 =	vld.idx.msk [tilespmem:v55+s4+$0x0], $0xffff  }
0x406: {  	v57 =	vor.u32 v15, v42;
	_ =	sdelay $0x3  }
0x407: {  	[tilespmem:v56+s21+$0x0] =	vst.idx.msk $0xffff, v44  }
0x408: {  	v58 =	vor.u32 v15, v43;
	v44 =	vld.idx.msk [tilespmem:v57+s4+$0x0], $0xffff  }
0x409: {  	v59 =	vor.u32 v16, v36;
	_ =	sdelay $0x3  }
0x40a: {  	[tilespmem:v58+s21+$0x0] =	vst.idx.msk $0xffff, v44  }
0x40b: {  	v60 =	vor.u32 v16, v37;
	v44 =	vld.idx.msk [tilespmem:v59+s4+$0x0], $0xffff  }
0x40c: {  	v61 =	vor.u32 v16, v38;
	_ =	sdelay $0x3  }
0x40d: {  	[tilespmem:v60+s21+$0x0] =	vst.idx.msk $0xffff, v44  }
0x40e: {  	v62 =	vor.u32 v16, v39;
	v44 =	vld.idx.msk [tilespmem:v61+s4+$0x0], $0xffff  }
0x40f: {  	v63 =	vor.u32 v16, v40;
	_ =	sdelay $0x3  }
0x410: {  	[tilespmem:v62+s21+$0x0] =	vst.idx.msk $0xffff, v44  }
0x411: {  	v48 =	vor.u32 v16, v41;
	v44 =	vld.idx.msk [tilespmem:v63+s4+$0x0], $0xffff  }
0x412: {  	v49 =	vor.u32 v16, v42;
	_ =	sdelay $0x3  }
0x413: {  	[tilespmem:v48+s21+$0x0] =	vst.idx.msk $0xffff, v44  }
0x414: {  	v50 =	vor.u32 v16, v43;
	v44 =	vld.idx.msk [tilespmem:v49+s4+$0x0], $0xffff  }
0x415: {  	v51 =	vor.u32 v17, v36;
	_ =	sdelay $0x3  }
0x416: {  	[tilespmem:v50+s21+$0x0] =	vst.idx.msk $0xffff, v44  }
0x417: {  	v52 =	vor.u32 v17, v37;
	v44 =	vld.idx.msk [tilespmem:v51+s4+$0x0], $0xffff  }
0x418: {  	v53 =	vor.u32 v17, v38;
	_ =	sdelay $0x3  }
0x419: {  	[tilespmem:v52+s21+$0x0] =	vst.idx.msk $0xffff, v44  }
0x41a: {  	v54 =	vor.u32 v17, v39;
	v44 =	vld.idx.msk [tilespmem:v53+s4+$0x0], $0xffff  }
0x41b: {  	v55 =	vor.u32 v17, v40;
	_ =	sdelay $0x3  }
0x41c: {  	[tilespmem:v54+s21+$0x0] =	vst.idx.msk $0xffff, v44  }
0x41d: {  	v56 =	vor.u32 v17, v41;
	v44 =	vld.idx.msk [tilespmem:v55+s4+$0x0], $0xffff  }
0x41e: {  	v57 =	vor.u32 v17, v42;
	_ =	sdelay $0x3  }
0x41f: {  	[tilespmem:v56+s21+$0x0] =	vst.idx.msk $0xffff, v44  }
0x420: {  	v58 =	vor.u32 v17, v43;
	v44 =	vld.idx.msk [tilespmem:v57+s4+$0x0], $0xffff  }
0x421: {  	v59 =	vor.u32 v18, v36;
	_ =	sdelay $0x3  }
0x422: {  	[tilespmem:v58+s21+$0x0] =	vst.idx.msk $0xffff, v44  }
0x423: {  	v60 =	vor.u32 v18, v37;
	v44 =	vld.idx.msk [tilespmem:v59+s4+$0x0], $0xffff  }
0x424: {  	v61 =	vor.u32 v18, v38;
	_ =	sdelay $0x3  }
0x425: {  	[tilespmem:v60+s21+$0x0] =	vst.idx.msk $0xffff, v44  }
0x426: {  	v62 =	vor.u32 v18, v39;
	v44 =	vld.idx.msk [tilespmem:v61+s4+$0x0], $0xffff  }
0x427: {  	v63 =	vor.u32 v18, v40;
	_ =	sdelay $0x3  }
0x428: {  	[tilespmem:v62+s21+$0x0] =	vst.idx.msk $0xffff, v44  }
0x429: {  	v48 =	vor.u32 v18, v41;
	v44 =	vld.idx.msk [tilespmem:v63+s4+$0x0], $0xffff  }
0x42a: {  	v49 =	vor.u32 v18, v42;
	_ =	sdelay $0x3  }
0x42b: {  	[tilespmem:v48+s21+$0x0] =	vst.idx.msk $0xffff, v44  }
0x42c: {  	v50 =	vor.u32 v18, v43;
	v44 =	vld.idx.msk [tilespmem:v49+s4+$0x0], $0xffff  }
0x42d: {  	v51 =	vor.u32 v19, v36;
	_ =	sdelay $0x3  }
0x42e: {  	[tilespmem:v50+s21+$0x0] =	vst.idx.msk $0xffff, v44  }
0x42f: {  	v52 =	vor.u32 v19, v37;
	v44 =	vld.idx.msk [tilespmem:v51+s4+$0x0], $0xffff  }
0x430: {  	v53 =	vor.u32 v19, v38;
	_ =	sdelay $0x3  }
0x431: {  	[tilespmem:v52+s21+$0x0] =	vst.idx.msk $0xffff, v44  }
0x432: {  	v54 =	vor.u32 v19, v39;
	v44 =	vld.idx.msk [tilespmem:v53+s4+$0x0], $0xffff  }
0x433: {  	v55 =	vor.u32 v19, v40;
	_ =	sdelay $0x3  }
0x434: {  	[tilespmem:v54+s21+$0x0] =	vst.idx.msk $0xffff, v44  }
0x435: {  	v56 =	vor.u32 v19, v41;
	v44 =	vld.idx.msk [tilespmem:v55+s4+$0x0], $0xffff  }
0x436: {  	v57 =	vor.u32 v19, v42;
	_ =	sdelay $0x3  }
0x437: {  	[tilespmem:v56+s21+$0x0] =	vst.idx.msk $0xffff, v44  }
0x438: {  	v58 =	vor.u32 v19, v43;
	v44 =	vld.idx.msk [tilespmem:v57+s4+$0x0], $0xffff  }
0x439: {  	v59 =	vor.u32 v31, v36;
	_ =	sdelay $0x3  }
0x43a: {  	[tilespmem:v58+s21+$0x0] =	vst.idx.msk $0xffff, v44  }
0x43b: {  	v60 =	vor.u32 v31, v37;
	v44 =	vld.idx.msk [tilespmem:v59+s4+$0x0], $0xffff  }
0x43c: {  	v61 =	vor.u32 v31, v38;
	_ =	sdelay $0x3  }
0x43d: {  	[tilespmem:v60+s21+$0x0] =	vst.idx.msk $0xffff, v44  }
0x43e: {  	v62 =	vor.u32 v31, v39;
	v44 =	vld.idx.msk [tilespmem:v61+s4+$0x0], $0xffff  }
0x43f: {  	v63 =	vor.u32 v31, v40;
	_ =	sdelay $0x3  }
0x440: {  	[tilespmem:v62+s21+$0x0] =	vst.idx.msk $0xffff, v44  }
0x441: {  	v48 =	vor.u32 v31, v41;
	v44 =	vld.idx.msk [tilespmem:v63+s4+$0x0], $0xffff  }
0x442: {  	v49 =	vor.u32 v31, v42;
	_ =	sdelay $0x3  }
0x443: {  	[tilespmem:v48+s21+$0x0] =	vst.idx.msk $0xffff, v44  }
0x444: {  	v50 =	vor.u32 v31, v43;
	v44 =	vld.idx.msk [tilespmem:v49+s4+$0x0], $0xffff  }
0x445: {  	v51 =	vor.u32 v2, v36;
	_ =	sdelay $0x3  }
0x446: {  	[tilespmem:v50+s21+$0x0] =	vst.idx.msk $0xffff, v44  }
0x447: {  	v52 =	vor.u32 v2, v37;
	v44 =	vld.idx.msk [tilespmem:v51+s4+$0x0], $0xffff  }
0x448: {  	v53 =	vor.u32 v2, v38;
	_ =	sdelay $0x3  }
0x449: {  	[tilespmem:v52+s21+$0x0] =	vst.idx.msk $0xffff, v44  }
0x44a: {  	v54 =	vor.u32 v2, v39;
	v44 =	vld.idx.msk [tilespmem:v53+s4+$0x0], $0xffff  }
0x44b: {  	v55 =	vor.u32 v2, v40;
	_ =	sdelay $0x3  }
0x44c: {  	[tilespmem:v54+s21+$0x0] =	vst.idx.msk $0xffff, v44  }
0x44d: {  	v56 =	vor.u32 v2, v41;
	v44 =	vld.idx.msk [tilespmem:v55+s4+$0x0], $0xffff  }
0x44e: {  	v57 =	vor.u32 v2, v42;
	_ =	sdelay $0x3  }
0x44f: {  	[tilespmem:v56+s21+$0x0] =	vst.idx.msk $0xffff, v44  }
0x450: {  	v58 =	vor.u32 v2, v43;
	v44 =	vld.idx.msk [tilespmem:v57+s4+$0x0], $0xffff  }
0x451: {  	v59 =	vor.u32 v20, v36;
	_ =	sdelay $0x3  }
0x452: {  	[tilespmem:v58+s21+$0x0] =	vst.idx.msk $0xffff, v44  }
0x453: {  	v60 =	vor.u32 v20, v37;
	v44 =	vld.idx.msk [tilespmem:v59+s4+$0x0], $0xffff  }
0x454: {  	v61 =	vor.u32 v20, v38;
	_ =	sdelay $0x3  }
0x455: {  	[tilespmem:v60+s21+$0x0] =	vst.idx.msk $0xffff, v44  }
0x456: {  	v62 =	vor.u32 v20, v39;
	v44 =	vld.idx.msk [tilespmem:v61+s4+$0x0], $0xffff  }
0x457: {  	v63 =	vor.u32 v20, v40;
	_ =	sdelay $0x3  }
0x458: {  	[tilespmem:v62+s21+$0x0] =	vst.idx.msk $0xffff, v44  }
0x459: {  	v48 =	vor.u32 v20, v41;
	v44 =	vld.idx.msk [tilespmem:v63+s4+$0x0], $0xffff  }
0x45a: {  	v49 =	vor.u32 v20, v42;
	_ =	sdelay $0x3  }
0x45b: {  	[tilespmem:v48+s21+$0x0] =	vst.idx.msk $0xffff, v44  }
0x45c: {  	v50 =	vor.u32 v20, v43;
	v44 =	vld.idx.msk [tilespmem:v49+s4+$0x0], $0xffff  }
0x45d: {  	v51 =	vor.u32 v22, v36;
	_ =	sdelay $0x3  }
0x45e: {  	[tilespmem:v50+s21+$0x0] =	vst.idx.msk $0xffff, v44  }
0x45f: {  	v52 =	vor.u32 v22, v37;
	v44 =	vld.idx.msk [tilespmem:v51+s4+$0x0], $0xffff  }
0x460: {  	v53 =	vor.u32 v22, v38;
	_ =	sdelay $0x3  }
0x461: {  	[tilespmem:v52+s21+$0x0] =	vst.idx.msk $0xffff, v44  }
0x462: {  	v54 =	vor.u32 v22, v39;
	v44 =	vld.idx.msk [tilespmem:v53+s4+$0x0], $0xffff  }
0x463: {  	v55 =	vor.u32 v22, v40;
	_ =	sdelay $0x3  }
0x464: {  	[tilespmem:v54+s21+$0x0] =	vst.idx.msk $0xffff, v44  }
0x465: {  	v56 =	vor.u32 v22, v41;
	v44 =	vld.idx.msk [tilespmem:v55+s4+$0x0], $0xffff  }
0x466: {  	v57 =	vor.u32 v22, v42;
	_ =	sdelay $0x3  }
0x467: {  	[tilespmem:v56+s21+$0x0] =	vst.idx.msk $0xffff, v44  }
0x468: {  	v58 =	vor.u32 v22, v43;
	v44 =	vld.idx.msk [tilespmem:v57+s4+$0x0], $0xffff  }
0x469: {  	v59 =	vor.u32 v23, v36;
	_ =	sdelay $0x3  }
0x46a: {  	[tilespmem:v58+s21+$0x0] =	vst.idx.msk $0xffff, v44  }
0x46b: {  	v60 =	vor.u32 v23, v37;
	v44 =	vld.idx.msk [tilespmem:v59+s4+$0x0], $0xffff  }
0x46c: {  	v61 =	vor.u32 v23, v38;
	_ =	sdelay $0x3  }
0x46d: {  	[tilespmem:v60+s21+$0x0] =	vst.idx.msk $0xffff, v44  }
0x46e: {  	v62 =	vor.u32 v23, v39;
	v44 =	vld.idx.msk [tilespmem:v61+s4+$0x0], $0xffff  }
0x46f: {  	v63 =	vor.u32 v23, v40;
	_ =	sdelay $0x3  }
0x470: {  	[tilespmem:v62+s21+$0x0] =	vst.idx.msk $0xffff, v44  }
0x471: {  	v48 =	vor.u32 v23, v41;
	v44 =	vld.idx.msk [tilespmem:v63+s4+$0x0], $0xffff  }
0x472: {  	v49 =	vor.u32 v23, v42;
	_ =	sdelay $0x3  }
0x473: {  	[tilespmem:v48+s21+$0x0] =	vst.idx.msk $0xffff, v44  }
0x474: {  	v50 =	vor.u32 v23, v43;
	v44 =	vld.idx.msk [tilespmem:v49+s4+$0x0], $0xffff  }
0x475: {  	v51 =	vor.u32 v21, v36;
	_ =	sdelay $0x3  }
0x476: {  	[tilespmem:v50+s21+$0x0] =	vst.idx.msk $0xffff, v44  }
0x477: {  	v52 =	vor.u32 v21, v37;
	v44 =	vld.idx.msk [tilespmem:v51+s4+$0x0], $0xffff  }
0x478: {  	v53 =	vor.u32 v21, v38;
	_ =	sdelay $0x3  }
0x479: {  	[tilespmem:v52+s21+$0x0] =	vst.idx.msk $0xffff, v44  }
0x47a: {  	v54 =	vor.u32 v21, v39;
	v44 =	vld.idx.msk [tilespmem:v53+s4+$0x0], $0xffff  }
0x47b: {  	v55 =	vor.u32 v21, v40;
	_ =	sdelay $0x3  }
0x47c: {  	[tilespmem:v54+s21+$0x0] =	vst.idx.msk $0xffff, v44  }
0x47d: {  	v56 =	vor.u32 v21, v41;
	v44 =	vld.idx.msk [tilespmem:v55+s4+$0x0], $0xffff  }
0x47e: {  	v57 =	vor.u32 v21, v42;
	_ =	sdelay $0x3  }
0x47f: {  	[tilespmem:v56+s21+$0x0] =	vst.idx.msk $0xffff, v44  }
0x480: {  	v58 =	vor.u32 v21, v43;
	v44 =	vld.idx.msk [tilespmem:v57+s4+$0x0], $0xffff  }
0x481: {  	v59 =	vor.u32 v24, v36;
	_ =	sdelay $0x3  }
0x482: {  	[tilespmem:v58+s21+$0x0] =	vst.idx.msk $0xffff, v44  }
0x483: {  	v60 =	vor.u32 v24, v37;
	v44 =	vld.idx.msk [tilespmem:v59+s4+$0x0], $0xffff  }
0x484: {  	v61 =	vor.u32 v24, v38;
	_ =	sdelay $0x3  }
0x485: {  	[tilespmem:v60+s21+$0x0] =	vst.idx.msk $0xffff, v44  }
0x486: {  	v62 =	vor.u32 v24, v39;
	v44 =	vld.idx.msk [tilespmem:v61+s4+$0x0], $0xffff  }
0x487: {  	v63 =	vor.u32 v24, v40;
	_ =	sdelay $0x3  }
0x488: {  	[tilespmem:v62+s21+$0x0] =	vst.idx.msk $0xffff, v44  }
0x489: {  	v48 =	vor.u32 v24, v41;
	v44 =	vld.idx.msk [tilespmem:v63+s4+$0x0], $0xffff  }
0x48a: {  	v49 =	vor.u32 v24, v42;
	_ =	sdelay $0x3  }
0x48b: {  	[tilespmem:v48+s21+$0x0] =	vst.idx.msk $0xffff, v44  }
0x48c: {  	v50 =	vor.u32 v24, v43;
	v44 =	vld.idx.msk [tilespmem:v49+s4+$0x0], $0xffff  }
0x48d: {  	v51 =	vor.u32 v25, v36;
	_ =	sdelay $0x3  }
0x48e: {  	[tilespmem:v50+s21+$0x0] =	vst.idx.msk $0xffff, v44  }
0x48f: {  	v52 =	vor.u32 v25, v37;
	v44 =	vld.idx.msk [tilespmem:v51+s4+$0x0], $0xffff  }
0x490: {  	v53 =	vor.u32 v25, v38;
	_ =	sdelay $0x3  }
0x491: {  	[tilespmem:v52+s21+$0x0] =	vst.idx.msk $0xffff, v44  }
0x492: {  	v54 =	vor.u32 v25, v39;
	v44 =	vld.idx.msk [tilespmem:v53+s4+$0x0], $0xffff  }
0x493: {  	v55 =	vor.u32 v25, v40;
	_ =	sdelay $0x3  }
0x494: {  	[tilespmem:v54+s21+$0x0] =	vst.idx.msk $0xffff, v44  }
0x495: {  	v56 =	vor.u32 v25, v41;
	v44 =	vld.idx.msk [tilespmem:v55+s4+$0x0], $0xffff  }
0x496: {  	v57 =	vor.u32 v25, v42;
	_ =	sdelay $0x3  }
0x497: {  	[tilespmem:v56+s21+$0x0] =	vst.idx.msk $0xffff, v44  }
0x498: {  	v58 =	vor.u32 v25, v43;
	v44 =	vld.idx.msk [tilespmem:v57+s4+$0x0], $0xffff  }
0x499: {  	v59 =	vor.u32 v26, v36;
	_ =	sdelay $0x3  }
0x49a: {  	[tilespmem:v58+s21+$0x0] =	vst.idx.msk $0xffff, v44  }
0x49b: {  	v60 =	vor.u32 v26, v37;
	v44 =	vld.idx.msk [tilespmem:v59+s4+$0x0], $0xffff  }
0x49c: {  	v61 =	vor.u32 v26, v38;
	_ =	sdelay $0x3  }
0x49d: {  	[tilespmem:v60+s21+$0x0] =	vst.idx.msk $0xffff, v44  }
0x49e: {  	v62 =	vor.u32 v26, v39;
	v44 =	vld.idx.msk [tilespmem:v61+s4+$0x0], $0xffff  }
0x49f: {  	v63 =	vor.u32 v26, v40;
	_ =	sdelay $0x3  }
0x4a0: {  	[tilespmem:v62+s21+$0x0] =	vst.idx.msk $0xffff, v44  }
0x4a1: {  	v48 =	vor.u32 v26, v41;
	v44 =	vld.idx.msk [tilespmem:v63+s4+$0x0], $0xffff  }
0x4a2: {  	v49 =	vor.u32 v26, v42;
	_ =	sdelay $0x3  }
0x4a3: {  	[tilespmem:v48+s21+$0x0] =	vst.idx.msk $0xffff, v44  }
0x4a4: {  	v50 =	vor.u32 v26, v43;
	v44 =	vld.idx.msk [tilespmem:v49+s4+$0x0], $0xffff  }
0x4a5: {  	v51 =	vor.u32 v27, v36;
	_ =	sdelay $0x3  }
0x4a6: {  	[tilespmem:v50+s21+$0x0] =	vst.idx.msk $0xffff, v44  }
0x4a7: {  	v52 =	vor.u32 v27, v37;
	v44 =	vld.idx.msk [tilespmem:v51+s4+$0x0], $0xffff  }
0x4a8: {  	v53 =	vor.u32 v27, v38;
	_ =	sdelay $0x3  }
0x4a9: {  	[tilespmem:v52+s21+$0x0] =	vst.idx.msk $0xffff, v44  }
0x4aa: {  	v54 =	vor.u32 v27, v39;
	v44 =	vld.idx.msk [tilespmem:v53+s4+$0x0], $0xffff  }
0x4ab: {  	v55 =	vor.u32 v27, v40;
	_ =	sdelay $0x3  }
0x4ac: {  	[tilespmem:v54+s21+$0x0] =	vst.idx.msk $0xffff, v44  }
0x4ad: {  	v56 =	vor.u32 v27, v41;
	v44 =	vld.idx.msk [tilespmem:v55+s4+$0x0], $0xffff  }
0x4ae: {  	v57 =	vor.u32 v27, v42;
	_ =	sdelay $0x3  }
0x4af: {  	[tilespmem:v56+s21+$0x0] =	vst.idx.msk $0xffff, v44  }
0x4b0: {  	v58 =	vor.u32 v27, v43;
	v44 =	vld.idx.msk [tilespmem:v57+s4+$0x0], $0xffff  }
0x4b1: {  	v59 =	vor.u32 v28, v36;
	_ =	sdelay $0x3  }
0x4b2: {  	[tilespmem:v58+s21+$0x0] =	vst.idx.msk $0xffff, v44  }
0x4b3: {  	v60 =	vor.u32 v28, v37;
	v44 =	vld.idx.msk [tilespmem:v59+s4+$0x0], $0xffff  }
0x4b4: {  	v61 =	vor.u32 v28, v38;
	_ =	sdelay $0x3  }
0x4b5: {  	[tilespmem:v60+s21+$0x0] =	vst.idx.msk $0xffff, v44  }
0x4b6: {  	v62 =	vor.u32 v28, v39;
	v44 =	vld.idx.msk [tilespmem:v61+s4+$0x0], $0xffff  }
0x4b7: {  	v63 =	vor.u32 v28, v40;
	_ =	sdelay $0x3  }
0x4b8: {  	[tilespmem:v62+s21+$0x0] =	vst.idx.msk $0xffff, v44  }
0x4b9: {  	v48 =	vor.u32 v28, v41;
	v44 =	vld.idx.msk [tilespmem:v63+s4+$0x0], $0xffff  }
0x4ba: {  	v49 =	vor.u32 v28, v42;
	_ =	sdelay $0x3  }
0x4bb: {  	[tilespmem:v48+s21+$0x0] =	vst.idx.msk $0xffff, v44  }
0x4bc: {  	v50 =	vor.u32 v28, v43;
	v44 =	vld.idx.msk [tilespmem:v49+s4+$0x0], $0xffff  }
0x4bd: {  	v51 =	vor.u32 v29, v36;
	_ =	sdelay $0x3  }
0x4be: {  	[tilespmem:v50+s21+$0x0] =	vst.idx.msk $0xffff, v44  }
0x4bf: {  	v52 =	vor.u32 v29, v37;
	v44 =	vld.idx.msk [tilespmem:v51+s4+$0x0], $0xffff  }
0x4c0: {  	v53 =	vor.u32 v29, v38;
	_ =	sdelay $0x3  }
0x4c1: {  	[tilespmem:v52+s21+$0x0] =	vst.idx.msk $0xffff, v44  }
0x4c2: {  	v54 =	vor.u32 v29, v39;
	v44 =	vld.idx.msk [tilespmem:v53+s4+$0x0], $0xffff  }
0x4c3: {  	v55 =	vor.u32 v29, v40;
	_ =	sdelay $0x3  }
0x4c4: {  	[tilespmem:v54+s21+$0x0] =	vst.idx.msk $0xffff, v44  }
0x4c5: {  	v56 =	vor.u32 v29, v41;
	v44 =	vld.idx.msk [tilespmem:v55+s4+$0x0], $0xffff  }
0x4c6: {  	v57 =	vor.u32 v29, v42;
	_ =	sdelay $0x3  }
0x4c7: {  	[tilespmem:v56+s21+$0x0] =	vst.idx.msk $0xffff, v44  }
0x4c8: {  	v58 =	vor.u32 v29, v43;
	v44 =	vld.idx.msk [tilespmem:v57+s4+$0x0], $0xffff  }
0x4c9: {  	v59 =	vor.u32 v30, v36;
	_ =	sdelay $0x3  }
0x4ca: {  	[tilespmem:v58+s21+$0x0] =	vst.idx.msk $0xffff, v44  }
0x4cb: {  	v60 =	vor.u32 v30, v37;
	v44 =	vld.idx.msk [tilespmem:v59+s4+$0x0], $0xffff  }
0x4cc: {  	v61 =	vor.u32 v30, v38;
	_ =	sdelay $0x3  }
0x4cd: {  	[tilespmem:v60+s21+$0x0] =	vst.idx.msk $0xffff, v44  }
0x4ce: {  	v62 =	vor.u32 v30, v39;
	v44 =	vld.idx.msk [tilespmem:v61+s4+$0x0], $0xffff  }
0x4cf: {  	v63 =	vor.u32 v30, v40;
	_ =	sdelay $0x3  }
0x4d0: {  	[tilespmem:v62+s21+$0x0] =	vst.idx.msk $0xffff, v44  }
0x4d1: {  	v48 =	vor.u32 v30, v41;
	v44 =	vld.idx.msk [tilespmem:v63+s4+$0x0], $0xffff  }
0x4d2: {  	v49 =	vor.u32 v30, v42;
	_ =	sdelay $0x3  }
0x4d3: {  	[tilespmem:v48+s21+$0x0] =	vst.idx.msk $0xffff, v44  }
0x4d4: {  	v50 =	vor.u32 v30, v43;
	v44 =	vld.idx.msk [tilespmem:v49+s4+$0x0], $0xffff  }
0x4d5: {  	v51 =	vor.u32 v32, v36;
	_ =	sdelay $0x3  }
0x4d6: {  	[tilespmem:v50+s21+$0x0] =	vst.idx.msk $0xffff, v44  }
0x4d7: {  	v52 =	vor.u32 v32, v37;
	v44 =	vld.idx.msk [tilespmem:v51+s4+$0x0], $0xffff  }
0x4d8: {  	v53 =	vor.u32 v32, v38;
	_ =	sdelay $0x3  }
0x4d9: {  	[tilespmem:v52+s21+$0x0] =	vst.idx.msk $0xffff, v44  }
0x4da: {  	v54 =	vor.u32 v32, v39;
	v44 =	vld.idx.msk [tilespmem:v53+s4+$0x0], $0xffff  }
0x4db: {  	v55 =	vor.u32 v32, v40;
	_ =	sdelay $0x3  }
0x4dc: {  	[tilespmem:v54+s21+$0x0] =	vst.idx.msk $0xffff, v44  }
0x4dd: {  	v56 =	vor.u32 v32, v41;
	v44 =	vld.idx.msk [tilespmem:v55+s4+$0x0], $0xffff  }
0x4de: {  	v57 =	vor.u32 v32, v42;
	_ =	sdelay $0x3  }
0x4df: {  	[tilespmem:v56+s21+$0x0] =	vst.idx.msk $0xffff, v44  }
0x4e0: {  	v58 =	vor.u32 v32, v43;
	v44 =	vld.idx.msk [tilespmem:v57+s4+$0x0], $0xffff  }
0x4e1: {  	v59 =	vor.u32 v33, v36;
	_ =	sdelay $0x3  }
0x4e2: {  	[tilespmem:v58+s21+$0x0] =	vst.idx.msk $0xffff, v44  }
0x4e3: {  	v60 =	vor.u32 v33, v37;
	v44 =	vld.idx.msk [tilespmem:v59+s4+$0x0], $0xffff  }
0x4e4: {  	v61 =	vor.u32 v33, v38;
	_ =	sdelay $0x3  }
0x4e5: {  	[tilespmem:v60+s21+$0x0] =	vst.idx.msk $0xffff, v44  }
0x4e6: {  	v62 =	vor.u32 v33, v39;
	v44 =	vld.idx.msk [tilespmem:v61+s4+$0x0], $0xffff  }
0x4e7: {  	v63 =	vor.u32 v33, v40;
	_ =	sdelay $0x3  }
0x4e8: {  	[tilespmem:v62+s21+$0x0] =	vst.idx.msk $0xffff, v44  }
0x4e9: {  	v48 =	vor.u32 v33, v41;
	v44 =	vld.idx.msk [tilespmem:v63+s4+$0x0], $0xffff  }
0x4ea: {  	v49 =	vor.u32 v33, v42;
	_ =	sdelay $0x3  }
0x4eb: {  	[tilespmem:v48+s21+$0x0] =	vst.idx.msk $0xffff, v44  }
0x4ec: {  	v50 =	vor.u32 v33, v43;
	v44 =	vld.idx.msk [tilespmem:v49+s4+$0x0], $0xffff  }
0x4ed: {  	v51 =	vor.u32 v34, v36;
	_ =	sdelay $0x3  }
0x4ee: {  	[tilespmem:v50+s21+$0x0] =	vst.idx.msk $0xffff, v44  }
0x4ef: {  	v52 =	vor.u32 v34, v37;
	v44 =	vld.idx.msk [tilespmem:v51+s4+$0x0], $0xffff  }
0x4f0: {  	v53 =	vor.u32 v34, v38;
	_ =	sdelay $0x3  }
0x4f1: {  	[tilespmem:v52+s21+$0x0] =	vst.idx.msk $0xffff, v44  }
0x4f2: {  	v54 =	vor.u32 v34, v39;
	v44 =	vld.idx.msk [tilespmem:v53+s4+$0x0], $0xffff  }
0x4f3: {  	v55 =	vor.u32 v34, v40;
	_ =	sdelay $0x3  }
0x4f4: {  	[tilespmem:v54+s21+$0x0] =	vst.idx.msk $0xffff, v44  }
0x4f5: {  	v56 =	vor.u32 v34, v41;
	v44 =	vld.idx.msk [tilespmem:v55+s4+$0x0], $0xffff  }
0x4f6: {  	v57 =	vor.u32 v34, v42;
	_ =	sdelay $0x3  }
0x4f7: {  	[tilespmem:v56+s21+$0x0] =	vst.idx.msk $0xffff, v44  }
0x4f8: {  	v58 =	vor.u32 v34, v43;
	v44 =	vld.idx.msk [tilespmem:v57+s4+$0x0], $0xffff  }
0x4f9: {  	v36 =	vor.u32 v35, v36;
	_ =	sdelay $0x3  }
0x4fa: {  	[tilespmem:v58+s21+$0x0] =	vst.idx.msk $0xffff, v44  }
0x4fb: {  	v37 =	vor.u32 v35, v37;
	v36 =	vld.idx.msk [tilespmem:v36+s4+$0x0], $0xffff  }
0x4fc: {  	v38 =	vor.u32 v35, v38;
	_ =	sdelay $0x3  }
0x4fd: {  	[tilespmem:v37+s21+$0x0] =	vst.idx.msk $0xffff, v36  }
0x4fe: {  	v59 =	vor.u32 v35, v39;
	v36 =	vld.idx.msk [tilespmem:v38+s4+$0x0], $0xffff  }
0x4ff: {  	v60 =	vor.u32 v35, v40;
	_ =	sdelay $0x3  }
0x500: {  	[tilespmem:v59+s21+$0x0] =	vst.idx.msk $0xffff, v36  }
0x501: {  	v61 =	vor.u32 v35, v41;
	v36 =	vld.idx.msk [tilespmem:v60+s4+$0x0], $0xffff  }
0x502: {  	v62 =	vor.u32 v35, v42;
	_ =	sdelay $0x3  }
0x503: {  	[tilespmem:v61+s21+$0x0] =	vst.idx.msk $0xffff, v36  }
0x504: {  	p0 =	sne.s32 s30, $0x100;
	v63 =	vor.u32 v35, v43;
	v36 =	vld.idx.msk [tilespmem:v62+s4+$0x0], $0xffff  }
.Ltmp9:
0x505: {  	_ = 	snop;
	(pc) =	sbr.rel @p0 .LBB2_12-.Ltmp9, $2  }
0x506: {  	_ =	sdelay $0x2  }
0x507: {  	s31 =	sadd.s32 $0x40, s31;
	s30 =	sadd.s32 $0x40, s30;
	[tilespmem:v63+s21+$0x0] =	vst.idx.msk $0xffff, v36  }
0x508: {  	s28 =	sadd.s32 $0x5, s28  }
0x509: {  	p0 =	sge.u32 s28, s7  }
0x50a: {  	s29 =	smul.u32 $0x1400, s29;
	s28 =	sshll.u32 @!p0 s28, $0x5  }
.Ltmp10:
0x50b: {  	s28 =	sor.u32 @!p0 s5, s28;
	(pc) =	sbr.rel .LBB2_14-.Ltmp10, $4  }
0x50c: {  	s29 =	sadd.s32 s6, s29;
	s28 =	smul.u32 @!p0 $0x28, s28  }
0x50d: {  	[hbm4b:s29+s4] =	stream.linear.scatter [tilespmem:s21], [sflag:$0x6], $0xA000, $0x38;
	[tilespmem:$0x1E880] =	vst v63  }
0x50e: {  	s30 =	simm.s32 @!p0 $0x700;
	s29 =	simm.s32 @!p0 $0x0;
	s28 =	sadd.s32 @!p0 s1, s28  }
0x50f: {  	[tilespmem:s30], [sflag:$0x3] =	stream.linear.gather @!p0 [hbm4b:s28+s29], $0x140, $0x38;
	[tilespmem:$0x1E880] =	vst v63  }
.LBB2_16:
0x510: {  	_ =	sfence.sel $0x180000  }
0x511: {  	[bflag:$0x0] =	sbarrier.arrive $0xFFFF  }
0x512: {  	p0 =	sne.s32 s3, $0x0;
	_ =	strace $0x90000047  }
0x513: {  	s0 =	sadd.s32 @!p0 $0x100000, s2;
	[bflag:$0x2] =	sbarrier.arrive $0xFFFF  }
0x514: {  	[sflag:s0] =	ssyncadd.tile.s32 @!p0 $0x1;
	_ =	shalt  }
.Lfunc_end2:
_tile_overlayer_lowered:
.L_overlay_start_2:
0x515: {  	(tag) =	ssettag $0x2  }
0x516: {  	s0 =	rddreg [dreg:$0x0];
	s2 =	stileid.u32  }
0x517: {  	s1 =	rddreg [dreg:$0x1];
	p0 =	sne.s32 s2, $0x0  }
0x518: {  	s3 =	rddreg [dreg:$0x2];
	[bflag:$0x3] =	sbarrier.arrive $0xFFFF;
	s2 =	simm.s32 @!p0 $0x1C07  }
0x519: {  	[timem:s3], [sflag:s2] =	dma.local @!p0 [hbm:s0], s1  }
0x51a: {  	s0 =	simm.s32 @!p0 $0x7  }
0x51b: {  	_ =	swait.ge @!p0 [sflag:s0], s1  }
0x51c: {  	s1 =	ssub.s32 @!p0 $0x0, s1;
	[sflag:s0] =	ssyncset.done @!p0 $0x0  }
0x51d: {  	[sflag:s0] =	ssyncadd.s32 @!p0 s1  }
0x51e: {  	[bflag:$0x3] =	sbarrier.arrive $0xFFFF  }
0x51f: {  	_ =	shalt  }

</sc_bundles>
